<compile_context>
chip_gen: v7x
topology: tpu7x:2x2x1
jax: 0.10.2.dev20260603
libtpu: 0.0.44.dev20260713+nightly
codegen_flags: <defaults>
</compile_context>

<pallas_src>
import jax
import jax.numpy as jnp
from jax import lax
from jax.experimental import pallas as pl
from jax.experimental.pallas import tpu as pltpu
from jax.experimental.pallas import tpu_sc as plsc

N = 50000
E = 800000
H = 64
HH = 32
G = 64
VPAD = 32
CH = 128
ACC_N = 50176
RPS = ACC_N // 16
WB = RPS // 8
E_PAD = 802816
CH_DEG = 196
CH_CONV = 392
BN = 2000
GRID = N // BN

_mesh = plsc.VectorSubcoreMesh(core_axis_name="c", subcore_axis_name="s")
_sc_params = pltpu.CompilerParams(use_tc_tiling_on_sc=False)
_sc_params_nl = pltpu.CompilerParams(use_tc_tiling_on_sc=False,
                                     needs_layout_passes=False)


def _deg_body(dst_hbm, zeros1, ones1, p0, p1, acc, idx_v, ones_v, stage):
    c = lax.axis_index("c")
    s = lax.axis_index("s")

    def run(out_ref):
        pltpu.sync_copy(zeros1, stage)
        pltpu.sync_copy(stage, acc.at[pl.ds(s * RPS, RPS)])
        pltpu.sync_copy(ones1, ones_v)
        plsc.subcore_barrier()
        rbase = (c * 16 + s) * CH_DEG

        def chunk(k, carry):
            r0 = rbase + k * 4
            pltpu.sync_copy(dst_hbm.at[pl.ds(r0, 4)], idx_v)
            for j in range(4):
                pltpu.sync_copy(ones_v, acc.at[idx_v.at[j]], add=True)
            return carry

        lax.fori_loop(0, CH_DEG // 4, chunk, 0)
        plsc.subcore_barrier()
        pltpu.sync_copy(acc.at[pl.ds(s * RPS, RPS)], stage)
        pltpu.sync_copy(stage, out_ref.at[pl.ds(s * RPS, RPS)])

    @pl.when(c == 0)
    def _():
        run(p0)

    @pl.when(c == 1)
    def _():
        run(p1)


_deg_call = pl.kernel(
    _deg_body,
    out_type=(
        jax.ShapeDtypeStruct((ACC_N,), jnp.float32),
        jax.ShapeDtypeStruct((ACC_N,), jnp.float32),
    ),
    mesh=_mesh,
    scratch_types=[
        pltpu.VMEM_SHARED((ACC_N,), jnp.float32),
        pltpu.VMEM((4, CH), jnp.int32),
        pltpu.VMEM((CH,), jnp.float32),
        pltpu.VMEM((RPS,), jnp.float32),
    ],
    compiler_params=_sc_params,
)


GRP = 2
NG = CH_CONV // GRP
GROWS = GRP * CH


def _conv_body(uA, uB, src_hbm, dst_hbm, zrows, outA, outB,
               acc, sidx0, sidx1, didx0, didx1, rows0, rows1,
               gsem0, gsem1, isem0, isem1, ssem0, ssem1):
    c = lax.axis_index("c")
    s = lax.axis_index("s")
    bufs = ((sidx0, didx0, rows0, gsem0, isem0, ssem0),
            (sidx1, didx1, rows1, gsem1, isem1, ssem1))

    def run(u_ref, out_ref):
        for j in range(8):
            pltpu.sync_copy(zrows, acc.at[pl.ds(s * RPS + j * WB, WB)])
        plsc.subcore_barrier()
        rbase = s * CH_CONV

        def grp(b, g):
            sidx, didx, rows, gsem, _, _ = bufs[b]
            r0 = rbase + g * GRP
            pltpu.sync_copy(src_hbm.at[pl.ds(r0, GRP)], sidx)
            pltpu.sync_copy(dst_hbm.at[pl.ds(r0, GRP)], didx)
            for j in range(GRP):
                pltpu.async_copy(u_ref.at[sidx.at[j]],
                                 rows.at[pl.ds(j * CH, CH)], gsem)

        def fin(b):
            _, didx, rows, gsem, _, _ = bufs[b]
            pltpu.make_async_copy(u_ref.at[pl.ds(0, GROWS)], rows,
                                  gsem).wait()
            for j in range(GRP):
                pltpu.sync_copy(rows.at[pl.ds(j * CH, CH)],
                                acc.at[didx.at[j]], add=True)

        def body(t, carry):
            g0 = 2 * t
            grp(0, g0)
            grp(1, g0 + 1)
            fin(0)
            fin(1)
            return carry

        lax.fori_loop(0, NG // 2, body, 0)
        plsc.subcore_barrier()
        pltpu.sync_copy(acc.at[pl.ds(s * RPS, RPS)],
                        out_ref.at[pl.ds(s * RPS, RPS)])

    @pl.when(c == 0)
    def _():
        run(uA, outA)

    @pl.when(c == 1)
    def _():
        run(uB, outB)


_conv_call = pl.kernel(
    _conv_body,
    out_type=(
        jax.ShapeDtypeStruct((ACC_N, HH), jnp.float32),
        jax.ShapeDtypeStruct((ACC_N, HH), jnp.float32),
    ),
    mesh=_mesh,
    scratch_types=[
        pltpu.VMEM_SHARED((ACC_N, HH), jnp.float32),
        pltpu.VMEM((GRP, CH), jnp.int32),
        pltpu.VMEM((GRP, CH), jnp.int32),
        pltpu.VMEM((GRP, CH), jnp.int32),
        pltpu.VMEM((GRP, CH), jnp.int32),
        pltpu.VMEM((GROWS, HH), jnp.float32),
        pltpu.VMEM((GROWS, HH), jnp.float32),
        pltpu.SemaphoreType.DMA,
        pltpu.SemaphoreType.DMA,
        pltpu.SemaphoreType.DMA,
        pltpu.SemaphoreType.DMA,
        pltpu.SemaphoreType.DMA,
        pltpu.SemaphoreType.DMA,
    ],
    compiler_params=_sc_params,
)


def _vrsqrt(d):
    i = plsc.bitcast(d, jnp.int32)
    i = jnp.int32(0x5F3759DF) - lax.shift_right_arithmetic(i, 1)
    y = plsc.bitcast(i, jnp.float32)
    hx = 0.5 * d
    for _ in range(3):
        y = y * (1.5 - hx * y * y)
    return y


def _conv1_body(src_hbm, dst_hbm, p0h, p1h, ids1d, zf, A0, A1, acc,
                sidx0, sidx1, didx0, didx1, pv00, pv01, pv10, pv11,
                colv0, colv1, valv0, valv1, fidx0, fidx1, sem0, sem1):
    c = lax.axis_index("c")
    s = lax.axis_index("s")
    bufs = ((sidx0, didx0, pv00, pv10, colv0, valv0, fidx0, sem0),
            (sidx1, didx1, pv01, pv11, colv1, valv1, fidx1, sem1))

    def run(out_ref):
        pltpu.sync_copy(zf, acc.at[pl.ds(s * RPS * HH, RPS * HH)])
        plsc.subcore_barrier()
        rbase = (c * 16 + s) * CH_DEG

        def issue(b, k):
            sidx, didx, pv0, pv1, colv, valv, fidx, sem = bufs[b]
            r = rbase + k
            pltpu.sync_copy(src_hbm.at[pl.ds(r, 1)], sidx)
            pltpu.sync_copy(dst_hbm.at[pl.ds(r, 1)], didx)
            pltpu.async_copy(p0h.at[sidx.at[0]], pv0, sem)
            pltpu.async_copy(p1h.at[sidx.at[0]], pv1, sem)
            pltpu.async_copy(ids1d.at[sidx.at[0]], colv, sem)

        def process(b, k):
            sidx, didx, pv0, pv1, colv, valv, fidx, sem = bufs[b]
            pltpu.make_async_copy(p0h.at[pl.ds(0, CH)], pv0, sem).wait()
            pltpu.make_async_copy(p1h.at[pl.ds(0, CH)], pv1, sem).wait()
            pltpu.make_async_copy(ids1d.at[pl.ds(0, CH)], colv, sem).wait()
            for q in range(8):
                sl = pl.ds(16 * q, 16)
                d = 1.0 + pv0[sl] + pv1[sl]
                valv[sl] = _vrsqrt(d)
                fidx[sl] = didx[0, sl] * HH + colv[sl]
            pltpu.sync_copy(valv, acc.at[fidx], add=True)

        issue(0, 0)

        def body(t, carry):
            k0 = 2 * t
            issue(1, k0 + 1)
            process(0, k0)

            @pl.when(k0 + 2 < CH_DEG)
            def _():
                issue(0, k0 + 2)

            process(1, k0 + 1)
            return carry

        lax.fori_loop(0, CH_DEG // 2, body, 0)
        plsc.subcore_barrier()
        pltpu.sync_copy(acc.at[pl.ds(s * RPS * HH, RPS * HH)],
                        out_ref.at[pl.ds(s * RPS * HH, RPS * HH)])

    @pl.when(c == 0)
    def _():
        run(A0)

    @pl.when(c == 1)
    def _():
        run(A1)


_conv1_call = pl.kernel(
    _conv1_body,
    out_type=(
        jax.ShapeDtypeStruct((ACC_N * HH,), jnp.float32),
        jax.ShapeDtypeStruct((ACC_N * HH,), jnp.float32),
    ),
    mesh=_mesh,
    scratch_types=[
        pltpu.VMEM_SHARED((ACC_N * HH,), jnp.float32),
        pltpu.VMEM((1, CH), jnp.int32),
        pltpu.VMEM((1, CH), jnp.int32),
        pltpu.VMEM((1, CH), jnp.int32),
        pltpu.VMEM((1, CH), jnp.int32),
        pltpu.VMEM((CH,), jnp.float32),
        pltpu.VMEM((CH,), jnp.float32),
        pltpu.VMEM((CH,), jnp.float32),
        pltpu.VMEM((CH,), jnp.float32),
        pltpu.VMEM((CH,), jnp.int32),
        pltpu.VMEM((CH,), jnp.int32),
        pltpu.VMEM((CH,), jnp.float32),
        pltpu.VMEM((CH,), jnp.float32),
        pltpu.VMEM((CH,), jnp.int32),
        pltpu.VMEM((CH,), jnp.int32),
        pltpu.SemaphoreType.DMA,
        pltpu.SemaphoreType.DMA,
    ],
    compiler_params=_sc_params_nl,
)


def _mid_body(p0, p1, A0, A1, ids, embp, W1, b1, W2, oA, oB, dinv):
    deg = 1.0 + p0[...] + p1[...]
    di = lax.rsqrt(deg)
    t1w = jnp.dot(embp[...], W1[...], preferred_element_type=jnp.float32)
    oh = (ids[...] == lax.broadcasted_iota(jnp.int32, (BN, VPAD), 1))
    t1 = jnp.dot(oh.astype(jnp.float32), t1w,
                 preferred_element_type=jnp.float32,
                 precision=lax.Precision.HIGHEST)
    e64 = jnp.dot(A0[...] + A1[...], t1w, preferred_element_type=jnp.float32,
                  precision=lax.Precision.HIGHEST)
    h1 = jnp.maximum(di * (e64 + di * t1) + b1[...], 0.0)
    u2 = jnp.dot(h1, W2[...], preferred_element_type=jnp.float32) * di
    oA[...] = u2[:, :HH]
    oB[...] = u2[:, HH:]
    dinv[...] = di


_mid_call = pl.pallas_call(
    _mid_body,
    grid=(GRID,),
    in_specs=[
        pl.BlockSpec((BN, 1), lambda i: (i, 0)),
        pl.BlockSpec((BN, 1), lambda i: (i, 0)),
        pl.BlockSpec((BN, HH), lambda i: (i, 0)),
        pl.BlockSpec((BN, HH), lambda i: (i, 0)),
        pl.BlockSpec((BN, 1), lambda i: (i, 0)),
        pl.BlockSpec((VPAD, H), lambda i: (0, 0)),
        pl.BlockSpec((H, H), lambda i: (0, 0)),
        pl.BlockSpec((1, H), lambda i: (0, 0)),
        pl.BlockSpec((H, H), lambda i: (0, 0)),
    ],
    out_specs=[
        pl.BlockSpec((BN, HH), lambda i: (i, 0)),
        pl.BlockSpec((BN, HH), lambda i: (i, 0)),
        pl.BlockSpec((BN, 1), lambda i: (i, 0)),
    ],
    out_shape=[
        jax.ShapeDtypeStruct((N, HH), jnp.float32),
        jax.ShapeDtypeStruct((N, HH), jnp.float32),
        jax.ShapeDtypeStruct((N, 1), jnp.float32),
    ],
)


def _tail_body(aA, aB, uA, uB, dinv, b2, batch, W3, b3, w4sq, b4,
               out, sums, cnts):
    i = pl.program_id(0)
    di = dinv[...]
    acc = jnp.concatenate([aA[...], aB[...]], axis=1)
    u = jnp.concatenate([uA[...], uB[...]], axis=1)
    h2 = jnp.maximum(di * (acc + u) + b2[...], 0.0)
    oh = (batch[...] == lax.broadcasted_iota(jnp.int32, (BN, G), 1))
    ohf = oh.astype(jnp.float32)
    ps = lax.dot_general(ohf, h2, (((0,), (0,)), ((), ())),
                         preferred_element_type=jnp.float32,
                         precision=lax.Precision.HIGHEST)
    pc = lax.dot_general(ohf, jnp.ones((BN, 1), jnp.float32),
                         (((0,), (0,)), ((), ())),
                         preferred_element_type=jnp.float32)

    @pl.when(i == 0)
    def _():
        sums[...] = ps
        cnts[...] = pc

    @pl.when(i > 0)
    def _():
        sums[...] += ps
        cnts[...] += pc

    @pl.when(i == GRID - 1)
    def _():
        pooled = sums[...] / jnp.maximum(cnts[...], 1.0)
        hid = jnp.maximum(
            jnp.dot(pooled, W3[...], preferred_element_type=jnp.float32)
            + b3[...], 0.0)
        o = jnp.dot(hid, w4sq[...], preferred_element_type=jnp.float32)
        out[...] = o[:, :1] + b4[...]


_tail_call = pl.pallas_call(
    _tail_body,
    grid=(GRID,),
    in_specs=[
        pl.BlockSpec((BN, HH), lambda i: (i, 0)),
        pl.BlockSpec((BN, HH), lambda i: (i, 0)),
        pl.BlockSpec((BN, HH), lambda i: (i, 0)),
        pl.BlockSpec((BN, HH), lambda i: (i, 0)),
        pl.BlockSpec((BN, 1), lambda i: (i, 0)),
        pl.BlockSpec((1, H), lambda i: (0, 0)),
        pl.BlockSpec((BN, 1), lambda i: (i, 0)),
        pl.BlockSpec((H, H), lambda i: (0, 0)),
        pl.BlockSpec((1, H), lambda i: (0, 0)),
        pl.BlockSpec((H, H), lambda i: (0, 0)),
        pl.BlockSpec((1, 1), lambda i: (0, 0)),
    ],
    out_specs=[pl.BlockSpec((G, 1), lambda i: (0, 0))],
    out_shape=[jax.ShapeDtypeStruct((G, 1), jnp.float32)],
    scratch_shapes=[
        pltpu.VMEM((G, G), jnp.float32),
        pltpu.VMEM((G, 1), jnp.float32),
    ],
)


def kernel(x, edge_index, batch, emb, W1, b1, W2, b2, W3, b3, W4, b4):
    src = edge_index[0]
    dst = edge_index[1]
    srcp = jnp.concatenate(
        [src, jnp.zeros((E_PAD - E,), jnp.int32)]).reshape(E_PAD // CH, CH)
    dstp = jnp.concatenate(
        [dst, jnp.full((E_PAD - E,), N, jnp.int32)]).reshape(E_PAD // CH, CH)

    zeros1 = jnp.zeros((RPS,), jnp.float32)
    ones1 = jnp.ones((CH,), jnp.float32)
    zrows = jnp.zeros((WB, HH), jnp.float32)
    zf = jnp.zeros((RPS * HH,), jnp.float32)

    p0f, p1f = _deg_call(dstp, zeros1, ones1)

    A0f, A1f = _conv1_call(srcp, dstp, p0f, p1f, x.reshape(N), zf)

    embp = jnp.zeros((VPAD, H), jnp.float32).at[:emb.shape[0]].set(emb)
    u2A, u2B, dinv = _mid_call(
        p0f[:N].reshape(N, 1), p1f[:N].reshape(N, 1),
        A0f.reshape(ACC_N, HH)[:N], A1f.reshape(ACC_N, HH)[:N],
        x, embp, W1, b1.reshape(1, H), W2)

    a2A, a2B = _conv_call(u2A, u2B, srcp, dstp, zrows)
    (out,) = _tail_call(a2A[:N], a2B[:N], u2A, u2B, dinv,
                        b2.reshape(1, H), batch.reshape(N, 1),
                        W3, b3.reshape(1, H),
                        jnp.zeros((H, H), jnp.float32).at[:, :1].set(W4),
                        b4.reshape(1, 1))
    return out

# --- scband reference (transcript-rebuilt; emitter-appended) ---
"""Pipeline reference for scband-baseline-gnn-35029753266200 (READ-ONLY COPY).

The authoritative reference and input builder live on the scoring server;
editing this copy changes nothing except your own understanding.
"""

import jax, jax.numpy as jnp
import numpy as np

N = 50000
E = 800000
H = 64
NUM_GRAPHS = 64
VOCAB = 20

def _glorot(key, shape):
    fan_in, fan_out = shape[0], shape[1]
    lim = float(np.sqrt(6.0 / (fan_in + fan_out)))
    return jax.random.uniform(key, shape, jnp.float32, -lim, lim)

def setup_inputs(seed: int = 0):
    key = jax.random.key(seed)
    ks = jax.random.split(key, 12)
    inp = {}
    inp['x'] = jax.random.randint(ks[0], (N, 1), 0, VOCAB, dtype=jnp.int32)
    inp['edge_index'] = jax.random.randint(ks[1], (2, E), 0, N, dtype=jnp.int32)
    inp['batch'] = jnp.sort(jax.random.randint(ks[2], (N,), 0, NUM_GRAPHS, dtype=jnp.int32))
    inp['emb'] = jax.random.normal(ks[3], (VOCAB, H), jnp.float32)
    inp['W1'] = _glorot(ks[4], (H, H)); inp['b1'] = jnp.zeros((H,), jnp.float32)
    inp['W2'] = _glorot(ks[5], (H, H)); inp['b2'] = jnp.zeros((H,), jnp.float32)
    inp['W3'] = _glorot(ks[6], (H, H)); inp['b3'] = jnp.zeros((H,), jnp.float32)
    inp['W4'] = _glorot(ks[7], (H, 1)); inp['b4'] = jnp.zeros((1,), jnp.float32)
    return inp

def _gcn_conv(h, edge_index, W, b):
    # PyG GCNConv: linear transform, add self-loops, symmetric normalization, sum-aggregate
    h = h @ W
    loops = jnp.arange(N, dtype=edge_index.dtype)
    src = jnp.concatenate([edge_index[0], loops])
    dst = jnp.concatenate([edge_index[1], loops])
    deg = jax.ops.segment_sum(jnp.ones(src.shape[0], h.dtype), dst, num_segments=N)
    dinv = jax.lax.rsqrt(jnp.clip(deg, 1.0, None))
    norm = dinv[src] * dinv[dst]
    msg = h[src] * norm[:, None]
    out = jax.ops.segment_sum(msg, dst, num_segments=N)
    return out + b

def reference(x, edge_index, batch, emb, W1, b1, W2, b2, W3, b3, W4, b4):
    ids = jnp.squeeze(x, -1)
    h = emb[ids]
    h = jax.nn.relu(_gcn_conv(h, edge_index, W1, b1))
    h = jax.nn.relu(_gcn_conv(h, edge_index, W2, b2))
    sums = jax.ops.segment_sum(h, batch, num_segments=NUM_GRAPHS)
    counts = jax.ops.segment_sum(jnp.ones((N,), h.dtype), batch, num_segments=NUM_GRAPHS)
    pooled = sums / jnp.clip(counts, 1.0, None)[:, None]
    hid = jax.nn.relu(pooled @ W3 + b3)
    return hid @ W4 + b4

if __name__ == "__main__":
    import jax
    _d = setup_inputs()
    print(jax.jit(kernel)(*tuple(_d.values())))

</pallas_src>

<mosaic_0001>
#map = affine_map<(d0, d1) -> (0, 0)>
#map1 = affine_map<(d0, d1) -> (0)>
module attributes {stable_mosaic.version = 14 : i64} {
  func.func @_deg_body(%arg0: i32, %arg1: i32, %arg2: memref<6272x128xi32, #tpu.memory_space<hbm>>, %arg3: memref<3136xf32, #tpu.memory_space<hbm>>, %arg4: memref<128xf32, #tpu.memory_space<hbm>>, %arg5: memref<50176xf32, #tpu.memory_space<hbm>>, %arg6: memref<50176xf32, #tpu.memory_space<hbm>>, %arg7: memref<50176xf32, #tpu.memory_space<vmem_shared>>, %arg8: memref<4x128xi32, #tpu.memory_space<vmem>>, %arg9: memref<128xf32, #tpu.memory_space<vmem>>, %arg10: memref<3136xf32, #tpu.memory_space<vmem>>) attributes {dimension_semantics = [#tpu.dimension_semantics<core_parallel>, #tpu.dimension_semantics<subcore_parallel>], iteration_bounds = array<i64: 2, 16>, scalar_prefetch = 0 : i64, scratch_operands = 4 : i64, tpu.core_type = #tpu.core_type<sc_vector_subcore>, window_params = [{transform_indices = #map}, {transform_indices = #map1}, {transform_indices = #map1}, {transform_indices = #map1}, {transform_indices = #map1}]} {
    %eq3A = arith.constant 0 : i32
    %eq3A_0 = arith.cmpi eq, %arg0, %eq3A : i32
    %convert_element_type3A = arith.extui %eq3A_0 : i1 to i32
    %cond3A = arith.constant 0 : i32
    %cond3A_1 = arith.cmpi ne, %convert_element_type3A, %cond3A : i32
    scf.if %cond3A_1 {
      "tpu.region"() ({
        %run_scoped3A = tpu.sem_alloc : memref<!tpu.dma_semaphore, #tpu.memory_space<semaphore_mem>>
        tpu.enqueue_dma source(%arg3 : memref<3136xf32, #tpu.memory_space<hbm>>) target(%arg10 : memref<3136xf32, #tpu.memory_space<vmem>>) target_semaphore(%run_scoped3A : memref<!tpu.dma_semaphore, #tpu.memory_space<semaphore_mem>>)
        tpu.wait_dma2 semaphore(%run_scoped3A : memref<!tpu.dma_semaphore, #tpu.memory_space<semaphore_mem>>) src(%arg3 : memref<3136xf32, #tpu.memory_space<hbm>>) dst(%arg10 : memref<3136xf32, #tpu.memory_space<vmem>>)
        tpu.yield
      }) : () -> ()
      %mul3A = arith.constant 3136 : i32
      %mul3A_7 = arith.muli %arg1, %mul3A : i32
      "tpu.region"() ({
        %run_scoped3A = tpu.sem_alloc : memref<!tpu.dma_semaphore, #tpu.memory_space<semaphore_mem>>
        %dma_start3A = tpu.memref_slice %arg7[%mul3A_7] : memref<50176xf32, #tpu.memory_space<vmem_shared>> -> memref<3136xf32, #tpu.memory_space<vmem_shared>>
        %dma_start3A_22 = tpu.memref_slice %arg7[%mul3A_7] : memref<50176xf32, #tpu.memory_space<vmem_shared>> -> memref<3136xf32, #tpu.memory_space<vmem_shared>>
        tpu.enqueue_dma source(%arg10 : memref<3136xf32, #tpu.memory_space<vmem>>) target(%dma_start3A_22 : memref<3136xf32, #tpu.memory_space<vmem_shared>>) target_semaphore(%run_scoped3A : memref<!tpu.dma_semaphore, #tpu.memory_space<semaphore_mem>>)
        %dma_wait3A = tpu.memref_slice %arg7[%mul3A_7] : memref<50176xf32, #tpu.memory_space<vmem_shared>> -> memref<3136xf32, #tpu.memory_space<vmem_shared>>
        %dma_wait3A_23 = tpu.memref_slice %arg7[%mul3A_7] : memref<50176xf32, #tpu.memory_space<vmem_shared>> -> memref<3136xf32, #tpu.memory_space<vmem_shared>>
        tpu.wait_dma2 semaphore(%run_scoped3A : memref<!tpu.dma_semaphore, #tpu.memory_space<semaphore_mem>>) src(%arg10 : memref<3136xf32, #tpu.memory_space<vmem>>) dst(%dma_wait3A_23 : memref<3136xf32, #tpu.memory_space<vmem_shared>>)
        tpu.yield
      }) : () -> ()
      "tpu.region"() ({
        %run_scoped3A = tpu.sem_alloc : memref<!tpu.dma_semaphore, #tpu.memory_space<semaphore_mem>>
        tpu.enqueue_dma source(%arg4 : memref<128xf32, #tpu.memory_space<hbm>>) target(%arg9 : memref<128xf32, #tpu.memory_space<vmem>>) target_semaphore(%run_scoped3A : memref<!tpu.dma_semaphore, #tpu.memory_space<semaphore_mem>>)
        tpu.wait_dma2 semaphore(%run_scoped3A : memref<!tpu.dma_semaphore, #tpu.memory_space<semaphore_mem>>) src(%arg4 : memref<128xf32, #tpu.memory_space<hbm>>) dst(%arg9 : memref<128xf32, #tpu.memory_space<vmem>>)
        tpu.yield
      }) : () -> ()
      %barrier3A = arith.constant 0 : index
      tpu.barrier barrier_id(%barrier3A)
      %mul3A_8 = arith.constant 16 : i32
      %mul3A_9 = arith.muli %arg0, %mul3A_8 : i32
      %add3A = arith.addi %mul3A_9, %arg1 : i32
      %mul3A_10 = arith.constant 196 : i32
      %mul3A_11 = arith.muli %add3A, %mul3A_10 : i32
      %scan3A = arith.constant 0 : i32
      %scan3A_12 = arith.constant 0 : i32
      %scan3A_13 = arith.constant 49 : i32
      %scan3A_14 = arith.addi %scan3A_12, %scan3A_13 : i32
      %scan3A_15 = arith.constant 1 : i32
      scf.for %scan3A_22 = %scan3A_12 to %scan3A_14 step %scan3A_15  : i32 {
        %mul3A_23 = arith.constant 4 : i32
        %mul3A_24 = arith.muli %scan3A_22, %mul3A_23 : i32
        %add3A_25 = arith.addi %mul3A_11, %mul3A_24 : i32
        "tpu.region"() ({
          %run_scoped3A_29 = tpu.sem_alloc : memref<!tpu.dma_semaphore, #tpu.memory_space<semaphore_mem>>
          %dma_start3A = arith.constant 0 : i32
          %dma_start3A_30 = tpu.memref_slice %arg2[%add3A_25, %dma_start3A] : memref<6272x128xi32, #tpu.memory_space<hbm>> -> memref<4x128xi32, #tpu.memory_space<hbm>>
          %dma_start3A_31 = arith.constant 0 : i32
          %dma_start3A_32 = tpu.memref_slice %arg2[%add3A_25, %dma_start3A_31] : memref<6272x128xi32, #tpu.memory_space<hbm>> -> memref<4x128xi32, #tpu.memory_space<hbm>>
          tpu.enqueue_dma source(%dma_start3A_32 : memref<4x128xi32, #tpu.memory_space<hbm>>) target(%arg8 : memref<4x128xi32, #tpu.memory_space<vmem>>) target_semaphore(%run_scoped3A_29 : memref<!tpu.dma_semaphore, #tpu.memory_space<semaphore_mem>>)
          %dma_wait3A = arith.constant 0 : i32
          %dma_wait3A_33 = tpu.memref_slice %arg2[%add3A_25, %dma_wait3A] : memref<6272x128xi32, #tpu.memory_space<hbm>> -> memref<4x128xi32, #tpu.memory_space<hbm>>
          %dma_wait3A_34 = arith.constant 0 : i32
          %dma_wait3A_35 = tpu.memref_slice %arg2[%add3A_25, %dma_wait3A_34] : memref<6272x128xi32, #tpu.memory_space<hbm>> -> memref<4x128xi32, #tpu.memory_space<hbm>>
          tpu.wait_dma2 semaphore(%run_scoped3A_29 : memref<!tpu.dma_semaphore, #tpu.memory_space<semaphore_mem>>) src(%dma_wait3A_35 : memref<4x128xi32, #tpu.memory_space<hbm>>) dst(%arg8 : memref<4x128xi32, #tpu.memory_space<vmem>>)
          tpu.yield
        }) : () -> ()
        %run_scoped3A = arith.constant 0 : i32
        "tpu.region"() ({
          %run_scoped3A_29 = tpu.sem_alloc : memref<!tpu.dma_semaphore, #tpu.memory_space<semaphore_mem>>
          %dma_start3A = arith.constant 0 : i32
          %dma_start3A_30 = tpu.memref_slice %arg8[%run_scoped3A, %dma_start3A] : memref<4x128xi32, #tpu.memory_space<vmem>> -> memref<1x128xi32, #tpu.memory_space<vmem>>
          %dma_start3A_31 = tpu.memref_squeeze %dma_start3A_30 : memref<1x128xi32, #tpu.memory_space<vmem>> -> memref<128xi32, #tpu.memory_space<vmem>>
          %dma_start3A_32 = arith.constant 0 : i32
          %dma_start3A_33 = tpu.memref_slice %arg7[%dma_start3A_32] : memref<50176xf32, #tpu.memory_space<vmem_shared>> -> memref<50176xf32, #tpu.memory_space<vmem_shared>>
          tpu.enqueue_indirect_dma source(%arg9 : memref<128xf32, #tpu.memory_space<vmem>>) target(%dma_start3A_33 : memref<50176xf32, #tpu.memory_space<vmem_shared>>) offsets(%dma_start3A_31 : memref<128xi32, #tpu.memory_space<vmem>>) semaphore(%run_scoped3A_29 : memref<!tpu.dma_semaphore, #tpu.memory_space<semaphore_mem>>) {add = true}
          %dma_wait3A = arith.constant 0 : i32
          %dma_wait3A_34 = tpu.memref_slice %arg8[%run_scoped3A, %dma_wait3A] : memref<4x128xi32, #tpu.memory_space<vmem>> -> memref<1x128xi32, #tpu.memory_space<vmem>>
          %dma_wait3A_35 = tpu.memref_squeeze %dma_wait3A_34 : memref<1x128xi32, #tpu.memory_space<vmem>> -> memref<128xi32, #tpu.memory_space<vmem>>
          %dma_wait3A_36 = arith.constant 0 : i32
          %dma_wait3A_37 = tpu.memref_slice %arg7[%dma_wait3A_36] : memref<50176xf32, #tpu.memory_space<vmem_shared>> -> memref<50176xf32, #tpu.memory_space<vmem_shared>>
          tpu.wait_indirect_dma semaphore(%run_scoped3A_29 : memref<!tpu.dma_semaphore, #tpu.memory_space<semaphore_mem>>) src(%arg9 : memref<128xf32, #tpu.memory_space<vmem>>) dst(%dma_wait3A_37 : memref<50176xf32, #tpu.memory_space<vmem_shared>>)
          tpu.yield
        }) : () -> ()
        %run_scoped3A_26 = arith.constant 1 : i32
        "tpu.region"() ({
          %run_scoped3A_29 = tpu.sem_alloc : memref<!tpu.dma_semaphore, #tpu.memory_space<semaphore_mem>>
          %dma_start3A = arith.constant 0 : i32
          %dma_start3A_30 = tpu.memref_slice %arg8[%run_scoped3A_26, %dma_start3A] : memref<4x128xi32, #tpu.memory_space<vmem>> -> memref<1x128xi32, #tpu.memory_space<vmem>>
          %dma_start3A_31 = tpu.memref_squeeze %dma_start3A_30 : memref<1x128xi32, #tpu.memory_space<vmem>> -> memref<128xi32, #tpu.memory_space<vmem>>
          %dma_start3A_32 = arith.constant 0 : i32
          %dma_start3A_33 = tpu.memref_slice %arg7[%dma_start3A_32] : memref<50176xf32, #tpu.memory_space<vmem_shared>> -> memref<50176xf32, #tpu.memory_space<vmem_shared>>
          tpu.enqueue_indirect_dma source(%arg9 : memref<128xf32, #tpu.memory_space<vmem>>) target(%dma_start3A_33 : memref<50176xf32, #tpu.memory_space<vmem_shared>>) offsets(%dma_start3A_31 : memref<128xi32, #tpu.memory_space<vmem>>) semaphore(%run_scoped3A_29 : memref<!tpu.dma_semaphore, #tpu.memory_space<semaphore_mem>>) {add = true}
          %dma_wait3A = arith.constant 0 : i32
          %dma_wait3A_34 = tpu.memref_slice %arg8[%run_scoped3A_26, %dma_wait3A] : memref<4x128xi32, #tpu.memory_space<vmem>> -> memref<1x128xi32, #tpu.memory_space<vmem>>
          %dma_wait3A_35 = tpu.memref_squeeze %dma_wait3A_34 : memref<1x128xi32, #tpu.memory_space<vmem>> -> memref<128xi32, #tpu.memory_space<vmem>>
          %dma_wait3A_36 = arith.constant 0 : i32
          %dma_wait3A_37 = tpu.memref_slice %arg7[%dma_wait3A_36] : memref<50176xf32, #tpu.memory_space<vmem_shared>> -> memref<50176xf32, #tpu.memory_space<vmem_shared>>
          tpu.wait_indirect_dma semaphore(%run_scoped3A_29 : memref<!tpu.dma_semaphore, #tpu.memory_space<semaphore_mem>>) src(%arg9 : memref<128xf32, #tpu.memory_space<vmem>>) dst(%dma_wait3A_37 : memref<50176xf32, #tpu.memory_space<vmem_shared>>)
          tpu.yield
        }) : () -> ()
        %run_scoped3A_27 = arith.constant 2 : i32
        "tpu.region"() ({
          %run_scoped3A_29 = tpu.sem_alloc : memref<!tpu.dma_semaphore, #tpu.memory_space<semaphore_mem>>
          %dma_start3A = arith.constant 0 : i32
          %dma_start3A_30 = tpu.memref_slice %arg8[%run_scoped3A_27, %dma_start3A] : memref<4x128xi32, #tpu.memory_space<vmem>> -> memref<1x128xi32, #tpu.memory_space<vmem>>
          %dma_start3A_31 = tpu.memref_squeeze %dma_start3A_30 : memref<1x128xi32, #tpu.memory_space<vmem>> -> memref<128xi32, #tpu.memory_space<vmem>>
          %dma_start3A_32 = arith.constant 0 : i32
          %dma_start3A_33 = tpu.memref_slice %arg7[%dma_start3A_32] : memref<50176xf32, #tpu.memory_space<vmem_shared>> -> memref<50176xf32, #tpu.memory_space<vmem_shared>>
          tpu.enqueue_indirect_dma source(%arg9 : memref<128xf32, #tpu.memory_space<vmem>>) target(%dma_start3A_33 : memref<50176xf32, #tpu.memory_space<vmem_shared>>) offsets(%dma_start3A_31 : memref<128xi32, #tpu.memory_space<vmem>>) semaphore(%run_scoped3A_29 : memref<!tpu.dma_semaphore, #tpu.memory_space<semaphore_mem>>) {add = true}
          %dma_wait3A = arith.constant 0 : i32
          %dma_wait3A_34 = tpu.memref_slice %arg8[%run_scoped3A_27, %dma_wait3A] : memref<4x128xi32, #tpu.memory_space<vmem>> -> memref<1x128xi32, #tpu.memory_space<vmem>>
          %dma_wait3A_35 = tpu.memref_squeeze %dma_wait3A_34 : memref<1x128xi32, #tpu.memory_space<vmem>> -> memref<128xi32, #tpu.memory_space<vmem>>
          %dma_wait3A_36 = arith.constant 0 : i32
          %dma_wait3A_37 = tpu.memref_slice %arg7[%dma_wait3A_36] : memref<50176xf32, #tpu.memory_space<vmem_shared>> -> memref<50176xf32, #tpu.memory_space<vmem_shared>>
          tpu.wait_indirect_dma semaphore(%run_scoped3A_29 : memref<!tpu.dma_semaphore, #tpu.memory_space<semaphore_mem>>) src(%arg9 : memref<128xf32, #tpu.memory_space<vmem>>) dst(%dma_wait3A_37 : memref<50176xf32, #tpu.memory_space<vmem_shared>>)
          tpu.yield
        }) : () -> ()
        %run_scoped3A_28 = arith.constant 3 : i32
        "tpu.region"() ({
          %run_scoped3A_29 = tpu.sem_alloc : memref<!tpu.dma_semaphore, #tpu.memory_space<semaphore_mem>>
          %dma_start3A = arith.constant 0 : i32
          %dma_start3A_30 = tpu.memref_slice %arg8[%run_scoped3A_28, %dma_start3A] : memref<4x128xi32, #tpu.memory_space<vmem>> -> memref<1x128xi32, #tpu.memory_space<vmem>>
          %dma_start3A_31 = tpu.memref_squeeze %dma_start3A_30 : memref<1x128xi32, #tpu.memory_space<vmem>> -> memref<128xi32, #tpu.memory_space<vmem>>
          %dma_start3A_32 = arith.constant 0 : i32
          %dma_start3A_33 = tpu.memref_slice %arg7[%dma_start3A_32] : memref<50176xf32, #tpu.memory_space<vmem_shared>> -> memref<50176xf32, #tpu.memory_space<vmem_shared>>
          tpu.enqueue_indirect_dma source(%arg9 : memref<128xf32, #tpu.memory_space<vmem>>) target(%dma_start3A_33 : memref<50176xf32, #tpu.memory_space<vmem_shared>>) offsets(%dma_start3A_31 : memref<128xi32, #tpu.memory_space<vmem>>) semaphore(%run_scoped3A_29 : memref<!tpu.dma_semaphore, #tpu.memory_space<semaphore_mem>>) {add = true}
          %dma_wait3A = arith.constant 0 : i32
          %dma_wait3A_34 = tpu.memref_slice %arg8[%run_scoped3A_28, %dma_wait3A] : memref<4x128xi32, #tpu.memory_space<vmem>> -> memref<1x128xi32, #tpu.memory_space<vmem>>
          %dma_wait3A_35 = tpu.memref_squeeze %dma_wait3A_34 : memref<1x128xi32, #tpu.memory_space<vmem>> -> memref<128xi32, #tpu.memory_space<vmem>>
          %dma_wait3A_36 = arith.constant 0 : i32
          %dma_wait3A_37 = tpu.memref_slice %arg7[%dma_wait3A_36] : memref<50176xf32, #tpu.memory_space<vmem_shared>> -> memref<50176xf32, #tpu.memory_space<vmem_shared>>
          tpu.wait_indirect_dma semaphore(%run_scoped3A_29 : memref<!tpu.dma_semaphore, #tpu.memory_space<semaphore_mem>>) src(%arg9 : memref<128xf32, #tpu.memory_space<vmem>>) dst(%dma_wait3A_37 : memref<50176xf32, #tpu.memory_space<vmem_shared>>)
          tpu.yield
        }) : () -> ()
      }
      %scan3A_16 = arith.constant 49 : i32
      %barrier3A_17 = arith.constant 0 : index
      tpu.barrier barrier_id(%barrier3A_17)
      %mul3A_18 = arith.constant 3136 : i32
      %mul3A_19 = arith.muli %arg1, %mul3A_18 : i32
      "tpu.region"() ({
        %run_scoped3A = tpu.sem_alloc : memref<!tpu.dma_semaphore, #tpu.memory_space<semaphore_mem>>
        %dma_start3A = tpu.memref_slice %arg7[%mul3A_19] : memref<50176xf32, #tpu.memory_space<vmem_shared>> -> memref<3136xf32, #tpu.memory_space<vmem_shared>>
        %dma_start3A_22 = tpu.memref_slice %arg7[%mul3A_19] : memref<50176xf32, #tpu.memory_space<vmem_shared>> -> memref<3136xf32, #tpu.memory_space<vmem_shared>>
        tpu.enqueue_dma source(%dma_start3A_22 : memref<3136xf32, #tpu.memory_space<vmem_shared>>) target(%arg10 : memref<3136xf32, #tpu.memory_space<vmem>>) target_semaphore(%run_scoped3A : memref<!tpu.dma_semaphore, #tpu.memory_space<semaphore_mem>>)
        %dma_wait3A = tpu.memref_slice %arg7[%mul3A_19] : memref<50176xf32, #tpu.memory_space<vmem_shared>> -> memref<3136xf32, #tpu.memory_space<vmem_shared>>
        %dma_wait3A_23 = tpu.memref_slice %arg7[%mul3A_19] : memref<50176xf32, #tpu.memory_space<vmem_shared>> -> memref<3136xf32, #tpu.memory_space<vmem_shared>>
        tpu.wait_dma2 semaphore(%run_scoped3A : memref<!tpu.dma_semaphore, #tpu.memory_space<semaphore_mem>>) src(%dma_wait3A_23 : memref<3136xf32, #tpu.memory_space<vmem_shared>>) dst(%arg10 : memref<3136xf32, #tpu.memory_space<vmem>>)
        tpu.yield
      }) : () -> ()
      %mul3A_20 = arith.constant 3136 : i32
      %mul3A_21 = arith.muli %arg1, %mul3A_20 : i32
      "tpu.region"() ({
        %run_scoped3A = tpu.sem_alloc : memref<!tpu.dma_semaphore, #tpu.memory_space<semaphore_mem>>
        %dma_start3A = tpu.memref_slice %arg5[%mul3A_21] : memref<50176xf32, #tpu.memory_space<hbm>> -> memref<3136xf32, #tpu.memory_space<hbm>>
        %dma_start3A_22 = tpu.memref_slice %arg5[%mul3A_21] : memref<50176xf32, #tpu.memory_space<hbm>> -> memref<3136xf32, #tpu.memory_space<hbm>>
        tpu.enqueue_dma source(%arg10 : memref<3136xf32, #tpu.memory_space<vmem>>) target(%dma_start3A_22 : memref<3136xf32, #tpu.memory_space<hbm>>) target_semaphore(%run_scoped3A : memref<!tpu.dma_semaphore, #tpu.memory_space<semaphore_mem>>)
        %dma_wait3A = tpu.memref_slice %arg5[%mul3A_21] : memref<50176xf32, #tpu.memory_space<hbm>> -> memref<3136xf32, #tpu.memory_space<hbm>>
        %dma_wait3A_23 = tpu.memref_slice %arg5[%mul3A_21] : memref<50176xf32, #tpu.memory_space<hbm>> -> memref<3136xf32, #tpu.memory_space<hbm>>
        tpu.wait_dma2 semaphore(%run_scoped3A : memref<!tpu.dma_semaphore, #tpu.memory_space<semaphore_mem>>) src(%arg10 : memref<3136xf32, #tpu.memory_space<vmem>>) dst(%dma_wait3A_23 : memref<3136xf32, #tpu.memory_space<hbm>>)
        tpu.yield
      }) : () -> ()
    } else {
    }
    %eq3A_2 = arith.constant 1 : i32
    %eq3A_3 = arith.cmpi eq, %arg0, %eq3A_2 : i32
    %convert_element_type3A_4 = arith.extui %eq3A_3 : i1 to i32
    %cond3A_5 = arith.constant 0 : i32
    %cond3A_6 = arith.cmpi ne, %convert_element_type3A_4, %cond3A_5 : i32
    scf.if %cond3A_6 {
      "tpu.region"() ({
        %run_scoped3A = tpu.sem_alloc : memref<!tpu.dma_semaphore, #tpu.memory_space<semaphore_mem>>
        tpu.enqueue_dma source(%arg3 : memref<3136xf32, #tpu.memory_space<hbm>>) target(%arg10 : memref<3136xf32, #tpu.memory_space<vmem>>) target_semaphore(%run_scoped3A : memref<!tpu.dma_semaphore, #tpu.memory_space<semaphore_mem>>)
        tpu.wait_dma2 semaphore(%run_scoped3A : memref<!tpu.dma_semaphore, #tpu.memory_space<semaphore_mem>>) src(%arg3 : memref<3136xf32, #tpu.memory_space<hbm>>) dst(%arg10 : memref<3136xf32, #tpu.memory_space<vmem>>)
        tpu.yield
      }) : () -> ()
      %mul3A = arith.constant 3136 : i32
      %mul3A_7 = arith.muli %arg1, %mul3A : i32
      "tpu.region"() ({
        %run_scoped3A = tpu.sem_alloc : memref<!tpu.dma_semaphore, #tpu.memory_space<semaphore_mem>>
        %dma_start3A = tpu.memref_slice %arg7[%mul3A_7] : memref<50176xf32, #tpu.memory_space<vmem_shared>> -> memref<3136xf32, #tpu.memory_space<vmem_shared>>
        %dma_start3A_22 = tpu.memref_slice %arg7[%mul3A_7] : memref<50176xf32, #tpu.memory_space<vmem_shared>> -> memref<3136xf32, #tpu.memory_space<vmem_shared>>
        tpu.enqueue_dma source(%arg10 : memref<3136xf32, #tpu.memory_space<vmem>>) target(%dma_start3A_22 : memref<3136xf32, #tpu.memory_space<vmem_shared>>) target_semaphore(%run_scoped3A : memref<!tpu.dma_semaphore, #tpu.memory_space<semaphore_mem>>)
        %dma_wait3A = tpu.memref_slice %arg7[%mul3A_7] : memref<50176xf32, #tpu.memory_space<vmem_shared>> -> memref<3136xf32, #tpu.memory_space<vmem_shared>>
        %dma_wait3A_23 = tpu.memref_slice %arg7[%mul3A_7] : memref<50176xf32, #tpu.memory_space<vmem_shared>> -> memref<3136xf32, #tpu.memory_space<vmem_shared>>
        tpu.wait_dma2 semaphore(%run_scoped3A : memref<!tpu.dma_semaphore, #tpu.memory_space<semaphore_mem>>) src(%arg10 : memref<3136xf32, #tpu.memory_space<vmem>>) dst(%dma_wait3A_23 : memref<3136xf32, #tpu.memory_space<vmem_shared>>)
        tpu.yield
      }) : () -> ()
      "tpu.region"() ({
        %run_scoped3A = tpu.sem_alloc : memref<!tpu.dma_semaphore, #tpu.memory_space<semaphore_mem>>
        tpu.enqueue_dma source(%arg4 : memref<128xf32, #tpu.memory_space<hbm>>) target(%arg9 : memref<128xf32, #tpu.memory_space<vmem>>) target_semaphore(%run_scoped3A : memref<!tpu.dma_semaphore, #tpu.memory_space<semaphore_mem>>)
        tpu.wait_dma2 semaphore(%run_scoped3A : memref<!tpu.dma_semaphore, #tpu.memory_space<semaphore_mem>>) src(%arg4 : memref<128xf32, #tpu.memory_space<hbm>>) dst(%arg9 : memref<128xf32, #tpu.memory_space<vmem>>)
        tpu.yield
      }) : () -> ()
      %barrier3A = arith.constant 0 : index
      tpu.barrier barrier_id(%barrier3A)
      %mul3A_8 = arith.constant 16 : i32
      %mul3A_9 = arith.muli %arg0, %mul3A_8 : i32
      %add3A = arith.addi %mul3A_9, %arg1 : i32
      %mul3A_10 = arith.constant 196 : i32
      %mul3A_11 = arith.muli %add3A, %mul3A_10 : i32
      %scan3A = arith.constant 0 : i32
      %scan3A_12 = arith.constant 0 : i32
      %scan3A_13 = arith.constant 49 : i32
      %scan3A_14 = arith.addi %scan3A_12, %scan3A_13 : i32
      %scan3A_15 = arith.constant 1 : i32
      scf.for %scan3A_22 = %scan3A_12 to %scan3A_14 step %scan3A_15  : i32 {
        %mul3A_23 = arith.constant 4 : i32
        %mul3A_24 = arith.muli %scan3A_22, %mul3A_23 : i32
        %add3A_25 = arith.addi %mul3A_11, %mul3A_24 : i32
        "tpu.region"() ({
          %run_scoped3A_29 = tpu.sem_alloc : memref<!tpu.dma_semaphore, #tpu.memory_space<semaphore_mem>>
          %dma_start3A = arith.constant 0 : i32
          %dma_start3A_30 = tpu.memref_slice %arg2[%add3A_25, %dma_start3A] : memref<6272x128xi32, #tpu.memory_space<hbm>> -> memref<4x128xi32, #tpu.memory_space<hbm>>
          %dma_start3A_31 = arith.constant 0 : i32
          %dma_start3A_32 = tpu.memref_slice %arg2[%add3A_25, %dma_start3A_31] : memref<6272x128xi32, #tpu.memory_space<hbm>> -> memref<4x128xi32, #tpu.memory_space<hbm>>
          tpu.enqueue_dma source(%dma_start3A_32 : memref<4x128xi32, #tpu.memory_space<hbm>>) target(%arg8 : memref<4x128xi32, #tpu.memory_space<vmem>>) target_semaphore(%run_scoped3A_29 : memref<!tpu.dma_semaphore, #tpu.memory_space<semaphore_mem>>)
          %dma_wait3A = arith.constant 0 : i32
          %dma_wait3A_33 = tpu.memref_slice %arg2[%add3A_25, %dma_wait3A] : memref<6272x128xi32, #tpu.memory_space<hbm>> -> memref<4x128xi32, #tpu.memory_space<hbm>>
          %dma_wait3A_34 = arith.constant 0 : i32
          %dma_wait3A_35 = tpu.memref_slice %arg2[%add3A_25, %dma_wait3A_34] : memref<6272x128xi32, #tpu.memory_space<hbm>> -> memref<4x128xi32, #tpu.memory_space<hbm>>
          tpu.wait_dma2 semaphore(%run_scoped3A_29 : memref<!tpu.dma_semaphore, #tpu.memory_space<semaphore_mem>>) src(%dma_wait3A_35 : memref<4x128xi32, #tpu.memory_space<hbm>>) dst(%arg8 : memref<4x128xi32, #tpu.memory_space<vmem>>)
          tpu.yield
        }) : () -> ()
        %run_scoped3A = arith.constant 0 : i32
        "tpu.region"() ({
          %run_scoped3A_29 = tpu.sem_alloc : memref<!tpu.dma_semaphore, #tpu.memory_space<semaphore_mem>>
          %dma_start3A = arith.constant 0 : i32
          %dma_start3A_30 = tpu.memref_slice %arg8[%run_scoped3A, %dma_start3A] : memref<4x128xi32, #tpu.memory_space<vmem>> -> memref<1x128xi32, #tpu.memory_space<vmem>>
          %dma_start3A_31 = tpu.memref_squeeze %dma_start3A_30 : memref<1x128xi32, #tpu.memory_space<vmem>> -> memref<128xi32, #tpu.memory_space<vmem>>
          %dma_start3A_32 = arith.constant 0 : i32
          %dma_start3A_33 = tpu.memref_slice %arg7[%dma_start3A_32] : memref<50176xf32, #tpu.memory_space<vmem_shared>> -> memref<50176xf32, #tpu.memory_space<vmem_shared>>
          tpu.enqueue_indirect_dma source(%arg9 : memref<128xf32, #tpu.memory_space<vmem>>) target(%dma_start3A_33 : memref<50176xf32, #tpu.memory_space<vmem_shared>>) offsets(%dma_start3A_31 : memref<128xi32, #tpu.memory_space<vmem>>) semaphore(%run_scoped3A_29 : memref<!tpu.dma_semaphore, #tpu.memory_space<semaphore_mem>>) {add = true}
          %dma_wait3A = arith.constant 0 : i32
          %dma_wait3A_34 = tpu.memref_slice %arg8[%run_scoped3A, %dma_wait3A] : memref<4x128xi32, #tpu.memory_space<vmem>> -> memref<1x128xi32, #tpu.memory_space<vmem>>
          %dma_wait3A_35 = tpu.memref_squeeze %dma_wait3A_34 : memref<1x128xi32, #tpu.memory_space<vmem>> -> memref<128xi32, #tpu.memory_space<vmem>>
          %dma_wait3A_36 = arith.constant 0 : i32
          %dma_wait3A_37 = tpu.memref_slice %arg7[%dma_wait3A_36] : memref<50176xf32, #tpu.memory_space<vmem_shared>> -> memref<50176xf32, #tpu.memory_space<vmem_shared>>
          tpu.wait_indirect_dma semaphore(%run_scoped3A_29 : memref<!tpu.dma_semaphore, #tpu.memory_space<semaphore_mem>>) src(%arg9 : memref<128xf32, #tpu.memory_space<vmem>>) dst(%dma_wait3A_37 : memref<50176xf32, #tpu.memory_space<vmem_shared>>)
          tpu.yield
        }) : () -> ()
        %run_scoped3A_26 = arith.constant 1 : i32
        "tpu.region"() ({
          %run_scoped3A_29 = tpu.sem_alloc : memref<!tpu.dma_semaphore, #tpu.memory_space<semaphore_mem>>
          %dma_start3A = arith.constant 0 : i32
          %dma_start3A_30 = tpu.memref_slice %arg8[%run_scoped3A_26, %dma_start3A] : memref<4x128xi32, #tpu.memory_space<vmem>> -> memref<1x128xi32, #tpu.memory_space<vmem>>
          %dma_start3A_31 = tpu.memref_squeeze %dma_start3A_30 : memref<1x128xi32, #tpu.memory_space<vmem>> -> memref<128xi32, #tpu.memory_space<vmem>>
          %dma_start3A_32 = arith.constant 0 : i32
          %dma_start3A_33 = tpu.memref_slice %arg7[%dma_start3A_32] : memref<50176xf32, #tpu.memory_space<vmem_shared>> -> memref<50176xf32, #tpu.memory_space<vmem_shared>>
          tpu.enqueue_indirect_dma source(%arg9 : memref<128xf32, #tpu.memory_space<vmem>>) target(%dma_start3A_33 : memref<50176xf32, #tpu.memory_space<vmem_shared>>) offsets(%dma_start3A_31 : memref<128xi32, #tpu.memory_space<vmem>>) semaphore(%run_scoped3A_29 : memref<!tpu.dma_semaphore, #tpu.memory_space<semaphore_mem>>) {add = true}
          %dma_wait3A = arith.constant 0 : i32
          %dma_wait3A_34 = tpu.memref_slice %arg8[%run_scoped3A_26, %dma_wait3A] : memref<4x128xi32, #tpu.memory_space<vmem>> -> memref<1x128xi32, #tpu.memory_space<vmem>>
          %dma_wait3A_35 = tpu.memref_squeeze %dma_wait3A_34 : memref<1x128xi32, #tpu.memory_space<vmem>> -> memref<128xi32, #tpu.memory_space<vmem>>
          %dma_wait3A_36 = arith.constant 0 : i32
          %dma_wait3A_37 = tpu.memref_slice %arg7[%dma_wait3A_36] : memref<50176xf32, #tpu.memory_space<vmem_shared>> -> memref<50176xf32, #tpu.memory_space<vmem_shared>>
          tpu.wait_indirect_dma semaphore(%run_scoped3A_29 : memref<!tpu.dma_semaphore, #tpu.memory_space<semaphore_mem>>) src(%arg9 : memref<128xf32, #tpu.memory_space<vmem>>) dst(%dma_wait3A_37 : memref<50176xf32, #tpu.memory_space<vmem_shared>>)
          tpu.yield
        }) : () -> ()
        %run_scoped3A_27 = arith.constant 2 : i32
        "tpu.region"() ({
          %run_scoped3A_29 = tpu.sem_alloc : memref<!tpu.dma_semaphore, #tpu.memory_space<semaphore_mem>>
          %dma_start3A = arith.constant 0 : i32
          %dma_start3A_30 = tpu.memref_slice %arg8[%run_scoped3A_27, %dma_start3A] : memref<4x128xi32, #tpu.memory_space<vmem>> -> memref<1x128xi32, #tpu.memory_space<vmem>>
          %dma_start3A_31 = tpu.memref_squeeze %dma_start3A_30 : memref<1x128xi32, #tpu.memory_space<vmem>> -> memref<128xi32, #tpu.memory_space<vmem>>
          %dma_start3A_32 = arith.constant 0 : i32
          %dma_start3A_33 = tpu.memref_slice %arg7[%dma_start3A_32] : memref<50176xf32, #tpu.memory_space<vmem_shared>> -> memref<50176xf32, #tpu.memory_space<vmem_shared>>
          tpu.enqueue_indirect_dma source(%arg9 : memref<128xf32, #tpu.memory_space<vmem>>) target(%dma_start3A_33 : memref<50176xf32, #tpu.memory_space<vmem_shared>>) offsets(%dma_start3A_31 : memref<128xi32, #tpu.memory_space<vmem>>) semaphore(%run_scoped3A_29 : memref<!tpu.dma_semaphore, #tpu.memory_space<semaphore_mem>>) {add = true}
          %dma_wait3A = arith.constant 0 : i32
          %dma_wait3A_34 = tpu.memref_slice %arg8[%run_scoped3A_27, %dma_wait3A] : memref<4x128xi32, #tpu.memory_space<vmem>> -> memref<1x128xi32, #tpu.memory_space<vmem>>
          %dma_wait3A_35 = tpu.memref_squeeze %dma_wait3A_34 : memref<1x128xi32, #tpu.memory_space<vmem>> -> memref<128xi32, #tpu.memory_space<vmem>>
          %dma_wait3A_36 = arith.constant 0 : i32
          %dma_wait3A_37 = tpu.memref_slice %arg7[%dma_wait3A_36] : memref<50176xf32, #tpu.memory_space<vmem_shared>> -> memref<50176xf32, #tpu.memory_space<vmem_shared>>
          tpu.wait_indirect_dma semaphore(%run_scoped3A_29 : memref<!tpu.dma_semaphore, #tpu.memory_space<semaphore_mem>>) src(%arg9 : memref<128xf32, #tpu.memory_space<vmem>>) dst(%dma_wait3A_37 : memref<50176xf32, #tpu.memory_space<vmem_shared>>)
          tpu.yield
        }) : () -> ()
        %run_scoped3A_28 = arith.constant 3 : i32
        "tpu.region"() ({
          %run_scoped3A_29 = tpu.sem_alloc : memref<!tpu.dma_semaphore, #tpu.memory_space<semaphore_mem>>
          %dma_start3A = arith.constant 0 : i32
          %dma_start3A_30 = tpu.memref_slice %arg8[%run_scoped3A_28, %dma_start3A] : memref<4x128xi32, #tpu.memory_space<vmem>> -> memref<1x128xi32, #tpu.memory_space<vmem>>
          %dma_start3A_31 = tpu.memref_squeeze %dma_start3A_30 : memref<1x128xi32, #tpu.memory_space<vmem>> -> memref<128xi32, #tpu.memory_space<vmem>>
          %dma_start3A_32 = arith.constant 0 : i32
          %dma_start3A_33 = tpu.memref_slice %arg7[%dma_start3A_32] : memref<50176xf32, #tpu.memory_space<vmem_shared>> -> memref<50176xf32, #tpu.memory_space<vmem_shared>>
          tpu.enqueue_indirect_dma source(%arg9 : memref<128xf32, #tpu.memory_space<vmem>>) target(%dma_start3A_33 : memref<50176xf32, #tpu.memory_space<vmem_shared>>) offsets(%dma_start3A_31 : memref<128xi32, #tpu.memory_space<vmem>>) semaphore(%run_scoped3A_29 : memref<!tpu.dma_semaphore, #tpu.memory_space<semaphore_mem>>) {add = true}
          %dma_wait3A = arith.constant 0 : i32
          %dma_wait3A_34 = tpu.memref_slice %arg8[%run_scoped3A_28, %dma_wait3A] : memref<4x128xi32, #tpu.memory_space<vmem>> -> memref<1x128xi32, #tpu.memory_space<vmem>>
          %dma_wait3A_35 = tpu.memref_squeeze %dma_wait3A_34 : memref<1x128xi32, #tpu.memory_space<vmem>> -> memref<128xi32, #tpu.memory_space<vmem>>
          %dma_wait3A_36 = arith.constant 0 : i32
          %dma_wait3A_37 = tpu.memref_slice %arg7[%dma_wait3A_36] : memref<50176xf32, #tpu.memory_space<vmem_shared>> -> memref<50176xf32, #tpu.memory_space<vmem_shared>>
          tpu.wait_indirect_dma semaphore(%run_scoped3A_29 : memref<!tpu.dma_semaphore, #tpu.memory_space<semaphore_mem>>) src(%arg9 : memref<128xf32, #tpu.memory_space<vmem>>) dst(%dma_wait3A_37 : memref<50176xf32, #tpu.memory_space<vmem_shared>>)
          tpu.yield
        }) : () -> ()
      }
      %scan3A_16 = arith.constant 49 : i32
      %barrier3A_17 = arith.constant 0 : index
      tpu.barrier barrier_id(%barrier3A_17)
      %mul3A_18 = arith.constant 3136 : i32
      %mul3A_19 = arith.muli %arg1, %mul3A_18 : i32
      "tpu.region"() ({
        %run_scoped3A = tpu.sem_alloc : memref<!tpu.dma_semaphore, #tpu.memory_space<semaphore_mem>>
        %dma_start3A = tpu.memref_slice %arg7[%mul3A_19] : memref<50176xf32, #tpu.memory_space<vmem_shared>> -> memref<3136xf32, #tpu.memory_space<vmem_shared>>
        %dma_start3A_22 = tpu.memref_slice %arg7[%mul3A_19] : memref<50176xf32, #tpu.memory_space<vmem_shared>> -> memref<3136xf32, #tpu.memory_space<vmem_shared>>
        tpu.enqueue_dma source(%dma_start3A_22 : memref<3136xf32, #tpu.memory_space<vmem_shared>>) target(%arg10 : memref<3136xf32, #tpu.memory_space<vmem>>) target_semaphore(%run_scoped3A : memref<!tpu.dma_semaphore, #tpu.memory_space<semaphore_mem>>)
        %dma_wait3A = tpu.memref_slice %arg7[%mul3A_19] : memref<50176xf32, #tpu.memory_space<vmem_shared>> -> memref<3136xf32, #tpu.memory_space<vmem_shared>>
        %dma_wait3A_23 = tpu.memref_slice %arg7[%mul3A_19] : memref<50176xf32, #tpu.memory_space<vmem_shared>> -> memref<3136xf32, #tpu.memory_space<vmem_shared>>
        tpu.wait_dma2 semaphore(%run_scoped3A : memref<!tpu.dma_semaphore, #tpu.memory_space<semaphore_mem>>) src(%dma_wait3A_23 : memref<3136xf32, #tpu.memory_space<vmem_shared>>) dst(%arg10 : memref<3136xf32, #tpu.memory_space<vmem>>)
        tpu.yield
      }) : () -> ()
      %mul3A_20 = arith.constant 3136 : i32
      %mul3A_21 = arith.muli %arg1, %mul3A_20 : i32
      "tpu.region"() ({
        %run_scoped3A = tpu.sem_alloc : memref<!tpu.dma_semaphore, #tpu.memory_space<semaphore_mem>>
        %dma_start3A = tpu.memref_slice %arg6[%mul3A_21] : memref<50176xf32, #tpu.memory_space<hbm>> -> memref<3136xf32, #tpu.memory_space<hbm>>
        %dma_start3A_22 = tpu.memref_slice %arg6[%mul3A_21] : memref<50176xf32, #tpu.memory_space<hbm>> -> memref<3136xf32, #tpu.memory_space<hbm>>
        tpu.enqueue_dma source(%arg10 : memref<3136xf32, #tpu.memory_space<vmem>>) target(%dma_start3A_22 : memref<3136xf32, #tpu.memory_space<hbm>>) target_semaphore(%run_scoped3A : memref<!tpu.dma_semaphore, #tpu.memory_space<semaphore_mem>>)
        %dma_wait3A = tpu.memref_slice %arg6[%mul3A_21] : memref<50176xf32, #tpu.memory_space<hbm>> -> memref<3136xf32, #tpu.memory_space<hbm>>
        %dma_wait3A_23 = tpu.memref_slice %arg6[%mul3A_21] : memref<50176xf32, #tpu.memory_space<hbm>> -> memref<3136xf32, #tpu.memory_space<hbm>>
        tpu.wait_dma2 semaphore(%run_scoped3A : memref<!tpu.dma_semaphore, #tpu.memory_space<semaphore_mem>>) src(%arg10 : memref<3136xf32, #tpu.memory_space<vmem>>) dst(%dma_wait3A_23 : memref<3136xf32, #tpu.memory_space<hbm>>)
        tpu.yield
      }) : () -> ()
    } else {
    }
    return
  }
}

#map = affine_map<(d0, d1) -> (0, 0)>
#map1 = affine_map<(d0, d1) -> (0)>
module attributes {stable_mosaic.version = 14 : i64} {
  func.func @_conv1_body(%arg0: i32, %arg1: i32, %arg2: memref<6272x128xi32, #tpu.memory_space<hbm>>, %arg3: memref<6272x128xi32, #tpu.memory_space<hbm>>, %arg4: memref<50176xf32, #tpu.memory_space<hbm>>, %arg5: memref<50176xf32, #tpu.memory_space<hbm>>, %arg6: memref<50000xi32, #tpu.memory_space<hbm>>, %arg7: memref<100352xf32, #tpu.memory_space<hbm>>, %arg8: memref<1605632xf32, #tpu.memory_space<hbm>>, %arg9: memref<1605632xf32, #tpu.memory_space<hbm>>, %arg10: memref<1605632xf32, #tpu.memory_space<vmem_shared>>, %arg11: memref<1x128xi32, #tpu.memory_space<vmem>>, %arg12: memref<1x128xi32, #tpu.memory_space<vmem>>, %arg13: memref<1x128xi32, #tpu.memory_space<vmem>>, %arg14: memref<1x128xi32, #tpu.memory_space<vmem>>, %arg15: memref<128xf32, #tpu.memory_space<vmem>>, %arg16: memref<128xf32, #tpu.memory_space<vmem>>, %arg17: memref<128xf32, #tpu.memory_space<vmem>>, %arg18: memref<128xf32, #tpu.memory_space<vmem>>, %arg19: memref<128xi32, #tpu.memory_space<vmem>>, %arg20: memref<128xi32, #tpu.memory_space<vmem>>, %arg21: memref<128xf32, #tpu.memory_space<vmem>>, %arg22: memref<128xf32, #tpu.memory_space<vmem>>, %arg23: memref<128xi32, #tpu.memory_space<vmem>>, %arg24: memref<128xi32, #tpu.memory_space<vmem>>, %arg25: memref<!tpu.dma_semaphore, #tpu.memory_space<semaphore_mem>>, %arg26: memref<!tpu.dma_semaphore, #tpu.memory_space<semaphore_mem>>) attributes {dimension_semantics = [#tpu.dimension_semantics<core_parallel>, #tpu.dimension_semantics<subcore_parallel>], iteration_bounds = array<i64: 2, 16>, scalar_prefetch = 0 : i64, scratch_operands = 17 : i64, tpu.core_type = #tpu.core_type<sc_vector_subcore>, window_params = [{transform_indices = #map}, {transform_indices = #map}, {transform_indices = #map1}, {transform_indices = #map1}, {transform_indices = #map1}, {transform_indices = #map1}, {transform_indices = #map1}, {transform_indices = #map1}]} {
    %eq3A = arith.constant 0 : i32
    %eq3A_0 = arith.cmpi eq, %arg0, %eq3A : i32
    %convert_element_type3A = arith.extui %eq3A_0 : i1 to i32
    %cond3A = arith.constant 0 : i32
    %cond3A_1 = arith.cmpi ne, %convert_element_type3A, %cond3A : i32
    scf.if %cond3A_1 {
      %mul3A = arith.constant 3136 : i32
      %mul3A_7 = arith.muli %arg1, %mul3A : i32
      %mul3A_8 = arith.constant 32 : i32
      %mul3A_9 = arith.muli %mul3A_7, %mul3A_8 : i32
      "tpu.region"() ({
        %run_scoped3A = tpu.sem_alloc : memref<!tpu.dma_semaphore, #tpu.memory_space<semaphore_mem>>
        %dma_start3A_47 = tpu.memref_slice %arg10[%mul3A_9] : memref<1605632xf32, #tpu.memory_space<vmem_shared>> -> memref<100352xf32, #tpu.memory_space<vmem_shared>>
        tpu.enqueue_dma source(%arg7 : memref<100352xf32, #tpu.memory_space<hbm>>) target(%dma_start3A_47 : memref<100352xf32, #tpu.memory_space<vmem_shared>>) target_semaphore(%run_scoped3A : memref<!tpu.dma_semaphore, #tpu.memory_space<semaphore_mem>>)
        %dma_wait3A = tpu.memref_slice %arg10[%mul3A_9] : memref<1605632xf32, #tpu.memory_space<vmem_shared>> -> memref<100352xf32, #tpu.memory_space<vmem_shared>>
        tpu.wait_dma2 semaphore(%run_scoped3A : memref<!tpu.dma_semaphore, #tpu.memory_space<semaphore_mem>>) src(%arg7 : memref<100352xf32, #tpu.memory_space<hbm>>) dst(%dma_wait3A : memref<100352xf32, #tpu.memory_space<vmem_shared>>)
        tpu.yield
      }) : () -> ()
      %barrier3A = arith.constant 0 : index
      tpu.barrier barrier_id(%barrier3A)
      %mul3A_10 = arith.constant 16 : i32
      %mul3A_11 = arith.muli %arg0, %mul3A_10 : i32
      %add3A = arith.addi %mul3A_11, %arg1 : i32
      %mul3A_12 = arith.constant 196 : i32
      %mul3A_13 = arith.muli %add3A, %mul3A_12 : i32
      %add3A_14 = arith.constant 0 : i32
      %add3A_15 = arith.addi %mul3A_13, %add3A_14 : i32
      "tpu.region"() ({
        %run_scoped3A = tpu.sem_alloc : memref<!tpu.dma_semaphore, #tpu.memory_space<semaphore_mem>>
        %dma_start3A_47 = arith.constant 0 : i32
        %dma_start3A_48 = tpu.memref_slice %arg2[%add3A_15, %dma_start3A_47] : memref<6272x128xi32, #tpu.memory_space<hbm>> -> memref<1x128xi32, #tpu.memory_space<hbm>>
        %dma_start3A_49 = arith.constant 0 : i32
        %dma_start3A_50 = tpu.memref_slice %arg2[%add3A_15, %dma_start3A_49] : memref<6272x128xi32, #tpu.memory_space<hbm>> -> memref<1x128xi32, #tpu.memory_space<hbm>>
        tpu.enqueue_dma source(%dma_start3A_50 : memref<1x128xi32, #tpu.memory_space<hbm>>) target(%arg11 : memref<1x128xi32, #tpu.memory_space<vmem>>) target_semaphore(%run_scoped3A : memref<!tpu.dma_semaphore, #tpu.memory_space<semaphore_mem>>)
        %dma_wait3A = arith.constant 0 : i32
        %dma_wait3A_51 = tpu.memref_slice %arg2[%add3A_15, %dma_wait3A] : memref<6272x128xi32, #tpu.memory_space<hbm>> -> memref<1x128xi32, #tpu.memory_space<hbm>>
        %dma_wait3A_52 = arith.constant 0 : i32
        %dma_wait3A_53 = tpu.memref_slice %arg2[%add3A_15, %dma_wait3A_52] : memref<6272x128xi32, #tpu.memory_space<hbm>> -> memref<1x128xi32, #tpu.memory_space<hbm>>
        tpu.wait_dma2 semaphore(%run_scoped3A : memref<!tpu.dma_semaphore, #tpu.memory_space<semaphore_mem>>) src(%dma_wait3A_53 : memref<1x128xi32, #tpu.memory_space<hbm>>) dst(%arg11 : memref<1x128xi32, #tpu.memory_space<vmem>>)
        tpu.yield
      }) : () -> ()
      "tpu.region"() ({
        %run_scoped3A = tpu.sem_alloc : memref<!tpu.dma_semaphore, #tpu.memory_space<semaphore_mem>>
        %dma_start3A_47 = arith.constant 0 : i32
        %dma_start3A_48 = tpu.memref_slice %arg3[%add3A_15, %dma_start3A_47] : memref<6272x128xi32, #tpu.memory_space<hbm>> -> memref<1x128xi32, #tpu.memory_space<hbm>>
        %dma_start3A_49 = arith.constant 0 : i32
        %dma_start3A_50 = tpu.memref_slice %arg3[%add3A_15, %dma_start3A_49] : memref<6272x128xi32, #tpu.memory_space<hbm>> -> memref<1x128xi32, #tpu.memory_space<hbm>>
        tpu.enqueue_dma source(%dma_start3A_50 : memref<1x128xi32, #tpu.memory_space<hbm>>) target(%arg13 : memref<1x128xi32, #tpu.memory_space<vmem>>) target_semaphore(%run_scoped3A : memref<!tpu.dma_semaphore, #tpu.memory_space<semaphore_mem>>)
        %dma_wait3A = arith.constant 0 : i32
        %dma_wait3A_51 = tpu.memref_slice %arg3[%add3A_15, %dma_wait3A] : memref<6272x128xi32, #tpu.memory_space<hbm>> -> memref<1x128xi32, #tpu.memory_space<hbm>>
        %dma_wait3A_52 = arith.constant 0 : i32
        %dma_wait3A_53 = tpu.memref_slice %arg3[%add3A_15, %dma_wait3A_52] : memref<6272x128xi32, #tpu.memory_space<hbm>> -> memref<1x128xi32, #tpu.memory_space<hbm>>
        tpu.wait_dma2 semaphore(%run_scoped3A : memref<!tpu.dma_semaphore, #tpu.memory_space<semaphore_mem>>) src(%dma_wait3A_53 : memref<1x128xi32, #tpu.memory_space<hbm>>) dst(%arg13 : memref<1x128xi32, #tpu.memory_space<vmem>>)
        tpu.yield
      }) : () -> ()
      %dma_start3A = arith.constant 0 : i32
      %dma_start3A_16 = arith.constant 0 : i32
      %dma_start3A_17 = tpu.memref_slice %arg11[%dma_start3A, %dma_start3A_16] : memref<1x128xi32, #tpu.memory_space<vmem>> -> memref<1x128xi32, #tpu.memory_space<vmem>>
      %dma_start3A_18 = tpu.memref_squeeze %dma_start3A_17 : memref<1x128xi32, #tpu.memory_space<vmem>> -> memref<128xi32, #tpu.memory_space<vmem>>
      %dma_start3A_19 = arith.constant 0 : i32
      %dma_start3A_20 = tpu.memref_slice %arg4[%dma_start3A_19] : memref<50176xf32, #tpu.memory_space<hbm>> -> memref<50176xf32, #tpu.memory_space<hbm>>
      tpu.enqueue_indirect_dma source(%dma_start3A_20 : memref<50176xf32, #tpu.memory_space<hbm>>) target(%arg15 : memref<128xf32, #tpu.memory_space<vmem>>) offsets(%dma_start3A_18 : memref<128xi32, #tpu.memory_space<vmem>>) semaphore(%arg25 : memref<!tpu.dma_semaphore, #tpu.memory_space<semaphore_mem>>)
      %dma_start3A_21 = arith.constant 0 : i32
      %dma_start3A_22 = arith.constant 0 : i32
      %dma_start3A_23 = tpu.memref_slice %arg11[%dma_start3A_21, %dma_start3A_22] : memref<1x128xi32, #tpu.memory_space<vmem>> -> memref<1x128xi32, #tpu.memory_space<vmem>>
      %dma_start3A_24 = tpu.memref_squeeze %dma_start3A_23 : memref<1x128xi32, #tpu.memory_space<vmem>> -> memref<128xi32, #tpu.memory_space<vmem>>
      %dma_start3A_25 = arith.constant 0 : i32
      %dma_start3A_26 = tpu.memref_slice %arg5[%dma_start3A_25] : memref<50176xf32, #tpu.memory_space<hbm>> -> memref<50176xf32, #tpu.memory_space<hbm>>
      tpu.enqueue_indirect_dma source(%dma_start3A_26 : memref<50176xf32, #tpu.memory_space<hbm>>) target(%arg17 : memref<128xf32, #tpu.memory_space<vmem>>) offsets(%dma_start3A_24 : memref<128xi32, #tpu.memory_space<vmem>>) semaphore(%arg25 : memref<!tpu.dma_semaphore, #tpu.memory_space<semaphore_mem>>)
      %dma_start3A_27 = arith.constant 0 : i32
      %dma_start3A_28 = arith.constant 0 : i32
      %dma_start3A_29 = tpu.memref_slice %arg11[%dma_start3A_27, %dma_start3A_28] : memref<1x128xi32, #tpu.memory_space<vmem>> -> memref<1x128xi32, #tpu.memory_space<vmem>>
      %dma_start3A_30 = tpu.memref_squeeze %dma_start3A_29 : memref<1x128xi32, #tpu.memory_space<vmem>> -> memref<128xi32, #tpu.memory_space<vmem>>
      %dma_start3A_31 = arith.constant 0 : i32
      %dma_start3A_32 = tpu.memref_slice %arg6[%dma_start3A_31] : memref<50000xi32, #tpu.memory_space<hbm>> -> memref<50000xi32, #tpu.memory_space<hbm>>
      tpu.enqueue_indirect_dma source(%dma_start3A_32 : memref<50000xi32, #tpu.memory_space<hbm>>) target(%arg19 : memref<128xi32, #tpu.memory_space<vmem>>) offsets(%dma_start3A_30 : memref<128xi32, #tpu.memory_space<vmem>>) semaphore(%arg25 : memref<!tpu.dma_semaphore, #tpu.memory_space<semaphore_mem>>)
      %scan3A = arith.constant 0 : i32
      %scan3A_33 = arith.constant 0 : i32
      %scan3A_34 = arith.constant 98 : i32
      %scan3A_35 = arith.addi %scan3A_33, %scan3A_34 : i32
      %scan3A_36 = arith.constant 1 : i32
      scf.for %scan3A_47 = %scan3A_33 to %scan3A_35 step %scan3A_36  : i32 {
        %mul3A_48 = arith.constant 2 : i32
        %mul3A_49 = arith.muli %mul3A_48, %scan3A_47 : i32
        %add3A_50 = arith.constant 1 : i32
        %add3A_51 = arith.addi %mul3A_49, %add3A_50 : i32
        %add3A_52 = arith.addi %mul3A_13, %add3A_51 : i32
        "tpu.region"() ({
          %run_scoped3A = tpu.sem_alloc : memref<!tpu.dma_semaphore, #tpu.memory_space<semaphore_mem>>
          %dma_start3A_913 = arith.constant 0 : i32
          %dma_start3A_914 = tpu.memref_slice %arg2[%add3A_52, %dma_start3A_913] : memref<6272x128xi32, #tpu.memory_space<hbm>> -> memref<1x128xi32, #tpu.memory_space<hbm>>
          %dma_start3A_915 = arith.constant 0 : i32
          %dma_start3A_916 = tpu.memref_slice %arg2[%add3A_52, %dma_start3A_915] : memref<6272x128xi32, #tpu.memory_space<hbm>> -> memref<1x128xi32, #tpu.memory_space<hbm>>
          tpu.enqueue_dma source(%dma_start3A_916 : memref<1x128xi32, #tpu.memory_space<hbm>>) target(%arg12 : memref<1x128xi32, #tpu.memory_space<vmem>>) target_semaphore(%run_scoped3A : memref<!tpu.dma_semaphore, #tpu.memory_space<semaphore_mem>>)
          %dma_wait3A_917 = arith.constant 0 : i32
          %dma_wait3A_918 = tpu.memref_slice %arg2[%add3A_52, %dma_wait3A_917] : memref<6272x128xi32, #tpu.memory_space<hbm>> -> memref<1x128xi32, #tpu.memory_space<hbm>>
          %dma_wait3A_919 = arith.constant 0 : i32
          %dma_wait3A_920 = tpu.memref_slice %arg2[%add3A_52, %dma_wait3A_919] : memref<6272x128xi32, #tpu.memory_space<hbm>> -> memref<1x128xi32, #tpu.memory_space<hbm>>
          tpu.wait_dma2 semaphore(%run_scoped3A : memref<!tpu.dma_semaphore, #tpu.memory_space<semaphore_mem>>) src(%dma_wait3A_920 : memref<1x128xi32, #tpu.memory_space<hbm>>) dst(%arg12 : memref<1x128xi32, #tpu.memory_space<vmem>>)
          tpu.yield
        }) : () -> ()
        "tpu.region"() ({
          %run_scoped3A = tpu.sem_alloc : memref<!tpu.dma_semaphore, #tpu.memory_space<semaphore_mem>>
          %dma_start3A_913 = arith.constant 0 : i32
          %dma_start3A_914 = tpu.memref_slice %arg3[%add3A_52, %dma_start3A_913] : memref<6272x128xi32, #tpu.memory_space<hbm>> -> memref<1x128xi32, #tpu.memory_space<hbm>>
          %dma_start3A_915 = arith.constant 0 : i32
          %dma_start3A_916 = tpu.memref_slice %arg3[%add3A_52, %dma_start3A_915] : memref<6272x128xi32, #tpu.memory_space<hbm>> -> memref<1x128xi32, #tpu.memory_space<hbm>>
          tpu.enqueue_dma source(%dma_start3A_916 : memref<1x128xi32, #tpu.memory_space<hbm>>) target(%arg14 : memref<1x128xi32, #tpu.memory_space<vmem>>) target_semaphore(%run_scoped3A : memref<!tpu.dma_semaphore, #tpu.memory_space<semaphore_mem>>)
          %dma_wait3A_917 = arith.constant 0 : i32
          %dma_wait3A_918 = tpu.memref_slice %arg3[%add3A_52, %dma_wait3A_917] : memref<6272x128xi32, #tpu.memory_space<hbm>> -> memref<1x128xi32, #tpu.memory_space<hbm>>
          %dma_wait3A_919 = arith.constant 0 : i32
          %dma_wait3A_920 = tpu.memref_slice %arg3[%add3A_52, %dma_wait3A_919] : memref<6272x128xi32, #tpu.memory_space<hbm>> -> memref<1x128xi32, #tpu.memory_space<hbm>>
          tpu.wait_dma2 semaphore(%run_scoped3A : memref<!tpu.dma_semaphore, #tpu.memory_space<semaphore_mem>>) src(%dma_wait3A_920 : memref<1x128xi32, #tpu.memory_space<hbm>>) dst(%arg14 : memref<1x128xi32, #tpu.memory_space<vmem>>)
          tpu.yield
        }) : () -> ()
        %dma_start3A_53 = arith.constant 0 : i32
        %dma_start3A_54 = arith.constant 0 : i32
        %dma_start3A_55 = tpu.memref_slice %arg12[%dma_start3A_53, %dma_start3A_54] : memref<1x128xi32, #tpu.memory_space<vmem>> -> memref<1x128xi32, #tpu.memory_space<vmem>>
        %dma_start3A_56 = tpu.memref_squeeze %dma_start3A_55 : memref<1x128xi32, #tpu.memory_space<vmem>> -> memref<128xi32, #tpu.memory_space<vmem>>
        %dma_start3A_57 = arith.constant 0 : i32
        %dma_start3A_58 = tpu.memref_slice %arg4[%dma_start3A_57] : memref<50176xf32, #tpu.memory_space<hbm>> -> memref<50176xf32, #tpu.memory_space<hbm>>
        tpu.enqueue_indirect_dma source(%dma_start3A_58 : memref<50176xf32, #tpu.memory_space<hbm>>) target(%arg16 : memref<128xf32, #tpu.memory_space<vmem>>) offsets(%dma_start3A_56 : memref<128xi32, #tpu.memory_space<vmem>>) semaphore(%arg26 : memref<!tpu.dma_semaphore, #tpu.memory_space<semaphore_mem>>)
        %dma_start3A_59 = arith.constant 0 : i32
        %dma_start3A_60 = arith.constant 0 : i32
        %dma_start3A_61 = tpu.memref_slice %arg12[%dma_start3A_59, %dma_start3A_60] : memref<1x128xi32, #tpu.memory_space<vmem>> -> memref<1x128xi32, #tpu.memory_space<vmem>>
        %dma_start3A_62 = tpu.memref_squeeze %dma_start3A_61 : memref<1x128xi32, #tpu.memory_space<vmem>> -> memref<128xi32, #tpu.memory_space<vmem>>
        %dma_start3A_63 = arith.constant 0 : i32
        %dma_start3A_64 = tpu.memref_slice %arg5[%dma_start3A_63] : memref<50176xf32, #tpu.memory_space<hbm>> -> memref<50176xf32, #tpu.memory_space<hbm>>
        tpu.enqueue_indirect_dma source(%dma_start3A_64 : memref<50176xf32, #tpu.memory_space<hbm>>) target(%arg18 : memref<128xf32, #tpu.memory_space<vmem>>) offsets(%dma_start3A_62 : memref<128xi32, #tpu.memory_space<vmem>>) semaphore(%arg26 : memref<!tpu.dma_semaphore, #tpu.memory_space<semaphore_mem>>)
        %dma_start3A_65 = arith.constant 0 : i32
        %dma_start3A_66 = arith.constant 0 : i32
        %dma_start3A_67 = tpu.memref_slice %arg12[%dma_start3A_65, %dma_start3A_66] : memref<1x128xi32, #tpu.memory_space<vmem>> -> memref<1x128xi32, #tpu.memory_space<vmem>>
        %dma_start3A_68 = tpu.memref_squeeze %dma_start3A_67 : memref<1x128xi32, #tpu.memory_space<vmem>> -> memref<128xi32, #tpu.memory_space<vmem>>
        %dma_start3A_69 = arith.constant 0 : i32
        %dma_start3A_70 = tpu.memref_slice %arg6[%dma_start3A_69] : memref<50000xi32, #tpu.memory_space<hbm>> -> memref<50000xi32, #tpu.memory_space<hbm>>
        tpu.enqueue_indirect_dma source(%dma_start3A_70 : memref<50000xi32, #tpu.memory_space<hbm>>) target(%arg20 : memref<128xi32, #tpu.memory_space<vmem>>) offsets(%dma_start3A_68 : memref<128xi32, #tpu.memory_space<vmem>>) semaphore(%arg26 : memref<!tpu.dma_semaphore, #tpu.memory_space<semaphore_mem>>)
        %dma_wait3A = arith.constant 0 : i32
        %dma_wait3A_71 = tpu.memref_slice %arg4[%dma_wait3A] : memref<50176xf32, #tpu.memory_space<hbm>> -> memref<128xf32, #tpu.memory_space<hbm>>
        %dma_wait3A_72 = arith.constant 0 : i32
        %dma_wait3A_73 = tpu.memref_slice %arg4[%dma_wait3A_72] : memref<50176xf32, #tpu.memory_space<hbm>> -> memref<128xf32, #tpu.memory_space<hbm>>
        tpu.wait_dma2 semaphore(%arg25 : memref<!tpu.dma_semaphore, #tpu.memory_space<semaphore_mem>>) src(%dma_wait3A_73 : memref<128xf32, #tpu.memory_space<hbm>>) dst(%arg15 : memref<128xf32, #tpu.memory_space<vmem>>)
        %dma_wait3A_74 = arith.constant 0 : i32
        %dma_wait3A_75 = tpu.memref_slice %arg5[%dma_wait3A_74] : memref<50176xf32, #tpu.memory_space<hbm>> -> memref<128xf32, #tpu.memory_space<hbm>>
        %dma_wait3A_76 = arith.constant 0 : i32
        %dma_wait3A_77 = tpu.memref_slice %arg5[%dma_wait3A_76] : memref<50176xf32, #tpu.memory_space<hbm>> -> memref<128xf32, #tpu.memory_space<hbm>>
        tpu.wait_dma2 semaphore(%arg25 : memref<!tpu.dma_semaphore, #tpu.memory_space<semaphore_mem>>) src(%dma_wait3A_77 : memref<128xf32, #tpu.memory_space<hbm>>) dst(%arg17 : memref<128xf32, #tpu.memory_space<vmem>>)
        %dma_wait3A_78 = arith.constant 0 : i32
        %dma_wait3A_79 = tpu.memref_slice %arg6[%dma_wait3A_78] : memref<50000xi32, #tpu.memory_space<hbm>> -> memref<128xi32, #tpu.memory_space<hbm>>
        %dma_wait3A_80 = arith.constant 0 : i32
        %dma_wait3A_81 = tpu.memref_slice %arg6[%dma_wait3A_80] : memref<50000xi32, #tpu.memory_space<hbm>> -> memref<128xi32, #tpu.memory_space<hbm>>
        tpu.wait_dma2 semaphore(%arg25 : memref<!tpu.dma_semaphore, #tpu.memory_space<semaphore_mem>>) src(%dma_wait3A_81 : memref<128xi32, #tpu.memory_space<hbm>>) dst(%arg19 : memref<128xi32, #tpu.memory_space<vmem>>)
        %get3A = arith.constant 0 : index
        %get3A_82 = tpu.vector_load %arg15[%get3A] {strides = array<i32>} : memref<128xf32, #tpu.memory_space<vmem>>, vector<16xf32>,
        %add3A_83 = arith.constant 1.000000e+00 : f32
        %add3A_84 = vector.broadcast %add3A_83 : f32 to vector<16xf32>
        %add3A_85 = arith.addf %add3A_84, %get3A_82 : vector<16xf32>
        %get3A_86 = arith.constant 0 : index
        %get3A_87 = tpu.vector_load %arg17[%get3A_86] {strides = array<i32>} : memref<128xf32, #tpu.memory_space<vmem>>, vector<16xf32>,
        %add3A_88 = arith.addf %add3A_85, %get3A_87 : vector<16xf32>
        %bitcast3A = vector.bitcast %add3A_88 : vector<16xf32> to vector<16xi32>
        %shift_right_arithmetic3A = arith.constant 1 : i32
        %shift_right_arithmetic3A_89 = vector.broadcast %shift_right_arithmetic3A : i32 to vector<16xi32>
        %shift_right_arithmetic3A_90 = arith.shrsi %bitcast3A, %shift_right_arithmetic3A_89 : vector<16xi32>
        %sub3A = arith.constant 1597463007 : i32
        %sub3A_91 = vector.broadcast %sub3A : i32 to vector<16xi32>
        %sub3A_92 = arith.subi %sub3A_91, %shift_right_arithmetic3A_90 : vector<16xi32>
        %bitcast3A_93 = vector.bitcast %sub3A_92 : vector<16xi32> to vector<16xf32>
        %mul3A_94 = arith.constant 5.000000e-01 : f32
        %mul3A_95 = vector.broadcast %mul3A_94 : f32 to vector<16xf32>
        %mul3A_96 = arith.mulf %mul3A_95, %add3A_88 : vector<16xf32>
        %mul3A_97 = arith.mulf %mul3A_96, %bitcast3A_93 : vector<16xf32>
        %mul3A_98 = arith.mulf %mul3A_97, %bitcast3A_93 : vector<16xf32>
        %sub3A_99 = arith.constant 1.500000e+00 : f32
        %sub3A_100 = vector.broadcast %sub3A_99 : f32 to vector<16xf32>
        %sub3A_101 = arith.subf %sub3A_100, %mul3A_98 : vector<16xf32>
        %mul3A_102 = arith.mulf %bitcast3A_93, %sub3A_101 : vector<16xf32>
        %mul3A_103 = arith.mulf %mul3A_96, %mul3A_102 : vector<16xf32>
        %mul3A_104 = arith.mulf %mul3A_103, %mul3A_102 : vector<16xf32>
        %sub3A_105 = arith.constant 1.500000e+00 : f32
        %sub3A_106 = vector.broadcast %sub3A_105 : f32 to vector<16xf32>
        %sub3A_107 = arith.subf %sub3A_106, %mul3A_104 : vector<16xf32>
        %mul3A_108 = arith.mulf %mul3A_102, %sub3A_107 : vector<16xf32>
        %mul3A_109 = arith.mulf %mul3A_96, %mul3A_108 : vector<16xf32>
        %mul3A_110 = arith.mulf %mul3A_109, %mul3A_108 : vector<16xf32>
        %sub3A_111 = arith.constant 1.500000e+00 : f32
        %sub3A_112 = vector.broadcast %sub3A_111 : f32 to vector<16xf32>
        %sub3A_113 = arith.subf %sub3A_112, %mul3A_110 : vector<16xf32>
        %mul3A_114 = arith.mulf %mul3A_108, %sub3A_113 : vector<16xf32>
        %swap3A = arith.constant 0 : index
        %swap3A_115 = tpu.vector_load %arg21[%swap3A] {strides = array<i32>} : memref<128xf32, #tpu.memory_space<vmem>>, vector<16xf32>,
        tpu.vector_store %arg21[%swap3A], %mul3A_114 {strides = array<i32>} : memref<128xf32, #tpu.memory_space<vmem>>, vector<16xf32>,
        %get3A_116 = arith.constant 0 : i32
        %get3A_117 = arith.index_cast %get3A_116 : i32 to index
        %get3A_118 = arith.constant 0 : index
        %get3A_119 = tpu.vector_load %arg13[%get3A_117, %get3A_118] {strides = array<i32>} : memref<1x128xi32, #tpu.memory_space<vmem>>, vector<16xi32>,
        %mul3A_120 = arith.constant 32 : i32
        %mul3A_121 = vector.broadcast %mul3A_120 : i32 to vector<16xi32>
        %mul3A_122 = arith.muli %get3A_119, %mul3A_121 : vector<16xi32>
        %get3A_123 = arith.constant 0 : index
        %get3A_124 = tpu.vector_load %arg19[%get3A_123] {strides = array<i32>} : memref<128xi32, #tpu.memory_space<vmem>>, vector<16xi32>,
        %add3A_125 = arith.addi %mul3A_122, %get3A_124 : vector<16xi32>
        %swap3A_126 = arith.constant 0 : index
        %swap3A_127 = tpu.vector_load %arg23[%swap3A_126] {strides = array<i32>} : memref<128xi32, #tpu.memory_space<vmem>>, vector<16xi32>,
        tpu.vector_store %arg23[%swap3A_126], %add3A_125 {strides = array<i32>} : memref<128xi32, #tpu.memory_space<vmem>>, vector<16xi32>,
        %get3A_128 = arith.constant 16 : index
        %get3A_129 = tpu.vector_load %arg15[%get3A_128] {strides = array<i32>} : memref<128xf32, #tpu.memory_space<vmem>>, vector<16xf32>,
        %add3A_130 = arith.constant 1.000000e+00 : f32
        %add3A_131 = vector.broadcast %add3A_130 : f32 to vector<16xf32>
        %add3A_132 = arith.addf %add3A_131, %get3A_129 : vector<16xf32>
        %get3A_133 = arith.constant 16 : index
        %get3A_134 = tpu.vector_load %arg17[%get3A_133] {strides = array<i32>} : memref<128xf32, #tpu.memory_space<vmem>>, vector<16xf32>,
        %add3A_135 = arith.addf %add3A_132, %get3A_134 : vector<16xf32>
        %bitcast3A_136 = vector.bitcast %add3A_135 : vector<16xf32> to vector<16xi32>
        %shift_right_arithmetic3A_137 = arith.constant 1 : i32
        %shift_right_arithmetic3A_138 = vector.broadcast %shift_right_arithmetic3A_137 : i32 to vector<16xi32>
        %shift_right_arithmetic3A_139 = arith.shrsi %bitcast3A_136, %shift_right_arithmetic3A_138 : vector<16xi32>
        %sub3A_140 = arith.constant 1597463007 : i32
        %sub3A_141 = vector.broadcast %sub3A_140 : i32 to vector<16xi32>
        %sub3A_142 = arith.subi %sub3A_141, %shift_right_arithmetic3A_139 : vector<16xi32>
        %bitcast3A_143 = vector.bitcast %sub3A_142 : vector<16xi32> to vector<16xf32>
        %mul3A_144 = arith.constant 5.000000e-01 : f32
        %mul3A_145 = vector.broadcast %mul3A_144 : f32 to vector<16xf32>
        %mul3A_146 = arith.mulf %mul3A_145, %add3A_135 : vector<16xf32>
        %mul3A_147 = arith.mulf %mul3A_146, %bitcast3A_143 : vector<16xf32>
        %mul3A_148 = arith.mulf %mul3A_147, %bitcast3A_143 : vector<16xf32>
        %sub3A_149 = arith.constant 1.500000e+00 : f32
        %sub3A_150 = vector.broadcast %sub3A_149 : f32 to vector<16xf32>
        %sub3A_151 = arith.subf %sub3A_150, %mul3A_148 : vector<16xf32>
        %mul3A_152 = arith.mulf %bitcast3A_143, %sub3A_151 : vector<16xf32>
        %mul3A_153 = arith.mulf %mul3A_146, %mul3A_152 : vector<16xf32>
        %mul3A_154 = arith.mulf %mul3A_153, %mul3A_152 : vector<16xf32>
        %sub3A_155 = arith.constant 1.500000e+00 : f32
        %sub3A_156 = vector.broadcast %sub3A_155 : f32 to vector<16xf32>
        %sub3A_157 = arith.subf %sub3A_156, %mul3A_154 : vector<16xf32>
        %mul3A_158 = arith.mulf %mul3A_152, %sub3A_157 : vector<16xf32>
        %mul3A_159 = arith.mulf %mul3A_146, %mul3A_158 : vector<16xf32>
        %mul3A_160 = arith.mulf %mul3A_159, %mul3A_158 : vector<16xf32>
        %sub3A_161 = arith.constant 1.500000e+00 : f32
        %sub3A_162 = vector.broadcast %sub3A_161 : f32 to vector<16xf32>
        %sub3A_163 = arith.subf %sub3A_162, %mul3A_160 : vector<16xf32>
        %mul3A_164 = arith.mulf %mul3A_158, %sub3A_163 : vector<16xf32>
        %swap3A_165 = arith.constant 16 : index
        %swap3A_166 = tpu.vector_load %arg21[%swap3A_165] {strides = array<i32>} : memref<128xf32, #tpu.memory_space<vmem>>, vector<16xf32>,
        tpu.vector_store %arg21[%swap3A_165], %mul3A_164 {strides = array<i32>} : memref<128xf32, #tpu.memory_space<vmem>>, vector<16xf32>,
        %get3A_167 = arith.constant 0 : i32
        %get3A_168 = arith.index_cast %get3A_167 : i32 to index
        %get3A_169 = arith.constant 16 : index
        %get3A_170 = tpu.vector_load %arg13[%get3A_168, %get3A_169] {strides = array<i32>} : memref<1x128xi32, #tpu.memory_space<vmem>>, vector<16xi32>,
        %mul3A_171 = arith.constant 32 : i32
        %mul3A_172 = vector.broadcast %mul3A_171 : i32 to vector<16xi32>
        %mul3A_173 = arith.muli %get3A_170, %mul3A_172 : vector<16xi32>
        %get3A_174 = arith.constant 16 : index
        %get3A_175 = tpu.vector_load %arg19[%get3A_174] {strides = array<i32>} : memref<128xi32, #tpu.memory_space<vmem>>, vector<16xi32>,
        %add3A_176 = arith.addi %mul3A_173, %get3A_175 : vector<16xi32>
        %swap3A_177 = arith.constant 16 : index
        %swap3A_178 = tpu.vector_load %arg23[%swap3A_177] {strides = array<i32>} : memref<128xi32, #tpu.memory_space<vmem>>, vector<16xi32>,
        tpu.vector_store %arg23[%swap3A_177], %add3A_176 {strides = array<i32>} : memref<128xi32, #tpu.memory_space<vmem>>, vector<16xi32>,
        %get3A_179 = arith.constant 32 : index
        %get3A_180 = tpu.vector_load %arg15[%get3A_179] {strides = array<i32>} : memref<128xf32, #tpu.memory_space<vmem>>, vector<16xf32>,
        %add3A_181 = arith.constant 1.000000e+00 : f32
        %add3A_182 = vector.broadcast %add3A_181 : f32 to vector<16xf32>
        %add3A_183 = arith.addf %add3A_182, %get3A_180 : vector<16xf32>
        %get3A_184 = arith.constant 32 : index
        %get3A_185 = tpu.vector_load %arg17[%get3A_184] {strides = array<i32>} : memref<128xf32, #tpu.memory_space<vmem>>, vector<16xf32>,
        %add3A_186 = arith.addf %add3A_183, %get3A_185 : vector<16xf32>
        %bitcast3A_187 = vector.bitcast %add3A_186 : vector<16xf32> to vector<16xi32>
        %shift_right_arithmetic3A_188 = arith.constant 1 : i32
        %shift_right_arithmetic3A_189 = vector.broadcast %shift_right_arithmetic3A_188 : i32 to vector<16xi32>
        %shift_right_arithmetic3A_190 = arith.shrsi %bitcast3A_187, %shift_right_arithmetic3A_189 : vector<16xi32>
        %sub3A_191 = arith.constant 1597463007 : i32
        %sub3A_192 = vector.broadcast %sub3A_191 : i32 to vector<16xi32>
        %sub3A_193 = arith.subi %sub3A_192, %shift_right_arithmetic3A_190 : vector<16xi32>
        %bitcast3A_194 = vector.bitcast %sub3A_193 : vector<16xi32> to vector<16xf32>
        %mul3A_195 = arith.constant 5.000000e-01 : f32
        %mul3A_196 = vector.broadcast %mul3A_195 : f32 to vector<16xf32>
        %mul3A_197 = arith.mulf %mul3A_196, %add3A_186 : vector<16xf32>
        %mul3A_198 = arith.mulf %mul3A_197, %bitcast3A_194 : vector<16xf32>
        %mul3A_199 = arith.mulf %mul3A_198, %bitcast3A_194 : vector<16xf32>
        %sub3A_200 = arith.constant 1.500000e+00 : f32
        %sub3A_201 = vector.broadcast %sub3A_200 : f32 to vector<16xf32>
        %sub3A_202 = arith.subf %sub3A_201, %mul3A_199 : vector<16xf32>
        %mul3A_203 = arith.mulf %bitcast3A_194, %sub3A_202 : vector<16xf32>
        %mul3A_204 = arith.mulf %mul3A_197, %mul3A_203 : vector<16xf32>
        %mul3A_205 = arith.mulf %mul3A_204, %mul3A_203 : vector<16xf32>
        %sub3A_206 = arith.constant 1.500000e+00 : f32
        %sub3A_207 = vector.broadcast %sub3A_206 : f32 to vector<16xf32>
        %sub3A_208 = arith.subf %sub3A_207, %mul3A_205 : vector<16xf32>
        %mul3A_209 = arith.mulf %mul3A_203, %sub3A_208 : vector<16xf32>
        %mul3A_210 = arith.mulf %mul3A_197, %mul3A_209 : vector<16xf32>
        %mul3A_211 = arith.mulf %mul3A_210, %mul3A_209 : vector<16xf32>
        %sub3A_212 = arith.constant 1.500000e+00 : f32
        %sub3A_213 = vector.broadcast %sub3A_212 : f32 to vector<16xf32>
        %sub3A_214 = arith.subf %sub3A_213, %mul3A_211 : vector<16xf32>
        %mul3A_215 = arith.mulf %mul3A_209, %sub3A_214 : vector<16xf32>
        %swap3A_216 = arith.constant 32 : index
        %swap3A_217 = tpu.vector_load %arg21[%swap3A_216] {strides = array<i32>} : memref<128xf32, #tpu.memory_space<vmem>>, vector<16xf32>,
        tpu.vector_store %arg21[%swap3A_216], %mul3A_215 {strides = array<i32>} : memref<128xf32, #tpu.memory_space<vmem>>, vector<16xf32>,
        %get3A_218 = arith.constant 0 : i32
        %get3A_219 = arith.index_cast %get3A_218 : i32 to index
        %get3A_220 = arith.constant 32 : index
        %get3A_221 = tpu.vector_load %arg13[%get3A_219, %get3A_220] {strides = array<i32>} : memref<1x128xi32, #tpu.memory_space<vmem>>, vector<16xi32>,
        %mul3A_222 = arith.constant 32 : i32
        %mul3A_223 = vector.broadcast %mul3A_222 : i32 to vector<16xi32>
        %mul3A_224 = arith.muli %get3A_221, %mul3A_223 : vector<16xi32>
        %get3A_225 = arith.constant 32 : index
        %get3A_226 = tpu.vector_load %arg19[%get3A_225] {strides = array<i32>} : memref<128xi32, #tpu.memory_space<vmem>>, vector<16xi32>,
        %add3A_227 = arith.addi %mul3A_224, %get3A_226 : vector<16xi32>
        %swap3A_228 = arith.constant 32 : index
        %swap3A_229 = tpu.vector_load %arg23[%swap3A_228] {strides = array<i32>} : memref<128xi32, #tpu.memory_space<vmem>>, vector<16xi32>,
        tpu.vector_store %arg23[%swap3A_228], %add3A_227 {strides = array<i32>} : memref<128xi32, #tpu.memory_space<vmem>>, vector<16xi32>,
        %get3A_230 = arith.constant 48 : index
        %get3A_231 = tpu.vector_load %arg15[%get3A_230] {strides = array<i32>} : memref<128xf32, #tpu.memory_space<vmem>>, vector<16xf32>,
        %add3A_232 = arith.constant 1.000000e+00 : f32
        %add3A_233 = vector.broadcast %add3A_232 : f32 to vector<16xf32>
        %add3A_234 = arith.addf %add3A_233, %get3A_231 : vector<16xf32>
        %get3A_235 = arith.constant 48 : index
        %get3A_236 = tpu.vector_load %arg17[%get3A_235] {strides = array<i32>} : memref<128xf32, #tpu.memory_space<vmem>>, vector<16xf32>,
        %add3A_237 = arith.addf %add3A_234, %get3A_236 : vector<16xf32>
        %bitcast3A_238 = vector.bitcast %add3A_237 : vector<16xf32> to vector<16xi32>
        %shift_right_arithmetic3A_239 = arith.constant 1 : i32
        %shift_right_arithmetic3A_240 = vector.broadcast %shift_right_arithmetic3A_239 : i32 to vector<16xi32>
        %shift_right_arithmetic3A_241 = arith.shrsi %bitcast3A_238, %shift_right_arithmetic3A_240 : vector<16xi32>
        %sub3A_242 = arith.constant 1597463007 : i32
        %sub3A_243 = vector.broadcast %sub3A_242 : i32 to vector<16xi32>
        %sub3A_244 = arith.subi %sub3A_243, %shift_right_arithmetic3A_241 : vector<16xi32>
        %bitcast3A_245 = vector.bitcast %sub3A_244 : vector<16xi32> to vector<16xf32>
        %mul3A_246 = arith.constant 5.000000e-01 : f32
        %mul3A_247 = vector.broadcast %mul3A_246 : f32 to vector<16xf32>
        %mul3A_248 = arith.mulf %mul3A_247, %add3A_237 : vector<16xf32>
        %mul3A_249 = arith.mulf %mul3A_248, %bitcast3A_245 : vector<16xf32>
        %mul3A_250 = arith.mulf %mul3A_249, %bitcast3A_245 : vector<16xf32>
        %sub3A_251 = arith.constant 1.500000e+00 : f32
        %sub3A_252 = vector.broadcast %sub3A_251 : f32 to vector<16xf32>
        %sub3A_253 = arith.subf %sub3A_252, %mul3A_250 : vector<16xf32>
        %mul3A_254 = arith.mulf %bitcast3A_245, %sub3A_253 : vector<16xf32>
        %mul3A_255 = arith.mulf %mul3A_248, %mul3A_254 : vector<16xf32>
        %mul3A_256 = arith.mulf %mul3A_255, %mul3A_254 : vector<16xf32>
        %sub3A_257 = arith.constant 1.500000e+00 : f32
        %sub3A_258 = vector.broadcast %sub3A_257 : f32 to vector<16xf32>
        %sub3A_259 = arith.subf %sub3A_258, %mul3A_256 : vector<16xf32>
        %mul3A_260 = arith.mulf %mul3A_254, %sub3A_259 : vector<16xf32>
        %mul3A_261 = arith.mulf %mul3A_248, %mul3A_260 : vector<16xf32>
        %mul3A_262 = arith.mulf %mul3A_261, %mul3A_260 : vector<16xf32>
        %sub3A_263 = arith.constant 1.500000e+00 : f32
        %sub3A_264 = vector.broadcast %sub3A_263 : f32 to vector<16xf32>
        %sub3A_265 = arith.subf %sub3A_264, %mul3A_262 : vector<16xf32>
        %mul3A_266 = arith.mulf %mul3A_260, %sub3A_265 : vector<16xf32>
        %swap3A_267 = arith.constant 48 : index
        %swap3A_268 = tpu.vector_load %arg21[%swap3A_267] {strides = array<i32>} : memref<128xf32, #tpu.memory_space<vmem>>, vector<16xf32>,
        tpu.vector_store %arg21[%swap3A_267], %mul3A_266 {strides = array<i32>} : memref<128xf32, #tpu.memory_space<vmem>>, vector<16xf32>,
        %get3A_269 = arith.constant 0 : i32
        %get3A_270 = arith.index_cast %get3A_269 : i32 to index
        %get3A_271 = arith.constant 48 : index
        %get3A_272 = tpu.vector_load %arg13[%get3A_270, %get3A_271] {strides = array<i32>} : memref<1x128xi32, #tpu.memory_space<vmem>>, vector<16xi32>,
        %mul3A_273 = arith.constant 32 : i32
        %mul3A_274 = vector.broadcast %mul3A_273 : i32 to vector<16xi32>
        %mul3A_275 = arith.muli %get3A_272, %mul3A_274 : vector<16xi32>
        %get3A_276 = arith.constant 48 : index
        %get3A_277 = tpu.vector_load %arg19[%get3A_276] {strides = array<i32>} : memref<128xi32, #tpu.memory_space<vmem>>, vector<16xi32>,
        %add3A_278 = arith.addi %mul3A_275, %get3A_277 : vector<16xi32>
        %swap3A_279 = arith.constant 48 : index
        %swap3A_280 = tpu.vector_load %arg23[%swap3A_279] {strides = array<i32>} : memref<128xi32, #tpu.memory_space<vmem>>, vector<16xi32>,
        tpu.vector_store %arg23[%swap3A_279], %add3A_278 {strides = array<i32>} : memref<128xi32, #tpu.memory_space<vmem>>, vector<16xi32>,
        %get3A_281 = arith.constant 64 : index
        %get3A_282 = tpu.vector_load %arg15[%get3A_281] {strides = array<i32>} : memref<128xf32, #tpu.memory_space<vmem>>, vector<16xf32>,
        %add3A_283 = arith.constant 1.000000e+00 : f32
        %add3A_284 = vector.broadcast %add3A_283 : f32 to vector<16xf32>
        %add3A_285 = arith.addf %add3A_284, %get3A_282 : vector<16xf32>
        %get3A_286 = arith.constant 64 : index
        %get3A_287 = tpu.vector_load %arg17[%get3A_286] {strides = array<i32>} : memref<128xf32, #tpu.memory_space<vmem>>, vector<16xf32>,
        %add3A_288 = arith.addf %add3A_285, %get3A_287 : vector<16xf32>
        %bitcast3A_289 = vector.bitcast %add3A_288 : vector<16xf32> to vector<16xi32>
        %shift_right_arithmetic3A_290 = arith.constant 1 : i32
        %shift_right_arithmetic3A_291 = vector.broadcast %shift_right_arithmetic3A_290 : i32 to vector<16xi32>
        %shift_right_arithmetic3A_292 = arith.shrsi %bitcast3A_289, %shift_right_arithmetic3A_291 : vector<16xi32>
        %sub3A_293 = arith.constant 1597463007 : i32
        %sub3A_294 = vector.broadcast %sub3A_293 : i32 to vector<16xi32>
        %sub3A_295 = arith.subi %sub3A_294, %shift_right_arithmetic3A_292 : vector<16xi32>
        %bitcast3A_296 = vector.bitcast %sub3A_295 : vector<16xi32> to vector<16xf32>
        %mul3A_297 = arith.constant 5.000000e-01 : f32
        %mul3A_298 = vector.broadcast %mul3A_297 : f32 to vector<16xf32>
        %mul3A_299 = arith.mulf %mul3A_298, %add3A_288 : vector<16xf32>
        %mul3A_300 = arith.mulf %mul3A_299, %bitcast3A_296 : vector<16xf32>
        %mul3A_301 = arith.mulf %mul3A_300, %bitcast3A_296 : vector<16xf32>
        %sub3A_302 = arith.constant 1.500000e+00 : f32
        %sub3A_303 = vector.broadcast %sub3A_302 : f32 to vector<16xf32>
        %sub3A_304 = arith.subf %sub3A_303, %mul3A_301 : vector<16xf32>
        %mul3A_305 = arith.mulf %bitcast3A_296, %sub3A_304 : vector<16xf32>
        %mul3A_306 = arith.mulf %mul3A_299, %mul3A_305 : vector<16xf32>
        %mul3A_307 = arith.mulf %mul3A_306, %mul3A_305 : vector<16xf32>
        %sub3A_308 = arith.constant 1.500000e+00 : f32
        %sub3A_309 = vector.broadcast %sub3A_308 : f32 to vector<16xf32>
        %sub3A_310 = arith.subf %sub3A_309, %mul3A_307 : vector<16xf32>
        %mul3A_311 = arith.mulf %mul3A_305, %sub3A_310 : vector<16xf32>
        %mul3A_312 = arith.mulf %mul3A_299, %mul3A_311 : vector<16xf32>
        %mul3A_313 = arith.mulf %mul3A_312, %mul3A_311 : vector<16xf32>
        %sub3A_314 = arith.constant 1.500000e+00 : f32
        %sub3A_315 = vector.broadcast %sub3A_314 : f32 to vector<16xf32>
        %sub3A_316 = arith.subf %sub3A_315, %mul3A_313 : vector<16xf32>
        %mul3A_317 = arith.mulf %mul3A_311, %sub3A_316 : vector<16xf32>
        %swap3A_318 = arith.constant 64 : index
        %swap3A_319 = tpu.vector_load %arg21[%swap3A_318] {strides = array<i32>} : memref<128xf32, #tpu.memory_space<vmem>>, vector<16xf32>,
        tpu.vector_store %arg21[%swap3A_318], %mul3A_317 {strides = array<i32>} : memref<128xf32, #tpu.memory_space<vmem>>, vector<16xf32>,
        %get3A_320 = arith.constant 0 : i32
        %get3A_321 = arith.index_cast %get3A_320 : i32 to index
        %get3A_322 = arith.constant 64 : index
        %get3A_323 = tpu.vector_load %arg13[%get3A_321, %get3A_322] {strides = array<i32>} : memref<1x128xi32, #tpu.memory_space<vmem>>, vector<16xi32>,
        %mul3A_324 = arith.constant 32 : i32
        %mul3A_325 = vector.broadcast %mul3A_324 : i32 to vector<16xi32>
        %mul3A_326 = arith.muli %get3A_323, %mul3A_325 : vector<16xi32>
        %get3A_327 = arith.constant 64 : index
        %get3A_328 = tpu.vector_load %arg19[%get3A_327] {strides = array<i32>} : memref<128xi32, #tpu.memory_space<vmem>>, vector<16xi32>,
        %add3A_329 = arith.addi %mul3A_326, %get3A_328 : vector<16xi32>
        %swap3A_330 = arith.constant 64 : index
        %swap3A_331 = tpu.vector_load %arg23[%swap3A_330] {strides = array<i32>} : memref<128xi32, #tpu.memory_space<vmem>>, vector<16xi32>,
        tpu.vector_store %arg23[%swap3A_330], %add3A_329 {strides = array<i32>} : memref<128xi32, #tpu.memory_space<vmem>>, vector<16xi32>,
        %get3A_332 = arith.constant 80 : index
        %get3A_333 = tpu.vector_load %arg15[%get3A_332] {strides = array<i32>} : memref<128xf32, #tpu.memory_space<vmem>>, vector<16xf32>,
        %add3A_334 = arith.constant 1.000000e+00 : f32
        %add3A_335 = vector.broadcast %add3A_334 : f32 to vector<16xf32>
        %add3A_336 = arith.addf %add3A_335, %get3A_333 : vector<16xf32>
        %get3A_337 = arith.constant 80 : index
        %get3A_338 = tpu.vector_load %arg17[%get3A_337] {strides = array<i32>} : memref<128xf32, #tpu.memory_space<vmem>>, vector<16xf32>,
        %add3A_339 = arith.addf %add3A_336, %get3A_338 : vector<16xf32>
        %bitcast3A_340 = vector.bitcast %add3A_339 : vector<16xf32> to vector<16xi32>
        %shift_right_arithmetic3A_341 = arith.constant 1 : i32
        %shift_right_arithmetic3A_342 = vector.broadcast %shift_right_arithmetic3A_341 : i32 to vector<16xi32>
        %shift_right_arithmetic3A_343 = arith.shrsi %bitcast3A_340, %shift_right_arithmetic3A_342 : vector<16xi32>
        %sub3A_344 = arith.constant 1597463007 : i32
        %sub3A_345 = vector.broadcast %sub3A_344 : i32 to vector<16xi32>
        %sub3A_346 = arith.subi %sub3A_345, %shift_right_arithmetic3A_343 : vector<16xi32>
        %bitcast3A_347 = vector.bitcast %sub3A_346 : vector<16xi32> to vector<16xf32>
        %mul3A_348 = arith.constant 5.000000e-01 : f32
        %mul3A_349 = vector.broadcast %mul3A_348 : f32 to vector<16xf32>
        %mul3A_350 = arith.mulf %mul3A_349, %add3A_339 : vector<16xf32>
        %mul3A_351 = arith.mulf %mul3A_350, %bitcast3A_347 : vector<16xf32>
        %mul3A_352 = arith.mulf %mul3A_351, %bitcast3A_347 : vector<16xf32>
        %sub3A_353 = arith.constant 1.500000e+00 : f32
        %sub3A_354 = vector.broadcast %sub3A_353 : f32 to vector<16xf32>
        %sub3A_355 = arith.subf %sub3A_354, %mul3A_352 : vector<16xf32>
        %mul3A_356 = arith.mulf %bitcast3A_347, %sub3A_355 : vector<16xf32>
        %mul3A_357 = arith.mulf %mul3A_350, %mul3A_356 : vector<16xf32>
        %mul3A_358 = arith.mulf %mul3A_357, %mul3A_356 : vector<16xf32>
        %sub3A_359 = arith.constant 1.500000e+00 : f32
        %sub3A_360 = vector.broadcast %sub3A_359 : f32 to vector<16xf32>
        %sub3A_361 = arith.subf %sub3A_360, %mul3A_358 : vector<16xf32>
        %mul3A_362 = arith.mulf %mul3A_356, %sub3A_361 : vector<16xf32>
        %mul3A_363 = arith.mulf %mul3A_350, %mul3A_362 : vector<16xf32>
        %mul3A_364 = arith.mulf %mul3A_363, %mul3A_362 : vector<16xf32>
        %sub3A_365 = arith.constant 1.500000e+00 : f32
        %sub3A_366 = vector.broadcast %sub3A_365 : f32 to vector<16xf32>
        %sub3A_367 = arith.subf %sub3A_366, %mul3A_364 : vector<16xf32>
        %mul3A_368 = arith.mulf %mul3A_362, %sub3A_367 : vector<16xf32>
        %swap3A_369 = arith.constant 80 : index
        %swap3A_370 = tpu.vector_load %arg21[%swap3A_369] {strides = array<i32>} : memref<128xf32, #tpu.memory_space<vmem>>, vector<16xf32>,
        tpu.vector_store %arg21[%swap3A_369], %mul3A_368 {strides = array<i32>} : memref<128xf32, #tpu.memory_space<vmem>>, vector<16xf32>,
        %get3A_371 = arith.constant 0 : i32
        %get3A_372 = arith.index_cast %get3A_371 : i32 to index
        %get3A_373 = arith.constant 80 : index
        %get3A_374 = tpu.vector_load %arg13[%get3A_372, %get3A_373] {strides = array<i32>} : memref<1x128xi32, #tpu.memory_space<vmem>>, vector<16xi32>,
        %mul3A_375 = arith.constant 32 : i32
        %mul3A_376 = vector.broadcast %mul3A_375 : i32 to vector<16xi32>
        %mul3A_377 = arith.muli %get3A_374, %mul3A_376 : vector<16xi32>
        %get3A_378 = arith.constant 80 : index
        %get3A_379 = tpu.vector_load %arg19[%get3A_378] {strides = array<i32>} : memref<128xi32, #tpu.memory_space<vmem>>, vector<16xi32>,
        %add3A_380 = arith.addi %mul3A_377, %get3A_379 : vector<16xi32>
        %swap3A_381 = arith.constant 80 : index
        %swap3A_382 = tpu.vector_load %arg23[%swap3A_381] {strides = array<i32>} : memref<128xi32, #tpu.memory_space<vmem>>, vector<16xi32>,
        tpu.vector_store %arg23[%swap3A_381], %add3A_380 {strides = array<i32>} : memref<128xi32, #tpu.memory_space<vmem>>, vector<16xi32>,
        %get3A_383 = arith.constant 96 : index
        %get3A_384 = tpu.vector_load %arg15[%get3A_383] {strides = array<i32>} : memref<128xf32, #tpu.memory_space<vmem>>, vector<16xf32>,
        %add3A_385 = arith.constant 1.000000e+00 : f32
        %add3A_386 = vector.broadcast %add3A_385 : f32 to vector<16xf32>
        %add3A_387 = arith.addf %add3A_386, %get3A_384 : vector<16xf32>
        %get3A_388 = arith.constant 96 : index
        %get3A_389 = tpu.vector_load %arg17[%get3A_388] {strides = array<i32>} : memref<128xf32, #tpu.memory_space<vmem>>, vector<16xf32>,
        %add3A_390 = arith.addf %add3A_387, %get3A_389 : vector<16xf32>
        %bitcast3A_391 = vector.bitcast %add3A_390 : vector<16xf32> to vector<16xi32>
        %shift_right_arithmetic3A_392 = arith.constant 1 : i32
        %shift_right_arithmetic3A_393 = vector.broadcast %shift_right_arithmetic3A_392 : i32 to vector<16xi32>
        %shift_right_arithmetic3A_394 = arith.shrsi %bitcast3A_391, %shift_right_arithmetic3A_393 : vector<16xi32>
        %sub3A_395 = arith.constant 1597463007 : i32
        %sub3A_396 = vector.broadcast %sub3A_395 : i32 to vector<16xi32>
        %sub3A_397 = arith.subi %sub3A_396, %shift_right_arithmetic3A_394 : vector<16xi32>
        %bitcast3A_398 = vector.bitcast %sub3A_397 : vector<16xi32> to vector<16xf32>
        %mul3A_399 = arith.constant 5.000000e-01 : f32
        %mul3A_400 = vector.broadcast %mul3A_399 : f32 to vector<16xf32>
        %mul3A_401 = arith.mulf %mul3A_400, %add3A_390 : vector<16xf32>
        %mul3A_402 = arith.mulf %mul3A_401, %bitcast3A_398 : vector<16xf32>
        %mul3A_403 = arith.mulf %mul3A_402, %bitcast3A_398 : vector<16xf32>
        %sub3A_404 = arith.constant 1.500000e+00 : f32
        %sub3A_405 = vector.broadcast %sub3A_404 : f32 to vector<16xf32>
        %sub3A_406 = arith.subf %sub3A_405, %mul3A_403 : vector<16xf32>
        %mul3A_407 = arith.mulf %bitcast3A_398, %sub3A_406 : vector<16xf32>
        %mul3A_408 = arith.mulf %mul3A_401, %mul3A_407 : vector<16xf32>
        %mul3A_409 = arith.mulf %mul3A_408, %mul3A_407 : vector<16xf32>
        %sub3A_410 = arith.constant 1.500000e+00 : f32
        %sub3A_411 = vector.broadcast %sub3A_410 : f32 to vector<16xf32>
        %sub3A_412 = arith.subf %sub3A_411, %mul3A_409 : vector<16xf32>
        %mul3A_413 = arith.mulf %mul3A_407, %sub3A_412 : vector<16xf32>
        %mul3A_414 = arith.mulf %mul3A_401, %mul3A_413 : vector<16xf32>
        %mul3A_415 = arith.mulf %mul3A_414, %mul3A_413 : vector<16xf32>
        %sub3A_416 = arith.constant 1.500000e+00 : f32
        %sub3A_417 = vector.broadcast %sub3A_416 : f32 to vector<16xf32>
        %sub3A_418 = arith.subf %sub3A_417, %mul3A_415 : vector<16xf32>
        %mul3A_419 = arith.mulf %mul3A_413, %sub3A_418 : vector<16xf32>
        %swap3A_420 = arith.constant 96 : index
        %swap3A_421 = tpu.vector_load %arg21[%swap3A_420] {strides = array<i32>} : memref<128xf32, #tpu.memory_space<vmem>>, vector<16xf32>,
        tpu.vector_store %arg21[%swap3A_420], %mul3A_419 {strides = array<i32>} : memref<128xf32, #tpu.memory_space<vmem>>, vector<16xf32>,
        %get3A_422 = arith.constant 0 : i32
        %get3A_423 = arith.index_cast %get3A_422 : i32 to index
        %get3A_424 = arith.constant 96 : index
        %get3A_425 = tpu.vector_load %arg13[%get3A_423, %get3A_424] {strides = array<i32>} : memref<1x128xi32, #tpu.memory_space<vmem>>, vector<16xi32>,
        %mul3A_426 = arith.constant 32 : i32
        %mul3A_427 = vector.broadcast %mul3A_426 : i32 to vector<16xi32>
        %mul3A_428 = arith.muli %get3A_425, %mul3A_427 : vector<16xi32>
        %get3A_429 = arith.constant 96 : index
        %get3A_430 = tpu.vector_load %arg19[%get3A_429] {strides = array<i32>} : memref<128xi32, #tpu.memory_space<vmem>>, vector<16xi32>,
        %add3A_431 = arith.addi %mul3A_428, %get3A_430 : vector<16xi32>
        %swap3A_432 = arith.constant 96 : index
        %swap3A_433 = tpu.vector_load %arg23[%swap3A_432] {strides = array<i32>} : memref<128xi32, #tpu.memory_space<vmem>>, vector<16xi32>,
        tpu.vector_store %arg23[%swap3A_432], %add3A_431 {strides = array<i32>} : memref<128xi32, #tpu.memory_space<vmem>>, vector<16xi32>,
        %get3A_434 = arith.constant 112 : index
        %get3A_435 = tpu.vector_load %arg15[%get3A_434] {strides = array<i32>} : memref<128xf32, #tpu.memory_space<vmem>>, vector<16xf32>,
        %add3A_436 = arith.constant 1.000000e+00 : f32
        %add3A_437 = vector.broadcast %add3A_436 : f32 to vector<16xf32>
        %add3A_438 = arith.addf %add3A_437, %get3A_435 : vector<16xf32>
        %get3A_439 = arith.constant 112 : index
        %get3A_440 = tpu.vector_load %arg17[%get3A_439] {strides = array<i32>} : memref<128xf32, #tpu.memory_space<vmem>>, vector<16xf32>,
        %add3A_441 = arith.addf %add3A_438, %get3A_440 : vector<16xf32>
        %bitcast3A_442 = vector.bitcast %add3A_441 : vector<16xf32> to vector<16xi32>
        %shift_right_arithmetic3A_443 = arith.constant 1 : i32
        %shift_right_arithmetic3A_444 = vector.broadcast %shift_right_arithmetic3A_443 : i32 to vector<16xi32>
        %shift_right_arithmetic3A_445 = arith.shrsi %bitcast3A_442, %shift_right_arithmetic3A_444 : vector<16xi32>
        %sub3A_446 = arith.constant 1597463007 : i32
        %sub3A_447 = vector.broadcast %sub3A_446 : i32 to vector<16xi32>
        %sub3A_448 = arith.subi %sub3A_447, %shift_right_arithmetic3A_445 : vector<16xi32>
        %bitcast3A_449 = vector.bitcast %sub3A_448 : vector<16xi32> to vector<16xf32>
        %mul3A_450 = arith.constant 5.000000e-01 : f32
        %mul3A_451 = vector.broadcast %mul3A_450 : f32 to vector<16xf32>
        %mul3A_452 = arith.mulf %mul3A_451, %add3A_441 : vector<16xf32>
        %mul3A_453 = arith.mulf %mul3A_452, %bitcast3A_449 : vector<16xf32>
        %mul3A_454 = arith.mulf %mul3A_453, %bitcast3A_449 : vector<16xf32>
        %sub3A_455 = arith.constant 1.500000e+00 : f32
        %sub3A_456 = vector.broadcast %sub3A_455 : f32 to vector<16xf32>
        %sub3A_457 = arith.subf %sub3A_456, %mul3A_454 : vector<16xf32>
        %mul3A_458 = arith.mulf %bitcast3A_449, %sub3A_457 : vector<16xf32>
        %mul3A_459 = arith.mulf %mul3A_452, %mul3A_458 : vector<16xf32>
        %mul3A_460 = arith.mulf %mul3A_459, %mul3A_458 : vector<16xf32>
        %sub3A_461 = arith.constant 1.500000e+00 : f32
        %sub3A_462 = vector.broadcast %sub3A_461 : f32 to vector<16xf32>
        %sub3A_463 = arith.subf %sub3A_462, %mul3A_460 : vector<16xf32>
        %mul3A_464 = arith.mulf %mul3A_458, %sub3A_463 : vector<16xf32>
        %mul3A_465 = arith.mulf %mul3A_452, %mul3A_464 : vector<16xf32>
        %mul3A_466 = arith.mulf %mul3A_465, %mul3A_464 : vector<16xf32>
        %sub3A_467 = arith.constant 1.500000e+00 : f32
        %sub3A_468 = vector.broadcast %sub3A_467 : f32 to vector<16xf32>
        %sub3A_469 = arith.subf %sub3A_468, %mul3A_466 : vector<16xf32>
        %mul3A_470 = arith.mulf %mul3A_464, %sub3A_469 : vector<16xf32>
        %swap3A_471 = arith.constant 112 : index
        %swap3A_472 = tpu.vector_load %arg21[%swap3A_471] {strides = array<i32>} : memref<128xf32, #tpu.memory_space<vmem>>, vector<16xf32>,
        tpu.vector_store %arg21[%swap3A_471], %mul3A_470 {strides = array<i32>} : memref<128xf32, #tpu.memory_space<vmem>>, vector<16xf32>,
        %get3A_473 = arith.constant 0 : i32
        %get3A_474 = arith.index_cast %get3A_473 : i32 to index
        %get3A_475 = arith.constant 112 : index
        %get3A_476 = tpu.vector_load %arg13[%get3A_474, %get3A_475] {strides = array<i32>} : memref<1x128xi32, #tpu.memory_space<vmem>>, vector<16xi32>,
        %mul3A_477 = arith.constant 32 : i32
        %mul3A_478 = vector.broadcast %mul3A_477 : i32 to vector<16xi32>
        %mul3A_479 = arith.muli %get3A_476, %mul3A_478 : vector<16xi32>
        %get3A_480 = arith.constant 112 : index
        %get3A_481 = tpu.vector_load %arg19[%get3A_480] {strides = array<i32>} : memref<128xi32, #tpu.memory_space<vmem>>, vector<16xi32>,
        %add3A_482 = arith.addi %mul3A_479, %get3A_481 : vector<16xi32>
        %swap3A_483 = arith.constant 112 : index
        %swap3A_484 = tpu.vector_load %arg23[%swap3A_483] {strides = array<i32>} : memref<128xi32, #tpu.memory_space<vmem>>, vector<16xi32>,
        tpu.vector_store %arg23[%swap3A_483], %add3A_482 {strides = array<i32>} : memref<128xi32, #tpu.memory_space<vmem>>, vector<16xi32>,
        "tpu.region"() ({
          %run_scoped3A = tpu.sem_alloc : memref<!tpu.dma_semaphore, #tpu.memory_space<semaphore_mem>>
          %dma_start3A_913 = arith.constant 0 : i32
          %dma_start3A_914 = tpu.memref_slice %arg10[%dma_start3A_913] : memref<1605632xf32, #tpu.memory_space<vmem_shared>> -> memref<1605632xf32, #tpu.memory_space<vmem_shared>>
          tpu.enqueue_indirect_dma source(%arg21 : memref<128xf32, #tpu.memory_space<vmem>>) target(%dma_start3A_914 : memref<1605632xf32, #tpu.memory_space<vmem_shared>>) offsets(%arg23 : memref<128xi32, #tpu.memory_space<vmem>>) semaphore(%run_scoped3A : memref<!tpu.dma_semaphore, #tpu.memory_space<semaphore_mem>>) {add = true}
          %dma_wait3A_915 = arith.constant 0 : i32
          %dma_wait3A_916 = tpu.memref_slice %arg10[%dma_wait3A_915] : memref<1605632xf32, #tpu.memory_space<vmem_shared>> -> memref<1605632xf32, #tpu.memory_space<vmem_shared>>
          tpu.wait_indirect_dma semaphore(%run_scoped3A : memref<!tpu.dma_semaphore, #tpu.memory_space<semaphore_mem>>) src(%arg21 : memref<128xf32, #tpu.memory_space<vmem>>) dst(%dma_wait3A_916 : memref<1605632xf32, #tpu.memory_space<vmem_shared>>)
          tpu.yield
        }) : () -> ()
        %add3A_485 = arith.constant 2 : i32
        %add3A_486 = arith.addi %mul3A_49, %add3A_485 : i32
        %lt3A = arith.constant 196 : i32
        %lt3A_487 = arith.cmpi slt, %add3A_486, %lt3A : i32
        %convert_element_type3A_488 = arith.extui %lt3A_487 : i1 to i32
        %cond3A_489 = arith.constant 0 : i32
        %cond3A_490 = arith.cmpi ne, %convert_element_type3A_488, %cond3A_489 : i32
        scf.if %cond3A_490 {
          %add3A_913 = arith.constant 2 : i32
          %add3A_914 = arith.addi %mul3A_49, %add3A_913 : i32
          %add3A_915 = arith.addi %mul3A_13, %add3A_914 : i32
          "tpu.region"() ({
            %run_scoped3A = tpu.sem_alloc : memref<!tpu.dma_semaphore, #tpu.memory_space<semaphore_mem>>
            %dma_start3A_934 = arith.constant 0 : i32
            %dma_start3A_935 = tpu.memref_slice %arg2[%add3A_915, %dma_start3A_934] : memref<6272x128xi32, #tpu.memory_space<hbm>> -> memref<1x128xi32, #tpu.memory_space<hbm>>
            %dma_start3A_936 = arith.constant 0 : i32
            %dma_start3A_937 = tpu.memref_slice %arg2[%add3A_915, %dma_start3A_936] : memref<6272x128xi32, #tpu.memory_space<hbm>> -> memref<1x128xi32, #tpu.memory_space<hbm>>
            tpu.enqueue_dma source(%dma_start3A_937 : memref<1x128xi32, #tpu.memory_space<hbm>>) target(%arg11 : memref<1x128xi32, #tpu.memory_space<vmem>>) target_semaphore(%run_scoped3A : memref<!tpu.dma_semaphore, #tpu.memory_space<semaphore_mem>>)
            %dma_wait3A_938 = arith.constant 0 : i32
            %dma_wait3A_939 = tpu.memref_slice %arg2[%add3A_915, %dma_wait3A_938] : memref<6272x128xi32, #tpu.memory_space<hbm>> -> memref<1x128xi32, #tpu.memory_space<hbm>>
            %dma_wait3A_940 = arith.constant 0 : i32
            %dma_wait3A_941 = tpu.memref_slice %arg2[%add3A_915, %dma_wait3A_940] : memref<6272x128xi32, #tpu.memory_space<hbm>> -> memref<1x128xi32, #tpu.memory_space<hbm>>
            tpu.wait_dma2 semaphore(%run_scoped3A : memref<!tpu.dma_semaphore, #tpu.memory_space<semaphore_mem>>) src(%dma_wait3A_941 : memref<1x128xi32, #tpu.memory_space<hbm>>) dst(%arg11 : memref<1x128xi32, #tpu.memory_space<vmem>>)
            tpu.yield
          }) : () -> ()
          "tpu.region"() ({
            %run_scoped3A = tpu.sem_alloc : memref<!tpu.dma_semaphore, #tpu.memory_space<semaphore_mem>>
            %dma_start3A_934 = arith.constant 0 : i32
            %dma_start3A_935 = tpu.memref_slice %arg3[%add3A_915, %dma_start3A_934] : memref<6272x128xi32, #tpu.memory_space<hbm>> -> memref<1x128xi32, #tpu.memory_space<hbm>>
            %dma_start3A_936 = arith.constant 0 : i32
            %dma_start3A_937 = tpu.memref_slice %arg3[%add3A_915, %dma_start3A_936] : memref<6272x128xi32, #tpu.memory_space<hbm>> -> memref<1x128xi32, #tpu.memory_space<hbm>>
            tpu.enqueue_dma source(%dma_start3A_937 : memref<1x128xi32, #tpu.memory_space<hbm>>) target(%arg13 : memref<1x128xi32, #tpu.memory_space<vmem>>) target_semaphore(%run_scoped3A : memref<!tpu.dma_semaphore, #tpu.memory_space<semaphore_mem>>)
            %dma_wait3A_938 = arith.constant 0 : i32
            %dma_wait3A_939 = tpu.memref_slice %arg3[%add3A_915, %dma_wait3A_938] : memref<6272x128xi32, #tpu.memory_space<hbm>> -> memref<1x128xi32, #tpu.memory_space<hbm>>
            %dma_wait3A_940 = arith.constant 0 : i32
            %dma_wait3A_941 = tpu.memref_slice %arg3[%add3A_915, %dma_wait3A_940] : memref<6272x128xi32, #tpu.memory_space<hbm>> -> memref<1x128xi32, #tpu.memory_space<hbm>>
            tpu.wait_dma2 semaphore(%run_scoped3A : memref<!tpu.dma_semaphore, #tpu.memory_space<semaphore_mem>>) src(%dma_wait3A_941 : memref<1x128xi32, #tpu.memory_space<hbm>>) dst(%arg13 : memref<1x128xi32, #tpu.memory_space<vmem>>)
            tpu.yield
          }) : () -> ()
          %dma_start3A_916 = arith.constant 0 : i32
          %dma_start3A_917 = arith.constant 0 : i32
          %dma_start3A_918 = tpu.memref_slice %arg11[%dma_start3A_916, %dma_start3A_917] : memref<1x128xi32, #tpu.memory_space<vmem>> -> memref<1x128xi32, #tpu.memory_space<vmem>>
          %dma_start3A_919 = tpu.memref_squeeze %dma_start3A_918 : memref<1x128xi32, #tpu.memory_space<vmem>> -> memref<128xi32, #tpu.memory_space<vmem>>
          %dma_start3A_920 = arith.constant 0 : i32
          %dma_start3A_921 = tpu.memref_slice %arg4[%dma_start3A_920] : memref<50176xf32, #tpu.memory_space<hbm>> -> memref<50176xf32, #tpu.memory_space<hbm>>
          tpu.enqueue_indirect_dma source(%dma_start3A_921 : memref<50176xf32, #tpu.memory_space<hbm>>) target(%arg15 : memref<128xf32, #tpu.memory_space<vmem>>) offsets(%dma_start3A_919 : memref<128xi32, #tpu.memory_space<vmem>>) semaphore(%arg25 : memref<!tpu.dma_semaphore, #tpu.memory_space<semaphore_mem>>)
          %dma_start3A_922 = arith.constant 0 : i32
          %dma_start3A_923 = arith.constant 0 : i32
          %dma_start3A_924 = tpu.memref_slice %arg11[%dma_start3A_922, %dma_start3A_923] : memref<1x128xi32, #tpu.memory_space<vmem>> -> memref<1x128xi32, #tpu.memory_space<vmem>>
          %dma_start3A_925 = tpu.memref_squeeze %dma_start3A_924 : memref<1x128xi32, #tpu.memory_space<vmem>> -> memref<128xi32, #tpu.memory_space<vmem>>
          %dma_start3A_926 = arith.constant 0 : i32
          %dma_start3A_927 = tpu.memref_slice %arg5[%dma_start3A_926] : memref<50176xf32, #tpu.memory_space<hbm>> -> memref<50176xf32, #tpu.memory_space<hbm>>
          tpu.enqueue_indirect_dma source(%dma_start3A_927 : memref<50176xf32, #tpu.memory_space<hbm>>) target(%arg17 : memref<128xf32, #tpu.memory_space<vmem>>) offsets(%dma_start3A_925 : memref<128xi32, #tpu.memory_space<vmem>>) semaphore(%arg25 : memref<!tpu.dma_semaphore, #tpu.memory_space<semaphore_mem>>)
          %dma_start3A_928 = arith.constant 0 : i32
          %dma_start3A_929 = arith.constant 0 : i32
          %dma_start3A_930 = tpu.memref_slice %arg11[%dma_start3A_928, %dma_start3A_929] : memref<1x128xi32, #tpu.memory_space<vmem>> -> memref<1x128xi32, #tpu.memory_space<vmem>>
          %dma_start3A_931 = tpu.memref_squeeze %dma_start3A_930 : memref<1x128xi32, #tpu.memory_space<vmem>> -> memref<128xi32, #tpu.memory_space<vmem>>
          %dma_start3A_932 = arith.constant 0 : i32
          %dma_start3A_933 = tpu.memref_slice %arg6[%dma_start3A_932] : memref<50000xi32, #tpu.memory_space<hbm>> -> memref<50000xi32, #tpu.memory_space<hbm>>
          tpu.enqueue_indirect_dma source(%dma_start3A_933 : memref<50000xi32, #tpu.memory_space<hbm>>) target(%arg19 : memref<128xi32, #tpu.memory_space<vmem>>) offsets(%dma_start3A_931 : memref<128xi32, #tpu.memory_space<vmem>>) semaphore(%arg25 : memref<!tpu.dma_semaphore, #tpu.memory_space<semaphore_mem>>)
        } else {
        }
        %add3A_491 = arith.constant 1 : i32
        %add3A_492 = arith.addi %mul3A_49, %add3A_491 : i32
        %dma_wait3A_493 = arith.constant 0 : i32
        %dma_wait3A_494 = tpu.memref_slice %arg4[%dma_wait3A_493] : memref<50176xf32, #tpu.memory_space<hbm>> -> memref<128xf32, #tpu.memory_space<hbm>>
        %dma_wait3A_495 = arith.constant 0 : i32
        %dma_wait3A_496 = tpu.memref_slice %arg4[%dma_wait3A_495] : memref<50176xf32, #tpu.memory_space<hbm>> -> memref<128xf32, #tpu.memory_space<hbm>>
        tpu.wait_dma2 semaphore(%arg26 : memref<!tpu.dma_semaphore, #tpu.memory_space<semaphore_mem>>) src(%dma_wait3A_496 : memref<128xf32, #tpu.memory_space<hbm>>) dst(%arg16 : memref<128xf32, #tpu.memory_space<vmem>>)
        %dma_wait3A_497 = arith.constant 0 : i32
        %dma_wait3A_498 = tpu.memref_slice %arg5[%dma_wait3A_497] : memref<50176xf32, #tpu.memory_space<hbm>> -> memref<128xf32, #tpu.memory_space<hbm>>
        %dma_wait3A_499 = arith.constant 0 : i32
        %dma_wait3A_500 = tpu.memref_slice %arg5[%dma_wait3A_499] : memref<50176xf32, #tpu.memory_space<hbm>> -> memref<128xf32, #tpu.memory_space<hbm>>
        tpu.wait_dma2 semaphore(%arg26 : memref<!tpu.dma_semaphore, #tpu.memory_space<semaphore_mem>>) src(%dma_wait3A_500 : memref<128xf32, #tpu.memory_space<hbm>>) dst(%arg18 : memref<128xf32, #tpu.memory_space<vmem>>)
        %dma_wait3A_501 = arith.constant 0 : i32
        %dma_wait3A_502 = tpu.memref_slice %arg6[%dma_wait3A_501] : memref<50000xi32, #tpu.memory_space<hbm>> -> memref<128xi32, #tpu.memory_space<hbm>>
        %dma_wait3A_503 = arith.constant 0 : i32
        %dma_wait3A_504 = tpu.memref_slice %arg6[%dma_wait3A_503] : memref<50000xi32, #tpu.memory_space<hbm>> -> memref<128xi32, #tpu.memory_space<hbm>>
        tpu.wait_dma2 semaphore(%arg26 : memref<!tpu.dma_semaphore, #tpu.memory_space<semaphore_mem>>) src(%dma_wait3A_504 : memref<128xi32, #tpu.memory_space<hbm>>) dst(%arg20 : memref<128xi32, #tpu.memory_space<vmem>>)
        %get3A_505 = arith.constant 0 : index
        %get3A_506 = tpu.vector_load %arg16[%get3A_505] {strides = array<i32>} : memref<128xf32, #tpu.memory_space<vmem>>, vector<16xf32>,
        %add3A_507 = arith.constant 1.000000e+00 : f32
        %add3A_508 = vector.broadcast %add3A_507 : f32 to vector<16xf32>
        %add3A_509 = arith.addf %add3A_508, %get3A_506 : vector<16xf32>
        %get3A_510 = arith.constant 0 : index
        %get3A_511 = tpu.vector_load %arg18[%get3A_510] {strides = array<i32>} : memref<128xf32, #tpu.memory_space<vmem>>, vector<16xf32>,
        %add3A_512 = arith.addf %add3A_509, %get3A_511 : vector<16xf32>
        %bitcast3A_513 = vector.bitcast %add3A_512 : vector<16xf32> to vector<16xi32>
        %shift_right_arithmetic3A_514 = arith.constant 1 : i32
        %shift_right_arithmetic3A_515 = vector.broadcast %shift_right_arithmetic3A_514 : i32 to vector<16xi32>
        %shift_right_arithmetic3A_516 = arith.shrsi %bitcast3A_513, %shift_right_arithmetic3A_515 : vector<16xi32>
        %sub3A_517 = arith.constant 1597463007 : i32
        %sub3A_518 = vector.broadcast %sub3A_517 : i32 to vector<16xi32>
        %sub3A_519 = arith.subi %sub3A_518, %shift_right_arithmetic3A_516 : vector<16xi32>
        %bitcast3A_520 = vector.bitcast %sub3A_519 : vector<16xi32> to vector<16xf32>
        %mul3A_521 = arith.constant 5.000000e-01 : f32
        %mul3A_522 = vector.broadcast %mul3A_521 : f32 to vector<16xf32>
        %mul3A_523 = arith.mulf %mul3A_522, %add3A_512 : vector<16xf32>
        %mul3A_524 = arith.mulf %mul3A_523, %bitcast3A_520 : vector<16xf32>
        %mul3A_525 = arith.mulf %mul3A_524, %bitcast3A_520 : vector<16xf32>
        %sub3A_526 = arith.constant 1.500000e+00 : f32
        %sub3A_527 = vector.broadcast %sub3A_526 : f32 to vector<16xf32>
        %sub3A_528 = arith.subf %sub3A_527, %mul3A_525 : vector<16xf32>
        %mul3A_529 = arith.mulf %bitcast3A_520, %sub3A_528 : vector<16xf32>
        %mul3A_530 = arith.mulf %mul3A_523, %mul3A_529 : vector<16xf32>
        %mul3A_531 = arith.mulf %mul3A_530, %mul3A_529 : vector<16xf32>
        %sub3A_532 = arith.constant 1.500000e+00 : f32
        %sub3A_533 = vector.broadcast %sub3A_532 : f32 to vector<16xf32>
        %sub3A_534 = arith.subf %sub3A_533, %mul3A_531 : vector<16xf32>
        %mul3A_535 = arith.mulf %mul3A_529, %sub3A_534 : vector<16xf32>
        %mul3A_536 = arith.mulf %mul3A_523, %mul3A_535 : vector<16xf32>
        %mul3A_537 = arith.mulf %mul3A_536, %mul3A_535 : vector<16xf32>
        %sub3A_538 = arith.constant 1.500000e+00 : f32
        %sub3A_539 = vector.broadcast %sub3A_538 : f32 to vector<16xf32>
        %sub3A_540 = arith.subf %sub3A_539, %mul3A_537 : vector<16xf32>
        %mul3A_541 = arith.mulf %mul3A_535, %sub3A_540 : vector<16xf32>
        %swap3A_542 = arith.constant 0 : index
        %swap3A_543 = tpu.vector_load %arg22[%swap3A_542] {strides = array<i32>} : memref<128xf32, #tpu.memory_space<vmem>>, vector<16xf32>,
        tpu.vector_store %arg22[%swap3A_542], %mul3A_541 {strides = array<i32>} : memref<128xf32, #tpu.memory_space<vmem>>, vector<16xf32>,
        %get3A_544 = arith.constant 0 : i32
        %get3A_545 = arith.index_cast %get3A_544 : i32 to index
        %get3A_546 = arith.constant 0 : index
        %get3A_547 = tpu.vector_load %arg14[%get3A_545, %get3A_546] {strides = array<i32>} : memref<1x128xi32, #tpu.memory_space<vmem>>, vector<16xi32>,
        %mul3A_548 = arith.constant 32 : i32
        %mul3A_549 = vector.broadcast %mul3A_548 : i32 to vector<16xi32>
        %mul3A_550 = arith.muli %get3A_547, %mul3A_549 : vector<16xi32>
        %get3A_551 = arith.constant 0 : index
        %get3A_552 = tpu.vector_load %arg20[%get3A_551] {strides = array<i32>} : memref<128xi32, #tpu.memory_space<vmem>>, vector<16xi32>,
        %add3A_553 = arith.addi %mul3A_550, %get3A_552 : vector<16xi32>
        %swap3A_554 = arith.constant 0 : index
        %swap3A_555 = tpu.vector_load %arg24[%swap3A_554] {strides = array<i32>} : memref<128xi32, #tpu.memory_space<vmem>>, vector<16xi32>,
        tpu.vector_store %arg24[%swap3A_554], %add3A_553 {strides = array<i32>} : memref<128xi32, #tpu.memory_space<vmem>>, vector<16xi32>,
        %get3A_556 = arith.constant 16 : index
        %get3A_557 = tpu.vector_load %arg16[%get3A_556] {strides = array<i32>} : memref<128xf32, #tpu.memory_space<vmem>>, vector<16xf32>,
        %add3A_558 = arith.constant 1.000000e+00 : f32
        %add3A_559 = vector.broadcast %add3A_558 : f32 to vector<16xf32>
        %add3A_560 = arith.addf %add3A_559, %get3A_557 : vector<16xf32>
        %get3A_561 = arith.constant 16 : index
        %get3A_562 = tpu.vector_load %arg18[%get3A_561] {strides = array<i32>} : memref<128xf32, #tpu.memory_space<vmem>>, vector<16xf32>,
        %add3A_563 = arith.addf %add3A_560, %get3A_562 : vector<16xf32>
        %bitcast3A_564 = vector.bitcast %add3A_563 : vector<16xf32> to vector<16xi32>
        %shift_right_arithmetic3A_565 = arith.constant 1 : i32
        %shift_right_arithmetic3A_566 = vector.broadcast %shift_right_arithmetic3A_565 : i32 to vector<16xi32>
        %shift_right_arithmetic3A_567 = arith.shrsi %bitcast3A_564, %shift_right_arithmetic3A_566 : vector<16xi32>
        %sub3A_568 = arith.constant 1597463007 : i32
        %sub3A_569 = vector.broadcast %sub3A_568 : i32 to vector<16xi32>
        %sub3A_570 = arith.subi %sub3A_569, %shift_right_arithmetic3A_567 : vector<16xi32>
        %bitcast3A_571 = vector.bitcast %sub3A_570 : vector<16xi32> to vector<16xf32>
        %mul3A_572 = arith.constant 5.000000e-01 : f32
        %mul3A_573 = vector.broadcast %mul3A_572 : f32 to vector<16xf32>
        %mul3A_574 = arith.mulf %mul3A_573, %add3A_563 : vector<16xf32>
        %mul3A_575 = arith.mulf %mul3A_574, %bitcast3A_571 : vector<16xf32>
        %mul3A_576 = arith.mulf %mul3A_575, %bitcast3A_571 : vector<16xf32>
        %sub3A_577 = arith.constant 1.500000e+00 : f32
        %sub3A_578 = vector.broadcast %sub3A_577 : f32 to vector<16xf32>
        %sub3A_579 = arith.subf %sub3A_578, %mul3A_576 : vector<16xf32>
        %mul3A_580 = arith.mulf %bitcast3A_571, %sub3A_579 : vector<16xf32>
        %mul3A_581 = arith.mulf %mul3A_574, %mul3A_580 : vector<16xf32>
        %mul3A_582 = arith.mulf %mul3A_581, %mul3A_580 : vector<16xf32>
        %sub3A_583 = arith.constant 1.500000e+00 : f32
        %sub3A_584 = vector.broadcast %sub3A_583 : f32 to vector<16xf32>
        %sub3A_585 = arith.subf %sub3A_584, %mul3A_582 : vector<16xf32>
        %mul3A_586 = arith.mulf %mul3A_580, %sub3A_585 : vector<16xf32>
        %mul3A_587 = arith.mulf %mul3A_574, %mul3A_586 : vector<16xf32>
        %mul3A_588 = arith.mulf %mul3A_587, %mul3A_586 : vector<16xf32>
        %sub3A_589 = arith.constant 1.500000e+00 : f32
        %sub3A_590 = vector.broadcast %sub3A_589 : f32 to vector<16xf32>
        %sub3A_591 = arith.subf %sub3A_590, %mul3A_588 : vector<16xf32>
        %mul3A_592 = arith.mulf %mul3A_586, %sub3A_591 : vector<16xf32>
        %swap3A_593 = arith.constant 16 : index
        %swap3A_594 = tpu.vector_load %arg22[%swap3A_593] {strides = array<i32>} : memref<128xf32, #tpu.memory_space<vmem>>, vector<16xf32>,
        tpu.vector_store %arg22[%swap3A_593], %mul3A_592 {strides = array<i32>} : memref<128xf32, #tpu.memory_space<vmem>>, vector<16xf32>,
        %get3A_595 = arith.constant 0 : i32
        %get3A_596 = arith.index_cast %get3A_595 : i32 to index
        %get3A_597 = arith.constant 16 : index
        %get3A_598 = tpu.vector_load %arg14[%get3A_596, %get3A_597] {strides = array<i32>} : memref<1x128xi32, #tpu.memory_space<vmem>>, vector<16xi32>,
        %mul3A_599 = arith.constant 32 : i32
        %mul3A_600 = vector.broadcast %mul3A_599 : i32 to vector<16xi32>
        %mul3A_601 = arith.muli %get3A_598, %mul3A_600 : vector<16xi32>
        %get3A_602 = arith.constant 16 : index
        %get3A_603 = tpu.vector_load %arg20[%get3A_602] {strides = array<i32>} : memref<128xi32, #tpu.memory_space<vmem>>, vector<16xi32>,
        %add3A_604 = arith.addi %mul3A_601, %get3A_603 : vector<16xi32>
        %swap3A_605 = arith.constant 16 : index
        %swap3A_606 = tpu.vector_load %arg24[%swap3A_605] {strides = array<i32>} : memref<128xi32, #tpu.memory_space<vmem>>, vector<16xi32>,
        tpu.vector_store %arg24[%swap3A_605], %add3A_604 {strides = array<i32>} : memref<128xi32, #tpu.memory_space<vmem>>, vector<16xi32>,
        %get3A_607 = arith.constant 32 : index
        %get3A_608 = tpu.vector_load %arg16[%get3A_607] {strides = array<i32>} : memref<128xf32, #tpu.memory_space<vmem>>, vector<16xf32>,
        %add3A_609 = arith.constant 1.000000e+00 : f32
        %add3A_610 = vector.broadcast %add3A_609 : f32 to vector<16xf32>
        %add3A_611 = arith.addf %add3A_610, %get3A_608 : vector<16xf32>
        %get3A_612 = arith.constant 32 : index
        %get3A_613 = tpu.vector_load %arg18[%get3A_612] {strides = array<i32>} : memref<128xf32, #tpu.memory_space<vmem>>, vector<16xf32>,
        %add3A_614 = arith.addf %add3A_611, %get3A_613 : vector<16xf32>
        %bitcast3A_615 = vector.bitcast %add3A_614 : vector<16xf32> to vector<16xi32>
        %shift_right_arithmetic3A_616 = arith.constant 1 : i32
        %shift_right_arithmetic3A_617 = vector.broadcast %shift_right_arithmetic3A_616 : i32 to vector<16xi32>
        %shift_right_arithmetic3A_618 = arith.shrsi %bitcast3A_615, %shift_right_arithmetic3A_617 : vector<16xi32>
        %sub3A_619 = arith.constant 1597463007 : i32
        %sub3A_620 = vector.broadcast %sub3A_619 : i32 to vector<16xi32>
        %sub3A_621 = arith.subi %sub3A_620, %shift_right_arithmetic3A_618 : vector<16xi32>
        %bitcast3A_622 = vector.bitcast %sub3A_621 : vector<16xi32> to vector<16xf32>
        %mul3A_623 = arith.constant 5.000000e-01 : f32
        %mul3A_624 = vector.broadcast %mul3A_623 : f32 to vector<16xf32>
        %mul3A_625 = arith.mulf %mul3A_624, %add3A_614 : vector<16xf32>
        %mul3A_626 = arith.mulf %mul3A_625, %bitcast3A_622 : vector<16xf32>
        %mul3A_627 = arith.mulf %mul3A_626, %bitcast3A_622 : vector<16xf32>
        %sub3A_628 = arith.constant 1.500000e+00 : f32
        %sub3A_629 = vector.broadcast %sub3A_628 : f32 to vector<16xf32>
        %sub3A_630 = arith.subf %sub3A_629, %mul3A_627 : vector<16xf32>
        %mul3A_631 = arith.mulf %bitcast3A_622, %sub3A_630 : vector<16xf32>
        %mul3A_632 = arith.mulf %mul3A_625, %mul3A_631 : vector<16xf32>
        %mul3A_633 = arith.mulf %mul3A_632, %mul3A_631 : vector<16xf32>
        %sub3A_634 = arith.constant 1.500000e+00 : f32
        %sub3A_635 = vector.broadcast %sub3A_634 : f32 to vector<16xf32>
        %sub3A_636 = arith.subf %sub3A_635, %mul3A_633 : vector<16xf32>
        %mul3A_637 = arith.mulf %mul3A_631, %sub3A_636 : vector<16xf32>
        %mul3A_638 = arith.mulf %mul3A_625, %mul3A_637 : vector<16xf32>
        %mul3A_639 = arith.mulf %mul3A_638, %mul3A_637 : vector<16xf32>
        %sub3A_640 = arith.constant 1.500000e+00 : f32
        %sub3A_641 = vector.broadcast %sub3A_640 : f32 to vector<16xf32>
        %sub3A_642 = arith.subf %sub3A_641, %mul3A_639 : vector<16xf32>
        %mul3A_643 = arith.mulf %mul3A_637, %sub3A_642 : vector<16xf32>
        %swap3A_644 = arith.constant 32 : index
        %swap3A_645 = tpu.vector_load %arg22[%swap3A_644] {strides = array<i32>} : memref<128xf32, #tpu.memory_space<vmem>>, vector<16xf32>,
        tpu.vector_store %arg22[%swap3A_644], %mul3A_643 {strides = array<i32>} : memref<128xf32, #tpu.memory_space<vmem>>, vector<16xf32>,
        %get3A_646 = arith.constant 0 : i32
        %get3A_647 = arith.index_cast %get3A_646 : i32 to index
        %get3A_648 = arith.constant 32 : index
        %get3A_649 = tpu.vector_load %arg14[%get3A_647, %get3A_648] {strides = array<i32>} : memref<1x128xi32, #tpu.memory_space<vmem>>, vector<16xi32>,
        %mul3A_650 = arith.constant 32 : i32
        %mul3A_651 = vector.broadcast %mul3A_650 : i32 to vector<16xi32>
        %mul3A_652 = arith.muli %get3A_649, %mul3A_651 : vector<16xi32>
        %get3A_653 = arith.constant 32 : index
        %get3A_654 = tpu.vector_load %arg20[%get3A_653] {strides = array<i32>} : memref<128xi32, #tpu.memory_space<vmem>>, vector<16xi32>,
        %add3A_655 = arith.addi %mul3A_652, %get3A_654 : vector<16xi32>
        %swap3A_656 = arith.constant 32 : index
        %swap3A_657 = tpu.vector_load %arg24[%swap3A_656] {strides = array<i32>} : memref<128xi32, #tpu.memory_space<vmem>>, vector<16xi32>,
        tpu.vector_store %arg24[%swap3A_656], %add3A_655 {strides = array<i32>} : memref<128xi32, #tpu.memory_space<vmem>>, vector<16xi32>,
        %get3A_658 = arith.constant 48 : index
        %get3A_659 = tpu.vector_load %arg16[%get3A_658] {strides = array<i32>} : memref<128xf32, #tpu.memory_space<vmem>>, vector<16xf32>,
        %add3A_660 = arith.constant 1.000000e+00 : f32
        %add3A_661 = vector.broadcast %add3A_660 : f32 to vector<16xf32>
        %add3A_662 = arith.addf %add3A_661, %get3A_659 : vector<16xf32>
        %get3A_663 = arith.constant 48 : index
        %get3A_664 = tpu.vector_load %arg18[%get3A_663] {strides = array<i32>} : memref<128xf32, #tpu.memory_space<vmem>>, vector<16xf32>,
        %add3A_665 = arith.addf %add3A_662, %get3A_664 : vector<16xf32>
        %bitcast3A_666 = vector.bitcast %add3A_665 : vector<16xf32> to vector<16xi32>
        %shift_right_arithmetic3A_667 = arith.constant 1 : i32
        %shift_right_arithmetic3A_668 = vector.broadcast %shift_right_arithmetic3A_667 : i32 to vector<16xi32>
        %shift_right_arithmetic3A_669 = arith.shrsi %bitcast3A_666, %shift_right_arithmetic3A_668 : vector<16xi32>
        %sub3A_670 = arith.constant 1597463007 : i32
        %sub3A_671 = vector.broadcast %sub3A_670 : i32 to vector<16xi32>
        %sub3A_672 = arith.subi %sub3A_671, %shift_right_arithmetic3A_669 : vector<16xi32>
        %bitcast3A_673 = vector.bitcast %sub3A_672 : vector<16xi32> to vector<16xf32>
        %mul3A_674 = arith.constant 5.000000e-01 : f32
        %mul3A_675 = vector.broadcast %mul3A_674 : f32 to vector<16xf32>
        %mul3A_676 = arith.mulf %mul3A_675, %add3A_665 : vector<16xf32>
        %mul3A_677 = arith.mulf %mul3A_676, %bitcast3A_673 : vector<16xf32>
        %mul3A_678 = arith.mulf %mul3A_677, %bitcast3A_673 : vector<16xf32>
        %sub3A_679 = arith.constant 1.500000e+00 : f32
        %sub3A_680 = vector.broadcast %sub3A_679 : f32 to vector<16xf32>
        %sub3A_681 = arith.subf %sub3A_680, %mul3A_678 : vector<16xf32>
        %mul3A_682 = arith.mulf %bitcast3A_673, %sub3A_681 : vector<16xf32>
        %mul3A_683 = arith.mulf %mul3A_676, %mul3A_682 : vector<16xf32>
        %mul3A_684 = arith.mulf %mul3A_683, %mul3A_682 : vector<16xf32>
        %sub3A_685 = arith.constant 1.500000e+00 : f32
        %sub3A_686 = vector.broadcast %sub3A_685 : f32 to vector<16xf32>
        %sub3A_687 = arith.subf %sub3A_686, %mul3A_684 : vector<16xf32>
        %mul3A_688 = arith.mulf %mul3A_682, %sub3A_687 : vector<16xf32>
        %mul3A_689 = arith.mulf %mul3A_676, %mul3A_688 : vector<16xf32>
        %mul3A_690 = arith.mulf %mul3A_689, %mul3A_688 : vector<16xf32>
        %sub3A_691 = arith.constant 1.500000e+00 : f32
        %sub3A_692 = vector.broadcast %sub3A_691 : f32 to vector<16xf32>
        %sub3A_693 = arith.subf %sub3A_692, %mul3A_690 : vector<16xf32>
        %mul3A_694 = arith.mulf %mul3A_688, %sub3A_693 : vector<16xf32>
        %swap3A_695 = arith.constant 48 : index
        %swap3A_696 = tpu.vector_load %arg22[%swap3A_695] {strides = array<i32>} : memref<128xf32, #tpu.memory_space<vmem>>, vector<16xf32>,
        tpu.vector_store %arg22[%swap3A_695], %mul3A_694 {strides = array<i32>} : memref<128xf32, #tpu.memory_space<vmem>>, vector<16xf32>,
        %get3A_697 = arith.constant 0 : i32
        %get3A_698 = arith.index_cast %get3A_697 : i32 to index
        %get3A_699 = arith.constant 48 : index
        %get3A_700 = tpu.vector_load %arg14[%get3A_698, %get3A_699] {strides = array<i32>} : memref<1x128xi32, #tpu.memory_space<vmem>>, vector<16xi32>,
        %mul3A_701 = arith.constant 32 : i32
        %mul3A_702 = vector.broadcast %mul3A_701 : i32 to vector<16xi32>
        %mul3A_703 = arith.muli %get3A_700, %mul3A_702 : vector<16xi32>
        %get3A_704 = arith.constant 48 : index
        %get3A_705 = tpu.vector_load %arg20[%get3A_704] {strides = array<i32>} : memref<128xi32, #tpu.memory_space<vmem>>, vector<16xi32>,
        %add3A_706 = arith.addi %mul3A_703, %get3A_705 : vector<16xi32>
        %swap3A_707 = arith.constant 48 : index
        %swap3A_708 = tpu.vector_load %arg24[%swap3A_707] {strides = array<i32>} : memref<128xi32, #tpu.memory_space<vmem>>, vector<16xi32>,
        tpu.vector_store %arg24[%swap3A_707], %add3A_706 {strides = array<i32>} : memref<128xi32, #tpu.memory_space<vmem>>, vector<16xi32>,
        %get3A_709 = arith.constant 64 : index
        %get3A_710 = tpu.vector_load %arg16[%get3A_709] {strides = array<i32>} : memref<128xf32, #tpu.memory_space<vmem>>, vector<16xf32>,
        %add3A_711 = arith.constant 1.000000e+00 : f32
        %add3A_712 = vector.broadcast %add3A_711 : f32 to vector<16xf32>
        %add3A_713 = arith.addf %add3A_712, %get3A_710 : vector<16xf32>
        %get3A_714 = arith.constant 64 : index
        %get3A_715 = tpu.vector_load %arg18[%get3A_714] {strides = array<i32>} : memref<128xf32, #tpu.memory_space<vmem>>, vector<16xf32>,
        %add3A_716 = arith.addf %add3A_713, %get3A_715 : vector<16xf32>
        %bitcast3A_717 = vector.bitcast %add3A_716 : vector<16xf32> to vector<16xi32>
        %shift_right_arithmetic3A_718 = arith.constant 1 : i32
        %shift_right_arithmetic3A_719 = vector.broadcast %shift_right_arithmetic3A_718 : i32 to vector<16xi32>
        %shift_right_arithmetic3A_720 = arith.shrsi %bitcast3A_717, %shift_right_arithmetic3A_719 : vector<16xi32>
        %sub3A_721 = arith.constant 1597463007 : i32
        %sub3A_722 = vector.broadcast %sub3A_721 : i32 to vector<16xi32>
        %sub3A_723 = arith.subi %sub3A_722, %shift_right_arithmetic3A_720 : vector<16xi32>
        %bitcast3A_724 = vector.bitcast %sub3A_723 : vector<16xi32> to vector<16xf32>
        %mul3A_725 = arith.constant 5.000000e-01 : f32
        %mul3A_726 = vector.broadcast %mul3A_725 : f32 to vector<16xf32>
        %mul3A_727 = arith.mulf %mul3A_726, %add3A_716 : vector<16xf32>
        %mul3A_728 = arith.mulf %mul3A_727, %bitcast3A_724 : vector<16xf32>
        %mul3A_729 = arith.mulf %mul3A_728, %bitcast3A_724 : vector<16xf32>
        %sub3A_730 = arith.constant 1.500000e+00 : f32
        %sub3A_731 = vector.broadcast %sub3A_730 : f32 to vector<16xf32>
        %sub3A_732 = arith.subf %sub3A_731, %mul3A_729 : vector<16xf32>
        %mul3A_733 = arith.mulf %bitcast3A_724, %sub3A_732 : vector<16xf32>
        %mul3A_734 = arith.mulf %mul3A_727, %mul3A_733 : vector<16xf32>
        %mul3A_735 = arith.mulf %mul3A_734, %mul3A_733 : vector<16xf32>
        %sub3A_736 = arith.constant 1.500000e+00 : f32
        %sub3A_737 = vector.broadcast %sub3A_736 : f32 to vector<16xf32>
        %sub3A_738 = arith.subf %sub3A_737, %mul3A_735 : vector<16xf32>
        %mul3A_739 = arith.mulf %mul3A_733, %sub3A_738 : vector<16xf32>
        %mul3A_740 = arith.mulf %mul3A_727, %mul3A_739 : vector<16xf32>
        %mul3A_741 = arith.mulf %mul3A_740, %mul3A_739 : vector<16xf32>
        %sub3A_742 = arith.constant 1.500000e+00 : f32
        %sub3A_743 = vector.broadcast %sub3A_742 : f32 to vector<16xf32>
        %sub3A_744 = arith.subf %sub3A_743, %mul3A_741 : vector<16xf32>
        %mul3A_745 = arith.mulf %mul3A_739, %sub3A_744 : vector<16xf32>
        %swap3A_746 = arith.constant 64 : index
        %swap3A_747 = tpu.vector_load %arg22[%swap3A_746] {strides = array<i32>} : memref<128xf32, #tpu.memory_space<vmem>>, vector<16xf32>,
        tpu.vector_store %arg22[%swap3A_746], %mul3A_745 {strides = array<i32>} : memref<128xf32, #tpu.memory_space<vmem>>, vector<16xf32>,
        %get3A_748 = arith.constant 0 : i32
        %get3A_749 = arith.index_cast %get3A_748 : i32 to index
        %get3A_750 = arith.constant 64 : index
        %get3A_751 = tpu.vector_load %arg14[%get3A_749, %get3A_750] {strides = array<i32>} : memref<1x128xi32, #tpu.memory_space<vmem>>, vector<16xi32>,
        %mul3A_752 = arith.constant 32 : i32
        %mul3A_753 = vector.broadcast %mul3A_752 : i32 to vector<16xi32>
        %mul3A_754 = arith.muli %get3A_751, %mul3A_753 : vector<16xi32>
        %get3A_755 = arith.constant 64 : index
        %get3A_756 = tpu.vector_load %arg20[%get3A_755] {strides = array<i32>} : memref<128xi32, #tpu.memory_space<vmem>>, vector<16xi32>,
        %add3A_757 = arith.addi %mul3A_754, %get3A_756 : vector<16xi32>
        %swap3A_758 = arith.constant 64 : index
        %swap3A_759 = tpu.vector_load %arg24[%swap3A_758] {strides = array<i32>} : memref<128xi32, #tpu.memory_space<vmem>>, vector<16xi32>,
        tpu.vector_store %arg24[%swap3A_758], %add3A_757 {strides = array<i32>} : memref<128xi32, #tpu.memory_space<vmem>>, vector<16xi32>,
        %get3A_760 = arith.constant 80 : index
        %get3A_761 = tpu.vector_load %arg16[%get3A_760] {strides = array<i32>} : memref<128xf32, #tpu.memory_space<vmem>>, vector<16xf32>,
        %add3A_762 = arith.constant 1.000000e+00 : f32
        %add3A_763 = vector.broadcast %add3A_762 : f32 to vector<16xf32>
        %add3A_764 = arith.addf %add3A_763, %get3A_761 : vector<16xf32>
        %get3A_765 = arith.constant 80 : index
        %get3A_766 = tpu.vector_load %arg18[%get3A_765] {strides = array<i32>} : memref<128xf32, #tpu.memory_space<vmem>>, vector<16xf32>,
        %add3A_767 = arith.addf %add3A_764, %get3A_766 : vector<16xf32>
        %bitcast3A_768 = vector.bitcast %add3A_767 : vector<16xf32> to vector<16xi32>
        %shift_right_arithmetic3A_769 = arith.constant 1 : i32
        %shift_right_arithmetic3A_770 = vector.broadcast %shift_right_arithmetic3A_769 : i32 to vector<16xi32>
        %shift_right_arithmetic3A_771 = arith.shrsi %bitcast3A_768, %shift_right_arithmetic3A_770 : vector<16xi32>
        %sub3A_772 = arith.constant 1597463007 : i32
        %sub3A_773 = vector.broadcast %sub3A_772 : i32 to vector<16xi32>
        %sub3A_774 = arith.subi %sub3A_773, %shift_right_arithmetic3A_771 : vector<16xi32>
        %bitcast3A_775 = vector.bitcast %sub3A_774 : vector<16xi32> to vector<16xf32>
        %mul3A_776 = arith.constant 5.000000e-01 : f32
        %mul3A_777 = vector.broadcast %mul3A_776 : f32 to vector<16xf32>
        %mul3A_778 = arith.mulf %mul3A_777, %add3A_767 : vector<16xf32>
        %mul3A_779 = arith.mulf %mul3A_778, %bitcast3A_775 : vector<16xf32>
        %mul3A_780 = arith.mulf %mul3A_779, %bitcast3A_775 : vector<16xf32>
        %sub3A_781 = arith.constant 1.500000e+00 : f32
        %sub3A_782 = vector.broadcast %sub3A_781 : f32 to vector<16xf32>
        %sub3A_783 = arith.subf %sub3A_782, %mul3A_780 : vector<16xf32>
        %mul3A_784 = arith.mulf %bitcast3A_775, %sub3A_783 : vector<16xf32>
        %mul3A_785 = arith.mulf %mul3A_778, %mul3A_784 : vector<16xf32>
        %mul3A_786 = arith.mulf %mul3A_785, %mul3A_784 : vector<16xf32>
        %sub3A_787 = arith.constant 1.500000e+00 : f32
        %sub3A_788 = vector.broadcast %sub3A_787 : f32 to vector<16xf32>
        %sub3A_789 = arith.subf %sub3A_788, %mul3A_786 : vector<16xf32>
        %mul3A_790 = arith.mulf %mul3A_784, %sub3A_789 : vector<16xf32>
        %mul3A_791 = arith.mulf %mul3A_778, %mul3A_790 : vector<16xf32>
        %mul3A_792 = arith.mulf %mul3A_791, %mul3A_790 : vector<16xf32>
        %sub3A_793 = arith.constant 1.500000e+00 : f32
        %sub3A_794 = vector.broadcast %sub3A_793 : f32 to vector<16xf32>
        %sub3A_795 = arith.subf %sub3A_794, %mul3A_792 : vector<16xf32>
        %mul3A_796 = arith.mulf %mul3A_790, %sub3A_795 : vector<16xf32>
        %swap3A_797 = arith.constant 80 : index
        %swap3A_798 = tpu.vector_load %arg22[%swap3A_797] {strides = array<i32>} : memref<128xf32, #tpu.memory_space<vmem>>, vector<16xf32>,
        tpu.vector_store %arg22[%swap3A_797], %mul3A_796 {strides = array<i32>} : memref<128xf32, #tpu.memory_space<vmem>>, vector<16xf32>,
        %get3A_799 = arith.constant 0 : i32
        %get3A_800 = arith.index_cast %get3A_799 : i32 to index
        %get3A_801 = arith.constant 80 : index
        %get3A_802 = tpu.vector_load %arg14[%get3A_800, %get3A_801] {strides = array<i32>} : memref<1x128xi32, #tpu.memory_space<vmem>>, vector<16xi32>,
        %mul3A_803 = arith.constant 32 : i32
        %mul3A_804 = vector.broadcast %mul3A_803 : i32 to vector<16xi32>
        %mul3A_805 = arith.muli %get3A_802, %mul3A_804 : vector<16xi32>
        %get3A_806 = arith.constant 80 : index
        %get3A_807 = tpu.vector_load %arg20[%get3A_806] {strides = array<i32>} : memref<128xi32, #tpu.memory_space<vmem>>, vector<16xi32>,
        %add3A_808 = arith.addi %mul3A_805, %get3A_807 : vector<16xi32>
        %swap3A_809 = arith.constant 80 : index
        %swap3A_810 = tpu.vector_load %arg24[%swap3A_809] {strides = array<i32>} : memref<128xi32, #tpu.memory_space<vmem>>, vector<16xi32>,
        tpu.vector_store %arg24[%swap3A_809], %add3A_808 {strides = array<i32>} : memref<128xi32, #tpu.memory_space<vmem>>, vector<16xi32>,
        %get3A_811 = arith.constant 96 : index
        %get3A_812 = tpu.vector_load %arg16[%get3A_811] {strides = array<i32>} : memref<128xf32, #tpu.memory_space<vmem>>, vector<16xf32>,
        %add3A_813 = arith.constant 1.000000e+00 : f32
        %add3A_814 = vector.broadcast %add3A_813 : f32 to vector<16xf32>
        %add3A_815 = arith.addf %add3A_814, %get3A_812 : vector<16xf32>
        %get3A_816 = arith.constant 96 : index
        %get3A_817 = tpu.vector_load %arg18[%get3A_816] {strides = array<i32>} : memref<128xf32, #tpu.memory_space<vmem>>, vector<16xf32>,
        %add3A_818 = arith.addf %add3A_815, %get3A_817 : vector<16xf32>
        %bitcast3A_819 = vector.bitcast %add3A_818 : vector<16xf32> to vector<16xi32>
        %shift_right_arithmetic3A_820 = arith.constant 1 : i32
        %shift_right_arithmetic3A_821 = vector.broadcast %shift_right_arithmetic3A_820 : i32 to vector<16xi32>
        %shift_right_arithmetic3A_822 = arith.shrsi %bitcast3A_819, %shift_right_arithmetic3A_821 : vector<16xi32>
        %sub3A_823 = arith.constant 1597463007 : i32
        %sub3A_824 = vector.broadcast %sub3A_823 : i32 to vector<16xi32>
        %sub3A_825 = arith.subi %sub3A_824, %shift_right_arithmetic3A_822 : vector<16xi32>
        %bitcast3A_826 = vector.bitcast %sub3A_825 : vector<16xi32> to vector<16xf32>
        %mul3A_827 = arith.constant 5.000000e-01 : f32
        %mul3A_828 = vector.broadcast %mul3A_827 : f32 to vector<16xf32>
        %mul3A_829 = arith.mulf %mul3A_828, %add3A_818 : vector<16xf32>
        %mul3A_830 = arith.mulf %mul3A_829, %bitcast3A_826 : vector<16xf32>
        %mul3A_831 = arith.mulf %mul3A_830, %bitcast3A_826 : vector<16xf32>
        %sub3A_832 = arith.constant 1.500000e+00 : f32
        %sub3A_833 = vector.broadcast %sub3A_832 : f32 to vector<16xf32>
        %sub3A_834 = arith.subf %sub3A_833, %mul3A_831 : vector<16xf32>
        %mul3A_835 = arith.mulf %bitcast3A_826, %sub3A_834 : vector<16xf32>
        %mul3A_836 = arith.mulf %mul3A_829, %mul3A_835 : vector<16xf32>
        %mul3A_837 = arith.mulf %mul3A_836, %mul3A_835 : vector<16xf32>
        %sub3A_838 = arith.constant 1.500000e+00 : f32
        %sub3A_839 = vector.broadcast %sub3A_838 : f32 to vector<16xf32>
        %sub3A_840 = arith.subf %sub3A_839, %mul3A_837 : vector<16xf32>
        %mul3A_841 = arith.mulf %mul3A_835, %sub3A_840 : vector<16xf32>
        %mul3A_842 = arith.mulf %mul3A_829, %mul3A_841 : vector<16xf32>
        %mul3A_843 = arith.mulf %mul3A_842, %mul3A_841 : vector<16xf32>
        %sub3A_844 = arith.constant 1.500000e+00 : f32
        %sub3A_845 = vector.broadcast %sub3A_844 : f32 to vector<16xf32>
        %sub3A_846 = arith.subf %sub3A_845, %mul3A_843 : vector<16xf32>
        %mul3A_847 = arith.mulf %mul3A_841, %sub3A_846 : vector<16xf32>
        %swap3A_848 = arith.constant 96 : index
        %swap3A_849 = tpu.vector_load %arg22[%swap3A_848] {strides = array<i32>} : memref<128xf32, #tpu.memory_space<vmem>>, vector<16xf32>,
        tpu.vector_store %arg22[%swap3A_848], %mul3A_847 {strides = array<i32>} : memref<128xf32, #tpu.memory_space<vmem>>, vector<16xf32>,
        %get3A_850 = arith.constant 0 : i32
        %get3A_851 = arith.index_cast %get3A_850 : i32 to index
        %get3A_852 = arith.constant 96 : index
        %get3A_853 = tpu.vector_load %arg14[%get3A_851, %get3A_852] {strides = array<i32>} : memref<1x128xi32, #tpu.memory_space<vmem>>, vector<16xi32>,
        %mul3A_854 = arith.constant 32 : i32
        %mul3A_855 = vector.broadcast %mul3A_854 : i32 to vector<16xi32>
        %mul3A_856 = arith.muli %get3A_853, %mul3A_855 : vector<16xi32>
        %get3A_857 = arith.constant 96 : index
        %get3A_858 = tpu.vector_load %arg20[%get3A_857] {strides = array<i32>} : memref<128xi32, #tpu.memory_space<vmem>>, vector<16xi32>,
        %add3A_859 = arith.addi %mul3A_856, %get3A_858 : vector<16xi32>
        %swap3A_860 = arith.constant 96 : index
        %swap3A_861 = tpu.vector_load %arg24[%swap3A_860] {strides = array<i32>} : memref<128xi32, #tpu.memory_space<vmem>>, vector<16xi32>,
        tpu.vector_store %arg24[%swap3A_860], %add3A_859 {strides = array<i32>} : memref<128xi32, #tpu.memory_space<vmem>>, vector<16xi32>,
        %get3A_862 = arith.constant 112 : index
        %get3A_863 = tpu.vector_load %arg16[%get3A_862] {strides = array<i32>} : memref<128xf32, #tpu.memory_space<vmem>>, vector<16xf32>,
        %add3A_864 = arith.constant 1.000000e+00 : f32
        %add3A_865 = vector.broadcast %add3A_864 : f32 to vector<16xf32>
        %add3A_866 = arith.addf %add3A_865, %get3A_863 : vector<16xf32>
        %get3A_867 = arith.constant 112 : index
        %get3A_868 = tpu.vector_load %arg18[%get3A_867] {strides = array<i32>} : memref<128xf32, #tpu.memory_space<vmem>>, vector<16xf32>,
        %add3A_869 = arith.addf %add3A_866, %get3A_868 : vector<16xf32>
        %bitcast3A_870 = vector.bitcast %add3A_869 : vector<16xf32> to vector<16xi32>
        %shift_right_arithmetic3A_871 = arith.constant 1 : i32
        %shift_right_arithmetic3A_872 = vector.broadcast %shift_right_arithmetic3A_871 : i32 to vector<16xi32>
        %shift_right_arithmetic3A_873 = arith.shrsi %bitcast3A_870, %shift_right_arithmetic3A_872 : vector<16xi32>
        %sub3A_874 = arith.constant 1597463007 : i32
        %sub3A_875 = vector.broadcast %sub3A_874 : i32 to vector<16xi32>
        %sub3A_876 = arith.subi %sub3A_875, %shift_right_arithmetic3A_873 : vector<16xi32>
        %bitcast3A_877 = vector.bitcast %sub3A_876 : vector<16xi32> to vector<16xf32>
        %mul3A_878 = arith.constant 5.000000e-01 : f32
        %mul3A_879 = vector.broadcast %mul3A_878 : f32 to vector<16xf32>
        %mul3A_880 = arith.mulf %mul3A_879, %add3A_869 : vector<16xf32>
        %mul3A_881 = arith.mulf %mul3A_880, %bitcast3A_877 : vector<16xf32>
        %mul3A_882 = arith.mulf %mul3A_881, %bitcast3A_877 : vector<16xf32>
        %sub3A_883 = arith.constant 1.500000e+00 : f32
        %sub3A_884 = vector.broadcast %sub3A_883 : f32 to vector<16xf32>
        %sub3A_885 = arith.subf %sub3A_884, %mul3A_882 : vector<16xf32>
        %mul3A_886 = arith.mulf %bitcast3A_877, %sub3A_885 : vector<16xf32>
        %mul3A_887 = arith.mulf %mul3A_880, %mul3A_886 : vector<16xf32>
        %mul3A_888 = arith.mulf %mul3A_887, %mul3A_886 : vector<16xf32>
        %sub3A_889 = arith.constant 1.500000e+00 : f32
        %sub3A_890 = vector.broadcast %sub3A_889 : f32 to vector<16xf32>
        %sub3A_891 = arith.subf %sub3A_890, %mul3A_888 : vector<16xf32>
        %mul3A_892 = arith.mulf %mul3A_886, %sub3A_891 : vector<16xf32>
        %mul3A_893 = arith.mulf %mul3A_880, %mul3A_892 : vector<16xf32>
        %mul3A_894 = arith.mulf %mul3A_893, %mul3A_892 : vector<16xf32>
        %sub3A_895 = arith.constant 1.500000e+00 : f32
        %sub3A_896 = vector.broadcast %sub3A_895 : f32 to vector<16xf32>
        %sub3A_897 = arith.subf %sub3A_896, %mul3A_894 : vector<16xf32>
        %mul3A_898 = arith.mulf %mul3A_892, %sub3A_897 : vector<16xf32>
        %swap3A_899 = arith.constant 112 : index
        %swap3A_900 = tpu.vector_load %arg22[%swap3A_899] {strides = array<i32>} : memref<128xf32, #tpu.memory_space<vmem>>, vector<16xf32>,
        tpu.vector_store %arg22[%swap3A_899], %mul3A_898 {strides = array<i32>} : memref<128xf32, #tpu.memory_space<vmem>>, vector<16xf32>,
        %get3A_901 = arith.constant 0 : i32
        %get3A_902 = arith.index_cast %get3A_901 : i32 to index
        %get3A_903 = arith.constant 112 : index
        %get3A_904 = tpu.vector_load %arg14[%get3A_902, %get3A_903] {strides = array<i32>} : memref<1x128xi32, #tpu.memory_space<vmem>>, vector<16xi32>,
        %mul3A_905 = arith.constant 32 : i32
        %mul3A_906 = vector.broadcast %mul3A_905 : i32 to vector<16xi32>
        %mul3A_907 = arith.muli %get3A_904, %mul3A_906 : vector<16xi32>
        %get3A_908 = arith.constant 112 : index
        %get3A_909 = tpu.vector_load %arg20[%get3A_908] {strides = array<i32>} : memref<128xi32, #tpu.memory_space<vmem>>, vector<16xi32>,
        %add3A_910 = arith.addi %mul3A_907, %get3A_909 : vector<16xi32>
        %swap3A_911 = arith.constant 112 : index
        %swap3A_912 = tpu.vector_load %arg24[%swap3A_911] {strides = array<i32>} : memref<128xi32, #tpu.memory_space<vmem>>, vector<16xi32>,
        tpu.vector_store %arg24[%swap3A_911], %add3A_910 {strides = array<i32>} : memref<128xi32, #tpu.memory_space<vmem>>, vector<16xi32>,
        "tpu.region"() ({
          %run_scoped3A = tpu.sem_alloc : memref<!tpu.dma_semaphore, #tpu.memory_space<semaphore_mem>>
          %dma_start3A_913 = arith.constant 0 : i32
          %dma_start3A_914 = tpu.memref_slice %arg10[%dma_start3A_913] : memref<1605632xf32, #tpu.memory_space<vmem_shared>> -> memref<1605632xf32, #tpu.memory_space<vmem_shared>>
          tpu.enqueue_indirect_dma source(%arg22 : memref<128xf32, #tpu.memory_space<vmem>>) target(%dma_start3A_914 : memref<1605632xf32, #tpu.memory_space<vmem_shared>>) offsets(%arg24 : memref<128xi32, #tpu.memory_space<vmem>>) semaphore(%run_scoped3A : memref<!tpu.dma_semaphore, #tpu.memory_space<semaphore_mem>>) {add = true}
          %dma_wait3A_915 = arith.constant 0 : i32
          %dma_wait3A_916 = tpu.memref_slice %arg10[%dma_wait3A_915] : memref<1605632xf32, #tpu.memory_space<vmem_shared>> -> memref<1605632xf32, #tpu.memory_space<vmem_shared>>
          tpu.wait_indirect_dma semaphore(%run_scoped3A : memref<!tpu.dma_semaphore, #tpu.memory_space<semaphore_mem>>) src(%arg22 : memref<128xf32, #tpu.memory_space<vmem>>) dst(%dma_wait3A_916 : memref<1605632xf32, #tpu.memory_space<vmem_shared>>)
          tpu.yield
        }) : () -> ()
      }
      %scan3A_37 = arith.constant 98 : i32
      %barrier3A_38 = arith.constant 0 : index
      tpu.barrier barrier_id(%barrier3A_38)
      %mul3A_39 = arith.constant 3136 : i32
      %mul3A_40 = arith.muli %arg1, %mul3A_39 : i32
      %mul3A_41 = arith.constant 32 : i32
      %mul3A_42 = arith.muli %mul3A_40, %mul3A_41 : i32
      %mul3A_43 = arith.constant 3136 : i32
      %mul3A_44 = arith.muli %arg1, %mul3A_43 : i32
      %mul3A_45 = arith.constant 32 : i32
      %mul3A_46 = arith.muli %mul3A_44, %mul3A_45 : i32
      "tpu.region"() ({
        %run_scoped3A = tpu.sem_alloc : memref<!tpu.dma_semaphore, #tpu.memory_space<semaphore_mem>>
        %dma_start3A_47 = tpu.memref_slice %arg8[%mul3A_46] : memref<1605632xf32, #tpu.memory_space<hbm>> -> memref<100352xf32, #tpu.memory_space<hbm>>
        %dma_start3A_48 = tpu.memref_slice %arg10[%mul3A_42] : memref<1605632xf32, #tpu.memory_space<vmem_shared>> -> memref<100352xf32, #tpu.memory_space<vmem_shared>>
        tpu.enqueue_dma source(%dma_start3A_48 : memref<100352xf32, #tpu.memory_space<vmem_shared>>) target(%dma_start3A_47 : memref<100352xf32, #tpu.memory_space<hbm>>) target_semaphore(%run_scoped3A : memref<!tpu.dma_semaphore, #tpu.memory_space<semaphore_mem>>)
        %dma_wait3A = tpu.memref_slice %arg8[%mul3A_46] : memref<1605632xf32, #tpu.memory_space<hbm>> -> memref<100352xf32, #tpu.memory_space<hbm>>
        %dma_wait3A_49 = tpu.memref_slice %arg10[%mul3A_42] : memref<1605632xf32, #tpu.memory_space<vmem_shared>> -> memref<100352xf32, #tpu.memory_space<vmem_shared>>
        tpu.wait_dma2 semaphore(%run_scoped3A : memref<!tpu.dma_semaphore, #tpu.memory_space<semaphore_mem>>) src(%dma_wait3A_49 : memref<100352xf32, #tpu.memory_space<vmem_shared>>) dst(%dma_wait3A : memref<100352xf32, #tpu.memory_space<hbm>>)
        tpu.yield
      }) : () -> ()
    } else {
    }
    %eq3A_2 = arith.constant 1 : i32
    %eq3A_3 = arith.cmpi eq, %arg0, %eq3A_2 : i32
    %convert_element_type3A_4 = arith.extui %eq3A_3 : i1 to i32
    %cond3A_5 = arith.constant 0 : i32
    %cond3A_6 = arith.cmpi ne, %convert_element_type3A_4, %cond3A_5 : i32
    scf.if %cond3A_6 {
      %mul3A = arith.constant 3136 : i32
      %mul3A_7 = arith.muli %arg1, %mul3A : i32
      %mul3A_8 = arith.constant 32 : i32
      %mul3A_9 = arith.muli %mul3A_7, %mul3A_8 : i32
      "tpu.region"() ({
        %run_scoped3A = tpu.sem_alloc : memref<!tpu.dma_semaphore, #tpu.memory_space<semaphore_mem>>
        %dma_start3A_47 = tpu.memref_slice %arg10[%mul3A_9] : memref<1605632xf32, #tpu.memory_space<vmem_shared>> -> memref<100352xf32, #tpu.memory_space<vmem_shared>>
        tpu.enqueue_dma source(%arg7 : memref<100352xf32, #tpu.memory_space<hbm>>) target(%dma_start3A_47 : memref<100352xf32, #tpu.memory_space<vmem_shared>>) target_semaphore(%run_scoped3A : memref<!tpu.dma_semaphore, #tpu.memory_space<semaphore_mem>>)
        %dma_wait3A = tpu.memref_slice %arg10[%mul3A_9] : memref<1605632xf32, #tpu.memory_space<vmem_shared>> -> memref<100352xf32, #tpu.memory_space<vmem_shared>>
        tpu.wait_dma2 semaphore(%run_scoped3A : memref<!tpu.dma_semaphore, #tpu.memory_space<semaphore_mem>>) src(%arg7 : memref<100352xf32, #tpu.memory_space<hbm>>) dst(%dma_wait3A : memref<100352xf32, #tpu.memory_space<vmem_shared>>)
        tpu.yield
      }) : () -> ()
      %barrier3A = arith.constant 0 : index
      tpu.barrier barrier_id(%barrier3A)
      %mul3A_10 = arith.constant 16 : i32
      %mul3A_11 = arith.muli %arg0, %mul3A_10 : i32
      %add3A = arith.addi %mul3A_11, %arg1 : i32
      %mul3A_12 = arith.constant 196 : i32
      %mul3A_13 = arith.muli %add3A, %mul3A_12 : i32
      %add3A_14 = arith.constant 0 : i32
      %add3A_15 = arith.addi %mul3A_13, %add3A_14 : i32
      "tpu.region"() ({
        %run_scoped3A = tpu.sem_alloc : memref<!tpu.dma_semaphore, #tpu.memory_space<semaphore_mem>>
        %dma_start3A_47 = arith.constant 0 : i32
        %dma_start3A_48 = tpu.memref_slice %arg2[%add3A_15, %dma_start3A_47] : memref<6272x128xi32, #tpu.memory_space<hbm>> -> memref<1x128xi32, #tpu.memory_space<hbm>>
        %dma_start3A_49 = arith.constant 0 : i32
        %dma_start3A_50 = tpu.memref_slice %arg2[%add3A_15, %dma_start3A_49] : memref<6272x128xi32, #tpu.memory_space<hbm>> -> memref<1x128xi32, #tpu.memory_space<hbm>>
        tpu.enqueue_dma source(%dma_start3A_50 : memref<1x128xi32, #tpu.memory_space<hbm>>) target(%arg11 : memref<1x128xi32, #tpu.memory_space<vmem>>) target_semaphore(%run_scoped3A : memref<!tpu.dma_semaphore, #tpu.memory_space<semaphore_mem>>)
        %dma_wait3A = arith.constant 0 : i32
        %dma_wait3A_51 = tpu.memref_slice %arg2[%add3A_15, %dma_wait3A] : memref<6272x128xi32, #tpu.memory_space<hbm>> -> memref<1x128xi32, #tpu.memory_space<hbm>>
        %dma_wait3A_52 = arith.constant 0 : i32
        %dma_wait3A_53 = tpu.memref_slice %arg2[%add3A_15, %dma_wait3A_52] : memref<6272x128xi32, #tpu.memory_space<hbm>> -> memref<1x128xi32, #tpu.memory_space<hbm>>
        tpu.wait_dma2 semaphore(%run_scoped3A : memref<!tpu.dma_semaphore, #tpu.memory_space<semaphore_mem>>) src(%dma_wait3A_53 : memref<1x128xi32, #tpu.memory_space<hbm>>) dst(%arg11 : memref<1x128xi32, #tpu.memory_space<vmem>>)
        tpu.yield
      }) : () -> ()
      "tpu.region"() ({
        %run_scoped3A = tpu.sem_alloc : memref<!tpu.dma_semaphore, #tpu.memory_space<semaphore_mem>>
        %dma_start3A_47 = arith.constant 0 : i32
        %dma_start3A_48 = tpu.memref_slice %arg3[%add3A_15, %dma_start3A_47] : memref<6272x128xi32, #tpu.memory_space<hbm>> -> memref<1x128xi32, #tpu.memory_space<hbm>>
        %dma_start3A_49 = arith.constant 0 : i32
        %dma_start3A_50 = tpu.memref_slice %arg3[%add3A_15, %dma_start3A_49] : memref<6272x128xi32, #tpu.memory_space<hbm>> -> memref<1x128xi32, #tpu.memory_space<hbm>>
        tpu.enqueue_dma source(%dma_start3A_50 : memref<1x128xi32, #tpu.memory_space<hbm>>) target(%arg13 : memref<1x128xi32, #tpu.memory_space<vmem>>) target_semaphore(%run_scoped3A : memref<!tpu.dma_semaphore, #tpu.memory_space<semaphore_mem>>)
        %dma_wait3A = arith.constant 0 : i32
        %dma_wait3A_51 = tpu.memref_slice %arg3[%add3A_15, %dma_wait3A] : memref<6272x128xi32, #tpu.memory_space<hbm>> -> memref<1x128xi32, #tpu.memory_space<hbm>>
        %dma_wait3A_52 = arith.constant 0 : i32
        %dma_wait3A_53 = tpu.memref_slice %arg3[%add3A_15, %dma_wait3A_52] : memref<6272x128xi32, #tpu.memory_space<hbm>> -> memref<1x128xi32, #tpu.memory_space<hbm>>
        tpu.wait_dma2 semaphore(%run_scoped3A : memref<!tpu.dma_semaphore, #tpu.memory_space<semaphore_mem>>) src(%dma_wait3A_53 : memref<1x128xi32, #tpu.memory_space<hbm>>) dst(%arg13 : memref<1x128xi32, #tpu.memory_space<vmem>>)
        tpu.yield
      }) : () -> ()
      %dma_start3A = arith.constant 0 : i32
      %dma_start3A_16 = arith.constant 0 : i32
      %dma_start3A_17 = tpu.memref_slice %arg11[%dma_start3A, %dma_start3A_16] : memref<1x128xi32, #tpu.memory_space<vmem>> -> memref<1x128xi32, #tpu.memory_space<vmem>>
      %dma_start3A_18 = tpu.memref_squeeze %dma_start3A_17 : memref<1x128xi32, #tpu.memory_space<vmem>> -> memref<128xi32, #tpu.memory_space<vmem>>
      %dma_start3A_19 = arith.constant 0 : i32
      %dma_start3A_20 = tpu.memref_slice %arg4[%dma_start3A_19] : memref<50176xf32, #tpu.memory_space<hbm>> -> memref<50176xf32, #tpu.memory_space<hbm>>
      tpu.enqueue_indirect_dma source(%dma_start3A_20 : memref<50176xf32, #tpu.memory_space<hbm>>) target(%arg15 : memref<128xf32, #tpu.memory_space<vmem>>) offsets(%dma_start3A_18 : memref<128xi32, #tpu.memory_space<vmem>>) semaphore(%arg25 : memref<!tpu.dma_semaphore, #tpu.memory_space<semaphore_mem>>)
      %dma_start3A_21 = arith.constant 0 : i32
      %dma_start3A_22 = arith.constant 0 : i32
      %dma_start3A_23 = tpu.memref_slice %arg11[%dma_start3A_21, %dma_start3A_22] : memref<1x128xi32, #tpu.memory_space<vmem>> -> memref<1x128xi32, #tpu.memory_space<vmem>>
      %dma_start3A_24 = tpu.memref_squeeze %dma_start3A_23 : memref<1x128xi32, #tpu.memory_space<vmem>> -> memref<128xi32, #tpu.memory_space<vmem>>
      %dma_start3A_25 = arith.constant 0 : i32
      %dma_start3A_26 = tpu.memref_slice %arg5[%dma_start3A_25] : memref<50176xf32, #tpu.memory_space<hbm>> -> memref<50176xf32, #tpu.memory_space<hbm>>
      tpu.enqueue_indirect_dma source(%dma_start3A_26 : memref<50176xf32, #tpu.memory_space<hbm>>) target(%arg17 : memref<128xf32, #tpu.memory_space<vmem>>) offsets(%dma_start3A_24 : memref<128xi32, #tpu.memory_space<vmem>>) semaphore(%arg25 : memref<!tpu.dma_semaphore, #tpu.memory_space<semaphore_mem>>)
      %dma_start3A_27 = arith.constant 0 : i32
      %dma_start3A_28 = arith.constant 0 : i32
      %dma_start3A_29 = tpu.memref_slice %arg11[%dma_start3A_27, %dma_start3A_28] : memref<1x128xi32, #tpu.memory_space<vmem>> -> memref<1x128xi32, #tpu.memory_space<vmem>>
      %dma_start3A_30 = tpu.memref_squeeze %dma_start3A_29 : memref<1x128xi32, #tpu.memory_space<vmem>> -> memref<128xi32, #tpu.memory_space<vmem>>
      %dma_start3A_31 = arith.constant 0 : i32
      %dma_start3A_32 = tpu.memref_slice %arg6[%dma_start3A_31] : memref<50000xi32, #tpu.memory_space<hbm>> -> memref<50000xi32, #tpu.memory_space<hbm>>
      tpu.enqueue_indirect_dma source(%dma_start3A_32 : memref<50000xi32, #tpu.memory_space<hbm>>) target(%arg19 : memref<128xi32, #tpu.memory_space<vmem>>) offsets(%dma_start3A_30 : memref<128xi32, #tpu.memory_space<vmem>>) semaphore(%arg25 : memref<!tpu.dma_semaphore, #tpu.memory_space<semaphore_mem>>)
      %scan3A = arith.constant 0 : i32
      %scan3A_33 = arith.constant 0 : i32
      %scan3A_34 = arith.constant 98 : i32
      %scan3A_35 = arith.addi %scan3A_33, %scan3A_34 : i32
      %scan3A_36 = arith.constant 1 : i32
      scf.for %scan3A_47 = %scan3A_33 to %scan3A_35 step %scan3A_36  : i32 {
        %mul3A_48 = arith.constant 2 : i32
        %mul3A_49 = arith.muli %mul3A_48, %scan3A_47 : i32
        %add3A_50 = arith.constant 1 : i32
        %add3A_51 = arith.addi %mul3A_49, %add3A_50 : i32
        %add3A_52 = arith.addi %mul3A_13, %add3A_51 : i32
        "tpu.region"() ({
          %run_scoped3A = tpu.sem_alloc : memref<!tpu.dma_semaphore, #tpu.memory_space<semaphore_mem>>
          %dma_start3A_913 = arith.constant 0 : i32
          %dma_start3A_914 = tpu.memref_slice %arg2[%add3A_52, %dma_start3A_913] : memref<6272x128xi32, #tpu.memory_space<hbm>> -> memref<1x128xi32, #tpu.memory_space<hbm>>
          %dma_start3A_915 = arith.constant 0 : i32
          %dma_start3A_916 = tpu.memref_slice %arg2[%add3A_52, %dma_start3A_915] : memref<6272x128xi32, #tpu.memory_space<hbm>> -> memref<1x128xi32, #tpu.memory_space<hbm>>
          tpu.enqueue_dma source(%dma_start3A_916 : memref<1x128xi32, #tpu.memory_space<hbm>>) target(%arg12 : memref<1x128xi32, #tpu.memory_space<vmem>>) target_semaphore(%run_scoped3A : memref<!tpu.dma_semaphore, #tpu.memory_space<semaphore_mem>>)
          %dma_wait3A_917 = arith.constant 0 : i32
          %dma_wait3A_918 = tpu.memref_slice %arg2[%add3A_52, %dma_wait3A_917] : memref<6272x128xi32, #tpu.memory_space<hbm>> -> memref<1x128xi32, #tpu.memory_space<hbm>>
          %dma_wait3A_919 = arith.constant 0 : i32
          %dma_wait3A_920 = tpu.memref_slice %arg2[%add3A_52, %dma_wait3A_919] : memref<6272x128xi32, #tpu.memory_space<hbm>> -> memref<1x128xi32, #tpu.memory_space<hbm>>
          tpu.wait_dma2 semaphore(%run_scoped3A : memref<!tpu.dma_semaphore, #tpu.memory_space<semaphore_mem>>) src(%dma_wait3A_920 : memref<1x128xi32, #tpu.memory_space<hbm>>) dst(%arg12 : memref<1x128xi32, #tpu.memory_space<vmem>>)
          tpu.yield
        }) : () -> ()
        "tpu.region"() ({
          %run_scoped3A = tpu.sem_alloc : memref<!tpu.dma_semaphore, #tpu.memory_space<semaphore_mem>>
          %dma_start3A_913 = arith.constant 0 : i32
          %dma_start3A_914 = tpu.memref_slice %arg3[%add3A_52, %dma_start3A_913] : memref<6272x128xi32, #tpu.memory_space<hbm>> -> memref<1x128xi32, #tpu.memory_space<hbm>>
          %dma_start3A_915 = arith.constant 0 : i32
          %dma_start3A_916 = tpu.memref_slice %arg3[%add3A_52, %dma_start3A_915] : memref<6272x128xi32, #tpu.memory_space<hbm>> -> memref<1x128xi32, #tpu.memory_space<hbm>>
          tpu.enqueue_dma source(%dma_start3A_916 : memref<1x128xi32, #tpu.memory_space<hbm>>) target(%arg14 : memref<1x128xi32, #tpu.memory_space<vmem>>) target_semaphore(%run_scoped3A : memref<!tpu.dma_semaphore, #tpu.memory_space<semaphore_mem>>)
          %dma_wait3A_917 = arith.constant 0 : i32
          %dma_wait3A_918 = tpu.memref_slice %arg3[%add3A_52, %dma_wait3A_917] : memref<6272x128xi32, #tpu.memory_space<hbm>> -> memref<1x128xi32, #tpu.memory_space<hbm>>
          %dma_wait3A_919 = arith.constant 0 : i32
          %dma_wait3A_920 = tpu.memref_slice %arg3[%add3A_52, %dma_wait3A_919] : memref<6272x128xi32, #tpu.memory_space<hbm>> -> memref<1x128xi32, #tpu.memory_space<hbm>>
          tpu.wait_dma2 semaphore(%run_scoped3A : memref<!tpu.dma_semaphore, #tpu.memory_space<semaphore_mem>>) src(%dma_wait3A_920 : memref<1x128xi32, #tpu.memory_space<hbm>>) dst(%arg14 : memref<1x128xi32, #tpu.memory_space<vmem>>)
          tpu.yield
        }) : () -> ()
        %dma_start3A_53 = arith.constant 0 : i32
        %dma_start3A_54 = arith.constant 0 : i32
        %dma_start3A_55 = tpu.memref_slice %arg12[%dma_start3A_53, %dma_start3A_54] : memref<1x128xi32, #tpu.memory_space<vmem>> -> memref<1x128xi32, #tpu.memory_space<vmem>>
        %dma_start3A_56 = tpu.memref_squeeze %dma_start3A_55 : memref<1x128xi32, #tpu.memory_space<vmem>> -> memref<128xi32, #tpu.memory_space<vmem>>
        %dma_start3A_57 = arith.constant 0 : i32
        %dma_start3A_58 = tpu.memref_slice %arg4[%dma_start3A_57] : memref<50176xf32, #tpu.memory_space<hbm>> -> memref<50176xf32, #tpu.memory_space<hbm>>
        tpu.enqueue_indirect_dma source(%dma_start3A_58 : memref<50176xf32, #tpu.memory_space<hbm>>) target(%arg16 : memref<128xf32, #tpu.memory_space<vmem>>) offsets(%dma_start3A_56 : memref<128xi32, #tpu.memory_space<vmem>>) semaphore(%arg26 : memref<!tpu.dma_semaphore, #tpu.memory_space<semaphore_mem>>)
        %dma_start3A_59 = arith.constant 0 : i32
        %dma_start3A_60 = arith.constant 0 : i32
        %dma_start3A_61 = tpu.memref_slice %arg12[%dma_start3A_59, %dma_start3A_60] : memref<1x128xi32, #tpu.memory_space<vmem>> -> memref<1x128xi32, #tpu.memory_space<vmem>>
        %dma_start3A_62 = tpu.memref_squeeze %dma_start3A_61 : memref<1x128xi32, #tpu.memory_space<vmem>> -> memref<128xi32, #tpu.memory_space<vmem>>
        %dma_start3A_63 = arith.constant 0 : i32
        %dma_start3A_64 = tpu.memref_slice %arg5[%dma_start3A_63] : memref<50176xf32, #tpu.memory_space<hbm>> -> memref<50176xf32, #tpu.memory_space<hbm>>
        tpu.enqueue_indirect_dma source(%dma_start3A_64 : memref<50176xf32, #tpu.memory_space<hbm>>) target(%arg18 : memref<128xf32, #tpu.memory_space<vmem>>) offsets(%dma_start3A_62 : memref<128xi32, #tpu.memory_space<vmem>>) semaphore(%arg26 : memref<!tpu.dma_semaphore, #tpu.memory_space<semaphore_mem>>)
        %dma_start3A_65 = arith.constant 0 : i32
        %dma_start3A_66 = arith.constant 0 : i32
        %dma_start3A_67 = tpu.memref_slice %arg12[%dma_start3A_65, %dma_start3A_66] : memref<1x128xi32, #tpu.memory_space<vmem>> -> memref<1x128xi32, #tpu.memory_space<vmem>>
        %dma_start3A_68 = tpu.memref_squeeze %dma_start3A_67 : memref<1x128xi32, #tpu.memory_space<vmem>> -> memref<128xi32, #tpu.memory_space<vmem>>
        %dma_start3A_69 = arith.constant 0 : i32
        %dma_start3A_70 = tpu.memref_slice %arg6[%dma_start3A_69] : memref<50000xi32, #tpu.memory_space<hbm>> -> memref<50000xi32, #tpu.memory_space<hbm>>
        tpu.enqueue_indirect_dma source(%dma_start3A_70 : memref<50000xi32, #tpu.memory_space<hbm>>) target(%arg20 : memref<128xi32, #tpu.memory_space<vmem>>) offsets(%dma_start3A_68 : memref<128xi32, #tpu.memory_space<vmem>>) semaphore(%arg26 : memref<!tpu.dma_semaphore, #tpu.memory_space<semaphore_mem>>)
        %dma_wait3A = arith.constant 0 : i32
        %dma_wait3A_71 = tpu.memref_slice %arg4[%dma_wait3A] : memref<50176xf32, #tpu.memory_space<hbm>> -> memref<128xf32, #tpu.memory_space<hbm>>
        %dma_wait3A_72 = arith.constant 0 : i32
        %dma_wait3A_73 = tpu.memref_slice %arg4[%dma_wait3A_72] : memref<50176xf32, #tpu.memory_space<hbm>> -> memref<128xf32, #tpu.memory_space<hbm>>
        tpu.wait_dma2 semaphore(%arg25 : memref<!tpu.dma_semaphore, #tpu.memory_space<semaphore_mem>>) src(%dma_wait3A_73 : memref<128xf32, #tpu.memory_space<hbm>>) dst(%arg15 : memref<128xf32, #tpu.memory_space<vmem>>)
        %dma_wait3A_74 = arith.constant 0 : i32
        %dma_wait3A_75 = tpu.memref_slice %arg5[%dma_wait3A_74] : memref<50176xf32, #tpu.memory_space<hbm>> -> memref<128xf32, #tpu.memory_space<hbm>>
        %dma_wait3A_76 = arith.constant 0 : i32
        %dma_wait3A_77 = tpu.memref_slice %arg5[%dma_wait3A_76] : memref<50176xf32, #tpu.memory_space<hbm>> -> memref<128xf32, #tpu.memory_space<hbm>>
        tpu.wait_dma2 semaphore(%arg25 : memref<!tpu.dma_semaphore, #tpu.memory_space<semaphore_mem>>) src(%dma_wait3A_77 : memref<128xf32, #tpu.memory_space<hbm>>) dst(%arg17 : memref<128xf32, #tpu.memory_space<vmem>>)
        %dma_wait3A_78 = arith.constant 0 : i32
        %dma_wait3A_79 = tpu.memref_slice %arg6[%dma_wait3A_78] : memref<50000xi32, #tpu.memory_space<hbm>> -> memref<128xi32, #tpu.memory_space<hbm>>
        %dma_wait3A_80 = arith.constant 0 : i32
        %dma_wait3A_81 = tpu.memref_slice %arg6[%dma_wait3A_80] : memref<50000xi32, #tpu.memory_space<hbm>> -> memref<128xi32, #tpu.memory_space<hbm>>
        tpu.wait_dma2 semaphore(%arg25 : memref<!tpu.dma_semaphore, #tpu.memory_space<semaphore_mem>>) src(%dma_wait3A_81 : memref<128xi32, #tpu.memory_space<hbm>>) dst(%arg19 : memref<128xi32, #tpu.memory_space<vmem>>)
        %get3A = arith.constant 0 : index
        %get3A_82 = tpu.vector_load %arg15[%get3A] {strides = array<i32>} : memref<128xf32, #tpu.memory_space<vmem>>, vector<16xf32>,
        %add3A_83 = arith.constant 1.000000e+00 : f32
        %add3A_84 = vector.broadcast %add3A_83 : f32 to vector<16xf32>
        %add3A_85 = arith.addf %add3A_84, %get3A_82 : vector<16xf32>
        %get3A_86 = arith.constant 0 : index
        %get3A_87 = tpu.vector_load %arg17[%get3A_86] {strides = array<i32>} : memref<128xf32, #tpu.memory_space<vmem>>, vector<16xf32>,
        %add3A_88 = arith.addf %add3A_85, %get3A_87 : vector<16xf32>
        %bitcast3A = vector.bitcast %add3A_88 : vector<16xf32> to vector<16xi32>
        %shift_right_arithmetic3A = arith.constant 1 : i32
        %shift_right_arithmetic3A_89 = vector.broadcast %shift_right_arithmetic3A : i32 to vector<16xi32>
        %shift_right_arithmetic3A_90 = arith.shrsi %bitcast3A, %shift_right_arithmetic3A_89 : vector<16xi32>
        %sub3A = arith.constant 1597463007 : i32
        %sub3A_91 = vector.broadcast %sub3A : i32 to vector<16xi32>
        %sub3A_92 = arith.subi %sub3A_91, %shift_right_arithmetic3A_90 : vector<16xi32>
        %bitcast3A_93 = vector.bitcast %sub3A_92 : vector<16xi32> to vector<16xf32>
        %mul3A_94 = arith.constant 5.000000e-01 : f32
        %mul3A_95 = vector.broadcast %mul3A_94 : f32 to vector<16xf32>
        %mul3A_96 = arith.mulf %mul3A_95, %add3A_88 : vector<16xf32>
        %mul3A_97 = arith.mulf %mul3A_96, %bitcast3A_93 : vector<16xf32>
        %mul3A_98 = arith.mulf %mul3A_97, %bitcast3A_93 : vector<16xf32>
        %sub3A_99 = arith.constant 1.500000e+00 : f32
        %sub3A_100 = vector.broadcast %sub3A_99 : f32 to vector<16xf32>
        %sub3A_101 = arith.subf %sub3A_100, %mul3A_98 : vector<16xf32>
        %mul3A_102 = arith.mulf %bitcast3A_93, %sub3A_101 : vector<16xf32>
        %mul3A_103 = arith.mulf %mul3A_96, %mul3A_102 : vector<16xf32>
        %mul3A_104 = arith.mulf %mul3A_103, %mul3A_102 : vector<16xf32>
        %sub3A_105 = arith.constant 1.500000e+00 : f32
        %sub3A_106 = vector.broadcast %sub3A_105 : f32 to vector<16xf32>
        %sub3A_107 = arith.subf %sub3A_106, %mul3A_104 : vector<16xf32>
        %mul3A_108 = arith.mulf %mul3A_102, %sub3A_107 : vector<16xf32>
        %mul3A_109 = arith.mulf %mul3A_96, %mul3A_108 : vector<16xf32>
        %mul3A_110 = arith.mulf %mul3A_109, %mul3A_108 : vector<16xf32>
        %sub3A_111 = arith.constant 1.500000e+00 : f32
        %sub3A_112 = vector.broadcast %sub3A_111 : f32 to vector<16xf32>
        %sub3A_113 = arith.subf %sub3A_112, %mul3A_110 : vector<16xf32>
        %mul3A_114 = arith.mulf %mul3A_108, %sub3A_113 : vector<16xf32>
        %swap3A = arith.constant 0 : index
        %swap3A_115 = tpu.vector_load %arg21[%swap3A] {strides = array<i32>} : memref<128xf32, #tpu.memory_space<vmem>>, vector<16xf32>,
        tpu.vector_store %arg21[%swap3A], %mul3A_114 {strides = array<i32>} : memref<128xf32, #tpu.memory_space<vmem>>, vector<16xf32>,
        %get3A_116 = arith.constant 0 : i32
        %get3A_117 = arith.index_cast %get3A_116 : i32 to index
        %get3A_118 = arith.constant 0 : index
        %get3A_119 = tpu.vector_load %arg13[%get3A_117, %get3A_118] {strides = array<i32>} : memref<1x128xi32, #tpu.memory_space<vmem>>, vector<16xi32>,
        %mul3A_120 = arith.constant 32 : i32
        %mul3A_121 = vector.broadcast %mul3A_120 : i32 to vector<16xi32>
        %mul3A_122 = arith.muli %get3A_119, %mul3A_121 : vector<16xi32>
        %get3A_123 = arith.constant 0 : index
        %get3A_124 = tpu.vector_load %arg19[%get3A_123] {strides = array<i32>} : memref<128xi32, #tpu.memory_space<vmem>>, vector<16xi32>,
        %add3A_125 = arith.addi %mul3A_122, %get3A_124 : vector<16xi32>
        %swap3A_126 = arith.constant 0 : index
        %swap3A_127 = tpu.vector_load %arg23[%swap3A_126] {strides = array<i32>} : memref<128xi32, #tpu.memory_space<vmem>>, vector<16xi32>,
        tpu.vector_store %arg23[%swap3A_126], %add3A_125 {strides = array<i32>} : memref<128xi32, #tpu.memory_space<vmem>>, vector<16xi32>,
        %get3A_128 = arith.constant 16 : index
        %get3A_129 = tpu.vector_load %arg15[%get3A_128] {strides = array<i32>} : memref<128xf32, #tpu.memory_space<vmem>>, vector<16xf32>,
        %add3A_130 = arith.constant 1.000000e+00 : f32
        %add3A_131 = vector.broadcast %add3A_130 : f32 to vector<16xf32>
        %add3A_132 = arith.addf %add3A_131, %get3A_129 : vector<16xf32>
        %get3A_133 = arith.constant 16 : index
        %get3A_134 = tpu.vector_load %arg17[%get3A_133] {strides = array<i32>} : memref<128xf32, #tpu.memory_space<vmem>>, vector<16xf32>,
        %add3A_135 = arith.addf %add3A_132, %get3A_134 : vector<16xf32>
        %bitcast3A_136 = vector.bitcast %add3A_135 : vector<16xf32> to vector<16xi32>
        %shift_right_arithmetic3A_137 = arith.constant 1 : i32
        %shift_right_arithmetic3A_138 = vector.broadcast %shift_right_arithmetic3A_137 : i32 to vector<16xi32>
        %shift_right_arithmetic3A_139 = arith.shrsi %bitcast3A_136, %shift_right_arithmetic3A_138 : vector<16xi32>
        %sub3A_140 = arith.constant 1597463007 : i32
        %sub3A_141 = vector.broadcast %sub3A_140 : i32 to vector<16xi32>
        %sub3A_142 = arith.subi %sub3A_141, %shift_right_arithmetic3A_139 : vector<16xi32>
        %bitcast3A_143 = vector.bitcast %sub3A_142 : vector<16xi32> to vector<16xf32>
        %mul3A_144 = arith.constant 5.000000e-01 : f32
        %mul3A_145 = vector.broadcast %mul3A_144 : f32 to vector<16xf32>
        %mul3A_146 = arith.mulf %mul3A_145, %add3A_135 : vector<16xf32>
        %mul3A_147 = arith.mulf %mul3A_146, %bitcast3A_143 : vector<16xf32>
        %mul3A_148 = arith.mulf %mul3A_147, %bitcast3A_143 : vector<16xf32>
        %sub3A_149 = arith.constant 1.500000e+00 : f32
        %sub3A_150 = vector.broadcast %sub3A_149 : f32 to vector<16xf32>
        %sub3A_151 = arith.subf %sub3A_150, %mul3A_148 : vector<16xf32>
        %mul3A_152 = arith.mulf %bitcast3A_143, %sub3A_151 : vector<16xf32>
        %mul3A_153 = arith.mulf %mul3A_146, %mul3A_152 : vector<16xf32>
        %mul3A_154 = arith.mulf %mul3A_153, %mul3A_152 : vector<16xf32>
        %sub3A_155 = arith.constant 1.500000e+00 : f32
        %sub3A_156 = vector.broadcast %sub3A_155 : f32 to vector<16xf32>
        %sub3A_157 = arith.subf %sub3A_156, %mul3A_154 : vector<16xf32>
        %mul3A_158 = arith.mulf %mul3A_152, %sub3A_157 : vector<16xf32>
        %mul3A_159 = arith.mulf %mul3A_146, %mul3A_158 : vector<16xf32>
        %mul3A_160 = arith.mulf %mul3A_159, %mul3A_158 : vector<16xf32>
        %sub3A_161 = arith.constant 1.500000e+00 : f32
        %sub3A_162 = vector.broadcast %sub3A_161 : f32 to vector<16xf32>
        %sub3A_163 = arith.subf %sub3A_162, %mul3A_160 : vector<16xf32>
        %mul3A_164 = arith.mulf %mul3A_158, %sub3A_163 : vector<16xf32>
        %swap3A_165 = arith.constant 16 : index
        %swap3A_166 = tpu.vector_load %arg21[%swap3A_165] {strides = array<i32>} : memref<128xf32, #tpu.memory_space<vmem>>, vector<16xf32>,
        tpu.vector_store %arg21[%swap3A_165], %mul3A_164 {strides = array<i32>} : memref<128xf32, #tpu.memory_space<vmem>>, vector<16xf32>,
        %get3A_167 = arith.constant 0 : i32
        %get3A_168 = arith.index_cast %get3A_167 : i32 to index
        %get3A_169 = arith.constant 16 : index
        %get3A_170 = tpu.vector_load %arg13[%get3A_168, %get3A_169] {strides = array<i32>} : memref<1x128xi32, #tpu.memory_space<vmem>>, vector<16xi32>,
        %mul3A_171 = arith.constant 32 : i32
        %mul3A_172 = vector.broadcast %mul3A_171 : i32 to vector<16xi32>
        %mul3A_173 = arith.muli %get3A_170, %mul3A_172 : vector<16xi32>
        %get3A_174 = arith.constant 16 : index
        %get3A_175 = tpu.vector_load %arg19[%get3A_174] {strides = array<i32>} : memref<128xi32, #tpu.memory_space<vmem>>, vector<16xi32>,
        %add3A_176 = arith.addi %mul3A_173, %get3A_175 : vector<16xi32>
        %swap3A_177 = arith.constant 16 : index
        %swap3A_178 = tpu.vector_load %arg23[%swap3A_177] {strides = array<i32>} : memref<128xi32, #tpu.memory_space<vmem>>, vector<16xi32>,
        tpu.vector_store %arg23[%swap3A_177], %add3A_176 {strides = array<i32>} : memref<128xi32, #tpu.memory_space<vmem>>, vector<16xi32>,
        %get3A_179 = arith.constant 32 : index
        %get3A_180 = tpu.vector_load %arg15[%get3A_179] {strides = array<i32>} : memref<128xf32, #tpu.memory_space<vmem>>, vector<16xf32>,
        %add3A_181 = arith.constant 1.000000e+00 : f32
        %add3A_182 = vector.broadcast %add3A_181 : f32 to vector<16xf32>
        %add3A_183 = arith.addf %add3A_182, %get3A_180 : vector<16xf32>
        %get3A_184 = arith.constant 32 : index
        %get3A_185 = tpu.vector_load %arg17[%get3A_184] {strides = array<i32>} : memref<128xf32, #tpu.memory_space<vmem>>, vector<16xf32>,
        %add3A_186 = arith.addf %add3A_183, %get3A_185 : vector<16xf32>
        %bitcast3A_187 = vector.bitcast %add3A_186 : vector<16xf32> to vector<16xi32>
        %shift_right_arithmetic3A_188 = arith.constant 1 : i32
        %shift_right_arithmetic3A_189 = vector.broadcast %shift_right_arithmetic3A_188 : i32 to vector<16xi32>
        %shift_right_arithmetic3A_190 = arith.shrsi %bitcast3A_187, %shift_right_arithmetic3A_189 : vector<16xi32>
        %sub3A_191 = arith.constant 1597463007 : i32
        %sub3A_192 = vector.broadcast %sub3A_191 : i32 to vector<16xi32>
        %sub3A_193 = arith.subi %sub3A_192, %shift_right_arithmetic3A_190 : vector<16xi32>
        %bitcast3A_194 = vector.bitcast %sub3A_193 : vector<16xi32> to vector<16xf32>
        %mul3A_195 = arith.constant 5.000000e-01 : f32
        %mul3A_196 = vector.broadcast %mul3A_195 : f32 to vector<16xf32>
        %mul3A_197 = arith.mulf %mul3A_196, %add3A_186 : vector<16xf32>
        %mul3A_198 = arith.mulf %mul3A_197, %bitcast3A_194 : vector<16xf32>
        %mul3A_199 = arith.mulf %mul3A_198, %bitcast3A_194 : vector<16xf32>
        %sub3A_200 = arith.constant 1.500000e+00 : f32
        %sub3A_201 = vector.broadcast %sub3A_200 : f32 to vector<16xf32>
        %sub3A_202 = arith.subf %sub3A_201, %mul3A_199 : vector<16xf32>
        %mul3A_203 = arith.mulf %bitcast3A_194, %sub3A_202 : vector<16xf32>
        %mul3A_204 = arith.mulf %mul3A_197, %mul3A_203 : vector<16xf32>
        %mul3A_205 = arith.mulf %mul3A_204, %mul3A_203 : vector<16xf32>
        %sub3A_206 = arith.constant 1.500000e+00 : f32
        %sub3A_207 = vector.broadcast %sub3A_206 : f32 to vector<16xf32>
        %sub3A_208 = arith.subf %sub3A_207, %mul3A_205 : vector<16xf32>
        %mul3A_209 = arith.mulf %mul3A_203, %sub3A_208 : vector<16xf32>
        %mul3A_210 = arith.mulf %mul3A_197, %mul3A_209 : vector<16xf32>
        %mul3A_211 = arith.mulf %mul3A_210, %mul3A_209 : vector<16xf32>
        %sub3A_212 = arith.constant 1.500000e+00 : f32
        %sub3A_213 = vector.broadcast %sub3A_212 : f32 to vector<16xf32>
        %sub3A_214 = arith.subf %sub3A_213, %mul3A_211 : vector<16xf32>
        %mul3A_215 = arith.mulf %mul3A_209, %sub3A_214 : vector<16xf32>
        %swap3A_216 = arith.constant 32 : index
        %swap3A_217 = tpu.vector_load %arg21[%swap3A_216] {strides = array<i32>} : memref<128xf32, #tpu.memory_space<vmem>>, vector<16xf32>,
        tpu.vector_store %arg21[%swap3A_216], %mul3A_215 {strides = array<i32>} : memref<128xf32, #tpu.memory_space<vmem>>, vector<16xf32>,
        %get3A_218 = arith.constant 0 : i32
        %get3A_219 = arith.index_cast %get3A_218 : i32 to index
        %get3A_220 = arith.constant 32 : index
        %get3A_221 = tpu.vector_load %arg13[%get3A_219, %get3A_220] {strides = array<i32>} : memref<1x128xi32, #tpu.memory_space<vmem>>, vector<16xi32>,
        %mul3A_222 = arith.constant 32 : i32
        %mul3A_223 = vector.broadcast %mul3A_222 : i32 to vector<16xi32>
        %mul3A_224 = arith.muli %get3A_221, %mul3A_223 : vector<16xi32>
        %get3A_225 = arith.constant 32 : index
        %get3A_226 = tpu.vector_load %arg19[%get3A_225] {strides = array<i32>} : memref<128xi32, #tpu.memory_space<vmem>>, vector<16xi32>,
        %add3A_227 = arith.addi %mul3A_224, %get3A_226 : vector<16xi32>
        %swap3A_228 = arith.constant 32 : index
        %swap3A_229 = tpu.vector_load %arg23[%swap3A_228] {strides = array<i32>} : memref<128xi32, #tpu.memory_space<vmem>>, vector<16xi32>,
        tpu.vector_store %arg23[%swap3A_228], %add3A_227 {strides = array<i32>} : memref<128xi32, #tpu.memory_space<vmem>>, vector<16xi32>,
        %get3A_230 = arith.constant 48 : index
        %get3A_231 = tpu.vector_load %arg15[%get3A_230] {strides = array<i32>} : memref<128xf32, #tpu.memory_space<vmem>>, vector<16xf32>,
        %add3A_232 = arith.constant 1.000000e+00 : f32
        %add3A_233 = vector.broadcast %add3A_232 : f32 to vector<16xf32>
        %add3A_234 = arith.addf %add3A_233, %get3A_231 : vector<16xf32>
        %get3A_235 = arith.constant 48 : index
        %get3A_236 = tpu.vector_load %arg17[%get3A_235] {strides = array<i32>} : memref<128xf32, #tpu.memory_space<vmem>>, vector<16xf32>,
        %add3A_237 = arith.addf %add3A_234, %get3A_236 : vector<16xf32>
        %bitcast3A_238 = vector.bitcast %add3A_237 : vector<16xf32> to vector<16xi32>
        %shift_right_arithmetic3A_239 = arith.constant 1 : i32
        %shift_right_arithmetic3A_240 = vector.broadcast %shift_right_arithmetic3A_239 : i32 to vector<16xi32>
        %shift_right_arithmetic3A_241 = arith.shrsi %bitcast3A_238, %shift_right_arithmetic3A_240 : vector<16xi32>
        %sub3A_242 = arith.constant 1597463007 : i32
        %sub3A_243 = vector.broadcast %sub3A_242 : i32 to vector<16xi32>
        %sub3A_244 = arith.subi %sub3A_243, %shift_right_arithmetic3A_241 : vector<16xi32>
        %bitcast3A_245 = vector.bitcast %sub3A_244 : vector<16xi32> to vector<16xf32>
        %mul3A_246 = arith.constant 5.000000e-01 : f32
        %mul3A_247 = vector.broadcast %mul3A_246 : f32 to vector<16xf32>
        %mul3A_248 = arith.mulf %mul3A_247, %add3A_237 : vector<16xf32>
        %mul3A_249 = arith.mulf %mul3A_248, %bitcast3A_245 : vector<16xf32>
        %mul3A_250 = arith.mulf %mul3A_249, %bitcast3A_245 : vector<16xf32>
        %sub3A_251 = arith.constant 1.500000e+00 : f32
        %sub3A_252 = vector.broadcast %sub3A_251 : f32 to vector<16xf32>
        %sub3A_253 = arith.subf %sub3A_252, %mul3A_250 : vector<16xf32>
        %mul3A_254 = arith.mulf %bitcast3A_245, %sub3A_253 : vector<16xf32>
        %mul3A_255 = arith.mulf %mul3A_248, %mul3A_254 : vector<16xf32>
        %mul3A_256 = arith.mulf %mul3A_255, %mul3A_254 : vector<16xf32>
        %sub3A_257 = arith.constant 1.500000e+00 : f32
        %sub3A_258 = vector.broadcast %sub3A_257 : f32 to vector<16xf32>
        %sub3A_259 = arith.subf %sub3A_258, %mul3A_256 : vector<16xf32>
        %mul3A_260 = arith.mulf %mul3A_254, %sub3A_259 : vector<16xf32>
        %mul3A_261 = arith.mulf %mul3A_248, %mul3A_260 : vector<16xf32>
        %mul3A_262 = arith.mulf %mul3A_261, %mul3A_260 : vector<16xf32>
        %sub3A_263 = arith.constant 1.500000e+00 : f32
        %sub3A_264 = vector.broadcast %sub3A_263 : f32 to vector<16xf32>
        %sub3A_265 = arith.subf %sub3A_264, %mul3A_262 : vector<16xf32>
        %mul3A_266 = arith.mulf %mul3A_260, %sub3A_265 : vector<16xf32>
        %swap3A_267 = arith.constant 48 : index
        %swap3A_268 = tpu.vector_load %arg21[%swap3A_267] {strides = array<i32>} : memref<128xf32, #tpu.memory_space<vmem>>, vector<16xf32>,
        tpu.vector_store %arg21[%swap3A_267], %mul3A_266 {strides = array<i32>} : memref<128xf32, #tpu.memory_space<vmem>>, vector<16xf32>,
        %get3A_269 = arith.constant 0 : i32
        %get3A_270 = arith.index_cast %get3A_269 : i32 to index
        %get3A_271 = arith.constant 48 : index
        %get3A_272 = tpu.vector_load %arg13[%get3A_270, %get3A_271] {strides = array<i32>} : memref<1x128xi32, #tpu.memory_space<vmem>>, vector<16xi32>,
        %mul3A_273 = arith.constant 32 : i32
        %mul3A_274 = vector.broadcast %mul3A_273 : i32 to vector<16xi32>
        %mul3A_275 = arith.muli %get3A_272, %mul3A_274 : vector<16xi32>
        %get3A_276 = arith.constant 48 : index
        %get3A_277 = tpu.vector_load %arg19[%get3A_276] {strides = array<i32>} : memref<128xi32, #tpu.memory_space<vmem>>, vector<16xi32>,
        %add3A_278 = arith.addi %mul3A_275, %get3A_277 : vector<16xi32>
        %swap3A_279 = arith.constant 48 : index
        %swap3A_280 = tpu.vector_load %arg23[%swap3A_279] {strides = array<i32>} : memref<128xi32, #tpu.memory_space<vmem>>, vector<16xi32>,
        tpu.vector_store %arg23[%swap3A_279], %add3A_278 {strides = array<i32>} : memref<128xi32, #tpu.memory_space<vmem>>, vector<16xi32>,
        %get3A_281 = arith.constant 64 : index
        %get3A_282 = tpu.vector_load %arg15[%get3A_281] {strides = array<i32>} : memref<128xf32, #tpu.memory_space<vmem>>, vector<16xf32>,
        %add3A_283 = arith.constant 1.000000e+00 : f32
        %add3A_284 = vector.broadcast %add3A_283 : f32 to vector<16xf32>
        %add3A_285 = arith.addf %add3A_284, %get3A_282 : vector<16xf32>
        %get3A_286 = arith.constant 64 : index
        %get3A_287 = tpu.vector_load %arg17[%get3A_286] {strides = array<i32>} : memref<128xf32, #tpu.memory_space<vmem>>, vector<16xf32>,
        %add3A_288 = arith.addf %add3A_285, %get3A_287 : vector<16xf32>
        %bitcast3A_289 = vector.bitcast %add3A_288 : vector<16xf32> to vector<16xi32>
        %shift_right_arithmetic3A_290 = arith.constant 1 : i32
        %shift_right_arithmetic3A_291 = vector.broadcast %shift_right_arithmetic3A_290 : i32 to vector<16xi32>
        %shift_right_arithmetic3A_292 = arith.shrsi %bitcast3A_289, %shift_right_arithmetic3A_291 : vector<16xi32>
        %sub3A_293 = arith.constant 1597463007 : i32
        %sub3A_294 = vector.broadcast %sub3A_293 : i32 to vector<16xi32>
        %sub3A_295 = arith.subi %sub3A_294, %shift_right_arithmetic3A_292 : vector<16xi32>
        %bitcast3A_296 = vector.bitcast %sub3A_295 : vector<16xi32> to vector<16xf32>
        %mul3A_297 = arith.constant 5.000000e-01 : f32
        %mul3A_298 = vector.broadcast %mul3A_297 : f32 to vector<16xf32>
        %mul3A_299 = arith.mulf %mul3A_298, %add3A_288 : vector<16xf32>
        %mul3A_300 = arith.mulf %mul3A_299, %bitcast3A_296 : vector<16xf32>
        %mul3A_301 = arith.mulf %mul3A_300, %bitcast3A_296 : vector<16xf32>
        %sub3A_302 = arith.constant 1.500000e+00 : f32
        %sub3A_303 = vector.broadcast %sub3A_302 : f32 to vector<16xf32>
        %sub3A_304 = arith.subf %sub3A_303, %mul3A_301 : vector<16xf32>
        %mul3A_305 = arith.mulf %bitcast3A_296, %sub3A_304 : vector<16xf32>
        %mul3A_306 = arith.mulf %mul3A_299, %mul3A_305 : vector<16xf32>
        %mul3A_307 = arith.mulf %mul3A_306, %mul3A_305 : vector<16xf32>
        %sub3A_308 = arith.constant 1.500000e+00 : f32
        %sub3A_309 = vector.broadcast %sub3A_308 : f32 to vector<16xf32>
        %sub3A_310 = arith.subf %sub3A_309, %mul3A_307 : vector<16xf32>
        %mul3A_311 = arith.mulf %mul3A_305, %sub3A_310 : vector<16xf32>
        %mul3A_312 = arith.mulf %mul3A_299, %mul3A_311 : vector<16xf32>
        %mul3A_313 = arith.mulf %mul3A_312, %mul3A_311 : vector<16xf32>
        %sub3A_314 = arith.constant 1.500000e+00 : f32
        %sub3A_315 = vector.broadcast %sub3A_314 : f32 to vector<16xf32>
        %sub3A_316 = arith.subf %sub3A_315, %mul3A_313 : vector<16xf32>
        %mul3A_317 = arith.mulf %mul3A_311, %sub3A_316 : vector<16xf32>
        %swap3A_318 = arith.constant 64 : index
        %swap3A_319 = tpu.vector_load %arg21[%swap3A_318] {strides = array<i32>} : memref<128xf32, #tpu.memory_space<vmem>>, vector<16xf32>,
        tpu.vector_store %arg21[%swap3A_318], %mul3A_317 {strides = array<i32>} : memref<128xf32, #tpu.memory_space<vmem>>, vector<16xf32>,
        %get3A_320 = arith.constant 0 : i32
        %get3A_321 = arith.index_cast %get3A_320 : i32 to index
        %get3A_322 = arith.constant 64 : index
        %get3A_323 = tpu.vector_load %arg13[%get3A_321, %get3A_322] {strides = array<i32>} : memref<1x128xi32, #tpu.memory_space<vmem>>, vector<16xi32>,
        %mul3A_324 = arith.constant 32 : i32
        %mul3A_325 = vector.broadcast %mul3A_324 : i32 to vector<16xi32>
        %mul3A_326 = arith.muli %get3A_323, %mul3A_325 : vector<16xi32>
        %get3A_327 = arith.constant 64 : index
        %get3A_328 = tpu.vector_load %arg19[%get3A_327] {strides = array<i32>} : memref<128xi32, #tpu.memory_space<vmem>>, vector<16xi32>,
        %add3A_329 = arith.addi %mul3A_326, %get3A_328 : vector<16xi32>
        %swap3A_330 = arith.constant 64 : index
        %swap3A_331 = tpu.vector_load %arg23[%swap3A_330] {strides = array<i32>} : memref<128xi32, #tpu.memory_space<vmem>>, vector<16xi32>,
        tpu.vector_store %arg23[%swap3A_330], %add3A_329 {strides = array<i32>} : memref<128xi32, #tpu.memory_space<vmem>>, vector<16xi32>,
        %get3A_332 = arith.constant 80 : index
        %get3A_333 = tpu.vector_load %arg15[%get3A_332] {strides = array<i32>} : memref<128xf32, #tpu.memory_space<vmem>>, vector<16xf32>,
        %add3A_334 = arith.constant 1.000000e+00 : f32
        %add3A_335 = vector.broadcast %add3A_334 : f32 to vector<16xf32>
        %add3A_336 = arith.addf %add3A_335, %get3A_333 : vector<16xf32>
        %get3A_337 = arith.constant 80 : index
        %get3A_338 = tpu.vector_load %arg17[%get3A_337] {strides = array<i32>} : memref<128xf32, #tpu.memory_space<vmem>>, vector<16xf32>,
        %add3A_339 = arith.addf %add3A_336, %get3A_338 : vector<16xf32>
        %bitcast3A_340 = vector.bitcast %add3A_339 : vector<16xf32> to vector<16xi32>
        %shift_right_arithmetic3A_341 = arith.constant 1 : i32
        %shift_right_arithmetic3A_342 = vector.broadcast %shift_right_arithmetic3A_341 : i32 to vector<16xi32>
        %shift_right_arithmetic3A_343 = arith.shrsi %bitcast3A_340, %shift_right_arithmetic3A_342 : vector<16xi32>
        %sub3A_344 = arith.constant 1597463007 : i32
        %sub3A_345 = vector.broadcast %sub3A_344 : i32 to vector<16xi32>
        %sub3A_346 = arith.subi %sub3A_345, %shift_right_arithmetic3A_343 : vector<16xi32>
        %bitcast3A_347 = vector.bitcast %sub3A_346 : vector<16xi32> to vector<16xf32>
        %mul3A_348 = arith.constant 5.000000e-01 : f32
        %mul3A_349 = vector.broadcast %mul3A_348 : f32 to vector<16xf32>
        %mul3A_350 = arith.mulf %mul3A_349, %add3A_339 : vector<16xf32>
        %mul3A_351 = arith.mulf %mul3A_350, %bitcast3A_347 : vector<16xf32>
        %mul3A_352 = arith.mulf %mul3A_351, %bitcast3A_347 : vector<16xf32>
        %sub3A_353 = arith.constant 1.500000e+00 : f32
        %sub3A_354 = vector.broadcast %sub3A_353 : f32 to vector<16xf32>
        %sub3A_355 = arith.subf %sub3A_354, %mul3A_352 : vector<16xf32>
        %mul3A_356 = arith.mulf %bitcast3A_347, %sub3A_355 : vector<16xf32>
        %mul3A_357 = arith.mulf %mul3A_350, %mul3A_356 : vector<16xf32>
        %mul3A_358 = arith.mulf %mul3A_357, %mul3A_356 : vector<16xf32>
        %sub3A_359 = arith.constant 1.500000e+00 : f32
        %sub3A_360 = vector.broadcast %sub3A_359 : f32 to vector<16xf32>
        %sub3A_361 = arith.subf %sub3A_360, %mul3A_358 : vector<16xf32>
        %mul3A_362 = arith.mulf %mul3A_356, %sub3A_361 : vector<16xf32>
        %mul3A_363 = arith.mulf %mul3A_350, %mul3A_362 : vector<16xf32>
        %mul3A_364 = arith.mulf %mul3A_363, %mul3A_362 : vector<16xf32>
        %sub3A_365 = arith.constant 1.500000e+00 : f32
        %sub3A_366 = vector.broadcast %sub3A_365 : f32 to vector<16xf32>
        %sub3A_367 = arith.subf %sub3A_366, %mul3A_364 : vector<16xf32>
        %mul3A_368 = arith.mulf %mul3A_362, %sub3A_367 : vector<16xf32>
        %swap3A_369 = arith.constant 80 : index
        %swap3A_370 = tpu.vector_load %arg21[%swap3A_369] {strides = array<i32>} : memref<128xf32, #tpu.memory_space<vmem>>, vector<16xf32>,
        tpu.vector_store %arg21[%swap3A_369], %mul3A_368 {strides = array<i32>} : memref<128xf32, #tpu.memory_space<vmem>>, vector<16xf32>,
        %get3A_371 = arith.constant 0 : i32
        %get3A_372 = arith.index_cast %get3A_371 : i32 to index
        %get3A_373 = arith.constant 80 : index
        %get3A_374 = tpu.vector_load %arg13[%get3A_372, %get3A_373] {strides = array<i32>} : memref<1x128xi32, #tpu.memory_space<vmem>>, vector<16xi32>,
        %mul3A_375 = arith.constant 32 : i32
        %mul3A_376 = vector.broadcast %mul3A_375 : i32 to vector<16xi32>
        %mul3A_377 = arith.muli %get3A_374, %mul3A_376 : vector<16xi32>
        %get3A_378 = arith.constant 80 : index
        %get3A_379 = tpu.vector_load %arg19[%get3A_378] {strides = array<i32>} : memref<128xi32, #tpu.memory_space<vmem>>, vector<16xi32>,
        %add3A_380 = arith.addi %mul3A_377, %get3A_379 : vector<16xi32>
        %swap3A_381 = arith.constant 80 : index
        %swap3A_382 = tpu.vector_load %arg23[%swap3A_381] {strides = array<i32>} : memref<128xi32, #tpu.memory_space<vmem>>, vector<16xi32>,
        tpu.vector_store %arg23[%swap3A_381], %add3A_380 {strides = array<i32>} : memref<128xi32, #tpu.memory_space<vmem>>, vector<16xi32>,
        %get3A_383 = arith.constant 96 : index
        %get3A_384 = tpu.vector_load %arg15[%get3A_383] {strides = array<i32>} : memref<128xf32, #tpu.memory_space<vmem>>, vector<16xf32>,
        %add3A_385 = arith.constant 1.000000e+00 : f32
        %add3A_386 = vector.broadcast %add3A_385 : f32 to vector<16xf32>
        %add3A_387 = arith.addf %add3A_386, %get3A_384 : vector<16xf32>
        %get3A_388 = arith.constant 96 : index
        %get3A_389 = tpu.vector_load %arg17[%get3A_388] {strides = array<i32>} : memref<128xf32, #tpu.memory_space<vmem>>, vector<16xf32>,
        %add3A_390 = arith.addf %add3A_387, %get3A_389 : vector<16xf32>
        %bitcast3A_391 = vector.bitcast %add3A_390 : vector<16xf32> to vector<16xi32>
        %shift_right_arithmetic3A_392 = arith.constant 1 : i32
        %shift_right_arithmetic3A_393 = vector.broadcast %shift_right_arithmetic3A_392 : i32 to vector<16xi32>
        %shift_right_arithmetic3A_394 = arith.shrsi %bitcast3A_391, %shift_right_arithmetic3A_393 : vector<16xi32>
        %sub3A_395 = arith.constant 1597463007 : i32
        %sub3A_396 = vector.broadcast %sub3A_395 : i32 to vector<16xi32>
        %sub3A_397 = arith.subi %sub3A_396, %shift_right_arithmetic3A_394 : vector<16xi32>
        %bitcast3A_398 = vector.bitcast %sub3A_397 : vector<16xi32> to vector<16xf32>
        %mul3A_399 = arith.constant 5.000000e-01 : f32
        %mul3A_400 = vector.broadcast %mul3A_399 : f32 to vector<16xf32>
        %mul3A_401 = arith.mulf %mul3A_400, %add3A_390 : vector<16xf32>
        %mul3A_402 = arith.mulf %mul3A_401, %bitcast3A_398 : vector<16xf32>
        %mul3A_403 = arith.mulf %mul3A_402, %bitcast3A_398 : vector<16xf32>
        %sub3A_404 = arith.constant 1.500000e+00 : f32
        %sub3A_405 = vector.broadcast %sub3A_404 : f32 to vector<16xf32>
        %sub3A_406 = arith.subf %sub3A_405, %mul3A_403 : vector<16xf32>
        %mul3A_407 = arith.mulf %bitcast3A_398, %sub3A_406 : vector<16xf32>
        %mul3A_408 = arith.mulf %mul3A_401, %mul3A_407 : vector<16xf32>
        %mul3A_409 = arith.mulf %mul3A_408, %mul3A_407 : vector<16xf32>
        %sub3A_410 = arith.constant 1.500000e+00 : f32
        %sub3A_411 = vector.broadcast %sub3A_410 : f32 to vector<16xf32>
        %sub3A_412 = arith.subf %sub3A_411, %mul3A_409 : vector<16xf32>
        %mul3A_413 = arith.mulf %mul3A_407, %sub3A_412 : vector<16xf32>
        %mul3A_414 = arith.mulf %mul3A_401, %mul3A_413 : vector<16xf32>
        %mul3A_415 = arith.mulf %mul3A_414, %mul3A_413 : vector<16xf32>
        %sub3A_416 = arith.constant 1.500000e+00 : f32
        %sub3A_417 = vector.broadcast %sub3A_416 : f32 to vector<16xf32>
        %sub3A_418 = arith.subf %sub3A_417, %mul3A_415 : vector<16xf32>
        %mul3A_419 = arith.mulf %mul3A_413, %sub3A_418 : vector<16xf32>
        %swap3A_420 = arith.constant 96 : index
        %swap3A_421 = tpu.vector_load %arg21[%swap3A_420] {strides = array<i32>} : memref<128xf32, #tpu.memory_space<vmem>>, vector<16xf32>,
        tpu.vector_store %arg21[%swap3A_420], %mul3A_419 {strides = array<i32>} : memref<128xf32, #tpu.memory_space<vmem>>, vector<16xf32>,
        %get3A_422 = arith.constant 0 : i32
        %get3A_423 = arith.index_cast %get3A_422 : i32 to index
        %get3A_424 = arith.constant 96 : index
        %get3A_425 = tpu.vector_load %arg13[%get3A_423, %get3A_424] {strides = array<i32>} : memref<1x128xi32, #tpu.memory_space<vmem>>, vector<16xi32>,
        %mul3A_426 = arith.constant 32 : i32
        %mul3A_427 = vector.broadcast %mul3A_426 : i32 to vector<16xi32>
        %mul3A_428 = arith.muli %get3A_425, %mul3A_427 : vector<16xi32>
        %get3A_429 = arith.constant 96 : index
        %get3A_430 = tpu.vector_load %arg19[%get3A_429] {strides = array<i32>} : memref<128xi32, #tpu.memory_space<vmem>>, vector<16xi32>,
        %add3A_431 = arith.addi %mul3A_428, %get3A_430 : vector<16xi32>
        %swap3A_432 = arith.constant 96 : index
        %swap3A_433 = tpu.vector_load %arg23[%swap3A_432] {strides = array<i32>} : memref<128xi32, #tpu.memory_space<vmem>>, vector<16xi32>,
        tpu.vector_store %arg23[%swap3A_432], %add3A_431 {strides = array<i32>} : memref<128xi32, #tpu.memory_space<vmem>>, vector<16xi32>,
        %get3A_434 = arith.constant 112 : index
        %get3A_435 = tpu.vector_load %arg15[%get3A_434] {strides = array<i32>} : memref<128xf32, #tpu.memory_space<vmem>>, vector<16xf32>,
        %add3A_436 = arith.constant 1.000000e+00 : f32
        %add3A_437 = vector.broadcast %add3A_436 : f32 to vector<16xf32>
        %add3A_438 = arith.addf %add3A_437, %get3A_435 : vector<16xf32>
        %get3A_439 = arith.constant 112 : index
        %get3A_440 = tpu.vector_load %arg17[%get3A_439] {strides = array<i32>} : memref<128xf32, #tpu.memory_space<vmem>>, vector<16xf32>,
        %add3A_441 = arith.addf %add3A_438, %get3A_440 : vector<16xf32>
        %bitcast3A_442 = vector.bitcast %add3A_441 : vector<16xf32> to vector<16xi32>
        %shift_right_arithmetic3A_443 = arith.constant 1 : i32
        %shift_right_arithmetic3A_444 = vector.broadcast %shift_right_arithmetic3A_443 : i32 to vector<16xi32>
        %shift_right_arithmetic3A_445 = arith.shrsi %bitcast3A_442, %shift_right_arithmetic3A_444 : vector<16xi32>
        %sub3A_446 = arith.constant 1597463007 : i32
        %sub3A_447 = vector.broadcast %sub3A_446 : i32 to vector<16xi32>
        %sub3A_448 = arith.subi %sub3A_447, %shift_right_arithmetic3A_445 : vector<16xi32>
        %bitcast3A_449 = vector.bitcast %sub3A_448 : vector<16xi32> to vector<16xf32>
        %mul3A_450 = arith.constant 5.000000e-01 : f32
        %mul3A_451 = vector.broadcast %mul3A_450 : f32 to vector<16xf32>
        %mul3A_452 = arith.mulf %mul3A_451, %add3A_441 : vector<16xf32>
        %mul3A_453 = arith.mulf %mul3A_452, %bitcast3A_449 : vector<16xf32>
        %mul3A_454 = arith.mulf %mul3A_453, %bitcast3A_449 : vector<16xf32>
        %sub3A_455 = arith.constant 1.500000e+00 : f32
        %sub3A_456 = vector.broadcast %sub3A_455 : f32 to vector<16xf32>
        %sub3A_457 = arith.subf %sub3A_456, %mul3A_454 : vector<16xf32>
        %mul3A_458 = arith.mulf %bitcast3A_449, %sub3A_457 : vector<16xf32>
        %mul3A_459 = arith.mulf %mul3A_452, %mul3A_458 : vector<16xf32>
        %mul3A_460 = arith.mulf %mul3A_459, %mul3A_458 : vector<16xf32>
        %sub3A_461 = arith.constant 1.500000e+00 : f32
        %sub3A_462 = vector.broadcast %sub3A_461 : f32 to vector<16xf32>
        %sub3A_463 = arith.subf %sub3A_462, %mul3A_460 : vector<16xf32>
        %mul3A_464 = arith.mulf %mul3A_458, %sub3A_463 : vector<16xf32>
        %mul3A_465 = arith.mulf %mul3A_452, %mul3A_464 : vector<16xf32>
        %mul3A_466 = arith.mulf %mul3A_465, %mul3A_464 : vector<16xf32>
        %sub3A_467 = arith.constant 1.500000e+00 : f32
        %sub3A_468 = vector.broadcast %sub3A_467 : f32 to vector<16xf32>
        %sub3A_469 = arith.subf %sub3A_468, %mul3A_466 : vector<16xf32>
        %mul3A_470 = arith.mulf %mul3A_464, %sub3A_469 : vector<16xf32>
        %swap3A_471 = arith.constant 112 : index
        %swap3A_472 = tpu.vector_load %arg21[%swap3A_471] {strides = array<i32>} : memref<128xf32, #tpu.memory_space<vmem>>, vector<16xf32>,
        tpu.vector_store %arg21[%swap3A_471], %mul3A_470 {strides = array<i32>} : memref<128xf32, #tpu.memory_space<vmem>>, vector<16xf32>,
        %get3A_473 = arith.constant 0 : i32
        %get3A_474 = arith.index_cast %get3A_473 : i32 to index
        %get3A_475 = arith.constant 112 : index
        %get3A_476 = tpu.vector_load %arg13[%get3A_474, %get3A_475] {strides = array<i32>} : memref<1x128xi32, #tpu.memory_space<vmem>>, vector<16xi32>,
        %mul3A_477 = arith.constant 32 : i32
        %mul3A_478 = vector.broadcast %mul3A_477 : i32 to vector<16xi32>
        %mul3A_479 = arith.muli %get3A_476, %mul3A_478 : vector<16xi32>
        %get3A_480 = arith.constant 112 : index
        %get3A_481 = tpu.vector_load %arg19[%get3A_480] {strides = array<i32>} : memref<128xi32, #tpu.memory_space<vmem>>, vector<16xi32>,
        %add3A_482 = arith.addi %mul3A_479, %get3A_481 : vector<16xi32>
        %swap3A_483 = arith.constant 112 : index
        %swap3A_484 = tpu.vector_load %arg23[%swap3A_483] {strides = array<i32>} : memref<128xi32, #tpu.memory_space<vmem>>, vector<16xi32>,
        tpu.vector_store %arg23[%swap3A_483], %add3A_482 {strides = array<i32>} : memref<128xi32, #tpu.memory_space<vmem>>, vector<16xi32>,
        "tpu.region"() ({
          %run_scoped3A = tpu.sem_alloc : memref<!tpu.dma_semaphore, #tpu.memory_space<semaphore_mem>>
          %dma_start3A_913 = arith.constant 0 : i32
          %dma_start3A_914 = tpu.memref_slice %arg10[%dma_start3A_913] : memref<1605632xf32, #tpu.memory_space<vmem_shared>> -> memref<1605632xf32, #tpu.memory_space<vmem_shared>>
          tpu.enqueue_indirect_dma source(%arg21 : memref<128xf32, #tpu.memory_space<vmem>>) target(%dma_start3A_914 : memref<1605632xf32, #tpu.memory_space<vmem_shared>>) offsets(%arg23 : memref<128xi32, #tpu.memory_space<vmem>>) semaphore(%run_scoped3A : memref<!tpu.dma_semaphore, #tpu.memory_space<semaphore_mem>>) {add = true}
          %dma_wait3A_915 = arith.constant 0 : i32
          %dma_wait3A_916 = tpu.memref_slice %arg10[%dma_wait3A_915] : memref<1605632xf32, #tpu.memory_space<vmem_shared>> -> memref<1605632xf32, #tpu.memory_space<vmem_shared>>
          tpu.wait_indirect_dma semaphore(%run_scoped3A : memref<!tpu.dma_semaphore, #tpu.memory_space<semaphore_mem>>) src(%arg21 : memref<128xf32, #tpu.memory_space<vmem>>) dst(%dma_wait3A_916 : memref<1605632xf32, #tpu.memory_space<vmem_shared>>)
          tpu.yield
        }) : () -> ()
        %add3A_485 = arith.constant 2 : i32
        %add3A_486 = arith.addi %mul3A_49, %add3A_485 : i32
        %lt3A = arith.constant 196 : i32
        %lt3A_487 = arith.cmpi slt, %add3A_486, %lt3A : i32
        %convert_element_type3A_488 = arith.extui %lt3A_487 : i1 to i32
        %cond3A_489 = arith.constant 0 : i32
        %cond3A_490 = arith.cmpi ne, %convert_element_type3A_488, %cond3A_489 : i32
        scf.if %cond3A_490 {
          %add3A_913 = arith.constant 2 : i32
          %add3A_914 = arith.addi %mul3A_49, %add3A_913 : i32
          %add3A_915 = arith.addi %mul3A_13, %add3A_914 : i32
          "tpu.region"() ({
            %run_scoped3A = tpu.sem_alloc : memref<!tpu.dma_semaphore, #tpu.memory_space<semaphore_mem>>
            %dma_start3A_934 = arith.constant 0 : i32
            %dma_start3A_935 = tpu.memref_slice %arg2[%add3A_915, %dma_start3A_934] : memref<6272x128xi32, #tpu.memory_space<hbm>> -> memref<1x128xi32, #tpu.memory_space<hbm>>
            %dma_start3A_936 = arith.constant 0 : i32
            %dma_start3A_937 = tpu.memref_slice %arg2[%add3A_915, %dma_start3A_936] : memref<6272x128xi32, #tpu.memory_space<hbm>> -> memref<1x128xi32, #tpu.memory_space<hbm>>
            tpu.enqueue_dma source(%dma_start3A_937 : memref<1x128xi32, #tpu.memory_space<hbm>>) target(%arg11 : memref<1x128xi32, #tpu.memory_space<vmem>>) target_semaphore(%run_scoped3A : memref<!tpu.dma_semaphore, #tpu.memory_space<semaphore_mem>>)
            %dma_wait3A_938 = arith.constant 0 : i32
            %dma_wait3A_939 = tpu.memref_slice %arg2[%add3A_915, %dma_wait3A_938] : memref<6272x128xi32, #tpu.memory_space<hbm>> -> memref<1x128xi32, #tpu.memory_space<hbm>>
            %dma_wait3A_940 = arith.constant 0 : i32
            %dma_wait3A_941 = tpu.memref_slice %arg2[%add3A_915, %dma_wait3A_940] : memref<6272x128xi32, #tpu.memory_space<hbm>> -> memref<1x128xi32, #tpu.memory_space<hbm>>
            tpu.wait_dma2 semaphore(%run_scoped3A : memref<!tpu.dma_semaphore, #tpu.memory_space<semaphore_mem>>) src(%dma_wait3A_941 : memref<1x128xi32, #tpu.memory_space<hbm>>) dst(%arg11 : memref<1x128xi32, #tpu.memory_space<vmem>>)
            tpu.yield
          }) : () -> ()
          "tpu.region"() ({
            %run_scoped3A = tpu.sem_alloc : memref<!tpu.dma_semaphore, #tpu.memory_space<semaphore_mem>>
            %dma_start3A_934 = arith.constant 0 : i32
            %dma_start3A_935 = tpu.memref_slice %arg3[%add3A_915, %dma_start3A_934] : memref<6272x128xi32, #tpu.memory_space<hbm>> -> memref<1x128xi32, #tpu.memory_space<hbm>>
            %dma_start3A_936 = arith.constant 0 : i32
            %dma_start3A_937 = tpu.memref_slice %arg3[%add3A_915, %dma_start3A_936] : memref<6272x128xi32, #tpu.memory_space<hbm>> -> memref<1x128xi32, #tpu.memory_space<hbm>>
            tpu.enqueue_dma source(%dma_start3A_937 : memref<1x128xi32, #tpu.memory_space<hbm>>) target(%arg13 : memref<1x128xi32, #tpu.memory_space<vmem>>) target_semaphore(%run_scoped3A : memref<!tpu.dma_semaphore, #tpu.memory_space<semaphore_mem>>)
            %dma_wait3A_938 = arith.constant 0 : i32
            %dma_wait3A_939 = tpu.memref_slice %arg3[%add3A_915, %dma_wait3A_938] : memref<6272x128xi32, #tpu.memory_space<hbm>> -> memref<1x128xi32, #tpu.memory_space<hbm>>
            %dma_wait3A_940 = arith.constant 0 : i32
            %dma_wait3A_941 = tpu.memref_slice %arg3[%add3A_915, %dma_wait3A_940] : memref<6272x128xi32, #tpu.memory_space<hbm>> -> memref<1x128xi32, #tpu.memory_space<hbm>>
            tpu.wait_dma2 semaphore(%run_scoped3A : memref<!tpu.dma_semaphore, #tpu.memory_space<semaphore_mem>>) src(%dma_wait3A_941 : memref<1x128xi32, #tpu.memory_space<hbm>>) dst(%arg13 : memref<1x128xi32, #tpu.memory_space<vmem>>)
            tpu.yield
          }) : () -> ()
          %dma_start3A_916 = arith.constant 0 : i32
          %dma_start3A_917 = arith.constant 0 : i32
          %dma_start3A_918 = tpu.memref_slice %arg11[%dma_start3A_916, %dma_start3A_917] : memref<1x128xi32, #tpu.memory_space<vmem>> -> memref<1x128xi32, #tpu.memory_space<vmem>>
          %dma_start3A_919 = tpu.memref_squeeze %dma_start3A_918 : memref<1x128xi32, #tpu.memory_space<vmem>> -> memref<128xi32, #tpu.memory_space<vmem>>
          %dma_start3A_920 = arith.constant 0 : i32
          %dma_start3A_921 = tpu.memref_slice %arg4[%dma_start3A_920] : memref<50176xf32, #tpu.memory_space<hbm>> -> memref<50176xf32, #tpu.memory_space<hbm>>
          tpu.enqueue_indirect_dma source(%dma_start3A_921 : memref<50176xf32, #tpu.memory_space<hbm>>) target(%arg15 : memref<128xf32, #tpu.memory_space<vmem>>) offsets(%dma_start3A_919 : memref<128xi32, #tpu.memory_space<vmem>>) semaphore(%arg25 : memref<!tpu.dma_semaphore, #tpu.memory_space<semaphore_mem>>)
          %dma_start3A_922 = arith.constant 0 : i32
          %dma_start3A_923 = arith.constant 0 : i32
          %dma_start3A_924 = tpu.memref_slice %arg11[%dma_start3A_922, %dma_start3A_923] : memref<1x128xi32, #tpu.memory_space<vmem>> -> memref<1x128xi32, #tpu.memory_space<vmem>>
          %dma_start3A_925 = tpu.memref_squeeze %dma_start3A_924 : memref<1x128xi32, #tpu.memory_space<vmem>> -> memref<128xi32, #tpu.memory_space<vmem>>
          %dma_start3A_926 = arith.constant 0 : i32
          %dma_start3A_927 = tpu.memref_slice %arg5[%dma_start3A_926] : memref<50176xf32, #tpu.memory_space<hbm>> -> memref<50176xf32, #tpu.memory_space<hbm>>
          tpu.enqueue_indirect_dma source(%dma_start3A_927 : memref<50176xf32, #tpu.memory_space<hbm>>) target(%arg17 : memref<128xf32, #tpu.memory_space<vmem>>) offsets(%dma_start3A_925 : memref<128xi32, #tpu.memory_space<vmem>>) semaphore(%arg25 : memref<!tpu.dma_semaphore, #tpu.memory_space<semaphore_mem>>)
          %dma_start3A_928 = arith.constant 0 : i32
          %dma_start3A_929 = arith.constant 0 : i32
          %dma_start3A_930 = tpu.memref_slice %arg11[%dma_start3A_928, %dma_start3A_929] : memref<1x128xi32, #tpu.memory_space<vmem>> -> memref<1x128xi32, #tpu.memory_space<vmem>>
          %dma_start3A_931 = tpu.memref_squeeze %dma_start3A_930 : memref<1x128xi32, #tpu.memory_space<vmem>> -> memref<128xi32, #tpu.memory_space<vmem>>
          %dma_start3A_932 = arith.constant 0 : i32
          %dma_start3A_933 = tpu.memref_slice %arg6[%dma_start3A_932] : memref<50000xi32, #tpu.memory_space<hbm>> -> memref<50000xi32, #tpu.memory_space<hbm>>
          tpu.enqueue_indirect_dma source(%dma_start3A_933 : memref<50000xi32, #tpu.memory_space<hbm>>) target(%arg19 : memref<128xi32, #tpu.memory_space<vmem>>) offsets(%dma_start3A_931 : memref<128xi32, #tpu.memory_space<vmem>>) semaphore(%arg25 : memref<!tpu.dma_semaphore, #tpu.memory_space<semaphore_mem>>)
        } else {
        }
        %add3A_491 = arith.constant 1 : i32
        %add3A_492 = arith.addi %mul3A_49, %add3A_491 : i32
        %dma_wait3A_493 = arith.constant 0 : i32
        %dma_wait3A_494 = tpu.memref_slice %arg4[%dma_wait3A_493] : memref<50176xf32, #tpu.memory_space<hbm>> -> memref<128xf32, #tpu.memory_space<hbm>>
        %dma_wait3A_495 = arith.constant 0 : i32
        %dma_wait3A_496 = tpu.memref_slice %arg4[%dma_wait3A_495] : memref<50176xf32, #tpu.memory_space<hbm>> -> memref<128xf32, #tpu.memory_space<hbm>>
        tpu.wait_dma2 semaphore(%arg26 : memref<!tpu.dma_semaphore, #tpu.memory_space<semaphore_mem>>) src(%dma_wait3A_496 : memref<128xf32, #tpu.memory_space<hbm>>) dst(%arg16 : memref<128xf32, #tpu.memory_space<vmem>>)
        %dma_wait3A_497 = arith.constant 0 : i32
        %dma_wait3A_498 = tpu.memref_slice %arg5[%dma_wait3A_497] : memref<50176xf32, #tpu.memory_space<hbm>> -> memref<128xf32, #tpu.memory_space<hbm>>
        %dma_wait3A_499 = arith.constant 0 : i32
        %dma_wait3A_500 = tpu.memref_slice %arg5[%dma_wait3A_499] : memref<50176xf32, #tpu.memory_space<hbm>> -> memref<128xf32, #tpu.memory_space<hbm>>
        tpu.wait_dma2 semaphore(%arg26 : memref<!tpu.dma_semaphore, #tpu.memory_space<semaphore_mem>>) src(%dma_wait3A_500 : memref<128xf32, #tpu.memory_space<hbm>>) dst(%arg18 : memref<128xf32, #tpu.memory_space<vmem>>)
        %dma_wait3A_501 = arith.constant 0 : i32
        %dma_wait3A_502 = tpu.memref_slice %arg6[%dma_wait3A_501] : memref<50000xi32, #tpu.memory_space<hbm>> -> memref<128xi32, #tpu.memory_space<hbm>>
        %dma_wait3A_503 = arith.constant 0 : i32
        %dma_wait3A_504 = tpu.memref_slice %arg6[%dma_wait3A_503] : memref<50000xi32, #tpu.memory_space<hbm>> -> memref<128xi32, #tpu.memory_space<hbm>>
        tpu.wait_dma2 semaphore(%arg26 : memref<!tpu.dma_semaphore, #tpu.memory_space<semaphore_mem>>) src(%dma_wait3A_504 : memref<128xi32, #tpu.memory_space<hbm>>) dst(%arg20 : memref<128xi32, #tpu.memory_space<vmem>>)
        %get3A_505 = arith.constant 0 : index
        %get3A_506 = tpu.vector_load %arg16[%get3A_505] {strides = array<i32>} : memref<128xf32, #tpu.memory_space<vmem>>, vector<16xf32>,
        %add3A_507 = arith.constant 1.000000e+00 : f32
        %add3A_508 = vector.broadcast %add3A_507 : f32 to vector<16xf32>
        %add3A_509 = arith.addf %add3A_508, %get3A_506 : vector<16xf32>
        %get3A_510 = arith.constant 0 : index
        %get3A_511 = tpu.vector_load %arg18[%get3A_510] {strides = array<i32>} : memref<128xf32, #tpu.memory_space<vmem>>, vector<16xf32>,
        %add3A_512 = arith.addf %add3A_509, %get3A_511 : vector<16xf32>
        %bitcast3A_513 = vector.bitcast %add3A_512 : vector<16xf32> to vector<16xi32>
        %shift_right_arithmetic3A_514 = arith.constant 1 : i32
        %shift_right_arithmetic3A_515 = vector.broadcast %shift_right_arithmetic3A_514 : i32 to vector<16xi32>
        %shift_right_arithmetic3A_516 = arith.shrsi %bitcast3A_513, %shift_right_arithmetic3A_515 : vector<16xi32>
        %sub3A_517 = arith.constant 1597463007 : i32
        %sub3A_518 = vector.broadcast %sub3A_517 : i32 to vector<16xi32>
        %sub3A_519 = arith.subi %sub3A_518, %shift_right_arithmetic3A_516 : vector<16xi32>
        %bitcast3A_520 = vector.bitcast %sub3A_519 : vector<16xi32> to vector<16xf32>
        %mul3A_521 = arith.constant 5.000000e-01 : f32
        %mul3A_522 = vector.broadcast %mul3A_521 : f32 to vector<16xf32>
        %mul3A_523 = arith.mulf %mul3A_522, %add3A_512 : vector<16xf32>
        %mul3A_524 = arith.mulf %mul3A_523, %bitcast3A_520 : vector<16xf32>
        %mul3A_525 = arith.mulf %mul3A_524, %bitcast3A_520 : vector<16xf32>
        %sub3A_526 = arith.constant 1.500000e+00 : f32
        %sub3A_527 = vector.broadcast %sub3A_526 : f32 to vector<16xf32>
        %sub3A_528 = arith.subf %sub3A_527, %mul3A_525 : vector<16xf32>
        %mul3A_529 = arith.mulf %bitcast3A_520, %sub3A_528 : vector<16xf32>
        %mul3A_530 = arith.mulf %mul3A_523, %mul3A_529 : vector<16xf32>
        %mul3A_531 = arith.mulf %mul3A_530, %mul3A_529 : vector<16xf32>
        %sub3A_532 = arith.constant 1.500000e+00 : f32
        %sub3A_533 = vector.broadcast %sub3A_532 : f32 to vector<16xf32>
        %sub3A_534 = arith.subf %sub3A_533, %mul3A_531 : vector<16xf32>
        %mul3A_535 = arith.mulf %mul3A_529, %sub3A_534 : vector<16xf32>
        %mul3A_536 = arith.mulf %mul3A_523, %mul3A_535 : vector<16xf32>
        %mul3A_537 = arith.mulf %mul3A_536, %mul3A_535 : vector<16xf32>
        %sub3A_538 = arith.constant 1.500000e+00 : f32
        %sub3A_539 = vector.broadcast %sub3A_538 : f32 to vector<16xf32>
        %sub3A_540 = arith.subf %sub3A_539, %mul3A_537 : vector<16xf32>
        %mul3A_541 = arith.mulf %mul3A_535, %sub3A_540 : vector<16xf32>
        %swap3A_542 = arith.constant 0 : index
        %swap3A_543 = tpu.vector_load %arg22[%swap3A_542] {strides = array<i32>} : memref<128xf32, #tpu.memory_space<vmem>>, vector<16xf32>,
        tpu.vector_store %arg22[%swap3A_542], %mul3A_541 {strides = array<i32>} : memref<128xf32, #tpu.memory_space<vmem>>, vector<16xf32>,
        %get3A_544 = arith.constant 0 : i32
        %get3A_545 = arith.index_cast %get3A_544 : i32 to index
        %get3A_546 = arith.constant 0 : index
        %get3A_547 = tpu.vector_load %arg14[%get3A_545, %get3A_546] {strides = array<i32>} : memref<1x128xi32, #tpu.memory_space<vmem>>, vector<16xi32>,
        %mul3A_548 = arith.constant 32 : i32
        %mul3A_549 = vector.broadcast %mul3A_548 : i32 to vector<16xi32>
        %mul3A_550 = arith.muli %get3A_547, %mul3A_549 : vector<16xi32>
        %get3A_551 = arith.constant 0 : index
        %get3A_552 = tpu.vector_load %arg20[%get3A_551] {strides = array<i32>} : memref<128xi32, #tpu.memory_space<vmem>>, vector<16xi32>,
        %add3A_553 = arith.addi %mul3A_550, %get3A_552 : vector<16xi32>
        %swap3A_554 = arith.constant 0 : index
        %swap3A_555 = tpu.vector_load %arg24[%swap3A_554] {strides = array<i32>} : memref<128xi32, #tpu.memory_space<vmem>>, vector<16xi32>,
        tpu.vector_store %arg24[%swap3A_554], %add3A_553 {strides = array<i32>} : memref<128xi32, #tpu.memory_space<vmem>>, vector<16xi32>,
        %get3A_556 = arith.constant 16 : index
        %get3A_557 = tpu.vector_load %arg16[%get3A_556] {strides = array<i32>} : memref<128xf32, #tpu.memory_space<vmem>>, vector<16xf32>,
        %add3A_558 = arith.constant 1.000000e+00 : f32
        %add3A_559 = vector.broadcast %add3A_558 : f32 to vector<16xf32>
        %add3A_560 = arith.addf %add3A_559, %get3A_557 : vector<16xf32>
        %get3A_561 = arith.constant 16 : index
        %get3A_562 = tpu.vector_load %arg18[%get3A_561] {strides = array<i32>} : memref<128xf32, #tpu.memory_space<vmem>>, vector<16xf32>,
        %add3A_563 = arith.addf %add3A_560, %get3A_562 : vector<16xf32>
        %bitcast3A_564 = vector.bitcast %add3A_563 : vector<16xf32> to vector<16xi32>
        %shift_right_arithmetic3A_565 = arith.constant 1 : i32
        %shift_right_arithmetic3A_566 = vector.broadcast %shift_right_arithmetic3A_565 : i32 to vector<16xi32>
        %shift_right_arithmetic3A_567 = arith.shrsi %bitcast3A_564, %shift_right_arithmetic3A_566 : vector<16xi32>
        %sub3A_568 = arith.constant 1597463007 : i32
        %sub3A_569 = vector.broadcast %sub3A_568 : i32 to vector<16xi32>
        %sub3A_570 = arith.subi %sub3A_569, %shift_right_arithmetic3A_567 : vector<16xi32>
        %bitcast3A_571 = vector.bitcast %sub3A_570 : vector<16xi32> to vector<16xf32>
        %mul3A_572 = arith.constant 5.000000e-01 : f32
        %mul3A_573 = vector.broadcast %mul3A_572 : f32 to vector<16xf32>
        %mul3A_574 = arith.mulf %mul3A_573, %add3A_563 : vector<16xf32>
        %mul3A_575 = arith.mulf %mul3A_574, %bitcast3A_571 : vector<16xf32>
        %mul3A_576 = arith.mulf %mul3A_575, %bitcast3A_571 : vector<16xf32>
        %sub3A_577 = arith.constant 1.500000e+00 : f32
        %sub3A_578 = vector.broadcast %sub3A_577 : f32 to vector<16xf32>
        %sub3A_579 = arith.subf %sub3A_578, %mul3A_576 : vector<16xf32>
        %mul3A_580 = arith.mulf %bitcast3A_571, %sub3A_579 : vector<16xf32>
        %mul3A_581 = arith.mulf %mul3A_574, %mul3A_580 : vector<16xf32>
        %mul3A_582 = arith.mulf %mul3A_581, %mul3A_580 : vector<16xf32>
        %sub3A_583 = arith.constant 1.500000e+00 : f32
        %sub3A_584 = vector.broadcast %sub3A_583 : f32 to vector<16xf32>
        %sub3A_585 = arith.subf %sub3A_584, %mul3A_582 : vector<16xf32>
        %mul3A_586 = arith.mulf %mul3A_580, %sub3A_585 : vector<16xf32>
        %mul3A_587 = arith.mulf %mul3A_574, %mul3A_586 : vector<16xf32>
        %mul3A_588 = arith.mulf %mul3A_587, %mul3A_586 : vector<16xf32>
        %sub3A_589 = arith.constant 1.500000e+00 : f32
        %sub3A_590 = vector.broadcast %sub3A_589 : f32 to vector<16xf32>
        %sub3A_591 = arith.subf %sub3A_590, %mul3A_588 : vector<16xf32>
        %mul3A_592 = arith.mulf %mul3A_586, %sub3A_591 : vector<16xf32>
        %swap3A_593 = arith.constant 16 : index
        %swap3A_594 = tpu.vector_load %arg22[%swap3A_593] {strides = array<i32>} : memref<128xf32, #tpu.memory_space<vmem>>, vector<16xf32>,
        tpu.vector_store %arg22[%swap3A_593], %mul3A_592 {strides = array<i32>} : memref<128xf32, #tpu.memory_space<vmem>>, vector<16xf32>,
        %get3A_595 = arith.constant 0 : i32
        %get3A_596 = arith.index_cast %get3A_595 : i32 to index
        %get3A_597 = arith.constant 16 : index
        %get3A_598 = tpu.vector_load %arg14[%get3A_596, %get3A_597] {strides = array<i32>} : memref<1x128xi32, #tpu.memory_space<vmem>>, vector<16xi32>,
        %mul3A_599 = arith.constant 32 : i32
        %mul3A_600 = vector.broadcast %mul3A_599 : i32 to vector<16xi32>
        %mul3A_601 = arith.muli %get3A_598, %mul3A_600 : vector<16xi32>
        %get3A_602 = arith.constant 16 : index
        %get3A_603 = tpu.vector_load %arg20[%get3A_602] {strides = array<i32>} : memref<128xi32, #tpu.memory_space<vmem>>, vector<16xi32>,
        %add3A_604 = arith.addi %mul3A_601, %get3A_603 : vector<16xi32>
        %swap3A_605 = arith.constant 16 : index
        %swap3A_606 = tpu.vector_load %arg24[%swap3A_605] {strides = array<i32>} : memref<128xi32, #tpu.memory_space<vmem>>, vector<16xi32>,
        tpu.vector_store %arg24[%swap3A_605], %add3A_604 {strides = array<i32>} : memref<128xi32, #tpu.memory_space<vmem>>, vector<16xi32>,
        %get3A_607 = arith.constant 32 : index
        %get3A_608 = tpu.vector_load %arg16[%get3A_607] {strides = array<i32>} : memref<128xf32, #tpu.memory_space<vmem>>, vector<16xf32>,
        %add3A_609 = arith.constant 1.000000e+00 : f32
        %add3A_610 = vector.broadcast %add3A_609 : f32 to vector<16xf32>
        %add3A_611 = arith.addf %add3A_610, %get3A_608 : vector<16xf32>
        %get3A_612 = arith.constant 32 : index
        %get3A_613 = tpu.vector_load %arg18[%get3A_612] {strides = array<i32>} : memref<128xf32, #tpu.memory_space<vmem>>, vector<16xf32>,
        %add3A_614 = arith.addf %add3A_611, %get3A_613 : vector<16xf32>
        %bitcast3A_615 = vector.bitcast %add3A_614 : vector<16xf32> to vector<16xi32>
        %shift_right_arithmetic3A_616 = arith.constant 1 : i32
        %shift_right_arithmetic3A_617 = vector.broadcast %shift_right_arithmetic3A_616 : i32 to vector<16xi32>
        %shift_right_arithmetic3A_618 = arith.shrsi %bitcast3A_615, %shift_right_arithmetic3A_617 : vector<16xi32>
        %sub3A_619 = arith.constant 1597463007 : i32
        %sub3A_620 = vector.broadcast %sub3A_619 : i32 to vector<16xi32>
        %sub3A_621 = arith.subi %sub3A_620, %shift_right_arithmetic3A_618 : vector<16xi32>
        %bitcast3A_622 = vector.bitcast %sub3A_621 : vector<16xi32> to vector<16xf32>
        %mul3A_623 = arith.constant 5.000000e-01 : f32
        %mul3A_624 = vector.broadcast %mul3A_623 : f32 to vector<16xf32>
        %mul3A_625 = arith.mulf %mul3A_624, %add3A_614 : vector<16xf32>
        %mul3A_626 = arith.mulf %mul3A_625, %bitcast3A_622 : vector<16xf32>
        %mul3A_627 = arith.mulf %mul3A_626, %bitcast3A_622 : vector<16xf32>
        %sub3A_628 = arith.constant 1.500000e+00 : f32
        %sub3A_629 = vector.broadcast %sub3A_628 : f32 to vector<16xf32>
        %sub3A_630 = arith.subf %sub3A_629, %mul3A_627 : vector<16xf32>
        %mul3A_631 = arith.mulf %bitcast3A_622, %sub3A_630 : vector<16xf32>
        %mul3A_632 = arith.mulf %mul3A_625, %mul3A_631 : vector<16xf32>
        %mul3A_633 = arith.mulf %mul3A_632, %mul3A_631 : vector<16xf32>
        %sub3A_634 = arith.constant 1.500000e+00 : f32
        %sub3A_635 = vector.broadcast %sub3A_634 : f32 to vector<16xf32>
        %sub3A_636 = arith.subf %sub3A_635, %mul3A_633 : vector<16xf32>
        %mul3A_637 = arith.mulf %mul3A_631, %sub3A_636 : vector<16xf32>
        %mul3A_638 = arith.mulf %mul3A_625, %mul3A_637 : vector<16xf32>
        %mul3A_639 = arith.mulf %mul3A_638, %mul3A_637 : vector<16xf32>
        %sub3A_640 = arith.constant 1.500000e+00 : f32
        %sub3A_641 = vector.broadcast %sub3A_640 : f32 to vector<16xf32>
        %sub3A_642 = arith.subf %sub3A_641, %mul3A_639 : vector<16xf32>
        %mul3A_643 = arith.mulf %mul3A_637, %sub3A_642 : vector<16xf32>
        %swap3A_644 = arith.constant 32 : index
        %swap3A_645 = tpu.vector_load %arg22[%swap3A_644] {strides = array<i32>} : memref<128xf32, #tpu.memory_space<vmem>>, vector<16xf32>,
        tpu.vector_store %arg22[%swap3A_644], %mul3A_643 {strides = array<i32>} : memref<128xf32, #tpu.memory_space<vmem>>, vector<16xf32>,
        %get3A_646 = arith.constant 0 : i32
        %get3A_647 = arith.index_cast %get3A_646 : i32 to index
        %get3A_648 = arith.constant 32 : index
        %get3A_649 = tpu.vector_load %arg14[%get3A_647, %get3A_648] {strides = array<i32>} : memref<1x128xi32, #tpu.memory_space<vmem>>, vector<16xi32>,
        %mul3A_650 = arith.constant 32 : i32
        %mul3A_651 = vector.broadcast %mul3A_650 : i32 to vector<16xi32>
        %mul3A_652 = arith.muli %get3A_649, %mul3A_651 : vector<16xi32>
        %get3A_653 = arith.constant 32 : index
        %get3A_654 = tpu.vector_load %arg20[%get3A_653] {strides = array<i32>} : memref<128xi32, #tpu.memory_space<vmem>>, vector<16xi32>,
        %add3A_655 = arith.addi %mul3A_652, %get3A_654 : vector<16xi32>
        %swap3A_656 = arith.constant 32 : index
        %swap3A_657 = tpu.vector_load %arg24[%swap3A_656] {strides = array<i32>} : memref<128xi32, #tpu.memory_space<vmem>>, vector<16xi32>,
        tpu.vector_store %arg24[%swap3A_656], %add3A_655 {strides = array<i32>} : memref<128xi32, #tpu.memory_space<vmem>>, vector<16xi32>,
        %get3A_658 = arith.constant 48 : index
        %get3A_659 = tpu.vector_load %arg16[%get3A_658] {strides = array<i32>} : memref<128xf32, #tpu.memory_space<vmem>>, vector<16xf32>,
        %add3A_660 = arith.constant 1.000000e+00 : f32
        %add3A_661 = vector.broadcast %add3A_660 : f32 to vector<16xf32>
        %add3A_662 = arith.addf %add3A_661, %get3A_659 : vector<16xf32>
        %get3A_663 = arith.constant 48 : index
        %get3A_664 = tpu.vector_load %arg18[%get3A_663] {strides = array<i32>} : memref<128xf32, #tpu.memory_space<vmem>>, vector<16xf32>,
        %add3A_665 = arith.addf %add3A_662, %get3A_664 : vector<16xf32>
        %bitcast3A_666 = vector.bitcast %add3A_665 : vector<16xf32> to vector<16xi32>
        %shift_right_arithmetic3A_667 = arith.constant 1 : i32
        %shift_right_arithmetic3A_668 = vector.broadcast %shift_right_arithmetic3A_667 : i32 to vector<16xi32>
        %shift_right_arithmetic3A_669 = arith.shrsi %bitcast3A_666, %shift_right_arithmetic3A_668 : vector<16xi32>
        %sub3A_670 = arith.constant 1597463007 : i32
        %sub3A_671 = vector.broadcast %sub3A_670 : i32 to vector<16xi32>
        %sub3A_672 = arith.subi %sub3A_671, %shift_right_arithmetic3A_669 : vector<16xi32>
        %bitcast3A_673 = vector.bitcast %sub3A_672 : vector<16xi32> to vector<16xf32>
        %mul3A_674 = arith.constant 5.000000e-01 : f32
        %mul3A_675 = vector.broadcast %mul3A_674 : f32 to vector<16xf32>
        %mul3A_676 = arith.mulf %mul3A_675, %add3A_665 : vector<16xf32>
        %mul3A_677 = arith.mulf %mul3A_676, %bitcast3A_673 : vector<16xf32>
        %mul3A_678 = arith.mulf %mul3A_677, %bitcast3A_673 : vector<16xf32>
        %sub3A_679 = arith.constant 1.500000e+00 : f32
        %sub3A_680 = vector.broadcast %sub3A_679 : f32 to vector<16xf32>
        %sub3A_681 = arith.subf %sub3A_680, %mul3A_678 : vector<16xf32>
        %mul3A_682 = arith.mulf %bitcast3A_673, %sub3A_681 : vector<16xf32>
        %mul3A_683 = arith.mulf %mul3A_676, %mul3A_682 : vector<16xf32>
        %mul3A_684 = arith.mulf %mul3A_683, %mul3A_682 : vector<16xf32>
        %sub3A_685 = arith.constant 1.500000e+00 : f32
        %sub3A_686 = vector.broadcast %sub3A_685 : f32 to vector<16xf32>
        %sub3A_687 = arith.subf %sub3A_686, %mul3A_684 : vector<16xf32>
        %mul3A_688 = arith.mulf %mul3A_682, %sub3A_687 : vector<16xf32>
        %mul3A_689 = arith.mulf %mul3A_676, %mul3A_688 : vector<16xf32>
        %mul3A_690 = arith.mulf %mul3A_689, %mul3A_688 : vector<16xf32>
        %sub3A_691 = arith.constant 1.500000e+00 : f32
        %sub3A_692 = vector.broadcast %sub3A_691 : f32 to vector<16xf32>
        %sub3A_693 = arith.subf %sub3A_692, %mul3A_690 : vector<16xf32>
        %mul3A_694 = arith.mulf %mul3A_688, %sub3A_693 : vector<16xf32>
        %swap3A_695 = arith.constant 48 : index
        %swap3A_696 = tpu.vector_load %arg22[%swap3A_695] {strides = array<i32>} : memref<128xf32, #tpu.memory_space<vmem>>, vector<16xf32>,
        tpu.vector_store %arg22[%swap3A_695], %mul3A_694 {strides = array<i32>} : memref<128xf32, #tpu.memory_space<vmem>>, vector<16xf32>,
        %get3A_697 = arith.constant 0 : i32
        %get3A_698 = arith.index_cast %get3A_697 : i32 to index
        %get3A_699 = arith.constant 48 : index
        %get3A_700 = tpu.vector_load %arg14[%get3A_698, %get3A_699] {strides = array<i32>} : memref<1x128xi32, #tpu.memory_space<vmem>>, vector<16xi32>,
        %mul3A_701 = arith.constant 32 : i32
        %mul3A_702 = vector.broadcast %mul3A_701 : i32 to vector<16xi32>
        %mul3A_703 = arith.muli %get3A_700, %mul3A_702 : vector<16xi32>
        %get3A_704 = arith.constant 48 : index
        %get3A_705 = tpu.vector_load %arg20[%get3A_704] {strides = array<i32>} : memref<128xi32, #tpu.memory_space<vmem>>, vector<16xi32>,
        %add3A_706 = arith.addi %mul3A_703, %get3A_705 : vector<16xi32>
        %swap3A_707 = arith.constant 48 : index
        %swap3A_708 = tpu.vector_load %arg24[%swap3A_707] {strides = array<i32>} : memref<128xi32, #tpu.memory_space<vmem>>, vector<16xi32>,
        tpu.vector_store %arg24[%swap3A_707], %add3A_706 {strides = array<i32>} : memref<128xi32, #tpu.memory_space<vmem>>, vector<16xi32>,
        %get3A_709 = arith.constant 64 : index
        %get3A_710 = tpu.vector_load %arg16[%get3A_709] {strides = array<i32>} : memref<128xf32, #tpu.memory_space<vmem>>, vector<16xf32>,
        %add3A_711 = arith.constant 1.000000e+00 : f32
        %add3A_712 = vector.broadcast %add3A_711 : f32 to vector<16xf32>
        %add3A_713 = arith.addf %add3A_712, %get3A_710 : vector<16xf32>
        %get3A_714 = arith.constant 64 : index
        %get3A_715 = tpu.vector_load %arg18[%get3A_714] {strides = array<i32>} : memref<128xf32, #tpu.memory_space<vmem>>, vector<16xf32>,
        %add3A_716 = arith.addf %add3A_713, %get3A_715 : vector<16xf32>
        %bitcast3A_717 = vector.bitcast %add3A_716 : vector<16xf32> to vector<16xi32>
        %shift_right_arithmetic3A_718 = arith.constant 1 : i32
        %shift_right_arithmetic3A_719 = vector.broadcast %shift_right_arithmetic3A_718 : i32 to vector<16xi32>
        %shift_right_arithmetic3A_720 = arith.shrsi %bitcast3A_717, %shift_right_arithmetic3A_719 : vector<16xi32>
        %sub3A_721 = arith.constant 1597463007 : i32
        %sub3A_722 = vector.broadcast %sub3A_721 : i32 to vector<16xi32>
        %sub3A_723 = arith.subi %sub3A_722, %shift_right_arithmetic3A_720 : vector<16xi32>
        %bitcast3A_724 = vector.bitcast %sub3A_723 : vector<16xi32> to vector<16xf32>
        %mul3A_725 = arith.constant 5.000000e-01 : f32
        %mul3A_726 = vector.broadcast %mul3A_725 : f32 to vector<16xf32>
        %mul3A_727 = arith.mulf %mul3A_726, %add3A_716 : vector<16xf32>
        %mul3A_728 = arith.mulf %mul3A_727, %bitcast3A_724 : vector<16xf32>
        %mul3A_729 = arith.mulf %mul3A_728, %bitcast3A_724 : vector<16xf32>
        %sub3A_730 = arith.constant 1.500000e+00 : f32
        %sub3A_731 = vector.broadcast %sub3A_730 : f32 to vector<16xf32>
        %sub3A_732 = arith.subf %sub3A_731, %mul3A_729 : vector<16xf32>
        %mul3A_733 = arith.mulf %bitcast3A_724, %sub3A_732 : vector<16xf32>
        %mul3A_734 = arith.mulf %mul3A_727, %mul3A_733 : vector<16xf32>
        %mul3A_735 = arith.mulf %mul3A_734, %mul3A_733 : vector<16xf32>
        %sub3A_736 = arith.constant 1.500000e+00 : f32
        %sub3A_737 = vector.broadcast %sub3A_736 : f32 to vector<16xf32>
        %sub3A_738 = arith.subf %sub3A_737, %mul3A_735 : vector<16xf32>
        %mul3A_739 = arith.mulf %mul3A_733, %sub3A_738 : vector<16xf32>
        %mul3A_740 = arith.mulf %mul3A_727, %mul3A_739 : vector<16xf32>
        %mul3A_741 = arith.mulf %mul3A_740, %mul3A_739 : vector<16xf32>
        %sub3A_742 = arith.constant 1.500000e+00 : f32
        %sub3A_743 = vector.broadcast %sub3A_742 : f32 to vector<16xf32>
        %sub3A_744 = arith.subf %sub3A_743, %mul3A_741 : vector<16xf32>
        %mul3A_745 = arith.mulf %mul3A_739, %sub3A_744 : vector<16xf32>
        %swap3A_746 = arith.constant 64 : index
        %swap3A_747 = tpu.vector_load %arg22[%swap3A_746] {strides = array<i32>} : memref<128xf32, #tpu.memory_space<vmem>>, vector<16xf32>,
        tpu.vector_store %arg22[%swap3A_746], %mul3A_745 {strides = array<i32>} : memref<128xf32, #tpu.memory_space<vmem>>, vector<16xf32>,
        %get3A_748 = arith.constant 0 : i32
        %get3A_749 = arith.index_cast %get3A_748 : i32 to index
        %get3A_750 = arith.constant 64 : index
        %get3A_751 = tpu.vector_load %arg14[%get3A_749, %get3A_750] {strides = array<i32>} : memref<1x128xi32, #tpu.memory_space<vmem>>, vector<16xi32>,
        %mul3A_752 = arith.constant 32 : i32
        %mul3A_753 = vector.broadcast %mul3A_752 : i32 to vector<16xi32>
        %mul3A_754 = arith.muli %get3A_751, %mul3A_753 : vector<16xi32>
        %get3A_755 = arith.constant 64 : index
        %get3A_756 = tpu.vector_load %arg20[%get3A_755] {strides = array<i32>} : memref<128xi32, #tpu.memory_space<vmem>>, vector<16xi32>,
        %add3A_757 = arith.addi %mul3A_754, %get3A_756 : vector<16xi32>
        %swap3A_758 = arith.constant 64 : index
        %swap3A_759 = tpu.vector_load %arg24[%swap3A_758] {strides = array<i32>} : memref<128xi32, #tpu.memory_space<vmem>>, vector<16xi32>,
        tpu.vector_store %arg24[%swap3A_758], %add3A_757 {strides = array<i32>} : memref<128xi32, #tpu.memory_space<vmem>>, vector<16xi32>,
        %get3A_760 = arith.constant 80 : index
        %get3A_761 = tpu.vector_load %arg16[%get3A_760] {strides = array<i32>} : memref<128xf32, #tpu.memory_space<vmem>>, vector<16xf32>,
        %add3A_762 = arith.constant 1.000000e+00 : f32
        %add3A_763 = vector.broadcast %add3A_762 : f32 to vector<16xf32>
        %add3A_764 = arith.addf %add3A_763, %get3A_761 : vector<16xf32>
        %get3A_765 = arith.constant 80 : index
        %get3A_766 = tpu.vector_load %arg18[%get3A_765] {strides = array<i32>} : memref<128xf32, #tpu.memory_space<vmem>>, vector<16xf32>,
        %add3A_767 = arith.addf %add3A_764, %get3A_766 : vector<16xf32>
        %bitcast3A_768 = vector.bitcast %add3A_767 : vector<16xf32> to vector<16xi32>
        %shift_right_arithmetic3A_769 = arith.constant 1 : i32
        %shift_right_arithmetic3A_770 = vector.broadcast %shift_right_arithmetic3A_769 : i32 to vector<16xi32>
        %shift_right_arithmetic3A_771 = arith.shrsi %bitcast3A_768, %shift_right_arithmetic3A_770 : vector<16xi32>
        %sub3A_772 = arith.constant 1597463007 : i32
        %sub3A_773 = vector.broadcast %sub3A_772 : i32 to vector<16xi32>
        %sub3A_774 = arith.subi %sub3A_773, %shift_right_arithmetic3A_771 : vector<16xi32>
        %bitcast3A_775 = vector.bitcast %sub3A_774 : vector<16xi32> to vector<16xf32>
        %mul3A_776 = arith.constant 5.000000e-01 : f32
        %mul3A_777 = vector.broadcast %mul3A_776 : f32 to vector<16xf32>
        %mul3A_778 = arith.mulf %mul3A_777, %add3A_767 : vector<16xf32>
        %mul3A_779 = arith.mulf %mul3A_778, %bitcast3A_775 : vector<16xf32>
        %mul3A_780 = arith.mulf %mul3A_779, %bitcast3A_775 : vector<16xf32>
        %sub3A_781 = arith.constant 1.500000e+00 : f32
        %sub3A_782 = vector.broadcast %sub3A_781 : f32 to vector<16xf32>
        %sub3A_783 = arith.subf %sub3A_782, %mul3A_780 : vector<16xf32>
        %mul3A_784 = arith.mulf %bitcast3A_775, %sub3A_783 : vector<16xf32>
        %mul3A_785 = arith.mulf %mul3A_778, %mul3A_784 : vector<16xf32>
        %mul3A_786 = arith.mulf %mul3A_785, %mul3A_784 : vector<16xf32>
        %sub3A_787 = arith.constant 1.500000e+00 : f32
        %sub3A_788 = vector.broadcast %sub3A_787 : f32 to vector<16xf32>
        %sub3A_789 = arith.subf %sub3A_788, %mul3A_786 : vector<16xf32>
        %mul3A_790 = arith.mulf %mul3A_784, %sub3A_789 : vector<16xf32>
        %mul3A_791 = arith.mulf %mul3A_778, %mul3A_790 : vector<16xf32>
        %mul3A_792 = arith.mulf %mul3A_791, %mul3A_790 : vector<16xf32>
        %sub3A_793 = arith.constant 1.500000e+00 : f32
        %sub3A_794 = vector.broadcast %sub3A_793 : f32 to vector<16xf32>
        %sub3A_795 = arith.subf %sub3A_794, %mul3A_792 : vector<16xf32>
        %mul3A_796 = arith.mulf %mul3A_790, %sub3A_795 : vector<16xf32>
        %swap3A_797 = arith.constant 80 : index
        %swap3A_798 = tpu.vector_load %arg22[%swap3A_797] {strides = array<i32>} : memref<128xf32, #tpu.memory_space<vmem>>, vector<16xf32>,
        tpu.vector_store %arg22[%swap3A_797], %mul3A_796 {strides = array<i32>} : memref<128xf32, #tpu.memory_space<vmem>>, vector<16xf32>,
        %get3A_799 = arith.constant 0 : i32
        %get3A_800 = arith.index_cast %get3A_799 : i32 to index
        %get3A_801 = arith.constant 80 : index
        %get3A_802 = tpu.vector_load %arg14[%get3A_800, %get3A_801] {strides = array<i32>} : memref<1x128xi32, #tpu.memory_space<vmem>>, vector<16xi32>,
        %mul3A_803 = arith.constant 32 : i32
        %mul3A_804 = vector.broadcast %mul3A_803 : i32 to vector<16xi32>
        %mul3A_805 = arith.muli %get3A_802, %mul3A_804 : vector<16xi32>
        %get3A_806 = arith.constant 80 : index
        %get3A_807 = tpu.vector_load %arg20[%get3A_806] {strides = array<i32>} : memref<128xi32, #tpu.memory_space<vmem>>, vector<16xi32>,
        %add3A_808 = arith.addi %mul3A_805, %get3A_807 : vector<16xi32>
        %swap3A_809 = arith.constant 80 : index
        %swap3A_810 = tpu.vector_load %arg24[%swap3A_809] {strides = array<i32>} : memref<128xi32, #tpu.memory_space<vmem>>, vector<16xi32>,
        tpu.vector_store %arg24[%swap3A_809], %add3A_808 {strides = array<i32>} : memref<128xi32, #tpu.memory_space<vmem>>, vector<16xi32>,
        %get3A_811 = arith.constant 96 : index
        %get3A_812 = tpu.vector_load %arg16[%get3A_811] {strides = array<i32>} : memref<128xf32, #tpu.memory_space<vmem>>, vector<16xf32>,
        %add3A_813 = arith.constant 1.000000e+00 : f32
        %add3A_814 = vector.broadcast %add3A_813 : f32 to vector<16xf32>
        %add3A_815 = arith.addf %add3A_814, %get3A_812 : vector<16xf32>
        %get3A_816 = arith.constant 96 : index
        %get3A_817 = tpu.vector_load %arg18[%get3A_816] {strides = array<i32>} : memref<128xf32, #tpu.memory_space<vmem>>, vector<16xf32>,
        %add3A_818 = arith.addf %add3A_815, %get3A_817 : vector<16xf32>
        %bitcast3A_819 = vector.bitcast %add3A_818 : vector<16xf32> to vector<16xi32>
        %shift_right_arithmetic3A_820 = arith.constant 1 : i32
        %shift_right_arithmetic3A_821 = vector.broadcast %shift_right_arithmetic3A_820 : i32 to vector<16xi32>
        %shift_right_arithmetic3A_822 = arith.shrsi %bitcast3A_819, %shift_right_arithmetic3A_821 : vector<16xi32>
        %sub3A_823 = arith.constant 1597463007 : i32
        %sub3A_824 = vector.broadcast %sub3A_823 : i32 to vector<16xi32>
        %sub3A_825 = arith.subi %sub3A_824, %shift_right_arithmetic3A_822 : vector<16xi32>
        %bitcast3A_826 = vector.bitcast %sub3A_825 : vector<16xi32> to vector<16xf32>
        %mul3A_827 = arith.constant 5.000000e-01 : f32
        %mul3A_828 = vector.broadcast %mul3A_827 : f32 to vector<16xf32>
        %mul3A_829 = arith.mulf %mul3A_828, %add3A_818 : vector<16xf32>
        %mul3A_830 = arith.mulf %mul3A_829, %bitcast3A_826 : vector<16xf32>
        %mul3A_831 = arith.mulf %mul3A_830, %bitcast3A_826 : vector<16xf32>
        %sub3A_832 = arith.constant 1.500000e+00 : f32
        %sub3A_833 = vector.broadcast %sub3A_832 : f32 to vector<16xf32>
        %sub3A_834 = arith.subf %sub3A_833, %mul3A_831 : vector<16xf32>
        %mul3A_835 = arith.mulf %bitcast3A_826, %sub3A_834 : vector<16xf32>
        %mul3A_836 = arith.mulf %mul3A_829, %mul3A_835 : vector<16xf32>
        %mul3A_837 = arith.mulf %mul3A_836, %mul3A_835 : vector<16xf32>
        %sub3A_838 = arith.constant 1.500000e+00 : f32
        %sub3A_839 = vector.broadcast %sub3A_838 : f32 to vector<16xf32>
        %sub3A_840 = arith.subf %sub3A_839, %mul3A_837 : vector<16xf32>
        %mul3A_841 = arith.mulf %mul3A_835, %sub3A_840 : vector<16xf32>
        %mul3A_842 = arith.mulf %mul3A_829, %mul3A_841 : vector<16xf32>
        %mul3A_843 = arith.mulf %mul3A_842, %mul3A_841 : vector<16xf32>
        %sub3A_844 = arith.constant 1.500000e+00 : f32
        %sub3A_845 = vector.broadcast %sub3A_844 : f32 to vector<16xf32>
        %sub3A_846 = arith.subf %sub3A_845, %mul3A_843 : vector<16xf32>
        %mul3A_847 = arith.mulf %mul3A_841, %sub3A_846 : vector<16xf32>
        %swap3A_848 = arith.constant 96 : index
        %swap3A_849 = tpu.vector_load %arg22[%swap3A_848] {strides = array<i32>} : memref<128xf32, #tpu.memory_space<vmem>>, vector<16xf32>,
        tpu.vector_store %arg22[%swap3A_848], %mul3A_847 {strides = array<i32>} : memref<128xf32, #tpu.memory_space<vmem>>, vector<16xf32>,
        %get3A_850 = arith.constant 0 : i32
        %get3A_851 = arith.index_cast %get3A_850 : i32 to index
        %get3A_852 = arith.constant 96 : index
        %get3A_853 = tpu.vector_load %arg14[%get3A_851, %get3A_852] {strides = array<i32>} : memref<1x128xi32, #tpu.memory_space<vmem>>, vector<16xi32>,
        %mul3A_854 = arith.constant 32 : i32
        %mul3A_855 = vector.broadcast %mul3A_854 : i32 to vector<16xi32>
        %mul3A_856 = arith.muli %get3A_853, %mul3A_855 : vector<16xi32>
        %get3A_857 = arith.constant 96 : index
        %get3A_858 = tpu.vector_load %arg20[%get3A_857] {strides = array<i32>} : memref<128xi32, #tpu.memory_space<vmem>>, vector<16xi32>,
        %add3A_859 = arith.addi %mul3A_856, %get3A_858 : vector<16xi32>
        %swap3A_860 = arith.constant 96 : index
        %swap3A_861 = tpu.vector_load %arg24[%swap3A_860] {strides = array<i32>} : memref<128xi32, #tpu.memory_space<vmem>>, vector<16xi32>,
        tpu.vector_store %arg24[%swap3A_860], %add3A_859 {strides = array<i32>} : memref<128xi32, #tpu.memory_space<vmem>>, vector<16xi32>,
        %get3A_862 = arith.constant 112 : index
        %get3A_863 = tpu.vector_load %arg16[%get3A_862] {strides = array<i32>} : memref<128xf32, #tpu.memory_space<vmem>>, vector<16xf32>,
        %add3A_864 = arith.constant 1.000000e+00 : f32
        %add3A_865 = vector.broadcast %add3A_864 : f32 to vector<16xf32>
        %add3A_866 = arith.addf %add3A_865, %get3A_863 : vector<16xf32>
        %get3A_867 = arith.constant 112 : index
        %get3A_868 = tpu.vector_load %arg18[%get3A_867] {strides = array<i32>} : memref<128xf32, #tpu.memory_space<vmem>>, vector<16xf32>,
        %add3A_869 = arith.addf %add3A_866, %get3A_868 : vector<16xf32>
        %bitcast3A_870 = vector.bitcast %add3A_869 : vector<16xf32> to vector<16xi32>
        %shift_right_arithmetic3A_871 = arith.constant 1 : i32
        %shift_right_arithmetic3A_872 = vector.broadcast %shift_right_arithmetic3A_871 : i32 to vector<16xi32>
        %shift_right_arithmetic3A_873 = arith.shrsi %bitcast3A_870, %shift_right_arithmetic3A_872 : vector<16xi32>
        %sub3A_874 = arith.constant 1597463007 : i32
        %sub3A_875 = vector.broadcast %sub3A_874 : i32 to vector<16xi32>
        %sub3A_876 = arith.subi %sub3A_875, %shift_right_arithmetic3A_873 : vector<16xi32>
        %bitcast3A_877 = vector.bitcast %sub3A_876 : vector<16xi32> to vector<16xf32>
        %mul3A_878 = arith.constant 5.000000e-01 : f32
        %mul3A_879 = vector.broadcast %mul3A_878 : f32 to vector<16xf32>
        %mul3A_880 = arith.mulf %mul3A_879, %add3A_869 : vector<16xf32>
        %mul3A_881 = arith.mulf %mul3A_880, %bitcast3A_877 : vector<16xf32>
        %mul3A_882 = arith.mulf %mul3A_881, %bitcast3A_877 : vector<16xf32>
        %sub3A_883 = arith.constant 1.500000e+00 : f32
        %sub3A_884 = vector.broadcast %sub3A_883 : f32 to vector<16xf32>
        %sub3A_885 = arith.subf %sub3A_884, %mul3A_882 : vector<16xf32>
        %mul3A_886 = arith.mulf %bitcast3A_877, %sub3A_885 : vector<16xf32>
        %mul3A_887 = arith.mulf %mul3A_880, %mul3A_886 : vector<16xf32>
        %mul3A_888 = arith.mulf %mul3A_887, %mul3A_886 : vector<16xf32>
        %sub3A_889 = arith.constant 1.500000e+00 : f32
        %sub3A_890 = vector.broadcast %sub3A_889 : f32 to vector<16xf32>
        %sub3A_891 = arith.subf %sub3A_890, %mul3A_888 : vector<16xf32>
        %mul3A_892 = arith.mulf %mul3A_886, %sub3A_891 : vector<16xf32>
        %mul3A_893 = arith.mulf %mul3A_880, %mul3A_892 : vector<16xf32>
        %mul3A_894 = arith.mulf %mul3A_893, %mul3A_892 : vector<16xf32>
        %sub3A_895 = arith.constant 1.500000e+00 : f32
        %sub3A_896 = vector.broadcast %sub3A_895 : f32 to vector<16xf32>
        %sub3A_897 = arith.subf %sub3A_896, %mul3A_894 : vector<16xf32>
        %mul3A_898 = arith.mulf %mul3A_892, %sub3A_897 : vector<16xf32>
        %swap3A_899 = arith.constant 112 : index
        %swap3A_900 = tpu.vector_load %arg22[%swap3A_899] {strides = array<i32>} : memref<128xf32, #tpu.memory_space<vmem>>, vector<16xf32>,
        tpu.vector_store %arg22[%swap3A_899], %mul3A_898 {strides = array<i32>} : memref<128xf32, #tpu.memory_space<vmem>>, vector<16xf32>,
        %get3A_901 = arith.constant 0 : i32
        %get3A_902 = arith.index_cast %get3A_901 : i32 to index
        %get3A_903 = arith.constant 112 : index
        %get3A_904 = tpu.vector_load %arg14[%get3A_902, %get3A_903] {strides = array<i32>} : memref<1x128xi32, #tpu.memory_space<vmem>>, vector<16xi32>,
        %mul3A_905 = arith.constant 32 : i32
        %mul3A_906 = vector.broadcast %mul3A_905 : i32 to vector<16xi32>
        %mul3A_907 = arith.muli %get3A_904, %mul3A_906 : vector<16xi32>
        %get3A_908 = arith.constant 112 : index
        %get3A_909 = tpu.vector_load %arg20[%get3A_908] {strides = array<i32>} : memref<128xi32, #tpu.memory_space<vmem>>, vector<16xi32>,
        %add3A_910 = arith.addi %mul3A_907, %get3A_909 : vector<16xi32>
        %swap3A_911 = arith.constant 112 : index
        %swap3A_912 = tpu.vector_load %arg24[%swap3A_911] {strides = array<i32>} : memref<128xi32, #tpu.memory_space<vmem>>, vector<16xi32>,
        tpu.vector_store %arg24[%swap3A_911], %add3A_910 {strides = array<i32>} : memref<128xi32, #tpu.memory_space<vmem>>, vector<16xi32>,
        "tpu.region"() ({
          %run_scoped3A = tpu.sem_alloc : memref<!tpu.dma_semaphore, #tpu.memory_space<semaphore_mem>>
          %dma_start3A_913 = arith.constant 0 : i32
          %dma_start3A_914 = tpu.memref_slice %arg10[%dma_start3A_913] : memref<1605632xf32, #tpu.memory_space<vmem_shared>> -> memref<1605632xf32, #tpu.memory_space<vmem_shared>>
          tpu.enqueue_indirect_dma source(%arg22 : memref<128xf32, #tpu.memory_space<vmem>>) target(%dma_start3A_914 : memref<1605632xf32, #tpu.memory_space<vmem_shared>>) offsets(%arg24 : memref<128xi32, #tpu.memory_space<vmem>>) semaphore(%run_scoped3A : memref<!tpu.dma_semaphore, #tpu.memory_space<semaphore_mem>>) {add = true}
          %dma_wait3A_915 = arith.constant 0 : i32
          %dma_wait3A_916 = tpu.memref_slice %arg10[%dma_wait3A_915] : memref<1605632xf32, #tpu.memory_space<vmem_shared>> -> memref<1605632xf32, #tpu.memory_space<vmem_shared>>
          tpu.wait_indirect_dma semaphore(%run_scoped3A : memref<!tpu.dma_semaphore, #tpu.memory_space<semaphore_mem>>) src(%arg22 : memref<128xf32, #tpu.memory_space<vmem>>) dst(%dma_wait3A_916 : memref<1605632xf32, #tpu.memory_space<vmem_shared>>)
          tpu.yield
        }) : () -> ()
      }
      %scan3A_37 = arith.constant 98 : i32
      %barrier3A_38 = arith.constant 0 : index
      tpu.barrier barrier_id(%barrier3A_38)
      %mul3A_39 = arith.constant 3136 : i32
      %mul3A_40 = arith.muli %arg1, %mul3A_39 : i32
      %mul3A_41 = arith.constant 32 : i32
      %mul3A_42 = arith.muli %mul3A_40, %mul3A_41 : i32
      %mul3A_43 = arith.constant 3136 : i32
      %mul3A_44 = arith.muli %arg1, %mul3A_43 : i32
      %mul3A_45 = arith.constant 32 : i32
      %mul3A_46 = arith.muli %mul3A_44, %mul3A_45 : i32
      "tpu.region"() ({
        %run_scoped3A = tpu.sem_alloc : memref<!tpu.dma_semaphore, #tpu.memory_space<semaphore_mem>>
        %dma_start3A_47 = tpu.memref_slice %arg9[%mul3A_46] : memref<1605632xf32, #tpu.memory_space<hbm>> -> memref<100352xf32, #tpu.memory_space<hbm>>
        %dma_start3A_48 = tpu.memref_slice %arg10[%mul3A_42] : memref<1605632xf32, #tpu.memory_space<vmem_shared>> -> memref<100352xf32, #tpu.memory_space<vmem_shared>>
        tpu.enqueue_dma source(%dma_start3A_48 : memref<100352xf32, #tpu.memory_space<vmem_shared>>) target(%dma_start3A_47 : memref<100352xf32, #tpu.memory_space<hbm>>) target_semaphore(%run_scoped3A : memref<!tpu.dma_semaphore, #tpu.memory_space<semaphore_mem>>)
        %dma_wait3A = tpu.memref_slice %arg9[%mul3A_46] : memref<1605632xf32, #tpu.memory_space<hbm>> -> memref<100352xf32, #tpu.memory_space<hbm>>
        %dma_wait3A_49 = tpu.memref_slice %arg10[%mul3A_42] : memref<1605632xf32, #tpu.memory_space<vmem_shared>> -> memref<100352xf32, #tpu.memory_space<vmem_shared>>
        tpu.wait_dma2 semaphore(%run_scoped3A : memref<!tpu.dma_semaphore, #tpu.memory_space<semaphore_mem>>) src(%dma_wait3A_49 : memref<100352xf32, #tpu.memory_space<vmem_shared>>) dst(%dma_wait3A : memref<100352xf32, #tpu.memory_space<hbm>>)
        tpu.yield
      }) : () -> ()
    } else {
    }
    return
  }
}

#map = affine_map<(d0, d1) -> (0, 0)>
module attributes {stable_mosaic.version = 14 : i64} {
  func.func @_conv_body(%arg0: i32, %arg1: i32, %arg2: memref<50000x32xf32, #tpu.memory_space<hbm>>, %arg3: memref<50000x32xf32, #tpu.memory_space<hbm>>, %arg4: memref<6272x128xi32, #tpu.memory_space<hbm>>, %arg5: memref<6272x128xi32, #tpu.memory_space<hbm>>, %arg6: memref<392x32xf32, #tpu.memory_space<hbm>>, %arg7: memref<50176x32xf32, #tpu.memory_space<hbm>>, %arg8: memref<50176x32xf32, #tpu.memory_space<hbm>>, %arg9: memref<50176x32xf32, #tpu.memory_space<vmem_shared>>, %arg10: memref<2x128xi32, #tpu.memory_space<vmem>>, %arg11: memref<2x128xi32, #tpu.memory_space<vmem>>, %arg12: memref<2x128xi32, #tpu.memory_space<vmem>>, %arg13: memref<2x128xi32, #tpu.memory_space<vmem>>, %arg14: memref<256x32xf32, #tpu.memory_space<vmem>>, %arg15: memref<256x32xf32, #tpu.memory_space<vmem>>, %arg16: memref<!tpu.dma_semaphore, #tpu.memory_space<semaphore_mem>>, %arg17: memref<!tpu.dma_semaphore, #tpu.memory_space<semaphore_mem>>, %arg18: memref<!tpu.dma_semaphore, #tpu.memory_space<semaphore_mem>>, %arg19: memref<!tpu.dma_semaphore, #tpu.memory_space<semaphore_mem>>, %arg20: memref<!tpu.dma_semaphore, #tpu.memory_space<semaphore_mem>>, %arg21: memref<!tpu.dma_semaphore, #tpu.memory_space<semaphore_mem>>) attributes {dimension_semantics = [#tpu.dimension_semantics<core_parallel>, #tpu.dimension_semantics<subcore_parallel>], iteration_bounds = array<i64: 2, 16>, scalar_prefetch = 0 : i64, scratch_operands = 13 : i64, tpu.core_type = #tpu.core_type<sc_vector_subcore>, window_params = [{transform_indices = #map}, {transform_indices = #map}, {transform_indices = #map}, {transform_indices = #map}, {transform_indices = #map}, {transform_indices = #map}, {transform_indices = #map}]} {
    %eq3A = arith.constant 0 : i32
    %eq3A_0 = arith.cmpi eq, %arg0, %eq3A : i32
    %convert_element_type3A = arith.extui %eq3A_0 : i1 to i32
    %cond3A = arith.constant 0 : i32
    %cond3A_1 = arith.cmpi ne, %convert_element_type3A, %cond3A : i32
    scf.if %cond3A_1 {
      %mul3A = arith.constant 3136 : i32
      %mul3A_7 = arith.muli %arg1, %mul3A : i32
      %add3A = arith.constant 0 : i32
      %add3A_8 = arith.addi %mul3A_7, %add3A : i32
      "tpu.region"() ({
        %run_scoped3A = tpu.sem_alloc : memref<!tpu.dma_semaphore, #tpu.memory_space<semaphore_mem>>
        %dma_start3A = arith.constant 0 : i32
        %dma_start3A_49 = tpu.memref_slice %arg9[%add3A_8, %dma_start3A] : memref<50176x32xf32, #tpu.memory_space<vmem_shared>> -> memref<392x32xf32, #tpu.memory_space<vmem_shared>>
        tpu.enqueue_dma source(%arg6 : memref<392x32xf32, #tpu.memory_space<hbm>>) target(%dma_start3A_49 : memref<392x32xf32, #tpu.memory_space<vmem_shared>>) target_semaphore(%run_scoped3A : memref<!tpu.dma_semaphore, #tpu.memory_space<semaphore_mem>>)
        %dma_wait3A = arith.constant 0 : i32
        %dma_wait3A_50 = tpu.memref_slice %arg9[%add3A_8, %dma_wait3A] : memref<50176x32xf32, #tpu.memory_space<vmem_shared>> -> memref<392x32xf32, #tpu.memory_space<vmem_shared>>
        tpu.wait_dma2 semaphore(%run_scoped3A : memref<!tpu.dma_semaphore, #tpu.memory_space<semaphore_mem>>) src(%arg6 : memref<392x32xf32, #tpu.memory_space<hbm>>) dst(%dma_wait3A_50 : memref<392x32xf32, #tpu.memory_space<vmem_shared>>)
        tpu.yield
      }) : () -> ()
      %mul3A_9 = arith.constant 3136 : i32
      %mul3A_10 = arith.muli %arg1, %mul3A_9 : i32
      %add3A_11 = arith.constant 392 : i32
      %add3A_12 = arith.addi %mul3A_10, %add3A_11 : i32
      "tpu.region"() ({
        %run_scoped3A = tpu.sem_alloc : memref<!tpu.dma_semaphore, #tpu.memory_space<semaphore_mem>>
        %dma_start3A = arith.constant 0 : i32
        %dma_start3A_49 = tpu.memref_slice %arg9[%add3A_12, %dma_start3A] : memref<50176x32xf32, #tpu.memory_space<vmem_shared>> -> memref<392x32xf32, #tpu.memory_space<vmem_shared>>
        tpu.enqueue_dma source(%arg6 : memref<392x32xf32, #tpu.memory_space<hbm>>) target(%dma_start3A_49 : memref<392x32xf32, #tpu.memory_space<vmem_shared>>) target_semaphore(%run_scoped3A : memref<!tpu.dma_semaphore, #tpu.memory_space<semaphore_mem>>)
        %dma_wait3A = arith.constant 0 : i32
        %dma_wait3A_50 = tpu.memref_slice %arg9[%add3A_12, %dma_wait3A] : memref<50176x32xf32, #tpu.memory_space<vmem_shared>> -> memref<392x32xf32, #tpu.memory_space<vmem_shared>>
        tpu.wait_dma2 semaphore(%run_scoped3A : memref<!tpu.dma_semaphore, #tpu.memory_space<semaphore_mem>>) src(%arg6 : memref<392x32xf32, #tpu.memory_space<hbm>>) dst(%dma_wait3A_50 : memref<392x32xf32, #tpu.memory_space<vmem_shared>>)
        tpu.yield
      }) : () -> ()
      %mul3A_13 = arith.constant 3136 : i32
      %mul3A_14 = arith.muli %arg1, %mul3A_13 : i32
      %add3A_15 = arith.constant 784 : i32
      %add3A_16 = arith.addi %mul3A_14, %add3A_15 : i32
      "tpu.region"() ({
        %run_scoped3A = tpu.sem_alloc : memref<!tpu.dma_semaphore, #tpu.memory_space<semaphore_mem>>
        %dma_start3A = arith.constant 0 : i32
        %dma_start3A_49 = tpu.memref_slice %arg9[%add3A_16, %dma_start3A] : memref<50176x32xf32, #tpu.memory_space<vmem_shared>> -> memref<392x32xf32, #tpu.memory_space<vmem_shared>>
        tpu.enqueue_dma source(%arg6 : memref<392x32xf32, #tpu.memory_space<hbm>>) target(%dma_start3A_49 : memref<392x32xf32, #tpu.memory_space<vmem_shared>>) target_semaphore(%run_scoped3A : memref<!tpu.dma_semaphore, #tpu.memory_space<semaphore_mem>>)
        %dma_wait3A = arith.constant 0 : i32
        %dma_wait3A_50 = tpu.memref_slice %arg9[%add3A_16, %dma_wait3A] : memref<50176x32xf32, #tpu.memory_space<vmem_shared>> -> memref<392x32xf32, #tpu.memory_space<vmem_shared>>
        tpu.wait_dma2 semaphore(%run_scoped3A : memref<!tpu.dma_semaphore, #tpu.memory_space<semaphore_mem>>) src(%arg6 : memref<392x32xf32, #tpu.memory_space<hbm>>) dst(%dma_wait3A_50 : memref<392x32xf32, #tpu.memory_space<vmem_shared>>)
        tpu.yield
      }) : () -> ()
      %mul3A_17 = arith.constant 3136 : i32
      %mul3A_18 = arith.muli %arg1, %mul3A_17 : i32
      %add3A_19 = arith.constant 1176 : i32
      %add3A_20 = arith.addi %mul3A_18, %add3A_19 : i32
      "tpu.region"() ({
        %run_scoped3A = tpu.sem_alloc : memref<!tpu.dma_semaphore, #tpu.memory_space<semaphore_mem>>
        %dma_start3A = arith.constant 0 : i32
        %dma_start3A_49 = tpu.memref_slice %arg9[%add3A_20, %dma_start3A] : memref<50176x32xf32, #tpu.memory_space<vmem_shared>> -> memref<392x32xf32, #tpu.memory_space<vmem_shared>>
        tpu.enqueue_dma source(%arg6 : memref<392x32xf32, #tpu.memory_space<hbm>>) target(%dma_start3A_49 : memref<392x32xf32, #tpu.memory_space<vmem_shared>>) target_semaphore(%run_scoped3A : memref<!tpu.dma_semaphore, #tpu.memory_space<semaphore_mem>>)
        %dma_wait3A = arith.constant 0 : i32
        %dma_wait3A_50 = tpu.memref_slice %arg9[%add3A_20, %dma_wait3A] : memref<50176x32xf32, #tpu.memory_space<vmem_shared>> -> memref<392x32xf32, #tpu.memory_space<vmem_shared>>
        tpu.wait_dma2 semaphore(%run_scoped3A : memref<!tpu.dma_semaphore, #tpu.memory_space<semaphore_mem>>) src(%arg6 : memref<392x32xf32, #tpu.memory_space<hbm>>) dst(%dma_wait3A_50 : memref<392x32xf32, #tpu.memory_space<vmem_shared>>)
        tpu.yield
      }) : () -> ()
      %mul3A_21 = arith.constant 3136 : i32
      %mul3A_22 = arith.muli %arg1, %mul3A_21 : i32
      %add3A_23 = arith.constant 1568 : i32
      %add3A_24 = arith.addi %mul3A_22, %add3A_23 : i32
      "tpu.region"() ({
        %run_scoped3A = tpu.sem_alloc : memref<!tpu.dma_semaphore, #tpu.memory_space<semaphore_mem>>
        %dma_start3A = arith.constant 0 : i32
        %dma_start3A_49 = tpu.memref_slice %arg9[%add3A_24, %dma_start3A] : memref<50176x32xf32, #tpu.memory_space<vmem_shared>> -> memref<392x32xf32, #tpu.memory_space<vmem_shared>>
        tpu.enqueue_dma source(%arg6 : memref<392x32xf32, #tpu.memory_space<hbm>>) target(%dma_start3A_49 : memref<392x32xf32, #tpu.memory_space<vmem_shared>>) target_semaphore(%run_scoped3A : memref<!tpu.dma_semaphore, #tpu.memory_space<semaphore_mem>>)
        %dma_wait3A = arith.constant 0 : i32
        %dma_wait3A_50 = tpu.memref_slice %arg9[%add3A_24, %dma_wait3A] : memref<50176x32xf32, #tpu.memory_space<vmem_shared>> -> memref<392x32xf32, #tpu.memory_space<vmem_shared>>
        tpu.wait_dma2 semaphore(%run_scoped3A : memref<!tpu.dma_semaphore, #tpu.memory_space<semaphore_mem>>) src(%arg6 : memref<392x32xf32, #tpu.memory_space<hbm>>) dst(%dma_wait3A_50 : memref<392x32xf32, #tpu.memory_space<vmem_shared>>)
        tpu.yield
      }) : () -> ()
      %mul3A_25 = arith.constant 3136 : i32
      %mul3A_26 = arith.muli %arg1, %mul3A_25 : i32
      %add3A_27 = arith.constant 1960 : i32
      %add3A_28 = arith.addi %mul3A_26, %add3A_27 : i32
      "tpu.region"() ({
        %run_scoped3A = tpu.sem_alloc : memref<!tpu.dma_semaphore, #tpu.memory_space<semaphore_mem>>
        %dma_start3A = arith.constant 0 : i32
        %dma_start3A_49 = tpu.memref_slice %arg9[%add3A_28, %dma_start3A] : memref<50176x32xf32, #tpu.memory_space<vmem_shared>> -> memref<392x32xf32, #tpu.memory_space<vmem_shared>>
        tpu.enqueue_dma source(%arg6 : memref<392x32xf32, #tpu.memory_space<hbm>>) target(%dma_start3A_49 : memref<392x32xf32, #tpu.memory_space<vmem_shared>>) target_semaphore(%run_scoped3A : memref<!tpu.dma_semaphore, #tpu.memory_space<semaphore_mem>>)
        %dma_wait3A = arith.constant 0 : i32
        %dma_wait3A_50 = tpu.memref_slice %arg9[%add3A_28, %dma_wait3A] : memref<50176x32xf32, #tpu.memory_space<vmem_shared>> -> memref<392x32xf32, #tpu.memory_space<vmem_shared>>
        tpu.wait_dma2 semaphore(%run_scoped3A : memref<!tpu.dma_semaphore, #tpu.memory_space<semaphore_mem>>) src(%arg6 : memref<392x32xf32, #tpu.memory_space<hbm>>) dst(%dma_wait3A_50 : memref<392x32xf32, #tpu.memory_space<vmem_shared>>)
        tpu.yield
      }) : () -> ()
      %mul3A_29 = arith.constant 3136 : i32
      %mul3A_30 = arith.muli %arg1, %mul3A_29 : i32
      %add3A_31 = arith.constant 2352 : i32
      %add3A_32 = arith.addi %mul3A_30, %add3A_31 : i32
      "tpu.region"() ({
        %run_scoped3A = tpu.sem_alloc : memref<!tpu.dma_semaphore, #tpu.memory_space<semaphore_mem>>
        %dma_start3A = arith.constant 0 : i32
        %dma_start3A_49 = tpu.memref_slice %arg9[%add3A_32, %dma_start3A] : memref<50176x32xf32, #tpu.memory_space<vmem_shared>> -> memref<392x32xf32, #tpu.memory_space<vmem_shared>>
        tpu.enqueue_dma source(%arg6 : memref<392x32xf32, #tpu.memory_space<hbm>>) target(%dma_start3A_49 : memref<392x32xf32, #tpu.memory_space<vmem_shared>>) target_semaphore(%run_scoped3A : memref<!tpu.dma_semaphore, #tpu.memory_space<semaphore_mem>>)
        %dma_wait3A = arith.constant 0 : i32
        %dma_wait3A_50 = tpu.memref_slice %arg9[%add3A_32, %dma_wait3A] : memref<50176x32xf32, #tpu.memory_space<vmem_shared>> -> memref<392x32xf32, #tpu.memory_space<vmem_shared>>
        tpu.wait_dma2 semaphore(%run_scoped3A : memref<!tpu.dma_semaphore, #tpu.memory_space<semaphore_mem>>) src(%arg6 : memref<392x32xf32, #tpu.memory_space<hbm>>) dst(%dma_wait3A_50 : memref<392x32xf32, #tpu.memory_space<vmem_shared>>)
        tpu.yield
      }) : () -> ()
      %mul3A_33 = arith.constant 3136 : i32
      %mul3A_34 = arith.muli %arg1, %mul3A_33 : i32
      %add3A_35 = arith.constant 2744 : i32
      %add3A_36 = arith.addi %mul3A_34, %add3A_35 : i32
      "tpu.region"() ({
        %run_scoped3A = tpu.sem_alloc : memref<!tpu.dma_semaphore, #tpu.memory_space<semaphore_mem>>
        %dma_start3A = arith.constant 0 : i32
        %dma_start3A_49 = tpu.memref_slice %arg9[%add3A_36, %dma_start3A] : memref<50176x32xf32, #tpu.memory_space<vmem_shared>> -> memref<392x32xf32, #tpu.memory_space<vmem_shared>>
        tpu.enqueue_dma source(%arg6 : memref<392x32xf32, #tpu.memory_space<hbm>>) target(%dma_start3A_49 : memref<392x32xf32, #tpu.memory_space<vmem_shared>>) target_semaphore(%run_scoped3A : memref<!tpu.dma_semaphore, #tpu.memory_space<semaphore_mem>>)
        %dma_wait3A = arith.constant 0 : i32
        %dma_wait3A_50 = tpu.memref_slice %arg9[%add3A_36, %dma_wait3A] : memref<50176x32xf32, #tpu.memory_space<vmem_shared>> -> memref<392x32xf32, #tpu.memory_space<vmem_shared>>
        tpu.wait_dma2 semaphore(%run_scoped3A : memref<!tpu.dma_semaphore, #tpu.memory_space<semaphore_mem>>) src(%arg6 : memref<392x32xf32, #tpu.memory_space<hbm>>) dst(%dma_wait3A_50 : memref<392x32xf32, #tpu.memory_space<vmem_shared>>)
        tpu.yield
      }) : () -> ()
      %barrier3A = arith.constant 0 : index
      tpu.barrier barrier_id(%barrier3A)
      %mul3A_37 = arith.constant 392 : i32
      %mul3A_38 = arith.muli %arg1, %mul3A_37 : i32
      %scan3A = arith.constant 0 : i32
      %scan3A_39 = arith.constant 0 : i32
      %scan3A_40 = arith.constant 98 : i32
      %scan3A_41 = arith.addi %scan3A_39, %scan3A_40 : i32
      %scan3A_42 = arith.constant 1 : i32
      scf.for %scan3A_49 = %scan3A_39 to %scan3A_41 step %scan3A_42  : i32 {
        %mul3A_50 = arith.constant 2 : i32
        %mul3A_51 = arith.muli %mul3A_50, %scan3A_49 : i32
        %mul3A_52 = arith.constant 2 : i32
        %mul3A_53 = arith.muli %mul3A_51, %mul3A_52 : i32
        %add3A_54 = arith.addi %mul3A_38, %mul3A_53 : i32
        "tpu.region"() ({
          %run_scoped3A_113 = tpu.sem_alloc : memref<!tpu.dma_semaphore, #tpu.memory_space<semaphore_mem>>
          %dma_start3A_114 = arith.constant 0 : i32
          %dma_start3A_115 = tpu.memref_slice %arg4[%add3A_54, %dma_start3A_114] : memref<6272x128xi32, #tpu.memory_space<hbm>> -> memref<2x128xi32, #tpu.memory_space<hbm>>
          %dma_start3A_116 = arith.constant 0 : i32
          %dma_start3A_117 = tpu.memref_slice %arg4[%add3A_54, %dma_start3A_116] : memref<6272x128xi32, #tpu.memory_space<hbm>> -> memref<2x128xi32, #tpu.memory_space<hbm>>
          tpu.enqueue_dma source(%dma_start3A_117 : memref<2x128xi32, #tpu.memory_space<hbm>>) target(%arg10 : memref<2x128xi32, #tpu.memory_space<vmem>>) target_semaphore(%run_scoped3A_113 : memref<!tpu.dma_semaphore, #tpu.memory_space<semaphore_mem>>)
          %dma_wait3A_118 = arith.constant 0 : i32
          %dma_wait3A_119 = tpu.memref_slice %arg4[%add3A_54, %dma_wait3A_118] : memref<6272x128xi32, #tpu.memory_space<hbm>> -> memref<2x128xi32, #tpu.memory_space<hbm>>
          %dma_wait3A_120 = arith.constant 0 : i32
          %dma_wait3A_121 = tpu.memref_slice %arg4[%add3A_54, %dma_wait3A_120] : memref<6272x128xi32, #tpu.memory_space<hbm>> -> memref<2x128xi32, #tpu.memory_space<hbm>>
          tpu.wait_dma2 semaphore(%run_scoped3A_113 : memref<!tpu.dma_semaphore, #tpu.memory_space<semaphore_mem>>) src(%dma_wait3A_121 : memref<2x128xi32, #tpu.memory_space<hbm>>) dst(%arg10 : memref<2x128xi32, #tpu.memory_space<vmem>>)
          tpu.yield
        }) : () -> ()
        "tpu.region"() ({
          %run_scoped3A_113 = tpu.sem_alloc : memref<!tpu.dma_semaphore, #tpu.memory_space<semaphore_mem>>
          %dma_start3A_114 = arith.constant 0 : i32
          %dma_start3A_115 = tpu.memref_slice %arg5[%add3A_54, %dma_start3A_114] : memref<6272x128xi32, #tpu.memory_space<hbm>> -> memref<2x128xi32, #tpu.memory_space<hbm>>
          %dma_start3A_116 = arith.constant 0 : i32
          %dma_start3A_117 = tpu.memref_slice %arg5[%add3A_54, %dma_start3A_116] : memref<6272x128xi32, #tpu.memory_space<hbm>> -> memref<2x128xi32, #tpu.memory_space<hbm>>
          tpu.enqueue_dma source(%dma_start3A_117 : memref<2x128xi32, #tpu.memory_space<hbm>>) target(%arg12 : memref<2x128xi32, #tpu.memory_space<vmem>>) target_semaphore(%run_scoped3A_113 : memref<!tpu.dma_semaphore, #tpu.memory_space<semaphore_mem>>)
          %dma_wait3A_118 = arith.constant 0 : i32
          %dma_wait3A_119 = tpu.memref_slice %arg5[%add3A_54, %dma_wait3A_118] : memref<6272x128xi32, #tpu.memory_space<hbm>> -> memref<2x128xi32, #tpu.memory_space<hbm>>
          %dma_wait3A_120 = arith.constant 0 : i32
          %dma_wait3A_121 = tpu.memref_slice %arg5[%add3A_54, %dma_wait3A_120] : memref<6272x128xi32, #tpu.memory_space<hbm>> -> memref<2x128xi32, #tpu.memory_space<hbm>>
          tpu.wait_dma2 semaphore(%run_scoped3A_113 : memref<!tpu.dma_semaphore, #tpu.memory_space<semaphore_mem>>) src(%dma_wait3A_121 : memref<2x128xi32, #tpu.memory_space<hbm>>) dst(%arg12 : memref<2x128xi32, #tpu.memory_space<vmem>>)
          tpu.yield
        }) : () -> ()
        %dma_start3A = arith.constant 0 : i32
        %dma_start3A_55 = arith.constant 0 : i32
        %dma_start3A_56 = arith.constant 0 : i32
        %dma_start3A_57 = tpu.memref_slice %arg14[%dma_start3A_55, %dma_start3A_56] : memref<256x32xf32, #tpu.memory_space<vmem>> -> memref<128x32xf32, #tpu.memory_space<vmem>>
        %dma_start3A_58 = arith.constant 0 : i32
        %dma_start3A_59 = tpu.memref_slice %arg10[%dma_start3A, %dma_start3A_58] : memref<2x128xi32, #tpu.memory_space<vmem>> -> memref<1x128xi32, #tpu.memory_space<vmem>>
        %dma_start3A_60 = tpu.memref_squeeze %dma_start3A_59 : memref<1x128xi32, #tpu.memory_space<vmem>> -> memref<128xi32, #tpu.memory_space<vmem>>
        %dma_start3A_61 = arith.constant 0 : i32
        %dma_start3A_62 = arith.constant 0 : i32
        %dma_start3A_63 = tpu.memref_slice %arg2[%dma_start3A_61, %dma_start3A_62] : memref<50000x32xf32, #tpu.memory_space<hbm>> -> memref<50000x32xf32, #tpu.memory_space<hbm>>
        tpu.enqueue_indirect_dma source(%dma_start3A_63 : memref<50000x32xf32, #tpu.memory_space<hbm>>) target(%dma_start3A_57 : memref<128x32xf32, #tpu.memory_space<vmem>>) offsets(%dma_start3A_60 : memref<128xi32, #tpu.memory_space<vmem>>) semaphore(%arg16 : memref<!tpu.dma_semaphore, #tpu.memory_space<semaphore_mem>>)
        %dma_start3A_64 = arith.constant 1 : i32
        %dma_start3A_65 = arith.constant 128 : i32
        %dma_start3A_66 = arith.constant 0 : i32
        %dma_start3A_67 = tpu.memref_slice %arg14[%dma_start3A_65, %dma_start3A_66] : memref<256x32xf32, #tpu.memory_space<vmem>> -> memref<128x32xf32, #tpu.memory_space<vmem>>
        %dma_start3A_68 = arith.constant 0 : i32
        %dma_start3A_69 = tpu.memref_slice %arg10[%dma_start3A_64, %dma_start3A_68] : memref<2x128xi32, #tpu.memory_space<vmem>> -> memref<1x128xi32, #tpu.memory_space<vmem>>
        %dma_start3A_70 = tpu.memref_squeeze %dma_start3A_69 : memref<1x128xi32, #tpu.memory_space<vmem>> -> memref<128xi32, #tpu.memory_space<vmem>>
        %dma_start3A_71 = arith.constant 0 : i32
        %dma_start3A_72 = arith.constant 0 : i32
        %dma_start3A_73 = tpu.memref_slice %arg2[%dma_start3A_71, %dma_start3A_72] : memref<50000x32xf32, #tpu.memory_space<hbm>> -> memref<50000x32xf32, #tpu.memory_space<hbm>>
        tpu.enqueue_indirect_dma source(%dma_start3A_73 : memref<50000x32xf32, #tpu.memory_space<hbm>>) target(%dma_start3A_67 : memref<128x32xf32, #tpu.memory_space<vmem>>) offsets(%dma_start3A_70 : memref<128xi32, #tpu.memory_space<vmem>>) semaphore(%arg16 : memref<!tpu.dma_semaphore, #tpu.memory_space<semaphore_mem>>)
        %add3A_74 = arith.constant 1 : i32
        %add3A_75 = arith.addi %mul3A_51, %add3A_74 : i32
        %mul3A_76 = arith.constant 2 : i32
        %mul3A_77 = arith.muli %add3A_75, %mul3A_76 : i32
        %add3A_78 = arith.addi %mul3A_38, %mul3A_77 : i32
        "tpu.region"() ({
          %run_scoped3A_113 = tpu.sem_alloc : memref<!tpu.dma_semaphore, #tpu.memory_space<semaphore_mem>>
          %dma_start3A_114 = arith.constant 0 : i32
          %dma_start3A_115 = tpu.memref_slice %arg4[%add3A_78, %dma_start3A_114] : memref<6272x128xi32, #tpu.memory_space<hbm>> -> memref<2x128xi32, #tpu.memory_space<hbm>>
          %dma_start3A_116 = arith.constant 0 : i32
          %dma_start3A_117 = tpu.memref_slice %arg4[%add3A_78, %dma_start3A_116] : memref<6272x128xi32, #tpu.memory_space<hbm>> -> memref<2x128xi32, #tpu.memory_space<hbm>>
          tpu.enqueue_dma source(%dma_start3A_117 : memref<2x128xi32, #tpu.memory_space<hbm>>) target(%arg11 : memref<2x128xi32, #tpu.memory_space<vmem>>) target_semaphore(%run_scoped3A_113 : memref<!tpu.dma_semaphore, #tpu.memory_space<semaphore_mem>>)
          %dma_wait3A_118 = arith.constant 0 : i32
          %dma_wait3A_119 = tpu.memref_slice %arg4[%add3A_78, %dma_wait3A_118] : memref<6272x128xi32, #tpu.memory_space<hbm>> -> memref<2x128xi32, #tpu.memory_space<hbm>>
          %dma_wait3A_120 = arith.constant 0 : i32
          %dma_wait3A_121 = tpu.memref_slice %arg4[%add3A_78, %dma_wait3A_120] : memref<6272x128xi32, #tpu.memory_space<hbm>> -> memref<2x128xi32, #tpu.memory_space<hbm>>
          tpu.wait_dma2 semaphore(%run_scoped3A_113 : memref<!tpu.dma_semaphore, #tpu.memory_space<semaphore_mem>>) src(%dma_wait3A_121 : memref<2x128xi32, #tpu.memory_space<hbm>>) dst(%arg11 : memref<2x128xi32, #tpu.memory_space<vmem>>)
          tpu.yield
        }) : () -> ()
        "tpu.region"() ({
          %run_scoped3A_113 = tpu.sem_alloc : memref<!tpu.dma_semaphore, #tpu.memory_space<semaphore_mem>>
          %dma_start3A_114 = arith.constant 0 : i32
          %dma_start3A_115 = tpu.memref_slice %arg5[%add3A_78, %dma_start3A_114] : memref<6272x128xi32, #tpu.memory_space<hbm>> -> memref<2x128xi32, #tpu.memory_space<hbm>>
          %dma_start3A_116 = arith.constant 0 : i32
          %dma_start3A_117 = tpu.memref_slice %arg5[%add3A_78, %dma_start3A_116] : memref<6272x128xi32, #tpu.memory_space<hbm>> -> memref<2x128xi32, #tpu.memory_space<hbm>>
          tpu.enqueue_dma source(%dma_start3A_117 : memref<2x128xi32, #tpu.memory_space<hbm>>) target(%arg13 : memref<2x128xi32, #tpu.memory_space<vmem>>) target_semaphore(%run_scoped3A_113 : memref<!tpu.dma_semaphore, #tpu.memory_space<semaphore_mem>>)
          %dma_wait3A_118 = arith.constant 0 : i32
          %dma_wait3A_119 = tpu.memref_slice %arg5[%add3A_78, %dma_wait3A_118] : memref<6272x128xi32, #tpu.memory_space<hbm>> -> memref<2x128xi32, #tpu.memory_space<hbm>>
          %dma_wait3A_120 = arith.constant 0 : i32
          %dma_wait3A_121 = tpu.memref_slice %arg5[%add3A_78, %dma_wait3A_120] : memref<6272x128xi32, #tpu.memory_space<hbm>> -> memref<2x128xi32, #tpu.memory_space<hbm>>
          tpu.wait_dma2 semaphore(%run_scoped3A_113 : memref<!tpu.dma_semaphore, #tpu.memory_space<semaphore_mem>>) src(%dma_wait3A_121 : memref<2x128xi32, #tpu.memory_space<hbm>>) dst(%arg13 : memref<2x128xi32, #tpu.memory_space<vmem>>)
          tpu.yield
        }) : () -> ()
        %dma_start3A_79 = arith.constant 0 : i32
        %dma_start3A_80 = arith.constant 0 : i32
        %dma_start3A_81 = arith.constant 0 : i32
        %dma_start3A_82 = tpu.memref_slice %arg15[%dma_start3A_80, %dma_start3A_81] : memref<256x32xf32, #tpu.memory_space<vmem>> -> memref<128x32xf32, #tpu.memory_space<vmem>>
        %dma_start3A_83 = arith.constant 0 : i32
        %dma_start3A_84 = tpu.memref_slice %arg11[%dma_start3A_79, %dma_start3A_83] : memref<2x128xi32, #tpu.memory_space<vmem>> -> memref<1x128xi32, #tpu.memory_space<vmem>>
        %dma_start3A_85 = tpu.memref_squeeze %dma_start3A_84 : memref<1x128xi32, #tpu.memory_space<vmem>> -> memref<128xi32, #tpu.memory_space<vmem>>
        %dma_start3A_86 = arith.constant 0 : i32
        %dma_start3A_87 = arith.constant 0 : i32
        %dma_start3A_88 = tpu.memref_slice %arg2[%dma_start3A_86, %dma_start3A_87] : memref<50000x32xf32, #tpu.memory_space<hbm>> -> memref<50000x32xf32, #tpu.memory_space<hbm>>
        tpu.enqueue_indirect_dma source(%dma_start3A_88 : memref<50000x32xf32, #tpu.memory_space<hbm>>) target(%dma_start3A_82 : memref<128x32xf32, #tpu.memory_space<vmem>>) offsets(%dma_start3A_85 : memref<128xi32, #tpu.memory_space<vmem>>) semaphore(%arg17 : memref<!tpu.dma_semaphore, #tpu.memory_space<semaphore_mem>>)
        %dma_start3A_89 = arith.constant 1 : i32
        %dma_start3A_90 = arith.constant 128 : i32
        %dma_start3A_91 = arith.constant 0 : i32
        %dma_start3A_92 = tpu.memref_slice %arg15[%dma_start3A_90, %dma_start3A_91] : memref<256x32xf32, #tpu.memory_space<vmem>> -> memref<128x32xf32, #tpu.memory_space<vmem>>
        %dma_start3A_93 = arith.constant 0 : i32
        %dma_start3A_94 = tpu.memref_slice %arg11[%dma_start3A_89, %dma_start3A_93] : memref<2x128xi32, #tpu.memory_space<vmem>> -> memref<1x128xi32, #tpu.memory_space<vmem>>
        %dma_start3A_95 = tpu.memref_squeeze %dma_start3A_94 : memref<1x128xi32, #tpu.memory_space<vmem>> -> memref<128xi32, #tpu.memory_space<vmem>>
        %dma_start3A_96 = arith.constant 0 : i32
        %dma_start3A_97 = arith.constant 0 : i32
        %dma_start3A_98 = tpu.memref_slice %arg2[%dma_start3A_96, %dma_start3A_97] : memref<50000x32xf32, #tpu.memory_space<hbm>> -> memref<50000x32xf32, #tpu.memory_space<hbm>>
        tpu.enqueue_indirect_dma source(%dma_start3A_98 : memref<50000x32xf32, #tpu.memory_space<hbm>>) target(%dma_start3A_92 : memref<128x32xf32, #tpu.memory_space<vmem>>) offsets(%dma_start3A_95 : memref<128xi32, #tpu.memory_space<vmem>>) semaphore(%arg17 : memref<!tpu.dma_semaphore, #tpu.memory_space<semaphore_mem>>)
        %dma_wait3A = arith.constant 0 : i32
        %dma_wait3A_99 = arith.constant 0 : i32
        %dma_wait3A_100 = tpu.memref_slice %arg2[%dma_wait3A, %dma_wait3A_99] : memref<50000x32xf32, #tpu.memory_space<hbm>> -> memref<256x32xf32, #tpu.memory_space<hbm>>
        %dma_wait3A_101 = arith.constant 0 : i32
        %dma_wait3A_102 = arith.constant 0 : i32
        %dma_wait3A_103 = tpu.memref_slice %arg2[%dma_wait3A_101, %dma_wait3A_102] : memref<50000x32xf32, #tpu.memory_space<hbm>> -> memref<256x32xf32, #tpu.memory_space<hbm>>
        tpu.wait_dma2 semaphore(%arg16 : memref<!tpu.dma_semaphore, #tpu.memory_space<semaphore_mem>>) src(%dma_wait3A_103 : memref<256x32xf32, #tpu.memory_space<hbm>>) dst(%arg14 : memref<256x32xf32, #tpu.memory_space<vmem>>)
        %run_scoped3A = arith.constant 0 : i32
        "tpu.region"() ({
          %run_scoped3A_113 = tpu.sem_alloc : memref<!tpu.dma_semaphore, #tpu.memory_space<semaphore_mem>>
          %dma_start3A_114 = arith.constant 0 : i32
          %dma_start3A_115 = arith.constant 0 : i32
          %dma_start3A_116 = tpu.memref_slice %arg14[%dma_start3A_114, %dma_start3A_115] : memref<256x32xf32, #tpu.memory_space<vmem>> -> memref<128x32xf32, #tpu.memory_space<vmem>>
          %dma_start3A_117 = arith.constant 0 : i32
          %dma_start3A_118 = tpu.memref_slice %arg12[%run_scoped3A, %dma_start3A_117] : memref<2x128xi32, #tpu.memory_space<vmem>> -> memref<1x128xi32, #tpu.memory_space<vmem>>
          %dma_start3A_119 = tpu.memref_squeeze %dma_start3A_118 : memref<1x128xi32, #tpu.memory_space<vmem>> -> memref<128xi32, #tpu.memory_space<vmem>>
          %dma_start3A_120 = arith.constant 0 : i32
          %dma_start3A_121 = arith.constant 0 : i32
          %dma_start3A_122 = tpu.memref_slice %arg9[%dma_start3A_120, %dma_start3A_121] : memref<50176x32xf32, #tpu.memory_space<vmem_shared>> -> memref<50176x32xf32, #tpu.memory_space<vmem_shared>>
          tpu.enqueue_indirect_dma source(%dma_start3A_116 : memref<128x32xf32, #tpu.memory_space<vmem>>) target(%dma_start3A_122 : memref<50176x32xf32, #tpu.memory_space<vmem_shared>>) offsets(%dma_start3A_119 : memref<128xi32, #tpu.memory_space<vmem>>) semaphore(%run_scoped3A_113 : memref<!tpu.dma_semaphore, #tpu.memory_space<semaphore_mem>>) {add = true}
          %dma_wait3A_123 = arith.constant 0 : i32
          %dma_wait3A_124 = arith.constant 0 : i32
          %dma_wait3A_125 = tpu.memref_slice %arg14[%dma_wait3A_123, %dma_wait3A_124] : memref<256x32xf32, #tpu.memory_space<vmem>> -> memref<128x32xf32, #tpu.memory_space<vmem>>
          %dma_wait3A_126 = arith.constant 0 : i32
          %dma_wait3A_127 = tpu.memref_slice %arg12[%run_scoped3A, %dma_wait3A_126] : memref<2x128xi32, #tpu.memory_space<vmem>> -> memref<1x128xi32, #tpu.memory_space<vmem>>
          %dma_wait3A_128 = tpu.memref_squeeze %dma_wait3A_127 : memref<1x128xi32, #tpu.memory_space<vmem>> -> memref<128xi32, #tpu.memory_space<vmem>>
          %dma_wait3A_129 = arith.constant 0 : i32
          %dma_wait3A_130 = arith.constant 0 : i32
          %dma_wait3A_131 = tpu.memref_slice %arg9[%dma_wait3A_129, %dma_wait3A_130] : memref<50176x32xf32, #tpu.memory_space<vmem_shared>> -> memref<50176x32xf32, #tpu.memory_space<vmem_shared>>
          tpu.wait_indirect_dma semaphore(%run_scoped3A_113 : memref<!tpu.dma_semaphore, #tpu.memory_space<semaphore_mem>>) src(%dma_wait3A_125 : memref<128x32xf32, #tpu.memory_space<vmem>>) dst(%dma_wait3A_131 : memref<50176x32xf32, #tpu.memory_space<vmem_shared>>)
          tpu.yield
        }) : () -> ()
        %run_scoped3A_104 = arith.constant 1 : i32
        "tpu.region"() ({
          %run_scoped3A_113 = tpu.sem_alloc : memref<!tpu.dma_semaphore, #tpu.memory_space<semaphore_mem>>
          %dma_start3A_114 = arith.constant 128 : i32
          %dma_start3A_115 = arith.constant 0 : i32
          %dma_start3A_116 = tpu.memref_slice %arg14[%dma_start3A_114, %dma_start3A_115] : memref<256x32xf32, #tpu.memory_space<vmem>> -> memref<128x32xf32, #tpu.memory_space<vmem>>
          %dma_start3A_117 = arith.constant 0 : i32
          %dma_start3A_118 = tpu.memref_slice %arg12[%run_scoped3A_104, %dma_start3A_117] : memref<2x128xi32, #tpu.memory_space<vmem>> -> memref<1x128xi32, #tpu.memory_space<vmem>>
          %dma_start3A_119 = tpu.memref_squeeze %dma_start3A_118 : memref<1x128xi32, #tpu.memory_space<vmem>> -> memref<128xi32, #tpu.memory_space<vmem>>
          %dma_start3A_120 = arith.constant 0 : i32
          %dma_start3A_121 = arith.constant 0 : i32
          %dma_start3A_122 = tpu.memref_slice %arg9[%dma_start3A_120, %dma_start3A_121] : memref<50176x32xf32, #tpu.memory_space<vmem_shared>> -> memref<50176x32xf32, #tpu.memory_space<vmem_shared>>
          tpu.enqueue_indirect_dma source(%dma_start3A_116 : memref<128x32xf32, #tpu.memory_space<vmem>>) target(%dma_start3A_122 : memref<50176x32xf32, #tpu.memory_space<vmem_shared>>) offsets(%dma_start3A_119 : memref<128xi32, #tpu.memory_space<vmem>>) semaphore(%run_scoped3A_113 : memref<!tpu.dma_semaphore, #tpu.memory_space<semaphore_mem>>) {add = true}
          %dma_wait3A_123 = arith.constant 128 : i32
          %dma_wait3A_124 = arith.constant 0 : i32
          %dma_wait3A_125 = tpu.memref_slice %arg14[%dma_wait3A_123, %dma_wait3A_124] : memref<256x32xf32, #tpu.memory_space<vmem>> -> memref<128x32xf32, #tpu.memory_space<vmem>>
          %dma_wait3A_126 = arith.constant 0 : i32
          %dma_wait3A_127 = tpu.memref_slice %arg12[%run_scoped3A_104, %dma_wait3A_126] : memref<2x128xi32, #tpu.memory_space<vmem>> -> memref<1x128xi32, #tpu.memory_space<vmem>>
          %dma_wait3A_128 = tpu.memref_squeeze %dma_wait3A_127 : memref<1x128xi32, #tpu.memory_space<vmem>> -> memref<128xi32, #tpu.memory_space<vmem>>
          %dma_wait3A_129 = arith.constant 0 : i32
          %dma_wait3A_130 = arith.constant 0 : i32
          %dma_wait3A_131 = tpu.memref_slice %arg9[%dma_wait3A_129, %dma_wait3A_130] : memref<50176x32xf32, #tpu.memory_space<vmem_shared>> -> memref<50176x32xf32, #tpu.memory_space<vmem_shared>>
          tpu.wait_indirect_dma semaphore(%run_scoped3A_113 : memref<!tpu.dma_semaphore, #tpu.memory_space<semaphore_mem>>) src(%dma_wait3A_125 : memref<128x32xf32, #tpu.memory_space<vmem>>) dst(%dma_wait3A_131 : memref<50176x32xf32, #tpu.memory_space<vmem_shared>>)
          tpu.yield
        }) : () -> ()
        %dma_wait3A_105 = arith.constant 0 : i32
        %dma_wait3A_106 = arith.constant 0 : i32
        %dma_wait3A_107 = tpu.memref_slice %arg2[%dma_wait3A_105, %dma_wait3A_106] : memref<50000x32xf32, #tpu.memory_space<hbm>> -> memref<256x32xf32, #tpu.memory_space<hbm>>
        %dma_wait3A_108 = arith.constant 0 : i32
        %dma_wait3A_109 = arith.constant 0 : i32
        %dma_wait3A_110 = tpu.memref_slice %arg2[%dma_wait3A_108, %dma_wait3A_109] : memref<50000x32xf32, #tpu.memory_space<hbm>> -> memref<256x32xf32, #tpu.memory_space<hbm>>
        tpu.wait_dma2 semaphore(%arg17 : memref<!tpu.dma_semaphore, #tpu.memory_space<semaphore_mem>>) src(%dma_wait3A_110 : memref<256x32xf32, #tpu.memory_space<hbm>>) dst(%arg15 : memref<256x32xf32, #tpu.memory_space<vmem>>)
        %run_scoped3A_111 = arith.constant 0 : i32
        "tpu.region"() ({
          %run_scoped3A_113 = tpu.sem_alloc : memref<!tpu.dma_semaphore, #tpu.memory_space<semaphore_mem>>
          %dma_start3A_114 = arith.constant 0 : i32
          %dma_start3A_115 = arith.constant 0 : i32
          %dma_start3A_116 = tpu.memref_slice %arg15[%dma_start3A_114, %dma_start3A_115] : memref<256x32xf32, #tpu.memory_space<vmem>> -> memref<128x32xf32, #tpu.memory_space<vmem>>
          %dma_start3A_117 = arith.constant 0 : i32
          %dma_start3A_118 = tpu.memref_slice %arg13[%run_scoped3A_111, %dma_start3A_117] : memref<2x128xi32, #tpu.memory_space<vmem>> -> memref<1x128xi32, #tpu.memory_space<vmem>>
          %dma_start3A_119 = tpu.memref_squeeze %dma_start3A_118 : memref<1x128xi32, #tpu.memory_space<vmem>> -> memref<128xi32, #tpu.memory_space<vmem>>
          %dma_start3A_120 = arith.constant 0 : i32
          %dma_start3A_121 = arith.constant 0 : i32
          %dma_start3A_122 = tpu.memref_slice %arg9[%dma_start3A_120, %dma_start3A_121] : memref<50176x32xf32, #tpu.memory_space<vmem_shared>> -> memref<50176x32xf32, #tpu.memory_space<vmem_shared>>
          tpu.enqueue_indirect_dma source(%dma_start3A_116 : memref<128x32xf32, #tpu.memory_space<vmem>>) target(%dma_start3A_122 : memref<50176x32xf32, #tpu.memory_space<vmem_shared>>) offsets(%dma_start3A_119 : memref<128xi32, #tpu.memory_space<vmem>>) semaphore(%run_scoped3A_113 : memref<!tpu.dma_semaphore, #tpu.memory_space<semaphore_mem>>) {add = true}
          %dma_wait3A_123 = arith.constant 0 : i32
          %dma_wait3A_124 = arith.constant 0 : i32
          %dma_wait3A_125 = tpu.memref_slice %arg15[%dma_wait3A_123, %dma_wait3A_124] : memref<256x32xf32, #tpu.memory_space<vmem>> -> memref<128x32xf32, #tpu.memory_space<vmem>>
          %dma_wait3A_126 = arith.constant 0 : i32
          %dma_wait3A_127 = tpu.memref_slice %arg13[%run_scoped3A_111, %dma_wait3A_126] : memref<2x128xi32, #tpu.memory_space<vmem>> -> memref<1x128xi32, #tpu.memory_space<vmem>>
          %dma_wait3A_128 = tpu.memref_squeeze %dma_wait3A_127 : memref<1x128xi32, #tpu.memory_space<vmem>> -> memref<128xi32, #tpu.memory_space<vmem>>
          %dma_wait3A_129 = arith.constant 0 : i32
          %dma_wait3A_130 = arith.constant 0 : i32
          %dma_wait3A_131 = tpu.memref_slice %arg9[%dma_wait3A_129, %dma_wait3A_130] : memref<50176x32xf32, #tpu.memory_space<vmem_shared>> -> memref<50176x32xf32, #tpu.memory_space<vmem_shared>>
          tpu.wait_indirect_dma semaphore(%run_scoped3A_113 : memref<!tpu.dma_semaphore, #tpu.memory_space<semaphore_mem>>) src(%dma_wait3A_125 : memref<128x32xf32, #tpu.memory_space<vmem>>) dst(%dma_wait3A_131 : memref<50176x32xf32, #tpu.memory_space<vmem_shared>>)
          tpu.yield
        }) : () -> ()
        %run_scoped3A_112 = arith.constant 1 : i32
        "tpu.region"() ({
          %run_scoped3A_113 = tpu.sem_alloc : memref<!tpu.dma_semaphore, #tpu.memory_space<semaphore_mem>>
          %dma_start3A_114 = arith.constant 128 : i32
          %dma_start3A_115 = arith.constant 0 : i32
          %dma_start3A_116 = tpu.memref_slice %arg15[%dma_start3A_114, %dma_start3A_115] : memref<256x32xf32, #tpu.memory_space<vmem>> -> memref<128x32xf32, #tpu.memory_space<vmem>>
          %dma_start3A_117 = arith.constant 0 : i32
          %dma_start3A_118 = tpu.memref_slice %arg13[%run_scoped3A_112, %dma_start3A_117] : memref<2x128xi32, #tpu.memory_space<vmem>> -> memref<1x128xi32, #tpu.memory_space<vmem>>
          %dma_start3A_119 = tpu.memref_squeeze %dma_start3A_118 : memref<1x128xi32, #tpu.memory_space<vmem>> -> memref<128xi32, #tpu.memory_space<vmem>>
          %dma_start3A_120 = arith.constant 0 : i32
          %dma_start3A_121 = arith.constant 0 : i32
          %dma_start3A_122 = tpu.memref_slice %arg9[%dma_start3A_120, %dma_start3A_121] : memref<50176x32xf32, #tpu.memory_space<vmem_shared>> -> memref<50176x32xf32, #tpu.memory_space<vmem_shared>>
          tpu.enqueue_indirect_dma source(%dma_start3A_116 : memref<128x32xf32, #tpu.memory_space<vmem>>) target(%dma_start3A_122 : memref<50176x32xf32, #tpu.memory_space<vmem_shared>>) offsets(%dma_start3A_119 : memref<128xi32, #tpu.memory_space<vmem>>) semaphore(%run_scoped3A_113 : memref<!tpu.dma_semaphore, #tpu.memory_space<semaphore_mem>>) {add = true}
          %dma_wait3A_123 = arith.constant 128 : i32
          %dma_wait3A_124 = arith.constant 0 : i32
          %dma_wait3A_125 = tpu.memref_slice %arg15[%dma_wait3A_123, %dma_wait3A_124] : memref<256x32xf32, #tpu.memory_space<vmem>> -> memref<128x32xf32, #tpu.memory_space<vmem>>
          %dma_wait3A_126 = arith.constant 0 : i32
          %dma_wait3A_127 = tpu.memref_slice %arg13[%run_scoped3A_112, %dma_wait3A_126] : memref<2x128xi32, #tpu.memory_space<vmem>> -> memref<1x128xi32, #tpu.memory_space<vmem>>
          %dma_wait3A_128 = tpu.memref_squeeze %dma_wait3A_127 : memref<1x128xi32, #tpu.memory_space<vmem>> -> memref<128xi32, #tpu.memory_space<vmem>>
          %dma_wait3A_129 = arith.constant 0 : i32
          %dma_wait3A_130 = arith.constant 0 : i32
          %dma_wait3A_131 = tpu.memref_slice %arg9[%dma_wait3A_129, %dma_wait3A_130] : memref<50176x32xf32, #tpu.memory_space<vmem_shared>> -> memref<50176x32xf32, #tpu.memory_space<vmem_shared>>
          tpu.wait_indirect_dma semaphore(%run_scoped3A_113 : memref<!tpu.dma_semaphore, #tpu.memory_space<semaphore_mem>>) src(%dma_wait3A_125 : memref<128x32xf32, #tpu.memory_space<vmem>>) dst(%dma_wait3A_131 : memref<50176x32xf32, #tpu.memory_space<vmem_shared>>)
          tpu.yield
        }) : () -> ()
      }
      %scan3A_43 = arith.constant 98 : i32
      %barrier3A_44 = arith.constant 0 : index
      tpu.barrier barrier_id(%barrier3A_44)
      %mul3A_45 = arith.constant 3136 : i32
      %mul3A_46 = arith.muli %arg1, %mul3A_45 : i32
      %mul3A_47 = arith.constant 3136 : i32
      %mul3A_48 = arith.muli %arg1, %mul3A_47 : i32
      "tpu.region"() ({
        %run_scoped3A = tpu.sem_alloc : memref<!tpu.dma_semaphore, #tpu.memory_space<semaphore_mem>>
        %dma_start3A = arith.constant 0 : i32
        %dma_start3A_49 = tpu.memref_slice %arg7[%mul3A_48, %dma_start3A] : memref<50176x32xf32, #tpu.memory_space<hbm>> -> memref<3136x32xf32, #tpu.memory_space<hbm>>
        %dma_start3A_50 = arith.constant 0 : i32
        %dma_start3A_51 = tpu.memref_slice %arg9[%mul3A_46, %dma_start3A_50] : memref<50176x32xf32, #tpu.memory_space<vmem_shared>> -> memref<3136x32xf32, #tpu.memory_space<vmem_shared>>
        tpu.enqueue_dma source(%dma_start3A_51 : memref<3136x32xf32, #tpu.memory_space<vmem_shared>>) target(%dma_start3A_49 : memref<3136x32xf32, #tpu.memory_space<hbm>>) target_semaphore(%run_scoped3A : memref<!tpu.dma_semaphore, #tpu.memory_space<semaphore_mem>>)
        %dma_wait3A = arith.constant 0 : i32
        %dma_wait3A_52 = tpu.memref_slice %arg7[%mul3A_48, %dma_wait3A] : memref<50176x32xf32, #tpu.memory_space<hbm>> -> memref<3136x32xf32, #tpu.memory_space<hbm>>
        %dma_wait3A_53 = arith.constant 0 : i32
        %dma_wait3A_54 = tpu.memref_slice %arg9[%mul3A_46, %dma_wait3A_53] : memref<50176x32xf32, #tpu.memory_space<vmem_shared>> -> memref<3136x32xf32, #tpu.memory_space<vmem_shared>>
        tpu.wait_dma2 semaphore(%run_scoped3A : memref<!tpu.dma_semaphore, #tpu.memory_space<semaphore_mem>>) src(%dma_wait3A_54 : memref<3136x32xf32, #tpu.memory_space<vmem_shared>>) dst(%dma_wait3A_52 : memref<3136x32xf32, #tpu.memory_space<hbm>>)
        tpu.yield
      }) : () -> ()
    } else {
    }
    %eq3A_2 = arith.constant 1 : i32
    %eq3A_3 = arith.cmpi eq, %arg0, %eq3A_2 : i32
    %convert_element_type3A_4 = arith.extui %eq3A_3 : i1 to i32
    %cond3A_5 = arith.constant 0 : i32
    %cond3A_6 = arith.cmpi ne, %convert_element_type3A_4, %cond3A_5 : i32
    scf.if %cond3A_6 {
      %mul3A = arith.constant 3136 : i32
      %mul3A_7 = arith.muli %arg1, %mul3A : i32
      %add3A = arith.constant 0 : i32
      %add3A_8 = arith.addi %mul3A_7, %add3A : i32
      "tpu.region"() ({
        %run_scoped3A = tpu.sem_alloc : memref<!tpu.dma_semaphore, #tpu.memory_space<semaphore_mem>>
        %dma_start3A = arith.constant 0 : i32
        %dma_start3A_49 = tpu.memref_slice %arg9[%add3A_8, %dma_start3A] : memref<50176x32xf32, #tpu.memory_space<vmem_shared>> -> memref<392x32xf32, #tpu.memory_space<vmem_shared>>
        tpu.enqueue_dma source(%arg6 : memref<392x32xf32, #tpu.memory_space<hbm>>) target(%dma_start3A_49 : memref<392x32xf32, #tpu.memory_space<vmem_shared>>) target_semaphore(%run_scoped3A : memref<!tpu.dma_semaphore, #tpu.memory_space<semaphore_mem>>)
        %dma_wait3A = arith.constant 0 : i32
        %dma_wait3A_50 = tpu.memref_slice %arg9[%add3A_8, %dma_wait3A] : memref<50176x32xf32, #tpu.memory_space<vmem_shared>> -> memref<392x32xf32, #tpu.memory_space<vmem_shared>>
        tpu.wait_dma2 semaphore(%run_scoped3A : memref<!tpu.dma_semaphore, #tpu.memory_space<semaphore_mem>>) src(%arg6 : memref<392x32xf32, #tpu.memory_space<hbm>>) dst(%dma_wait3A_50 : memref<392x32xf32, #tpu.memory_space<vmem_shared>>)
        tpu.yield
      }) : () -> ()
      %mul3A_9 = arith.constant 3136 : i32
      %mul3A_10 = arith.muli %arg1, %mul3A_9 : i32
      %add3A_11 = arith.constant 392 : i32
      %add3A_12 = arith.addi %mul3A_10, %add3A_11 : i32
      "tpu.region"() ({
        %run_scoped3A = tpu.sem_alloc : memref<!tpu.dma_semaphore, #tpu.memory_space<semaphore_mem>>
        %dma_start3A = arith.constant 0 : i32
        %dma_start3A_49 = tpu.memref_slice %arg9[%add3A_12, %dma_start3A] : memref<50176x32xf32, #tpu.memory_space<vmem_shared>> -> memref<392x32xf32, #tpu.memory_space<vmem_shared>>
        tpu.enqueue_dma source(%arg6 : memref<392x32xf32, #tpu.memory_space<hbm>>) target(%dma_start3A_49 : memref<392x32xf32, #tpu.memory_space<vmem_shared>>) target_semaphore(%run_scoped3A : memref<!tpu.dma_semaphore, #tpu.memory_space<semaphore_mem>>)
        %dma_wait3A = arith.constant 0 : i32
        %dma_wait3A_50 = tpu.memref_slice %arg9[%add3A_12, %dma_wait3A] : memref<50176x32xf32, #tpu.memory_space<vmem_shared>> -> memref<392x32xf32, #tpu.memory_space<vmem_shared>>
        tpu.wait_dma2 semaphore(%run_scoped3A : memref<!tpu.dma_semaphore, #tpu.memory_space<semaphore_mem>>) src(%arg6 : memref<392x32xf32, #tpu.memory_space<hbm>>) dst(%dma_wait3A_50 : memref<392x32xf32, #tpu.memory_space<vmem_shared>>)
        tpu.yield
      }) : () -> ()
      %mul3A_13 = arith.constant 3136 : i32
      %mul3A_14 = arith.muli %arg1, %mul3A_13 : i32
      %add3A_15 = arith.constant 784 : i32
      %add3A_16 = arith.addi %mul3A_14, %add3A_15 : i32
      "tpu.region"() ({
        %run_scoped3A = tpu.sem_alloc : memref<!tpu.dma_semaphore, #tpu.memory_space<semaphore_mem>>
        %dma_start3A = arith.constant 0 : i32
        %dma_start3A_49 = tpu.memref_slice %arg9[%add3A_16, %dma_start3A] : memref<50176x32xf32, #tpu.memory_space<vmem_shared>> -> memref<392x32xf32, #tpu.memory_space<vmem_shared>>
        tpu.enqueue_dma source(%arg6 : memref<392x32xf32, #tpu.memory_space<hbm>>) target(%dma_start3A_49 : memref<392x32xf32, #tpu.memory_space<vmem_shared>>) target_semaphore(%run_scoped3A : memref<!tpu.dma_semaphore, #tpu.memory_space<semaphore_mem>>)
        %dma_wait3A = arith.constant 0 : i32
        %dma_wait3A_50 = tpu.memref_slice %arg9[%add3A_16, %dma_wait3A] : memref<50176x32xf32, #tpu.memory_space<vmem_shared>> -> memref<392x32xf32, #tpu.memory_space<vmem_shared>>
        tpu.wait_dma2 semaphore(%run_scoped3A : memref<!tpu.dma_semaphore, #tpu.memory_space<semaphore_mem>>) src(%arg6 : memref<392x32xf32, #tpu.memory_space<hbm>>) dst(%dma_wait3A_50 : memref<392x32xf32, #tpu.memory_space<vmem_shared>>)
        tpu.yield
      }) : () -> ()
      %mul3A_17 = arith.constant 3136 : i32
      %mul3A_18 = arith.muli %arg1, %mul3A_17 : i32
      %add3A_19 = arith.constant 1176 : i32
      %add3A_20 = arith.addi %mul3A_18, %add3A_19 : i32
      "tpu.region"() ({
        %run_scoped3A = tpu.sem_alloc : memref<!tpu.dma_semaphore, #tpu.memory_space<semaphore_mem>>
        %dma_start3A = arith.constant 0 : i32
        %dma_start3A_49 = tpu.memref_slice %arg9[%add3A_20, %dma_start3A] : memref<50176x32xf32, #tpu.memory_space<vmem_shared>> -> memref<392x32xf32, #tpu.memory_space<vmem_shared>>
        tpu.enqueue_dma source(%arg6 : memref<392x32xf32, #tpu.memory_space<hbm>>) target(%dma_start3A_49 : memref<392x32xf32, #tpu.memory_space<vmem_shared>>) target_semaphore(%run_scoped3A : memref<!tpu.dma_semaphore, #tpu.memory_space<semaphore_mem>>)
        %dma_wait3A = arith.constant 0 : i32
        %dma_wait3A_50 = tpu.memref_slice %arg9[%add3A_20, %dma_wait3A] : memref<50176x32xf32, #tpu.memory_space<vmem_shared>> -> memref<392x32xf32, #tpu.memory_space<vmem_shared>>
        tpu.wait_dma2 semaphore(%run_scoped3A : memref<!tpu.dma_semaphore, #tpu.memory_space<semaphore_mem>>) src(%arg6 : memref<392x32xf32, #tpu.memory_space<hbm>>) dst(%dma_wait3A_50 : memref<392x32xf32, #tpu.memory_space<vmem_shared>>)
        tpu.yield
      }) : () -> ()
      %mul3A_21 = arith.constant 3136 : i32
      %mul3A_22 = arith.muli %arg1, %mul3A_21 : i32
      %add3A_23 = arith.constant 1568 : i32
      %add3A_24 = arith.addi %mul3A_22, %add3A_23 : i32
      "tpu.region"() ({
        %run_scoped3A = tpu.sem_alloc : memref<!tpu.dma_semaphore, #tpu.memory_space<semaphore_mem>>
        %dma_start3A = arith.constant 0 : i32
        %dma_start3A_49 = tpu.memref_slice %arg9[%add3A_24, %dma_start3A] : memref<50176x32xf32, #tpu.memory_space<vmem_shared>> -> memref<392x32xf32, #tpu.memory_space<vmem_shared>>
        tpu.enqueue_dma source(%arg6 : memref<392x32xf32, #tpu.memory_space<hbm>>) target(%dma_start3A_49 : memref<392x32xf32, #tpu.memory_space<vmem_shared>>) target_semaphore(%run_scoped3A : memref<!tpu.dma_semaphore, #tpu.memory_space<semaphore_mem>>)
        %dma_wait3A = arith.constant 0 : i32
        %dma_wait3A_50 = tpu.memref_slice %arg9[%add3A_24, %dma_wait3A] : memref<50176x32xf32, #tpu.memory_space<vmem_shared>> -> memref<392x32xf32, #tpu.memory_space<vmem_shared>>
        tpu.wait_dma2 semaphore(%run_scoped3A : memref<!tpu.dma_semaphore, #tpu.memory_space<semaphore_mem>>) src(%arg6 : memref<392x32xf32, #tpu.memory_space<hbm>>) dst(%dma_wait3A_50 : memref<392x32xf32, #tpu.memory_space<vmem_shared>>)
        tpu.yield
      }) : () -> ()
      %mul3A_25 = arith.constant 3136 : i32
      %mul3A_26 = arith.muli %arg1, %mul3A_25 : i32
      %add3A_27 = arith.constant 1960 : i32
      %add3A_28 = arith.addi %mul3A_26, %add3A_27 : i32
      "tpu.region"() ({
        %run_scoped3A = tpu.sem_alloc : memref<!tpu.dma_semaphore, #tpu.memory_space<semaphore_mem>>
        %dma_start3A = arith.constant 0 : i32
        %dma_start3A_49 = tpu.memref_slice %arg9[%add3A_28, %dma_start3A] : memref<50176x32xf32, #tpu.memory_space<vmem_shared>> -> memref<392x32xf32, #tpu.memory_space<vmem_shared>>
        tpu.enqueue_dma source(%arg6 : memref<392x32xf32, #tpu.memory_space<hbm>>) target(%dma_start3A_49 : memref<392x32xf32, #tpu.memory_space<vmem_shared>>) target_semaphore(%run_scoped3A : memref<!tpu.dma_semaphore, #tpu.memory_space<semaphore_mem>>)
        %dma_wait3A = arith.constant 0 : i32
        %dma_wait3A_50 = tpu.memref_slice %arg9[%add3A_28, %dma_wait3A] : memref<50176x32xf32, #tpu.memory_space<vmem_shared>> -> memref<392x32xf32, #tpu.memory_space<vmem_shared>>
        tpu.wait_dma2 semaphore(%run_scoped3A : memref<!tpu.dma_semaphore, #tpu.memory_space<semaphore_mem>>) src(%arg6 : memref<392x32xf32, #tpu.memory_space<hbm>>) dst(%dma_wait3A_50 : memref<392x32xf32, #tpu.memory_space<vmem_shared>>)
        tpu.yield
      }) : () -> ()
      %mul3A_29 = arith.constant 3136 : i32
      %mul3A_30 = arith.muli %arg1, %mul3A_29 : i32
      %add3A_31 = arith.constant 2352 : i32
      %add3A_32 = arith.addi %mul3A_30, %add3A_31 : i32
      "tpu.region"() ({
        %run_scoped3A = tpu.sem_alloc : memref<!tpu.dma_semaphore, #tpu.memory_space<semaphore_mem>>
        %dma_start3A = arith.constant 0 : i32
        %dma_start3A_49 = tpu.memref_slice %arg9[%add3A_32, %dma_start3A] : memref<50176x32xf32, #tpu.memory_space<vmem_shared>> -> memref<392x32xf32, #tpu.memory_space<vmem_shared>>
        tpu.enqueue_dma source(%arg6 : memref<392x32xf32, #tpu.memory_space<hbm>>) target(%dma_start3A_49 : memref<392x32xf32, #tpu.memory_space<vmem_shared>>) target_semaphore(%run_scoped3A : memref<!tpu.dma_semaphore, #tpu.memory_space<semaphore_mem>>)
        %dma_wait3A = arith.constant 0 : i32
        %dma_wait3A_50 = tpu.memref_slice %arg9[%add3A_32, %dma_wait3A] : memref<50176x32xf32, #tpu.memory_space<vmem_shared>> -> memref<392x32xf32, #tpu.memory_space<vmem_shared>>
        tpu.wait_dma2 semaphore(%run_scoped3A : memref<!tpu.dma_semaphore, #tpu.memory_space<semaphore_mem>>) src(%arg6 : memref<392x32xf32, #tpu.memory_space<hbm>>) dst(%dma_wait3A_50 : memref<392x32xf32, #tpu.memory_space<vmem_shared>>)
        tpu.yield
      }) : () -> ()
      %mul3A_33 = arith.constant 3136 : i32
      %mul3A_34 = arith.muli %arg1, %mul3A_33 : i32
      %add3A_35 = arith.constant 2744 : i32
      %add3A_36 = arith.addi %mul3A_34, %add3A_35 : i32
      "tpu.region"() ({
        %run_scoped3A = tpu.sem_alloc : memref<!tpu.dma_semaphore, #tpu.memory_space<semaphore_mem>>
        %dma_start3A = arith.constant 0 : i32
        %dma_start3A_49 = tpu.memref_slice %arg9[%add3A_36, %dma_start3A] : memref<50176x32xf32, #tpu.memory_space<vmem_shared>> -> memref<392x32xf32, #tpu.memory_space<vmem_shared>>
        tpu.enqueue_dma source(%arg6 : memref<392x32xf32, #tpu.memory_space<hbm>>) target(%dma_start3A_49 : memref<392x32xf32, #tpu.memory_space<vmem_shared>>) target_semaphore(%run_scoped3A : memref<!tpu.dma_semaphore, #tpu.memory_space<semaphore_mem>>)
        %dma_wait3A = arith.constant 0 : i32
        %dma_wait3A_50 = tpu.memref_slice %arg9[%add3A_36, %dma_wait3A] : memref<50176x32xf32, #tpu.memory_space<vmem_shared>> -> memref<392x32xf32, #tpu.memory_space<vmem_shared>>
        tpu.wait_dma2 semaphore(%run_scoped3A : memref<!tpu.dma_semaphore, #tpu.memory_space<semaphore_mem>>) src(%arg6 : memref<392x32xf32, #tpu.memory_space<hbm>>) dst(%dma_wait3A_50 : memref<392x32xf32, #tpu.memory_space<vmem_shared>>)
        tpu.yield
      }) : () -> ()
      %barrier3A = arith.constant 0 : index
      tpu.barrier barrier_id(%barrier3A)
      %mul3A_37 = arith.constant 392 : i32
      %mul3A_38 = arith.muli %arg1, %mul3A_37 : i32
      %scan3A = arith.constant 0 : i32
      %scan3A_39 = arith.constant 0 : i32
      %scan3A_40 = arith.constant 98 : i32
      %scan3A_41 = arith.addi %scan3A_39, %scan3A_40 : i32
      %scan3A_42 = arith.constant 1 : i32
      scf.for %scan3A_49 = %scan3A_39 to %scan3A_41 step %scan3A_42  : i32 {
        %mul3A_50 = arith.constant 2 : i32
        %mul3A_51 = arith.muli %mul3A_50, %scan3A_49 : i32
        %mul3A_52 = arith.constant 2 : i32
        %mul3A_53 = arith.muli %mul3A_51, %mul3A_52 : i32
        %add3A_54 = arith.addi %mul3A_38, %mul3A_53 : i32
        "tpu.region"() ({
          %run_scoped3A_113 = tpu.sem_alloc : memref<!tpu.dma_semaphore, #tpu.memory_space<semaphore_mem>>
          %dma_start3A_114 = arith.constant 0 : i32
          %dma_start3A_115 = tpu.memref_slice %arg4[%add3A_54, %dma_start3A_114] : memref<6272x128xi32, #tpu.memory_space<hbm>> -> memref<2x128xi32, #tpu.memory_space<hbm>>
          %dma_start3A_116 = arith.constant 0 : i32
          %dma_start3A_117 = tpu.memref_slice %arg4[%add3A_54, %dma_start3A_116] : memref<6272x128xi32, #tpu.memory_space<hbm>> -> memref<2x128xi32, #tpu.memory_space<hbm>>
          tpu.enqueue_dma source(%dma_start3A_117 : memref<2x128xi32, #tpu.memory_space<hbm>>) target(%arg10 : memref<2x128xi32, #tpu.memory_space<vmem>>) target_semaphore(%run_scoped3A_113 : memref<!tpu.dma_semaphore, #tpu.memory_space<semaphore_mem>>)
          %dma_wait3A_118 = arith.constant 0 : i32
          %dma_wait3A_119 = tpu.memref_slice %arg4[%add3A_54, %dma_wait3A_118] : memref<6272x128xi32, #tpu.memory_space<hbm>> -> memref<2x128xi32, #tpu.memory_space<hbm>>
          %dma_wait3A_120 = arith.constant 0 : i32
          %dma_wait3A_121 = tpu.memref_slice %arg4[%add3A_54, %dma_wait3A_120] : memref<6272x128xi32, #tpu.memory_space<hbm>> -> memref<2x128xi32, #tpu.memory_space<hbm>>
          tpu.wait_dma2 semaphore(%run_scoped3A_113 : memref<!tpu.dma_semaphore, #tpu.memory_space<semaphore_mem>>) src(%dma_wait3A_121 : memref<2x128xi32, #tpu.memory_space<hbm>>) dst(%arg10 : memref<2x128xi32, #tpu.memory_space<vmem>>)
          tpu.yield
        }) : () -> ()
        "tpu.region"() ({
          %run_scoped3A_113 = tpu.sem_alloc : memref<!tpu.dma_semaphore, #tpu.memory_space<semaphore_mem>>
          %dma_start3A_114 = arith.constant 0 : i32
          %dma_start3A_115 = tpu.memref_slice %arg5[%add3A_54, %dma_start3A_114] : memref<6272x128xi32, #tpu.memory_space<hbm>> -> memref<2x128xi32, #tpu.memory_space<hbm>>
          %dma_start3A_116 = arith.constant 0 : i32
          %dma_start3A_117 = tpu.memref_slice %arg5[%add3A_54, %dma_start3A_116] : memref<6272x128xi32, #tpu.memory_space<hbm>> -> memref<2x128xi32, #tpu.memory_space<hbm>>
          tpu.enqueue_dma source(%dma_start3A_117 : memref<2x128xi32, #tpu.memory_space<hbm>>) target(%arg12 : memref<2x128xi32, #tpu.memory_space<vmem>>) target_semaphore(%run_scoped3A_113 : memref<!tpu.dma_semaphore, #tpu.memory_space<semaphore_mem>>)
          %dma_wait3A_118 = arith.constant 0 : i32
          %dma_wait3A_119 = tpu.memref_slice %arg5[%add3A_54, %dma_wait3A_118] : memref<6272x128xi32, #tpu.memory_space<hbm>> -> memref<2x128xi32, #tpu.memory_space<hbm>>
          %dma_wait3A_120 = arith.constant 0 : i32
          %dma_wait3A_121 = tpu.memref_slice %arg5[%add3A_54, %dma_wait3A_120] : memref<6272x128xi32, #tpu.memory_space<hbm>> -> memref<2x128xi32, #tpu.memory_space<hbm>>
          tpu.wait_dma2 semaphore(%run_scoped3A_113 : memref<!tpu.dma_semaphore, #tpu.memory_space<semaphore_mem>>) src(%dma_wait3A_121 : memref<2x128xi32, #tpu.memory_space<hbm>>) dst(%arg12 : memref<2x128xi32, #tpu.memory_space<vmem>>)
          tpu.yield
        }) : () -> ()
        %dma_start3A = arith.constant 0 : i32
        %dma_start3A_55 = arith.constant 0 : i32
        %dma_start3A_56 = arith.constant 0 : i32
        %dma_start3A_57 = tpu.memref_slice %arg14[%dma_start3A_55, %dma_start3A_56] : memref<256x32xf32, #tpu.memory_space<vmem>> -> memref<128x32xf32, #tpu.memory_space<vmem>>
        %dma_start3A_58 = arith.constant 0 : i32
        %dma_start3A_59 = tpu.memref_slice %arg10[%dma_start3A, %dma_start3A_58] : memref<2x128xi32, #tpu.memory_space<vmem>> -> memref<1x128xi32, #tpu.memory_space<vmem>>
        %dma_start3A_60 = tpu.memref_squeeze %dma_start3A_59 : memref<1x128xi32, #tpu.memory_space<vmem>> -> memref<128xi32, #tpu.memory_space<vmem>>
        %dma_start3A_61 = arith.constant 0 : i32
        %dma_start3A_62 = arith.constant 0 : i32
        %dma_start3A_63 = tpu.memref_slice %arg3[%dma_start3A_61, %dma_start3A_62] : memref<50000x32xf32, #tpu.memory_space<hbm>> -> memref<50000x32xf32, #tpu.memory_space<hbm>>
        tpu.enqueue_indirect_dma source(%dma_start3A_63 : memref<50000x32xf32, #tpu.memory_space<hbm>>) target(%dma_start3A_57 : memref<128x32xf32, #tpu.memory_space<vmem>>) offsets(%dma_start3A_60 : memref<128xi32, #tpu.memory_space<vmem>>) semaphore(%arg16 : memref<!tpu.dma_semaphore, #tpu.memory_space<semaphore_mem>>)
        %dma_start3A_64 = arith.constant 1 : i32
        %dma_start3A_65 = arith.constant 128 : i32
        %dma_start3A_66 = arith.constant 0 : i32
        %dma_start3A_67 = tpu.memref_slice %arg14[%dma_start3A_65, %dma_start3A_66] : memref<256x32xf32, #tpu.memory_space<vmem>> -> memref<128x32xf32, #tpu.memory_space<vmem>>
        %dma_start3A_68 = arith.constant 0 : i32
        %dma_start3A_69 = tpu.memref_slice %arg10[%dma_start3A_64, %dma_start3A_68] : memref<2x128xi32, #tpu.memory_space<vmem>> -> memref<1x128xi32, #tpu.memory_space<vmem>>
        %dma_start3A_70 = tpu.memref_squeeze %dma_start3A_69 : memref<1x128xi32, #tpu.memory_space<vmem>> -> memref<128xi32, #tpu.memory_space<vmem>>
        %dma_start3A_71 = arith.constant 0 : i32
        %dma_start3A_72 = arith.constant 0 : i32
        %dma_start3A_73 = tpu.memref_slice %arg3[%dma_start3A_71, %dma_start3A_72] : memref<50000x32xf32, #tpu.memory_space<hbm>> -> memref<50000x32xf32, #tpu.memory_space<hbm>>
        tpu.enqueue_indirect_dma source(%dma_start3A_73 : memref<50000x32xf32, #tpu.memory_space<hbm>>) target(%dma_start3A_67 : memref<128x32xf32, #tpu.memory_space<vmem>>) offsets(%dma_start3A_70 : memref<128xi32, #tpu.memory_space<vmem>>) semaphore(%arg16 : memref<!tpu.dma_semaphore, #tpu.memory_space<semaphore_mem>>)
        %add3A_74 = arith.constant 1 : i32
        %add3A_75 = arith.addi %mul3A_51, %add3A_74 : i32
        %mul3A_76 = arith.constant 2 : i32
        %mul3A_77 = arith.muli %add3A_75, %mul3A_76 : i32
        %add3A_78 = arith.addi %mul3A_38, %mul3A_77 : i32
        "tpu.region"() ({
          %run_scoped3A_113 = tpu.sem_alloc : memref<!tpu.dma_semaphore, #tpu.memory_space<semaphore_mem>>
          %dma_start3A_114 = arith.constant 0 : i32
          %dma_start3A_115 = tpu.memref_slice %arg4[%add3A_78, %dma_start3A_114] : memref<6272x128xi32, #tpu.memory_space<hbm>> -> memref<2x128xi32, #tpu.memory_space<hbm>>
          %dma_start3A_116 = arith.constant 0 : i32
          %dma_start3A_117 = tpu.memref_slice %arg4[%add3A_78, %dma_start3A_116] : memref<6272x128xi32, #tpu.memory_space<hbm>> -> memref<2x128xi32, #tpu.memory_space<hbm>>
          tpu.enqueue_dma source(%dma_start3A_117 : memref<2x128xi32, #tpu.memory_space<hbm>>) target(%arg11 : memref<2x128xi32, #tpu.memory_space<vmem>>) target_semaphore(%run_scoped3A_113 : memref<!tpu.dma_semaphore, #tpu.memory_space<semaphore_mem>>)
          %dma_wait3A_118 = arith.constant 0 : i32
          %dma_wait3A_119 = tpu.memref_slice %arg4[%add3A_78, %dma_wait3A_118] : memref<6272x128xi32, #tpu.memory_space<hbm>> -> memref<2x128xi32, #tpu.memory_space<hbm>>
          %dma_wait3A_120 = arith.constant 0 : i32
          %dma_wait3A_121 = tpu.memref_slice %arg4[%add3A_78, %dma_wait3A_120] : memref<6272x128xi32, #tpu.memory_space<hbm>> -> memref<2x128xi32, #tpu.memory_space<hbm>>
          tpu.wait_dma2 semaphore(%run_scoped3A_113 : memref<!tpu.dma_semaphore, #tpu.memory_space<semaphore_mem>>) src(%dma_wait3A_121 : memref<2x128xi32, #tpu.memory_space<hbm>>) dst(%arg11 : memref<2x128xi32, #tpu.memory_space<vmem>>)
          tpu.yield
        }) : () -> ()
        "tpu.region"() ({
          %run_scoped3A_113 = tpu.sem_alloc : memref<!tpu.dma_semaphore, #tpu.memory_space<semaphore_mem>>
          %dma_start3A_114 = arith.constant 0 : i32
          %dma_start3A_115 = tpu.memref_slice %arg5[%add3A_78, %dma_start3A_114] : memref<6272x128xi32, #tpu.memory_space<hbm>> -> memref<2x128xi32, #tpu.memory_space<hbm>>
          %dma_start3A_116 = arith.constant 0 : i32
          %dma_start3A_117 = tpu.memref_slice %arg5[%add3A_78, %dma_start3A_116] : memref<6272x128xi32, #tpu.memory_space<hbm>> -> memref<2x128xi32, #tpu.memory_space<hbm>>
          tpu.enqueue_dma source(%dma_start3A_117 : memref<2x128xi32, #tpu.memory_space<hbm>>) target(%arg13 : memref<2x128xi32, #tpu.memory_space<vmem>>) target_semaphore(%run_scoped3A_113 : memref<!tpu.dma_semaphore, #tpu.memory_space<semaphore_mem>>)
          %dma_wait3A_118 = arith.constant 0 : i32
          %dma_wait3A_119 = tpu.memref_slice %arg5[%add3A_78, %dma_wait3A_118] : memref<6272x128xi32, #tpu.memory_space<hbm>> -> memref<2x128xi32, #tpu.memory_space<hbm>>
          %dma_wait3A_120 = arith.constant 0 : i32
          %dma_wait3A_121 = tpu.memref_slice %arg5[%add3A_78, %dma_wait3A_120] : memref<6272x128xi32, #tpu.memory_space<hbm>> -> memref<2x128xi32, #tpu.memory_space<hbm>>
          tpu.wait_dma2 semaphore(%run_scoped3A_113 : memref<!tpu.dma_semaphore, #tpu.memory_space<semaphore_mem>>) src(%dma_wait3A_121 : memref<2x128xi32, #tpu.memory_space<hbm>>) dst(%arg13 : memref<2x128xi32, #tpu.memory_space<vmem>>)
          tpu.yield
        }) : () -> ()
        %dma_start3A_79 = arith.constant 0 : i32
        %dma_start3A_80 = arith.constant 0 : i32
        %dma_start3A_81 = arith.constant 0 : i32
        %dma_start3A_82 = tpu.memref_slice %arg15[%dma_start3A_80, %dma_start3A_81] : memref<256x32xf32, #tpu.memory_space<vmem>> -> memref<128x32xf32, #tpu.memory_space<vmem>>
        %dma_start3A_83 = arith.constant 0 : i32
        %dma_start3A_84 = tpu.memref_slice %arg11[%dma_start3A_79, %dma_start3A_83] : memref<2x128xi32, #tpu.memory_space<vmem>> -> memref<1x128xi32, #tpu.memory_space<vmem>>
        %dma_start3A_85 = tpu.memref_squeeze %dma_start3A_84 : memref<1x128xi32, #tpu.memory_space<vmem>> -> memref<128xi32, #tpu.memory_space<vmem>>
        %dma_start3A_86 = arith.constant 0 : i32
        %dma_start3A_87 = arith.constant 0 : i32
        %dma_start3A_88 = tpu.memref_slice %arg3[%dma_start3A_86, %dma_start3A_87] : memref<50000x32xf32, #tpu.memory_space<hbm>> -> memref<50000x32xf32, #tpu.memory_space<hbm>>
        tpu.enqueue_indirect_dma source(%dma_start3A_88 : memref<50000x32xf32, #tpu.memory_space<hbm>>) target(%dma_start3A_82 : memref<128x32xf32, #tpu.memory_space<vmem>>) offsets(%dma_start3A_85 : memref<128xi32, #tpu.memory_space<vmem>>) semaphore(%arg17 : memref<!tpu.dma_semaphore, #tpu.memory_space<semaphore_mem>>)
        %dma_start3A_89 = arith.constant 1 : i32
        %dma_start3A_90 = arith.constant 128 : i32
        %dma_start3A_91 = arith.constant 0 : i32
        %dma_start3A_92 = tpu.memref_slice %arg15[%dma_start3A_90, %dma_start3A_91] : memref<256x32xf32, #tpu.memory_space<vmem>> -> memref<128x32xf32, #tpu.memory_space<vmem>>
        %dma_start3A_93 = arith.constant 0 : i32
        %dma_start3A_94 = tpu.memref_slice %arg11[%dma_start3A_89, %dma_start3A_93] : memref<2x128xi32, #tpu.memory_space<vmem>> -> memref<1x128xi32, #tpu.memory_space<vmem>>
        %dma_start3A_95 = tpu.memref_squeeze %dma_start3A_94 : memref<1x128xi32, #tpu.memory_space<vmem>> -> memref<128xi32, #tpu.memory_space<vmem>>
        %dma_start3A_96 = arith.constant 0 : i32
        %dma_start3A_97 = arith.constant 0 : i32
        %dma_start3A_98 = tpu.memref_slice %arg3[%dma_start3A_96, %dma_start3A_97] : memref<50000x32xf32, #tpu.memory_space<hbm>> -> memref<50000x32xf32, #tpu.memory_space<hbm>>
        tpu.enqueue_indirect_dma source(%dma_start3A_98 : memref<50000x32xf32, #tpu.memory_space<hbm>>) target(%dma_start3A_92 : memref<128x32xf32, #tpu.memory_space<vmem>>) offsets(%dma_start3A_95 : memref<128xi32, #tpu.memory_space<vmem>>) semaphore(%arg17 : memref<!tpu.dma_semaphore, #tpu.memory_space<semaphore_mem>>)
        %dma_wait3A = arith.constant 0 : i32
        %dma_wait3A_99 = arith.constant 0 : i32
        %dma_wait3A_100 = tpu.memref_slice %arg3[%dma_wait3A, %dma_wait3A_99] : memref<50000x32xf32, #tpu.memory_space<hbm>> -> memref<256x32xf32, #tpu.memory_space<hbm>>
        %dma_wait3A_101 = arith.constant 0 : i32
        %dma_wait3A_102 = arith.constant 0 : i32
        %dma_wait3A_103 = tpu.memref_slice %arg3[%dma_wait3A_101, %dma_wait3A_102] : memref<50000x32xf32, #tpu.memory_space<hbm>> -> memref<256x32xf32, #tpu.memory_space<hbm>>
        tpu.wait_dma2 semaphore(%arg16 : memref<!tpu.dma_semaphore, #tpu.memory_space<semaphore_mem>>) src(%dma_wait3A_103 : memref<256x32xf32, #tpu.memory_space<hbm>>) dst(%arg14 : memref<256x32xf32, #tpu.memory_space<vmem>>)
        %run_scoped3A = arith.constant 0 : i32
        "tpu.region"() ({
          %run_scoped3A_113 = tpu.sem_alloc : memref<!tpu.dma_semaphore, #tpu.memory_space<semaphore_mem>>
          %dma_start3A_114 = arith.constant 0 : i32
          %dma_start3A_115 = arith.constant 0 : i32
          %dma_start3A_116 = tpu.memref_slice %arg14[%dma_start3A_114, %dma_start3A_115] : memref<256x32xf32, #tpu.memory_space<vmem>> -> memref<128x32xf32, #tpu.memory_space<vmem>>
          %dma_start3A_117 = arith.constant 0 : i32
          %dma_start3A_118 = tpu.memref_slice %arg12[%run_scoped3A, %dma_start3A_117] : memref<2x128xi32, #tpu.memory_space<vmem>> -> memref<1x128xi32, #tpu.memory_space<vmem>>
          %dma_start3A_119 = tpu.memref_squeeze %dma_start3A_118 : memref<1x128xi32, #tpu.memory_space<vmem>> -> memref<128xi32, #tpu.memory_space<vmem>>
          %dma_start3A_120 = arith.constant 0 : i32
          %dma_start3A_121 = arith.constant 0 : i32
          %dma_start3A_122 = tpu.memref_slice %arg9[%dma_start3A_120, %dma_start3A_121] : memref<50176x32xf32, #tpu.memory_space<vmem_shared>> -> memref<50176x32xf32, #tpu.memory_space<vmem_shared>>
          tpu.enqueue_indirect_dma source(%dma_start3A_116 : memref<128x32xf32, #tpu.memory_space<vmem>>) target(%dma_start3A_122 : memref<50176x32xf32, #tpu.memory_space<vmem_shared>>) offsets(%dma_start3A_119 : memref<128xi32, #tpu.memory_space<vmem>>) semaphore(%run_scoped3A_113 : memref<!tpu.dma_semaphore, #tpu.memory_space<semaphore_mem>>) {add = true}
          %dma_wait3A_123 = arith.constant 0 : i32
          %dma_wait3A_124 = arith.constant 0 : i32
          %dma_wait3A_125 = tpu.memref_slice %arg14[%dma_wait3A_123, %dma_wait3A_124] : memref<256x32xf32, #tpu.memory_space<vmem>> -> memref<128x32xf32, #tpu.memory_space<vmem>>
          %dma_wait3A_126 = arith.constant 0 : i32
          %dma_wait3A_127 = tpu.memref_slice %arg12[%run_scoped3A, %dma_wait3A_126] : memref<2x128xi32, #tpu.memory_space<vmem>> -> memref<1x128xi32, #tpu.memory_space<vmem>>
          %dma_wait3A_128 = tpu.memref_squeeze %dma_wait3A_127 : memref<1x128xi32, #tpu.memory_space<vmem>> -> memref<128xi32, #tpu.memory_space<vmem>>
          %dma_wait3A_129 = arith.constant 0 : i32
          %dma_wait3A_130 = arith.constant 0 : i32
          %dma_wait3A_131 = tpu.memref_slice %arg9[%dma_wait3A_129, %dma_wait3A_130] : memref<50176x32xf32, #tpu.memory_space<vmem_shared>> -> memref<50176x32xf32, #tpu.memory_space<vmem_shared>>
          tpu.wait_indirect_dma semaphore(%run_scoped3A_113 : memref<!tpu.dma_semaphore, #tpu.memory_space<semaphore_mem>>) src(%dma_wait3A_125 : memref<128x32xf32, #tpu.memory_space<vmem>>) dst(%dma_wait3A_131 : memref<50176x32xf32, #tpu.memory_space<vmem_shared>>)
          tpu.yield
        }) : () -> ()
        %run_scoped3A_104 = arith.constant 1 : i32
        "tpu.region"() ({
          %run_scoped3A_113 = tpu.sem_alloc : memref<!tpu.dma_semaphore, #tpu.memory_space<semaphore_mem>>
          %dma_start3A_114 = arith.constant 128 : i32
          %dma_start3A_115 = arith.constant 0 : i32
          %dma_start3A_116 = tpu.memref_slice %arg14[%dma_start3A_114, %dma_start3A_115] : memref<256x32xf32, #tpu.memory_space<vmem>> -> memref<128x32xf32, #tpu.memory_space<vmem>>
          %dma_start3A_117 = arith.constant 0 : i32
          %dma_start3A_118 = tpu.memref_slice %arg12[%run_scoped3A_104, %dma_start3A_117] : memref<2x128xi32, #tpu.memory_space<vmem>> -> memref<1x128xi32, #tpu.memory_space<vmem>>
          %dma_start3A_119 = tpu.memref_squeeze %dma_start3A_118 : memref<1x128xi32, #tpu.memory_space<vmem>> -> memref<128xi32, #tpu.memory_space<vmem>>
          %dma_start3A_120 = arith.constant 0 : i32
          %dma_start3A_121 = arith.constant 0 : i32
          %dma_start3A_122 = tpu.memref_slice %arg9[%dma_start3A_120, %dma_start3A_121] : memref<50176x32xf32, #tpu.memory_space<vmem_shared>> -> memref<50176x32xf32, #tpu.memory_space<vmem_shared>>
          tpu.enqueue_indirect_dma source(%dma_start3A_116 : memref<128x32xf32, #tpu.memory_space<vmem>>) target(%dma_start3A_122 : memref<50176x32xf32, #tpu.memory_space<vmem_shared>>) offsets(%dma_start3A_119 : memref<128xi32, #tpu.memory_space<vmem>>) semaphore(%run_scoped3A_113 : memref<!tpu.dma_semaphore, #tpu.memory_space<semaphore_mem>>) {add = true}
          %dma_wait3A_123 = arith.constant 128 : i32
          %dma_wait3A_124 = arith.constant 0 : i32
          %dma_wait3A_125 = tpu.memref_slice %arg14[%dma_wait3A_123, %dma_wait3A_124] : memref<256x32xf32, #tpu.memory_space<vmem>> -> memref<128x32xf32, #tpu.memory_space<vmem>>
          %dma_wait3A_126 = arith.constant 0 : i32
          %dma_wait3A_127 = tpu.memref_slice %arg12[%run_scoped3A_104, %dma_wait3A_126] : memref<2x128xi32, #tpu.memory_space<vmem>> -> memref<1x128xi32, #tpu.memory_space<vmem>>
          %dma_wait3A_128 = tpu.memref_squeeze %dma_wait3A_127 : memref<1x128xi32, #tpu.memory_space<vmem>> -> memref<128xi32, #tpu.memory_space<vmem>>
          %dma_wait3A_129 = arith.constant 0 : i32
          %dma_wait3A_130 = arith.constant 0 : i32
          %dma_wait3A_131 = tpu.memref_slice %arg9[%dma_wait3A_129, %dma_wait3A_130] : memref<50176x32xf32, #tpu.memory_space<vmem_shared>> -> memref<50176x32xf32, #tpu.memory_space<vmem_shared>>
          tpu.wait_indirect_dma semaphore(%run_scoped3A_113 : memref<!tpu.dma_semaphore, #tpu.memory_space<semaphore_mem>>) src(%dma_wait3A_125 : memref<128x32xf32, #tpu.memory_space<vmem>>) dst(%dma_wait3A_131 : memref<50176x32xf32, #tpu.memory_space<vmem_shared>>)
          tpu.yield
        }) : () -> ()
        %dma_wait3A_105 = arith.constant 0 : i32
        %dma_wait3A_106 = arith.constant 0 : i32
        %dma_wait3A_107 = tpu.memref_slice %arg3[%dma_wait3A_105, %dma_wait3A_106] : memref<50000x32xf32, #tpu.memory_space<hbm>> -> memref<256x32xf32, #tpu.memory_space<hbm>>
        %dma_wait3A_108 = arith.constant 0 : i32
        %dma_wait3A_109 = arith.constant 0 : i32
        %dma_wait3A_110 = tpu.memref_slice %arg3[%dma_wait3A_108, %dma_wait3A_109] : memref<50000x32xf32, #tpu.memory_space<hbm>> -> memref<256x32xf32, #tpu.memory_space<hbm>>
        tpu.wait_dma2 semaphore(%arg17 : memref<!tpu.dma_semaphore, #tpu.memory_space<semaphore_mem>>) src(%dma_wait3A_110 : memref<256x32xf32, #tpu.memory_space<hbm>>) dst(%arg15 : memref<256x32xf32, #tpu.memory_space<vmem>>)
        %run_scoped3A_111 = arith.constant 0 : i32
        "tpu.region"() ({
          %run_scoped3A_113 = tpu.sem_alloc : memref<!tpu.dma_semaphore, #tpu.memory_space<semaphore_mem>>
          %dma_start3A_114 = arith.constant 0 : i32
          %dma_start3A_115 = arith.constant 0 : i32
          %dma_start3A_116 = tpu.memref_slice %arg15[%dma_start3A_114, %dma_start3A_115] : memref<256x32xf32, #tpu.memory_space<vmem>> -> memref<128x32xf32, #tpu.memory_space<vmem>>
          %dma_start3A_117 = arith.constant 0 : i32
          %dma_start3A_118 = tpu.memref_slice %arg13[%run_scoped3A_111, %dma_start3A_117] : memref<2x128xi32, #tpu.memory_space<vmem>> -> memref<1x128xi32, #tpu.memory_space<vmem>>
          %dma_start3A_119 = tpu.memref_squeeze %dma_start3A_118 : memref<1x128xi32, #tpu.memory_space<vmem>> -> memref<128xi32, #tpu.memory_space<vmem>>
          %dma_start3A_120 = arith.constant 0 : i32
          %dma_start3A_121 = arith.constant 0 : i32
          %dma_start3A_122 = tpu.memref_slice %arg9[%dma_start3A_120, %dma_start3A_121] : memref<50176x32xf32, #tpu.memory_space<vmem_shared>> -> memref<50176x32xf32, #tpu.memory_space<vmem_shared>>
          tpu.enqueue_indirect_dma source(%dma_start3A_116 : memref<128x32xf32, #tpu.memory_space<vmem>>) target(%dma_start3A_122 : memref<50176x32xf32, #tpu.memory_space<vmem_shared>>) offsets(%dma_start3A_119 : memref<128xi32, #tpu.memory_space<vmem>>) semaphore(%run_scoped3A_113 : memref<!tpu.dma_semaphore, #tpu.memory_space<semaphore_mem>>) {add = true}
          %dma_wait3A_123 = arith.constant 0 : i32
          %dma_wait3A_124 = arith.constant 0 : i32
          %dma_wait3A_125 = tpu.memref_slice %arg15[%dma_wait3A_123, %dma_wait3A_124] : memref<256x32xf32, #tpu.memory_space<vmem>> -> memref<128x32xf32, #tpu.memory_space<vmem>>
          %dma_wait3A_126 = arith.constant 0 : i32
          %dma_wait3A_127 = tpu.memref_slice %arg13[%run_scoped3A_111, %dma_wait3A_126] : memref<2x128xi32, #tpu.memory_space<vmem>> -> memref<1x128xi32, #tpu.memory_space<vmem>>
          %dma_wait3A_128 = tpu.memref_squeeze %dma_wait3A_127 : memref<1x128xi32, #tpu.memory_space<vmem>> -> memref<128xi32, #tpu.memory_space<vmem>>
          %dma_wait3A_129 = arith.constant 0 : i32
          %dma_wait3A_130 = arith.constant 0 : i32
          %dma_wait3A_131 = tpu.memref_slice %arg9[%dma_wait3A_129, %dma_wait3A_130] : memref<50176x32xf32, #tpu.memory_space<vmem_shared>> -> memref<50176x32xf32, #tpu.memory_space<vmem_shared>>
          tpu.wait_indirect_dma semaphore(%run_scoped3A_113 : memref<!tpu.dma_semaphore, #tpu.memory_space<semaphore_mem>>) src(%dma_wait3A_125 : memref<128x32xf32, #tpu.memory_space<vmem>>) dst(%dma_wait3A_131 : memref<50176x32xf32, #tpu.memory_space<vmem_shared>>)
          tpu.yield
        }) : () -> ()
        %run_scoped3A_112 = arith.constant 1 : i32
        "tpu.region"() ({
          %run_scoped3A_113 = tpu.sem_alloc : memref<!tpu.dma_semaphore, #tpu.memory_space<semaphore_mem>>
          %dma_start3A_114 = arith.constant 128 : i32
          %dma_start3A_115 = arith.constant 0 : i32
          %dma_start3A_116 = tpu.memref_slice %arg15[%dma_start3A_114, %dma_start3A_115] : memref<256x32xf32, #tpu.memory_space<vmem>> -> memref<128x32xf32, #tpu.memory_space<vmem>>
          %dma_start3A_117 = arith.constant 0 : i32
          %dma_start3A_118 = tpu.memref_slice %arg13[%run_scoped3A_112, %dma_start3A_117] : memref<2x128xi32, #tpu.memory_space<vmem>> -> memref<1x128xi32, #tpu.memory_space<vmem>>
          %dma_start3A_119 = tpu.memref_squeeze %dma_start3A_118 : memref<1x128xi32, #tpu.memory_space<vmem>> -> memref<128xi32, #tpu.memory_space<vmem>>
          %dma_start3A_120 = arith.constant 0 : i32
          %dma_start3A_121 = arith.constant 0 : i32
          %dma_start3A_122 = tpu.memref_slice %arg9[%dma_start3A_120, %dma_start3A_121] : memref<50176x32xf32, #tpu.memory_space<vmem_shared>> -> memref<50176x32xf32, #tpu.memory_space<vmem_shared>>
          tpu.enqueue_indirect_dma source(%dma_start3A_116 : memref<128x32xf32, #tpu.memory_space<vmem>>) target(%dma_start3A_122 : memref<50176x32xf32, #tpu.memory_space<vmem_shared>>) offsets(%dma_start3A_119 : memref<128xi32, #tpu.memory_space<vmem>>) semaphore(%run_scoped3A_113 : memref<!tpu.dma_semaphore, #tpu.memory_space<semaphore_mem>>) {add = true}
          %dma_wait3A_123 = arith.constant 128 : i32
          %dma_wait3A_124 = arith.constant 0 : i32
          %dma_wait3A_125 = tpu.memref_slice %arg15[%dma_wait3A_123, %dma_wait3A_124] : memref<256x32xf32, #tpu.memory_space<vmem>> -> memref<128x32xf32, #tpu.memory_space<vmem>>
          %dma_wait3A_126 = arith.constant 0 : i32
          %dma_wait3A_127 = tpu.memref_slice %arg13[%run_scoped3A_112, %dma_wait3A_126] : memref<2x128xi32, #tpu.memory_space<vmem>> -> memref<1x128xi32, #tpu.memory_space<vmem>>
          %dma_wait3A_128 = tpu.memref_squeeze %dma_wait3A_127 : memref<1x128xi32, #tpu.memory_space<vmem>> -> memref<128xi32, #tpu.memory_space<vmem>>
          %dma_wait3A_129 = arith.constant 0 : i32
          %dma_wait3A_130 = arith.constant 0 : i32
          %dma_wait3A_131 = tpu.memref_slice %arg9[%dma_wait3A_129, %dma_wait3A_130] : memref<50176x32xf32, #tpu.memory_space<vmem_shared>> -> memref<50176x32xf32, #tpu.memory_space<vmem_shared>>
          tpu.wait_indirect_dma semaphore(%run_scoped3A_113 : memref<!tpu.dma_semaphore, #tpu.memory_space<semaphore_mem>>) src(%dma_wait3A_125 : memref<128x32xf32, #tpu.memory_space<vmem>>) dst(%dma_wait3A_131 : memref<50176x32xf32, #tpu.memory_space<vmem_shared>>)
          tpu.yield
        }) : () -> ()
      }
      %scan3A_43 = arith.constant 98 : i32
      %barrier3A_44 = arith.constant 0 : index
      tpu.barrier barrier_id(%barrier3A_44)
      %mul3A_45 = arith.constant 3136 : i32
      %mul3A_46 = arith.muli %arg1, %mul3A_45 : i32
      %mul3A_47 = arith.constant 3136 : i32
      %mul3A_48 = arith.muli %arg1, %mul3A_47 : i32
      "tpu.region"() ({
        %run_scoped3A = tpu.sem_alloc : memref<!tpu.dma_semaphore, #tpu.memory_space<semaphore_mem>>
        %dma_start3A = arith.constant 0 : i32
        %dma_start3A_49 = tpu.memref_slice %arg8[%mul3A_48, %dma_start3A] : memref<50176x32xf32, #tpu.memory_space<hbm>> -> memref<3136x32xf32, #tpu.memory_space<hbm>>
        %dma_start3A_50 = arith.constant 0 : i32
        %dma_start3A_51 = tpu.memref_slice %arg9[%mul3A_46, %dma_start3A_50] : memref<50176x32xf32, #tpu.memory_space<vmem_shared>> -> memref<3136x32xf32, #tpu.memory_space<vmem_shared>>
        tpu.enqueue_dma source(%dma_start3A_51 : memref<3136x32xf32, #tpu.memory_space<vmem_shared>>) target(%dma_start3A_49 : memref<3136x32xf32, #tpu.memory_space<hbm>>) target_semaphore(%run_scoped3A : memref<!tpu.dma_semaphore, #tpu.memory_space<semaphore_mem>>)
        %dma_wait3A = arith.constant 0 : i32
        %dma_wait3A_52 = tpu.memref_slice %arg8[%mul3A_48, %dma_wait3A] : memref<50176x32xf32, #tpu.memory_space<hbm>> -> memref<3136x32xf32, #tpu.memory_space<hbm>>
        %dma_wait3A_53 = arith.constant 0 : i32
        %dma_wait3A_54 = tpu.memref_slice %arg9[%mul3A_46, %dma_wait3A_53] : memref<50176x32xf32, #tpu.memory_space<vmem_shared>> -> memref<3136x32xf32, #tpu.memory_space<vmem_shared>>
        tpu.wait_dma2 semaphore(%run_scoped3A : memref<!tpu.dma_semaphore, #tpu.memory_space<semaphore_mem>>) src(%dma_wait3A_54 : memref<3136x32xf32, #tpu.memory_space<vmem_shared>>) dst(%dma_wait3A_52 : memref<3136x32xf32, #tpu.memory_space<hbm>>)
        tpu.yield
      }) : () -> ()
    } else {
    }
    return
  }
}

module attributes {stable_mosaic.version = 14 : i64} {
  func.func @_mid_body(%arg0: i32, %arg1: memref<2000x1xf32, #tpu.memory_space<vmem>>, %arg2: memref<2000x1xf32, #tpu.memory_space<vmem>>, %arg3: memref<2000x32xf32, #tpu.memory_space<vmem>>, %arg4: memref<2000x32xf32, #tpu.memory_space<vmem>>, %arg5: memref<2000x1xi32, #tpu.memory_space<vmem>>, %arg6: memref<32x64xf32, #tpu.memory_space<vmem>>, %arg7: memref<64x64xf32, #tpu.memory_space<vmem>>, %arg8: memref<1x64xf32, #tpu.memory_space<vmem>>, %arg9: memref<64x64xf32, #tpu.memory_space<vmem>>, %arg10: memref<2000x32xf32, #tpu.memory_space<vmem>>, %arg11: memref<2000x32xf32, #tpu.memory_space<vmem>>, %arg12: memref<2000x1xf32, #tpu.memory_space<vmem>>) attributes {dimension_semantics = [#tpu.dimension_semantics<arbitrary>], iteration_bounds = array<i64: 25>, scalar_prefetch = 0 : i64, scratch_operands = 0 : i64, tpu.core_type = #tpu.core_type<tc>, window_params = [{transform_indices = @transform_0, window_bounds = array<i64: 2000, 1>}, {transform_indices = @transform_1, window_bounds = array<i64: 2000, 1>}, {transform_indices = @transform_2, window_bounds = array<i64: 2000, 32>}, {transform_indices = @transform_3, window_bounds = array<i64: 2000, 32>}, {transform_indices = @transform_4, window_bounds = array<i64: 2000, 1>}, {pipeline_mode = #tpu.pipeline_mode<synchronous>, transform_indices = @transform_5, window_bounds = array<i64: 32, 64>}, {pipeline_mode = #tpu.pipeline_mode<synchronous>, transform_indices = @transform_6, window_bounds = array<i64: 64, 64>}, {pipeline_mode = #tpu.pipeline_mode<synchronous>, transform_indices = @transform_7, window_bounds = array<i64: 1, 64>}, {pipeline_mode = #tpu.pipeline_mode<synchronous>, transform_indices = @transform_8, window_bounds = array<i64: 64, 64>}, {transform_indices = @transform_9, window_bounds = array<i64: 2000, 32>}, {transform_indices = @transform_10, window_bounds = array<i64: 2000, 32>}, {transform_indices = @transform_11, window_bounds = array<i64: 2000, 1>}]} {
    %get3A = arith.constant 0 : index
    %get3A_0 = arith.constant 0 : index
    %get3A_1 = vector.load %arg1[%get3A, %get3A_0] : memref<2000x1xf32, #tpu.memory_space<vmem>>, vector<2000x1xf32>
    %add3A = arith.constant 1.000000e+00 : f32
    %add3A_2 = vector.broadcast %add3A : f32 to vector<2000x1xf32>
    %add3A_3 = arith.addf %add3A_2, %get3A_1 : vector<2000x1xf32>
    %get3A_4 = arith.constant 0 : index
    %get3A_5 = arith.constant 0 : index
    %get3A_6 = vector.load %arg2[%get3A_4, %get3A_5] : memref<2000x1xf32, #tpu.memory_space<vmem>>, vector<2000x1xf32>
    %add3A_7 = arith.addf %add3A_3, %get3A_6 : vector<2000x1xf32>
    %rsqrt3A = math.rsqrt %add3A_7 : vector<2000x1xf32>
    %get3A_8 = arith.constant 0 : index
    %get3A_9 = arith.constant 0 : index
    %get3A_10 = vector.load %arg6[%get3A_8, %get3A_9] : memref<32x64xf32, #tpu.memory_space<vmem>>, vector<32x64xf32>
    %get3A_11 = arith.constant 0 : index
    %get3A_12 = arith.constant 0 : index
    %get3A_13 = vector.load %arg7[%get3A_11, %get3A_12] : memref<64x64xf32, #tpu.memory_space<vmem>>, vector<64x64xf32>
    %dot_general3A = arith.constant dense<0.000000e+00> : vector<32x64xf32>
    %dot_general3A_14 = tpu.matmul %get3A_10, %get3A_13, %dot_general3A {dimension_numbers = #tpu.dot_dimension_numbers<[1], [0], [0], [1], [0, 0, 1, 1], [], []>, transpose_lhs_hint = false} : vector<32x64xf32>, vector<64x64xf32>, vector<32x64xf32> -> vector<32x64xf32>
    %get3A_15 = arith.constant 0 : index
    %get3A_16 = arith.constant 0 : index
    %get3A_17 = vector.load %arg5[%get3A_15, %get3A_16] : memref<2000x1xi32, #tpu.memory_space<vmem>>, vector<2000x1xi32>
    %iota3A = tpu.iota {dimensions = array<i32: 1>} : vector<2000x32xi32>
    %eq3A = vector.broadcast %get3A_17 : vector<2000x1xi32> to vector<2000x32xi32>
    %eq3A_18 = arith.cmpi eq, %eq3A, %iota3A : vector<2000x32xi32>
    %convert_element_type3A = arith.extui %eq3A_18 : vector<2000x32xi1> to vector<2000x32xi32>
    %convert_element_type3A_19 = arith.sitofp %convert_element_type3A : vector<2000x32xi32> to vector<2000x32xf32>
    %dot_general3A_20 = arith.constant dense<0.000000e+00> : vector<2000x64xf32>
    %dot_general3A_21 = tpu.matmul %convert_element_type3A_19, %dot_general3A_14, %dot_general3A_20 {dimension_numbers = #tpu.dot_dimension_numbers<[1], [0], [0], [1], [0, 0, 1, 1], [], []>, precision = #tpu.contract_precision<fp32>, transpose_lhs_hint = false} : vector<2000x32xf32>, vector<32x64xf32>, vector<2000x64xf32> -> vector<2000x64xf32>
    %get3A_22 = arith.constant 0 : index
    %get3A_23 = arith.constant 0 : index
    %get3A_24 = vector.load %arg3[%get3A_22, %get3A_23] : memref<2000x32xf32, #tpu.memory_space<vmem>>, vector<2000x32xf32>
    %get3A_25 = arith.constant 0 : index
    %get3A_26 = arith.constant 0 : index
    %get3A_27 = vector.load %arg4[%get3A_25, %get3A_26] : memref<2000x32xf32, #tpu.memory_space<vmem>>, vector<2000x32xf32>
    %add3A_28 = arith.addf %get3A_24, %get3A_27 : vector<2000x32xf32>
    %dot_general3A_29 = arith.constant dense<0.000000e+00> : vector<2000x64xf32>
    %dot_general3A_30 = tpu.matmul %add3A_28, %dot_general3A_14, %dot_general3A_29 {dimension_numbers = #tpu.dot_dimension_numbers<[1], [0], [0], [1], [0, 0, 1, 1], [], []>, precision = #tpu.contract_precision<fp32>, transpose_lhs_hint = false} : vector<2000x32xf32>, vector<32x64xf32>, vector<2000x64xf32> -> vector<2000x64xf32>
    %mul3A = vector.broadcast %rsqrt3A : vector<2000x1xf32> to vector<2000x64xf32>
    %mul3A_31 = arith.mulf %mul3A, %dot_general3A_21 : vector<2000x64xf32>
    %add3A_32 = arith.addf %dot_general3A_30, %mul3A_31 : vector<2000x64xf32>
    %mul3A_33 = vector.broadcast %rsqrt3A : vector<2000x1xf32> to vector<2000x64xf32>
    %mul3A_34 = arith.mulf %mul3A_33, %add3A_32 : vector<2000x64xf32>
    %get3A_35 = arith.constant 0 : index
    %get3A_36 = arith.constant 0 : index
    %get3A_37 = vector.load %arg8[%get3A_35, %get3A_36] : memref<1x64xf32, #tpu.memory_space<vmem>>, vector<1x64xf32>
    %add3A_38 = vector.broadcast %get3A_37 : vector<1x64xf32> to vector<2000x64xf32>
    %add3A_39 = arith.addf %mul3A_34, %add3A_38 : vector<2000x64xf32>
    %max3A = arith.constant 0.000000e+00 : f32
    %max3A_40 = vector.broadcast %max3A : f32 to vector<2000x64xf32>
    %max3A_41 = arith.maximumf %add3A_39, %max3A_40 : vector<2000x64xf32>
    %get3A_42 = arith.constant 0 : index
    %get3A_43 = arith.constant 0 : index
    %get3A_44 = vector.load %arg9[%get3A_42, %get3A_43] : memref<64x64xf32, #tpu.memory_space<vmem>>, vector<64x64xf32>
    %dot_general3A_45 = arith.constant dense<0.000000e+00> : vector<2000x64xf32>
    %dot_general3A_46 = tpu.matmul %max3A_41, %get3A_44, %dot_general3A_45 {dimension_numbers = #tpu.dot_dimension_numbers<[1], [0], [0], [1], [0, 0, 1, 1], [], []>, transpose_lhs_hint = false} : vector<2000x64xf32>, vector<64x64xf32>, vector<2000x64xf32> -> vector<2000x64xf32>
    %mul3A_47 = vector.broadcast %rsqrt3A : vector<2000x1xf32> to vector<2000x64xf32>
    %mul3A_48 = arith.mulf %dot_general3A_46, %mul3A_47 : vector<2000x64xf32>
    %slice3A = vector.extract_strided_slice %mul3A_48 {offsets = [0, 0], sizes = [2000, 32], strides = [1, 1]} : vector<2000x64xf32> to vector<2000x32xf32>
    %swap3A = arith.constant 0 : index
    %swap3A_49 = arith.constant 0 : index
    %swap3A_50 = vector.load %arg10[%swap3A, %swap3A_49] : memref<2000x32xf32, #tpu.memory_space<vmem>>, vector<2000x32xf32>
    tpu.vector_store %arg10[%swap3A, %swap3A_49], %slice3A {strides = array<i32>} : memref<2000x32xf32, #tpu.memory_space<vmem>>, vector<2000x32xf32>,
    %slice3A_51 = vector.extract_strided_slice %mul3A_48 {offsets = [0, 32], sizes = [2000, 32], strides = [1, 1]} : vector<2000x64xf32> to vector<2000x32xf32>
    %swap3A_52 = arith.constant 0 : index
    %swap3A_53 = arith.constant 0 : index
    %swap3A_54 = vector.load %arg11[%swap3A_52, %swap3A_53] : memref<2000x32xf32, #tpu.memory_space<vmem>>, vector<2000x32xf32>
    tpu.vector_store %arg11[%swap3A_52, %swap3A_53], %slice3A_51 {strides = array<i32>} : memref<2000x32xf32, #tpu.memory_space<vmem>>, vector<2000x32xf32>,
    %swap3A_55 = arith.constant 0 : index
    %swap3A_56 = arith.constant 0 : index
    %swap3A_57 = vector.load %arg12[%swap3A_55, %swap3A_56] : memref<2000x1xf32, #tpu.memory_space<vmem>>, vector<2000x1xf32>
    tpu.vector_store %arg12[%swap3A_55, %swap3A_56], %rsqrt3A {strides = array<i32>} : memref<2000x1xf32, #tpu.memory_space<vmem>>, vector<2000x1xf32>,
    return
  }
  func.func @transform_0(%arg0: i32) -> (i32, i32) {
    %c0_i32 = arith.constant 0 : i32
    %c0_i32_0 = arith.constant 0 : i32
    return %arg0, %c0_i32 : i32, i32
  }
  func.func @transform_1(%arg0: i32) -> (i32, i32) {
    %c0_i32 = arith.constant 0 : i32
    %c0_i32_0 = arith.constant 0 : i32
    return %arg0, %c0_i32 : i32, i32
  }
  func.func @transform_2(%arg0: i32) -> (i32, i32) {
    %c0_i32 = arith.constant 0 : i32
    %c0_i32_0 = arith.constant 0 : i32
    return %arg0, %c0_i32 : i32, i32
  }
  func.func @transform_3(%arg0: i32) -> (i32, i32) {
    %c0_i32 = arith.constant 0 : i32
    %c0_i32_0 = arith.constant 0 : i32
    return %arg0, %c0_i32 : i32, i32
  }
  func.func @transform_4(%arg0: i32) -> (i32, i32) {
    %c0_i32 = arith.constant 0 : i32
    %c0_i32_0 = arith.constant 0 : i32
    return %arg0, %c0_i32 : i32, i32
  }
  func.func @transform_5(%arg0: i32) -> (i32, i32) {
    %c0_i32 = arith.constant 0 : i32
    %c0_i32_0 = arith.constant 0 : i32
    %c0_i32_1 = arith.constant 0 : i32
    return %c0_i32, %c0_i32_0 : i32, i32
  }
  func.func @transform_6(%arg0: i32) -> (i32, i32) {
    %c0_i32 = arith.constant 0 : i32
    %c0_i32_0 = arith.constant 0 : i32
    %c0_i32_1 = arith.constant 0 : i32
    return %c0_i32, %c0_i32_0 : i32, i32
  }
  func.func @transform_7(%arg0: i32) -> (i32, i32) {
    %c0_i32 = arith.constant 0 : i32
    %c0_i32_0 = arith.constant 0 : i32
    %c0_i32_1 = arith.constant 0 : i32
    return %c0_i32, %c0_i32_0 : i32, i32
  }
  func.func @transform_8(%arg0: i32) -> (i32, i32) {
    %c0_i32 = arith.constant 0 : i32
    %c0_i32_0 = arith.constant 0 : i32
    %c0_i32_1 = arith.constant 0 : i32
    return %c0_i32, %c0_i32_0 : i32, i32
  }
  func.func @transform_9(%arg0: i32) -> (i32, i32) {
    %c0_i32 = arith.constant 0 : i32
    %c0_i32_0 = arith.constant 0 : i32
    return %arg0, %c0_i32 : i32, i32
  }
  func.func @transform_10(%arg0: i32) -> (i32, i32) {
    %c0_i32 = arith.constant 0 : i32
    %c0_i32_0 = arith.constant 0 : i32
    return %arg0, %c0_i32 : i32, i32
  }
  func.func @transform_11(%arg0: i32) -> (i32, i32) {
    %c0_i32 = arith.constant 0 : i32
    %c0_i32_0 = arith.constant 0 : i32
    return %arg0, %c0_i32 : i32, i32
  }
}

module attributes {stable_mosaic.version = 14 : i64} {
  func.func @_tail_body(%arg0: i32, %arg1: memref<2000x32xf32, #tpu.memory_space<vmem>>, %arg2: memref<2000x32xf32, #tpu.memory_space<vmem>>, %arg3: memref<2000x32xf32, #tpu.memory_space<vmem>>, %arg4: memref<2000x32xf32, #tpu.memory_space<vmem>>, %arg5: memref<2000x1xf32, #tpu.memory_space<vmem>>, %arg6: memref<1x64xf32, #tpu.memory_space<vmem>>, %arg7: memref<2000x1xi32, #tpu.memory_space<vmem>>, %arg8: memref<64x64xf32, #tpu.memory_space<vmem>>, %arg9: memref<1x64xf32, #tpu.memory_space<vmem>>, %arg10: memref<64x64xf32, #tpu.memory_space<vmem>>, %arg11: memref<1x1xf32, #tpu.memory_space<vmem>>, %arg12: memref<64x1xf32, #tpu.memory_space<vmem>>, %arg13: memref<64x64xf32, #tpu.memory_space<vmem>>, %arg14: memref<64x1xf32, #tpu.memory_space<vmem>>) attributes {dimension_semantics = [#tpu.dimension_semantics<arbitrary>], iteration_bounds = array<i64: 25>, scalar_prefetch = 0 : i64, scratch_operands = 2 : i64, tpu.core_type = #tpu.core_type<tc>, window_params = [{transform_indices = @transform_0, window_bounds = array<i64: 2000, 32>}, {transform_indices = @transform_1, window_bounds = array<i64: 2000, 32>}, {transform_indices = @transform_2, window_bounds = array<i64: 2000, 32>}, {transform_indices = @transform_3, window_bounds = array<i64: 2000, 32>}, {transform_indices = @transform_4, window_bounds = array<i64: 2000, 1>}, {pipeline_mode = #tpu.pipeline_mode<synchronous>, transform_indices = @transform_5, window_bounds = array<i64: 1, 64>}, {transform_indices = @transform_6, window_bounds = array<i64: 2000, 1>}, {pipeline_mode = #tpu.pipeline_mode<synchronous>, transform_indices = @transform_7, window_bounds = array<i64: 64, 64>}, {pipeline_mode = #tpu.pipeline_mode<synchronous>, transform_indices = @transform_8, window_bounds = array<i64: 1, 64>}, {pipeline_mode = #tpu.pipeline_mode<synchronous>, transform_indices = @transform_9, window_bounds = array<i64: 64, 64>}, {pipeline_mode = #tpu.pipeline_mode<synchronous>, transform_indices = @transform_10, window_bounds = array<i64: 1, 1>}, {pipeline_mode = #tpu.pipeline_mode<synchronous>, transform_indices = @transform_11, window_bounds = array<i64: 64, 1>}]} {
    %get3A = arith.constant 0 : index
    %get3A_0 = arith.constant 0 : index
    %get3A_1 = vector.load %arg5[%get3A, %get3A_0] : memref<2000x1xf32, #tpu.memory_space<vmem>>, vector<2000x1xf32>
    %get3A_2 = arith.constant 0 : index
    %get3A_3 = arith.constant 0 : index
    %get3A_4 = vector.load %arg1[%get3A_2, %get3A_3] : memref<2000x32xf32, #tpu.memory_space<vmem>>, vector<2000x32xf32>
    %get3A_5 = arith.constant 0 : index
    %get3A_6 = arith.constant 0 : index
    %get3A_7 = vector.load %arg2[%get3A_5, %get3A_6] : memref<2000x32xf32, #tpu.memory_space<vmem>>, vector<2000x32xf32>
    %concatenate3A = tpu.concatenate %get3A_4, %get3A_7 in 1 : vector<2000x32xf32>, vector<2000x32xf32> -> vector<2000x64xf32>
    %get3A_8 = arith.constant 0 : index
    %get3A_9 = arith.constant 0 : index
    %get3A_10 = vector.load %arg3[%get3A_8, %get3A_9] : memref<2000x32xf32, #tpu.memory_space<vmem>>, vector<2000x32xf32>
    %get3A_11 = arith.constant 0 : index
    %get3A_12 = arith.constant 0 : index
    %get3A_13 = vector.load %arg4[%get3A_11, %get3A_12] : memref<2000x32xf32, #tpu.memory_space<vmem>>, vector<2000x32xf32>
    %concatenate3A_14 = tpu.concatenate %get3A_10, %get3A_13 in 1 : vector<2000x32xf32>, vector<2000x32xf32> -> vector<2000x64xf32>
    %add3A = arith.addf %concatenate3A, %concatenate3A_14 : vector<2000x64xf32>
    %mul3A = vector.broadcast %get3A_1 : vector<2000x1xf32> to vector<2000x64xf32>
    %mul3A_15 = arith.mulf %mul3A, %add3A : vector<2000x64xf32>
    %get3A_16 = arith.constant 0 : index
    %get3A_17 = arith.constant 0 : index
    %get3A_18 = vector.load %arg6[%get3A_16, %get3A_17] : memref<1x64xf32, #tpu.memory_space<vmem>>, vector<1x64xf32>
    %add3A_19 = vector.broadcast %get3A_18 : vector<1x64xf32> to vector<2000x64xf32>
    %add3A_20 = arith.addf %mul3A_15, %add3A_19 : vector<2000x64xf32>
    %max3A = arith.constant 0.000000e+00 : f32
    %max3A_21 = vector.broadcast %max3A : f32 to vector<2000x64xf32>
    %max3A_22 = arith.maximumf %add3A_20, %max3A_21 : vector<2000x64xf32>
    %get3A_23 = arith.constant 0 : index
    %get3A_24 = arith.constant 0 : index
    %get3A_25 = vector.load %arg7[%get3A_23, %get3A_24] : memref<2000x1xi32, #tpu.memory_space<vmem>>, vector<2000x1xi32>
    %iota3A = tpu.iota {dimensions = array<i32: 1>} : vector<2000x64xi32>
    %eq3A = vector.broadcast %get3A_25 : vector<2000x1xi32> to vector<2000x64xi32>
    %eq3A_26 = arith.cmpi eq, %eq3A, %iota3A : vector<2000x64xi32>
    %convert_element_type3A = arith.extui %eq3A_26 : vector<2000x64xi1> to vector<2000x64xi32>
    %convert_element_type3A_27 = arith.sitofp %convert_element_type3A : vector<2000x64xi32> to vector<2000x64xf32>
    %dot_general3A = arith.constant dense<0.000000e+00> : vector<64x64xf32>
    %dot_general3A_28 = tpu.matmul %convert_element_type3A_27, %max3A_22, %dot_general3A {dimension_numbers = #tpu.dot_dimension_numbers<[0], [0], [1], [1], [0, 1, 1, 1], [], []>, precision = #tpu.contract_precision<fp32>, transpose_lhs_hint = false} : vector<2000x64xf32>, vector<2000x64xf32>, vector<64x64xf32> -> vector<64x64xf32>
    %broadcast_in_dim3A = arith.constant 1.000000e+00 : f32
    %broadcast_in_dim3A_29 = vector.broadcast %broadcast_in_dim3A : f32 to vector<2000x1xf32>
    %dot_general3A_30 = arith.constant dense<0.000000e+00> : vector<64x1xf32>
    %dot_general3A_31 = tpu.matmul %convert_element_type3A_27, %broadcast_in_dim3A_29, %dot_general3A_30 {dimension_numbers = #tpu.dot_dimension_numbers<[0], [0], [1], [1], [0, 1, 1, 1], [], []>, transpose_lhs_hint = false} : vector<2000x64xf32>, vector<2000x1xf32>, vector<64x1xf32> -> vector<64x1xf32>
    %eq3A_32 = arith.constant 0 : i32
    %eq3A_33 = arith.cmpi eq, %arg0, %eq3A_32 : i32
    %convert_element_type3A_34 = arith.extui %eq3A_33 : i1 to i32
    %cond3A = arith.constant 0 : i32
    %cond3A_35 = arith.cmpi ne, %convert_element_type3A_34, %cond3A : i32
    scf.if %cond3A_35 {
      %swap3A = arith.constant 0 : index
      %swap3A_45 = arith.constant 0 : index
      %swap3A_46 = vector.load %arg13[%swap3A, %swap3A_45] : memref<64x64xf32, #tpu.memory_space<vmem>>, vector<64x64xf32>
      tpu.vector_store %arg13[%swap3A, %swap3A_45], %dot_general3A_28 {strides = array<i32>} : memref<64x64xf32, #tpu.memory_space<vmem>>, vector<64x64xf32>,
      %swap3A_47 = arith.constant 0 : index
      %swap3A_48 = arith.constant 0 : index
      %swap3A_49 = vector.load %arg14[%swap3A_47, %swap3A_48] : memref<64x1xf32, #tpu.memory_space<vmem>>, vector<64x1xf32>
      tpu.vector_store %arg14[%swap3A_47, %swap3A_48], %dot_general3A_31 {strides = array<i32>} : memref<64x1xf32, #tpu.memory_space<vmem>>, vector<64x1xf32>,
    } else {
    }
    %gt3A = arith.constant 0 : i32
    %gt3A_36 = arith.cmpi sgt, %arg0, %gt3A : i32
    %convert_element_type3A_37 = arith.extui %gt3A_36 : i1 to i32
    %cond3A_38 = arith.constant 0 : i32
    %cond3A_39 = arith.cmpi ne, %convert_element_type3A_37, %cond3A_38 : i32
    scf.if %cond3A_39 {
      %get3A_45 = arith.constant 0 : index
      %get3A_46 = arith.constant 0 : index
      %get3A_47 = vector.load %arg13[%get3A_45, %get3A_46] : memref<64x64xf32, #tpu.memory_space<vmem>>, vector<64x64xf32>
      %add3A_48 = arith.addf %get3A_47, %dot_general3A_28 : vector<64x64xf32>
      %swap3A = arith.constant 0 : index
      %swap3A_49 = arith.constant 0 : index
      %swap3A_50 = vector.load %arg13[%swap3A, %swap3A_49] : memref<64x64xf32, #tpu.memory_space<vmem>>, vector<64x64xf32>
      tpu.vector_store %arg13[%swap3A, %swap3A_49], %add3A_48 {strides = array<i32>} : memref<64x64xf32, #tpu.memory_space<vmem>>, vector<64x64xf32>,
      %get3A_51 = arith.constant 0 : index
      %get3A_52 = arith.constant 0 : index
      %get3A_53 = vector.load %arg14[%get3A_51, %get3A_52] : memref<64x1xf32, #tpu.memory_space<vmem>>, vector<64x1xf32>
      %add3A_54 = arith.addf %get3A_53, %dot_general3A_31 : vector<64x1xf32>
      %swap3A_55 = arith.constant 0 : index
      %swap3A_56 = arith.constant 0 : index
      %swap3A_57 = vector.load %arg14[%swap3A_55, %swap3A_56] : memref<64x1xf32, #tpu.memory_space<vmem>>, vector<64x1xf32>
      tpu.vector_store %arg14[%swap3A_55, %swap3A_56], %add3A_54 {strides = array<i32>} : memref<64x1xf32, #tpu.memory_space<vmem>>, vector<64x1xf32>,
    } else {
    }
    %eq3A_40 = arith.constant 24 : i32
    %eq3A_41 = arith.cmpi eq, %arg0, %eq3A_40 : i32
    %convert_element_type3A_42 = arith.extui %eq3A_41 : i1 to i32
    %cond3A_43 = arith.constant 0 : i32
    %cond3A_44 = arith.cmpi ne, %convert_element_type3A_42, %cond3A_43 : i32
    scf.if %cond3A_44 {
      %get3A_45 = arith.constant 0 : index
      %get3A_46 = arith.constant 0 : index
      %get3A_47 = vector.load %arg13[%get3A_45, %get3A_46] : memref<64x64xf32, #tpu.memory_space<vmem>>, vector<64x64xf32>
      %get3A_48 = arith.constant 0 : index
      %get3A_49 = arith.constant 0 : index
      %get3A_50 = vector.load %arg14[%get3A_48, %get3A_49] : memref<64x1xf32, #tpu.memory_space<vmem>>, vector<64x1xf32>
      %max3A_51 = arith.constant 1.000000e+00 : f32
      %max3A_52 = vector.broadcast %max3A_51 : f32 to vector<64x1xf32>
      %max3A_53 = arith.maximumf %get3A_50, %max3A_52 : vector<64x1xf32>
      %div3A = vector.broadcast %max3A_53 : vector<64x1xf32> to vector<64x64xf32>
      %div3A_54 = arith.divf %get3A_47, %div3A : vector<64x64xf32>
      %get3A_55 = arith.constant 0 : index
      %get3A_56 = arith.constant 0 : index
      %get3A_57 = vector.load %arg8[%get3A_55, %get3A_56] : memref<64x64xf32, #tpu.memory_space<vmem>>, vector<64x64xf32>
      %dot_general3A_58 = arith.constant dense<0.000000e+00> : vector<64x64xf32>
      %dot_general3A_59 = tpu.matmul %div3A_54, %get3A_57, %dot_general3A_58 {dimension_numbers = #tpu.dot_dimension_numbers<[1], [0], [0], [1], [0, 0, 1, 1], [], []>, transpose_lhs_hint = false} : vector<64x64xf32>, vector<64x64xf32>, vector<64x64xf32> -> vector<64x64xf32>
      %get3A_60 = arith.constant 0 : index
      %get3A_61 = arith.constant 0 : index
      %get3A_62 = vector.load %arg9[%get3A_60, %get3A_61] : memref<1x64xf32, #tpu.memory_space<vmem>>, vector<1x64xf32>
      %add3A_63 = vector.broadcast %get3A_62 : vector<1x64xf32> to vector<64x64xf32>
      %add3A_64 = arith.addf %dot_general3A_59, %add3A_63 : vector<64x64xf32>
      %max3A_65 = arith.constant 0.000000e+00 : f32
      %max3A_66 = vector.broadcast %max3A_65 : f32 to vector<64x64xf32>
      %max3A_67 = arith.maximumf %add3A_64, %max3A_66 : vector<64x64xf32>
      %get3A_68 = arith.constant 0 : index
      %get3A_69 = arith.constant 0 : index
      %get3A_70 = vector.load %arg10[%get3A_68, %get3A_69] : memref<64x64xf32, #tpu.memory_space<vmem>>, vector<64x64xf32>
      %dot_general3A_71 = arith.constant dense<0.000000e+00> : vector<64x64xf32>
      %dot_general3A_72 = tpu.matmul %max3A_67, %get3A_70, %dot_general3A_71 {dimension_numbers = #tpu.dot_dimension_numbers<[1], [0], [0], [1], [0, 0, 1, 1], [], []>, transpose_lhs_hint = false} : vector<64x64xf32>, vector<64x64xf32>, vector<64x64xf32> -> vector<64x64xf32>
      %slice3A = vector.extract_strided_slice %dot_general3A_72 {offsets = [0, 0], sizes = [64, 1], strides = [1, 1]} : vector<64x64xf32> to vector<64x1xf32>
      %get3A_73 = arith.constant 0 : index
      %get3A_74 = arith.constant 0 : index
      %get3A_75 = vector.load %arg11[%get3A_73, %get3A_74] : memref<1x1xf32, #tpu.memory_space<vmem>>, vector<1x1xf32>
      %add3A_76 = vector.broadcast %get3A_75 : vector<1x1xf32> to vector<64x1xf32>
      %add3A_77 = arith.addf %slice3A, %add3A_76 : vector<64x1xf32>
      %swap3A = arith.constant 0 : index
      %swap3A_78 = arith.constant 0 : index
      %swap3A_79 = vector.load %arg12[%swap3A, %swap3A_78] : memref<64x1xf32, #tpu.memory_space<vmem>>, vector<64x1xf32>
      tpu.vector_store %arg12[%swap3A, %swap3A_78], %add3A_77 {strides = array<i32>} : memref<64x1xf32, #tpu.memory_space<vmem>>, vector<64x1xf32>,
    } else {
    }
    return
  }
  func.func @transform_0(%arg0: i32) -> (i32, i32) {
    %c0_i32 = arith.constant 0 : i32
    %c0_i32_0 = arith.constant 0 : i32
    return %arg0, %c0_i32 : i32, i32
  }
  func.func @transform_1(%arg0: i32) -> (i32, i32) {
    %c0_i32 = arith.constant 0 : i32
    %c0_i32_0 = arith.constant 0 : i32
    return %arg0, %c0_i32 : i32, i32
  }
  func.func @transform_2(%arg0: i32) -> (i32, i32) {
    %c0_i32 = arith.constant 0 : i32
    %c0_i32_0 = arith.constant 0 : i32
    return %arg0, %c0_i32 : i32, i32
  }
  func.func @transform_3(%arg0: i32) -> (i32, i32) {
    %c0_i32 = arith.constant 0 : i32
    %c0_i32_0 = arith.constant 0 : i32
    return %arg0, %c0_i32 : i32, i32
  }
  func.func @transform_4(%arg0: i32) -> (i32, i32) {
    %c0_i32 = arith.constant 0 : i32
    %c0_i32_0 = arith.constant 0 : i32
    return %arg0, %c0_i32 : i32, i32
  }
  func.func @transform_5(%arg0: i32) -> (i32, i32) {
    %c0_i32 = arith.constant 0 : i32
    %c0_i32_0 = arith.constant 0 : i32
    %c0_i32_1 = arith.constant 0 : i32
    return %c0_i32, %c0_i32_0 : i32, i32
  }
  func.func @transform_6(%arg0: i32) -> (i32, i32) {
    %c0_i32 = arith.constant 0 : i32
    %c0_i32_0 = arith.constant 0 : i32
    return %arg0, %c0_i32 : i32, i32
  }
  func.func @transform_7(%arg0: i32) -> (i32, i32) {
    %c0_i32 = arith.constant 0 : i32
    %c0_i32_0 = arith.constant 0 : i32
    %c0_i32_1 = arith.constant 0 : i32
    return %c0_i32, %c0_i32_0 : i32, i32
  }
  func.func @transform_8(%arg0: i32) -> (i32, i32) {
    %c0_i32 = arith.constant 0 : i32
    %c0_i32_0 = arith.constant 0 : i32
    %c0_i32_1 = arith.constant 0 : i32
    return %c0_i32, %c0_i32_0 : i32, i32
  }
  func.func @transform_9(%arg0: i32) -> (i32, i32) {
    %c0_i32 = arith.constant 0 : i32
    %c0_i32_0 = arith.constant 0 : i32
    %c0_i32_1 = arith.constant 0 : i32
    return %c0_i32, %c0_i32_0 : i32, i32
  }
  func.func @transform_10(%arg0: i32) -> (i32, i32) {
    %c0_i32 = arith.constant 0 : i32
    %c0_i32_0 = arith.constant 0 : i32
    %c0_i32_1 = arith.constant 0 : i32
    return %c0_i32, %c0_i32_0 : i32, i32
  }
  func.func @transform_11(%arg0: i32) -> (i32, i32) {
    %c0_i32 = arith.constant 0 : i32
    %c0_i32_0 = arith.constant 0 : i32
    %c0_i32_1 = arith.constant 0 : i32
    return %c0_i32, %c0_i32_0 : i32, i32
  }
}

</mosaic_0001>

<sc_bundles>
// kernel: kernel.10.cloned.1.call-start
scs
__scs_entry_jumppad:
0x0: {  	(pc) =	sbr.rel $0x88, $3  }
0x1: {  	(tag) =	ssettag $0x0;
	lr =	simm.s32 $0x1  }
0x2: {  	[smem:$0x3F95] =	sst lr;
	_ =	strace $0xD0000000  }
0x3: {  	_ = 	snop  }
0x4: {  	_ = 	snop  }
0x5: {  	_ = 	snop  }
0x6: {  	_ = 	snop  }
0x7: {  	_ = 	snop  }
__scs_overlays_trampoline_lowered:
0x8: {  	[smem:$0x3FA4] =	sst s0  }
0x9: {  	[smem:$0x3FA5] =	sst s1  }
0xa: {  	[smem:$0x3FA6] =	sst s2  }
0xb: {  	[smem:$0x3FA7] =	sst s3  }
0xc: {  	[smem:$0x3FA8] =	sst s4  }
0xd: {  	[smem:$0x3FA9] =	sst s5  }
0xe: {  	[smem:$0x3FAA] =	sst s6  }
0xf: {  	[smem:$0x3FAB] =	sst s7  }
0x10: {  	[smem:$0x3FAC] =	sst s8  }
0x11: {  	[smem:$0x3FAD] =	sst s9;
	s0 =	simm.s32 @!p0 $0x0  }
0x12: {  	s1 =	sld [smem:$0x3F93];
	s0 =	simm.s32 @p0 $0x1  }
0x13: {  	[smem:$0x3FAE] =	sst s0;
	s0 =	simm.s32 @!p1 $0x0  }
0x14: {  	s2 =	sld [smem:$0x3F92];
	s0 =	simm.s32 @p1 $0x1  }
0x15: {  	[smem:$0x3FAF] =	sst s0;
	s0 =	simm.s32 @!p2 $0x0  }
0x16: {  	s3 =	sld [smem:$0x3FDB];
	s0 =	simm.s32 @p2 $0x1  }
0x17: {  	s4 =	simm.s32 $0x1BF5;
	[smem:$0x3FB1] =	sst s0  }
0x18: {  	s0 =	sld [smem:$0x3F94];
	_ =	swait.ge [sflag:s4], $0x0  }
0x19: {  	s7 =	sld [smem:$0x3F95]  }
0x1a: {  	s8 =	sadd.s32 $0xFFFFE003, lr  }
0x1b: {  	s9 =	sadd.s32 $0xFFFFFEF7, lr;
	s5 =	simm.s32 $0xFFFFFFFF;
	p2 =	slt.u32 s8, $0xFFFFF086  }
0x1c: {  	p1 =	slt.u32 s9, $0xF7A;
	s5 =	simm.s32 @!p2 $0x0  }
0x1d: {  	s5 =	simm.s32 @p1 $0x1;
	p0 =	seq.s32 s7, s2  }
0x1e: {  	s7 =	smul.u32 @!p0 $0xF7A, s2;
	p2 =	seq.s32 @!p0 s5, $0x0  }
0x1f: {  	s9 =	smul.u32 $0xF7A, s1;
	s8 =	simm.s32 @!p0 $0x1BF5;
	p2 =	por !p2, p0  }
0x20: {  	[sflag:s8] =	ssyncset.s32 @!p0 $0xFFFFF086;
	s6 =	sadd.s32 @!p0 s3, s7;
	s7 =	simm.s32 @!p0 $0x108  }
0x21: {  	s3 =	sadd.s32 s3, s9;
	s6 =	sadd.s32 @!p0 $0x88, s6;
	s7 =	simm.s32 @p2 $0x1082  }
0x22: {  	[simem:s7], [sflag:s8] =	dma.local @!p0 [hbm:s6], $0xF7A  }
0x23: {  	s9 =	sor.u32 $0xD0000000, s2;
	s6 =	simm.s32 $0x108;
	_ =	swait.ge @!p0 [sflag:s8], $0x0  }
0x24: {  	s3 =	sadd.s32 $0x88, s3;
	s6 =	simm.s32 @!p1 $0x1082;
	[sflag:s4] =	ssyncset.s32 $0xFFFFF086  }
0x25: {  	[simem:s6], [sflag:s4] =	dma.local [hbm:s3], $0xF7A  }
0x26: {  	[smem:$0x3F95] =	sst s1;
	(tag) =	ssettag s2;
	_ =	strace s9  }
0x27: {  	s1 =	sld [smem:$0x3FA5]  }
0x28: {  	s2 =	sld [smem:$0x3FA6]  }
0x29: {  	s4 =	sld [smem:$0x3FA8]  }
0x2a: {  	p0 =	seq.s32 s5, $0x0;
	s5 =	sld [smem:$0x3FA9]  }
0x2b: {  	s6 =	sld [smem:$0x3FAA]  }
0x2c: {  	s7 =	sld [smem:$0x3FAB]  }
0x2d: {  	s3 =	simm.s32 $0x108;
	s8 =	sld [smem:$0x3FAC]  }
0x2e: {  	s3 =	simm.s32 @!p0 $0x1082;
	s9 =	sld [smem:$0x3FAD]  }
0x2f: {  	lr =	sadd.s32 s0, s3;
	s0 =	sld [smem:$0x3FA4]  }
0x30: {  	s3 =	sld [smem:$0x3FA7]  }
0x31: {  	[smem:$0x3FB0] =	sst s10  }
0x32: {  	s10 =	sld [smem:$0x3FAE];
	_ =	sdelay $0x3  }
0x33: {  	p0 =	seq.s32 s10, $0x1;
	s10 =	sld [smem:$0x3FB0];
	_ =	sdelay $0x3  }
0x34: {  	[smem:$0x3FB0] =	sst s10  }
0x35: {  	s10 =	sld [smem:$0x3FAF];
	_ =	sdelay $0x3  }
0x36: {  	p1 =	seq.s32 s10, $0x1;
	s10 =	sld [smem:$0x3FB0];
	_ =	sdelay $0x3  }
0x37: {  	[smem:$0x3FB0] =	sst s10  }
0x38: {  	s10 =	sld [smem:$0x3FB1]  }
0x39: {  	_ = 	snop;
	(pc) =	sbr.ind lr, $3  }
0x3a: {  	_ = 	snop  }
0x3b: {  	_ = 	snop  }
0x3c: {  	p2 =	seq.s32 s10, $0x1;
	s10 =	sld [smem:$0x3FB0]  }
0x3d: {  	_ =	shalt  }
0x3e: {  	_ =	shalt  }
0x3f: {  	_ =	shalt  }
0x40: {  	_ =	shalt  }
0x41: {  	_ =	shalt  }
0x42: {  	_ =	shalt  }
0x43: {  	_ =	shalt  }
0x44: {  	_ =	shalt  }
0x45: {  	_ =	shalt  }
0x46: {  	_ =	shalt  }
0x47: {  	_ =	shalt  }
0x48: {  	_ =	shalt  }
0x49: {  	_ =	shalt  }
0x4a: {  	_ =	shalt  }
0x4b: {  	_ =	shalt  }
0x4c: {  	_ =	shalt  }
0x4d: {  	_ =	shalt  }
0x4e: {  	_ =	shalt  }
0x4f: {  	_ =	shalt  }
0x50: {  	_ =	shalt  }
0x51: {  	_ =	shalt  }
0x52: {  	_ =	shalt  }
0x53: {  	_ =	shalt  }
0x54: {  	_ =	shalt  }
0x55: {  	_ =	shalt  }
0x56: {  	_ =	shalt  }
0x57: {  	_ =	shalt  }
0x58: {  	_ =	shalt  }
0x59: {  	_ =	shalt  }
0x5a: {  	_ =	shalt  }
0x5b: {  	_ =	shalt  }
0x5c: {  	_ =	shalt  }
0x5d: {  	_ =	shalt  }
0x5e: {  	_ =	shalt  }
0x5f: {  	_ =	shalt  }
0x60: {  	_ =	shalt  }
0x61: {  	_ =	shalt  }
0x62: {  	_ =	shalt  }
0x63: {  	_ =	shalt  }
0x64: {  	_ =	shalt  }
0x65: {  	_ =	shalt  }
0x66: {  	_ =	shalt  }
0x67: {  	_ =	shalt  }
0x68: {  	_ =	shalt  }
0x69: {  	_ =	shalt  }
0x6a: {  	_ =	shalt  }
0x6b: {  	_ =	shalt  }
0x6c: {  	_ =	shalt  }
0x6d: {  	_ =	shalt  }
0x6e: {  	_ =	shalt  }
0x6f: {  	_ =	shalt  }
0x70: {  	_ =	shalt  }
0x71: {  	_ =	shalt  }
0x72: {  	_ =	shalt  }
0x73: {  	_ =	shalt  }
0x74: {  	_ =	shalt  }
0x75: {  	_ =	shalt  }
0x76: {  	_ =	shalt  }
0x77: {  	_ =	shalt  }
0x78: {  	_ =	shalt  }
0x79: {  	_ =	shalt  }
0x7a: {  	_ =	shalt  }
0x7b: {  	_ =	shalt  }
0x7c: {  	_ =	shalt  }
0x7d: {  	_ =	shalt  }
0x7e: {  	_ =	shalt  }
0x7f: {  	_ =	shalt  }
0x80: {  	_ =	shalt  }
0x81: {  	_ =	shalt  }
0x82: {  	_ =	shalt  }
0x83: {  	_ =	shalt  }
0x84: {  	_ =	shalt  }
0x85: {  	_ =	shalt  }
0x86: {  	_ =	shalt  }
0x87: {  	_ =	shalt  }
.Lfunc_end0:
.L_simem_size_0:
called_computation.1_lowered:
.L_overlay_start_0:
0x88: {  	s2 =	sld [smem:$0x3FD9]  }
0x89: {  	s3 =	sld [smem:$0x3FFE];
	_ =	sdelay $0x1  }
0x8a: {  	s1 =	srdreg.scid  }
0x8b: {  	s0 =	sand.u32 $0x1, s1  }
0x8c: {  	s16 =	sshll.u32 s0, $0xA;
	s2 =	sadd.s32 s3, s2  }
0x8d: {  	s2 =	sadd.s32 s2, s16  }
0x8e: {  	[smem:$0x3FBC] =	sst s2  }
0x8f: {  	_ = 	snop  }
0x90: {  	(tm) =	ssettm $0x1  }
0x91: {  	s17 =	sld [smem:$0x3FFB];
	_ =	sdelay $0x3  }
0x92: {  	_ =	strace s17  }
0x93: {  	s2 =	sld [smem:$0x3FFC];
	_ =	sdelay $0x3  }
0x94: {  	_ =	strace s2  }
0x95: {  	s2 =	sld [smem:$0x3FFD];
	_ =	sdelay $0x3  }
0x96: {  	_ =	strace s2  }
0x97: {  	_ =	strace $0x8FFFFFFF  }
0x98: {  	s18 =	sld [smem:$0x3FDB];
	_ =	sdelay $0x1  }
0x99: {  	s19 =	simm.s32 $_scs_section_size  }
0x9a: {  	s4 =	simm.s32 $_size__tile_overlayer_lowered;
	s5 =	simm.s32 $_tile_overlayer_lowered  }
0x9b: {  	s22 =	simm.s32 $0x1BFF;
	s21 =	sshll.u32 s5, $0x1;
	s2 =	sadd.s32 s19, s18  }
0x9c: {  	s6 =	simm.s32 $0x0;
	s20 =	sshll.u32 s4, $0x1;
	s4 =	sadd.s32 s21, s2  }
0x9d: {  	[timem:s6], [sflag:s22] =	dma.local [hbm:s4], s20  }
0x9e: {  	_ =	swait.ge [sflag:s22], s20  }
0x9f: {  	s3 =	ssub.s32 $0x0, s20;
	[sflag:s22] =	ssyncset.done $0x0  }
0xa0: {  	[sflag:s22] =	ssyncadd.s32 s3;
	_ =	sdelay $0x1  }
0xa1: {  	s23 =	simm.s32 $0x1B8B  }
0xa2: {  	_ =	swait.ge [sflag:s23], $0x1  }
0xa3: {  	[sflag:s23] =	ssyncset.done $0x0  }
0xa4: {  	s25 =	simm.s32 $0x1B8E;
	s24 =	sld [smem:$0x3FFE];
	[sflag:s23] =	ssyncadd.s32 $0xFFFFFFFF  }
0xa5: {  	s26 =	simm.s32 $execute0_lowered;
	[smem:$0x3FD2] =	sst s25  }
0xa6: {  	s4 =	sshll.u32 s26, $0x1;
	_ =	strace $0x80000049;
	[dreg:$0x1] =	wrdreg $0xFFFFFFFF  }
0xa7: {  	s28 =	simm.s32 $_size_execute0_lowered;
	s2 =	sadd.s32 s2, s4;
	[dreg:$0x0] =	wrdreg $0x0  }
0xa8: {  	s4 =	sshll.u32 s28, $0x1;
	[dreg:$0x2] =	wrdreg s2  }
0xa9: {  	[dreg:$0x3] =	wrdreg s4  }
0xaa: {  	[dreg:$0x4] =	wrdreg $0xC0  }
0xab: {  	_ =	task [dreg:s6], $0x5FFFF  }
0xac: {  	[dreg:$0x1] =	wrdreg $0xFFFFFFFF  }
0xad: {  	[dreg:$0x0] =	wrdreg $0x60  }
0xae: {  	[dreg:$0x2] =	wrdreg s24  }
0xaf: {  	[dreg:$0x3] =	wrdreg $0x0  }
0xb0: {  	[dreg:$0x4] =	wrdreg $0x9  }
0xb1: {  	_ =	task.clear_ibuf [dreg:s6], $0x5FFFF;
	_ =	strace $0x90000049  }
0xb2: {  	s29 =	simm.s32 $0x9;
	_ =	strace $0x8000004B  }
0xb3: {  	_ =	swait.ge [sflag:s29], $0x1  }
0xb4: {  	[sflag:s29] =	ssyncadd.s32 $0xFFFFFFFF  }
0xb5: {  	_ =	strace $0x9000004B  }
0xb6: {  	_ =	sfence  }
0xb7: {  	s30 =	sld [smem:$0x0];
	_ =	sdelay $0x2  }
0xb8: {  	s31 =	sshll.u32 s1, $0xD;
	s1 =	sshrl.u32 s1, $0x2  }
0xb9: {  	s3 =	sand.u32 $0x4000, s31;
	s1 =	sadd.s32 s1, s30  }
0xba: {  	s0 =	sor.u32 s3, s0;
	s1 =	sshll.u32 s1, $0x11  }
0xbb: {  	s0 =	sor.u32 s1, s0  }
0xbc: {  	s0 =	sadd.s32 $0x8F2B, s0  }
0xbd: {  	[sflag:s0] =	ssyncadd.remote.s32 $0x1  }
0xbe: {  	_ =	sfence.sel $0xFFFF  }
0xbf: {  	[dreg:$0x0] =	wrdreg $0xFFFFFFFF;
	(pc) =	sbr.abs _section_cstart, $3  }
0xc0: {  	[dreg:$0x1] =	wrdreg $0xFFFFFFFF  }
0xc1: {  	_ =	task.clear_ibuf [dreg:s6], $0x2FFFF;
	_ =	strace $0x9FFFFFFF  }
0xc2: {  	(tm) =	ssettm $0x7FFFFFFF  }
0xc3: {  	_ =	shalt  }
tec
execute0_lowered:
.L_overlay_start_1:
0x0: {  	(tag) =	ssettag $0x1  }
0x1: {  	s0 =	rddreg [dreg:$0x0]  }
0x2: {  	s1 =	rddreg [dreg:$0x1]  }
0x3: {  	s2 =	simm.s32 $0x0;
	s9 =	srdreg.scid;
	s21 =	stileid.u32  }
0x4: {  	s18 =	simm.s32 $0x3;
	s19 =	simm.s32 $0x18800;
	s28 =	simm.s32 $0x18A80  }
0x5: {  	s29 =	simm.s32 $0x18B80;
	s30 =	simm.s32 $0x18C80;
	s31 =	simm.s32 $0x1  }
0x6: {  	s20 =	simm.s32 $0x2;
	[smem:$0x7FF] =	sst s2;
	s4 =	sadd.s32 $0x1E200, s0  }
0x7: {  	s8 =	sadd.s32 $0x2400, s0;
	s3 =	sadd.s32 $0x1AE00, s0;
	s5 =	sadd.s32 $0x1C800, s0  }
0x8: {  	s6 =	sadd.s32 $0x36A00, s0;
	s7 =	sadd.s32 $0x38400, s0;
	s12 =	smul.u32 $0x18800, s21  }
0x9: {  	s10 =	sand.u32 $0x1, s9;
	s22 =	sadd.s32 $0x3B600, s0;
	s14 =	smul.u32 $0xC40, s21  }
0xa: {  	s15 =	sor.u32 $0x10, s21;
	_ =	strace $0x8000004A;
	[dreg:$0x3] =	wrdreg s7  }
0xb: {  	s0 =	sadd.s32 $0x6C600, s0;
	s26 =	sshll.u32 s21, $0x6;
	[dreg:$0x4] =	wrdreg s22  }
0xc: {  	s21 =	simm.s32 $0x80;
	s11 =	ssub.s32 $0x2, s10;
	[dreg:$0x5] =	wrdreg s0  }
0xd: {  	s15 =	smul.u32 $0xC40, s15;
	p0 =	seq.s32 s10, $0x1;
	s16 =	sor.u32 $0x1C03, s26  }
0xe: {  	s26 =	simm.s32 $0x18980;
	s0 =	simm.s32 $0x18E00;
	s22 =	simm.s32 $0x18E80  }
0xf: {  	s13 =	sshrl.u32 s11, $0x1;
	s17 =	sadd.s32 s12, s1;
	s10 =	sadd.s32 s4, s14  }
.Ltmp0:
0x10: {  	s24 =	sshrl.u32 s12, $0x3;
	s23 =	ssub.s32 s11, s13;
	(pc) =	sbr.rel .LBB2_1-.Ltmp0, $4  }
0x11: {  	s11 =	sadd.s32 s8, s14;
	[dreg:$0x6] =	wrdreg s24;
	s4 =	sadd.s32 s4, s15  }
0x12: {  	s25 =	sadd.s32 s8, s15;
	s17 =	sshrl.u32 s17, $0x3;
	[dreg:$0x7] =	wrdreg s4  }
0x13: {  	s24 =	simm.s32 $0x0;
	[dreg:$0x8] =	wrdreg s25;
	s15 =	smax.u32 s23, $0x1  }
0x14: {  	s25 =	simm.s32 $0x18880;
	s4 =	simm.s32 $0x18D00;
	s23 =	simm.s32 $0x18D80  }
.LBB2_4:
0x15: {  	s8 =	rddreg [dreg:$0x4]  }
.LBB2_8:
0x16: {  	s24 =	sadd.s32 $0x1, s24  }
0x17: {  	s7 =	rddreg [dreg:$0x6];
	p1 =	sne.s32 s24, s15  }
.Ltmp1:
0x18: {  	[bflag:$0x0] =	sbarrier.arrive $0xFFFF;
	s7 =	sadd.s32 s8, s7;
	(pc) =	sbr.rel @!p1 .LBB2_9-.Ltmp1, $4  }
0x19: {  	[hbm:s7], [sflag:s16] =	dma.local [spmem:s17], $0x3100  }
0x1a: {  	_ =	swait.ge [sflag:s18], $0x3100  }
0x1b: {  	[sflag:s18] =	ssyncset.done $0x0  }
0x1c: {  	[sflag:s18] =	ssyncadd.s32 $0xFFFFCF00  }
.LBB2_1:
0x1d: {  	s7 =	rddreg [dreg:$0x3]  }
0x1e: {  	[spmem:s17], [sflag:s16] =	dma.local [hbm:s7], $0x3100  }
.Ltmp2:
0x1f: {  	_ =	swait.ge [sflag:s18], $0x3100;
	(pc) =	sbr.rel @!p0 .LBB2_2-.Ltmp2, $4  }
0x20: {  	[sflag:s18] =	ssyncset.done $0x0  }
0x21: {  	[sflag:s18] =	ssyncadd.s32 $0xFFFFCF00  }
0x22: {  	[bflag:$0x0] =	sbarrier.arrive $0xFFFF  }
0x23: {  	s8 =	simm.s32 $0x0  }
0x24: {  	s7 =	rddreg [dreg:$0x7]  }
0x25: {  	[tilespmem:s19], [sflag:$0x3] =	stream.linear.gather [hbm4b:s7+s8], $0x80, $0x38;
	[tilespmem:$0x18F00] =	vst v63  }
0x26: {  	_ =	swait.ge [sflag:s18], $0x80  }
0x27: {  	[sflag:s18] =	ssyncset.done $0x0  }
0x28: {  	s9 =	simm.s32 $0x18900;
	s14 =	rddreg [dreg:$0x8];
	[sflag:s18] =	ssyncadd.s32 $0xFFFFFF80  }
0x29: {  	[tilespmem:s9], [sflag:$0x3] =	stream.linear.gather [hbm4b:s14+s8], $0x80, $0x38;
	[tilespmem:$0x18F00] =	vst v63  }
0x2a: {  	_ =	swait.ge [sflag:s18], $0x80  }
0x2b: {  	[sflag:s18] =	ssyncset.done $0x0  }
0x2c: {  	s12 =	simm.s32 $0x18A00;
	[sflag:s18] =	ssyncadd.s32 $0xFFFFFF80  }
0x2d: {  	[tilespmem:s12], [sflag:$0x1] =	stream.indirect.gather [hbm4b:s3+s21], $0x1, s19, s21, $0xb8;
	[tilespmem:$0x18F00] =	vst v63  }
0x2e: {  	s13 =	simm.s32 $0x18B00  }
0x2f: {  	[tilespmem:s13], [sflag:$0x1] =	stream.indirect.gather [hbm4b:s5+s21], $0x1, s19, s21, $0xb8;
	[tilespmem:$0x18F00] =	vst v63  }
0x30: {  	s14 =	simm.s32 $0x18C00  }
0x31: {  	[tilespmem:s14], [sflag:$0x1] =	stream.indirect.gather [hbm4b:s6+s21], $0x1, s19, s21, $0xb8;
	[tilespmem:$0x18F00] =	vst v63  }
.LBB2_6:
0x32: {  	s7 =	sadd.s32 s8, s10  }
0x33: {  	s7 =	sadd.s32 $0xC410, s7  }
0x34: {  	[tilespmem:s25], [sflag:$0x3] =	stream.linear.gather [hbm4b:s7+s2], $0x80, $0x38;
	[tilespmem:$0x18F00] =	vst v63  }
0x35: {  	_ =	swait.ge [sflag:s18], $0x80  }
0x36: {  	s14 =	sadd.s32 s8, s11;
	[sflag:s18] =	ssyncset.done $0x0  }
0x37: {  	s7 =	sadd.s32 $0xC410, s14;
	[sflag:s18] =	ssyncadd.s32 $0xFFFFFF80  }
0x38: {  	[tilespmem:s26], [sflag:$0x3] =	stream.linear.gather [hbm4b:s7+s2], $0x80, $0x38;
	[tilespmem:$0x18F00] =	vst v63  }
0x39: {  	_ =	swait.ge [sflag:s18], $0x80  }
0x3a: {  	[sflag:s18] =	ssyncset.done $0x0  }
0x3b: {  	[sflag:s18] =	ssyncadd.s32 $0xFFFFFF80  }
0x3c: {  	[tilespmem:s28], [sflag:$0x2] =	stream.indirect.gather [hbm4b:s3+s21], $0x1, s25, s21, $0xb8;
	[tilespmem:$0x18F00] =	vst v63  }
0x3d: {  	_ = 	snop  }
0x3e: {  	[tilespmem:s29], [sflag:$0x2] =	stream.indirect.gather [hbm4b:s5+s21], $0x1, s25, s21, $0xb8;
	[tilespmem:$0x18F00] =	vst v63  }
0x3f: {  	_ = 	snop  }
0x40: {  	[tilespmem:s30], [sflag:$0x2] =	stream.indirect.gather [hbm4b:s6+s21], $0x1, s25, s21, $0xb8;
	[tilespmem:$0x18F00] =	vst v63  }
0x41: {  	_ =	swait.ge [sflag:s31], $0x80  }
0x42: {  	[sflag:s31] =	ssyncset.done $0x0  }
0x43: {  	[sflag:s31] =	ssyncadd.s32 $0xFFFFFF80  }
0x44: {  	_ =	swait.ge [sflag:s31], $0x80  }
0x45: {  	[sflag:s31] =	ssyncset.done $0x0  }
0x46: {  	[sflag:s31] =	ssyncadd.s32 $0xFFFFFF80  }
0x47: {  	_ =	swait.ge [sflag:s31], $0x80  }
0x48: {  	[sflag:s31] =	ssyncset.done $0x0  }
0x49: {  	[sflag:s31] =	ssyncadd.s32 $0xFFFFFF80  }
0x4a: {  	v0 =	vld [tilespmem:$0x18A00]  }
0x4b: {  	v1 =	vld [tilespmem:$0x18B00]  }
0x4c: {  	v2 =	vld [tilespmem:$0x18A10]  }
0x4d: {  	v34 =	vld [tilespmem:$0x18A20]  }
0x4e: {  	v3 =	vld [tilespmem:$0x18B10]  }
0x4f: {  	v35 =	vld [tilespmem:$0x18B20];
	_ =	sdelay $0x1  }
0x50: {  	v0 =	vadd.f32 $1.000000000e+00, v0  }
0x51: {  	v33 =	vadd.f32 $1.000000000e+00, v2;
	v2 =	vadd.f32 $1.000000000e+00, v34  }
0x52: {  	v0 =	vadd.f32 v1, v0  }
0x53: {  	v1 =	vadd.f32 v3, v33;
	v2 =	vadd.f32 v35, v2  }
0x54: {  	v4 =	vshra.s32 v0, $0x1;
	v0 =	vmul.f32 $5.000000000e-01, v0  }
0x55: {  	v6 =	vshra.s32 v1, $0x1;
	v1 =	vmul.f32 $5.000000000e-01, v1;
	v38 =	vshra.s32 v2, $0x1  }
0x56: {  	v2 =	vmul.f32 $5.000000000e-01, v2;
	v4 =	vsub.s32 $0x5F3759DF, v4;
	v6 =	vsub.s32 $0x5F3759DF, v6  }
0x57: {  	v40 =	vsub.s32 $0x5F3759DF, v38;
	v5 =	vmul.f32 v4, v0;
	v7 =	vmul.f32 v6, v1  }
0x58: {  	v8 =	vmul.f32 v40, v2  }
0x59: {  	v5 =	vmul.f32 v4, v5;
	v37 =	vmul.f32 v6, v7  }
0x5a: {  	v41 =	vld [tilespmem:$0x18A30];
	v8 =	vmul.f32 v40, v8  }
0x5b: {  	v42 =	vld [tilespmem:$0x18B30];
	v36 =	vsub.f32 $1.500000000e+00, v5;
	v39 =	vsub.f32 $1.500000000e+00, v37  }
0x5c: {  	v46 =	vld [tilespmem:$0x18A40];
	v8 =	vsub.f32 $1.500000000e+00, v8  }
0x5d: {  	v12 =	vld [tilespmem:$0x18A50];
	v3 =	vmul.f32 v4, v36;
	v4 =	vmul.f32 v6, v39  }
0x5e: {  	v5 =	vmul.f32 v40, v8  }
0x5f: {  	v50 =	vld [tilespmem:$0x18A60];
	v7 =	vadd.f32 $1.000000000e+00, v41;
	v9 =	vmul.f32 v3, v0;
	v10 =	vmul.f32 v4, v1  }
0x60: {  	v51 =	vld [tilespmem:$0x18B60];
	v8 =	vmul.f32 v5, v2  }
0x61: {  	v53 =	vld [tilespmem:$0x18A70];
	v6 =	vadd.f32 v42, v7;
	v9 =	vmul.f32 v9, v3;
	v10 =	vmul.f32 v10, v4  }
0x62: {  	v31 =	vld [tilespmem:$0x18920];
	v49 =	vadd.f32 $1.000000000e+00, v46;
	v52 =	vadd.f32 $1.000000000e+00, v12;
	v8 =	vmul.f32 v8, v5  }
0x63: {  	v44 =	vshra.s32 v6, $0x1;
	v9 =	vsub.f32 $1.500000000e+00, v9;
	v43 =	vsub.f32 $1.500000000e+00, v10  }
0x64: {  	v6 =	vmul.f32 $5.000000000e-01, v6;
	v8 =	vsub.f32 $1.500000000e+00, v8;
	v10 =	vadd.f32 $1.000000000e+00, v50  }
0x65: {  	v45 =	vsub.s32 $0x5F3759DF, v44;
	v3 =	vmul.f32 v9, v3;
	v4 =	vmul.f32 v43, v4  }
0x66: {  	v55 =	vld [tilespmem:$0x18B70];
	v9 =	vmul.f32 v45, v6;
	v5 =	vmul.f32 v8, v5;
	v8 =	vadd.f32 v51, v10  }
0x67: {  	v56 =	vadd.f32 $1.000000000e+00, v53;
	v40 =	vshll.u32 v31, $0x5;
	v0 =	vmul.f32 v3, v0  }
0x68: {  	v1 =	vmul.f32 v4, v1;
	v9 =	vmul.f32 v45, v9;
	v16 =	vshra.s32 v8, $0x1  }
0x69: {  	v11 =	vld [tilespmem:$0x18B40];
	v2 =	vmul.f32 v5, v2;
	v8 =	vmul.f32 $5.000000000e-01, v8;
	v61 =	vsub.s32 $0x5F3759DF, v16  }
0x6a: {  	v48 =	vld [tilespmem:$0x18B50];
	v0 =	vmul.f32 v0, v3;
	v1 =	vmul.f32 v1, v4;
	v47 =	vsub.f32 $1.500000000e+00, v9  }
0x6b: {  	v2 =	vmul.f32 v2, v5;
	v9 =	vadd.f32 v55, v56;
	v17 =	vmul.f32 v61, v8  }
0x6c: {  	v0 =	vsub.f32 $1.500000000e+00, v0;
	v1 =	vsub.f32 $1.500000000e+00, v1;
	v7 =	vmul.f32 v45, v47  }
0x6d: {  	v18 =	vshra.s32 v9, $0x1;
	v9 =	vmul.f32 $5.000000000e-01, v9;
	v17 =	vmul.f32 v61, v17  }
0x6e: {  	v37 =	vld [tilespmem:$0x18930];
	v63 =	vsub.s32 $0x5F3759DF, v18;
	v0 =	vmul.f32 v0, v3;
	v3 =	vadd.f32 v11, v49  }
0x6f: {  	v1 =	vmul.f32 v1, v4;
	v54 =	vmul.f32 v7, v6;
	v4 =	vadd.f32 v48, v52  }
0x70: {  	v18 =	vmul.f32 v63, v9;
	v13 =	vshra.s32 v3, $0x1;
	v3 =	vmul.f32 $5.000000000e-01, v3  }
0x71: {  	v15 =	vshra.s32 v4, $0x1;
	v4 =	vmul.f32 $5.000000000e-01, v4;
	v13 =	vsub.s32 $0x5F3759DF, v13  }
0x72: {  	v12 =	vmul.f32 v54, v7;
	v15 =	vsub.s32 $0x5F3759DF, v15;
	v14 =	vmul.f32 v13, v3  }
0x73: {  	v41 =	vld [tilespmem:$0x18940];
	v46 =	vshll.u32 v37, $0x5;
	v25 =	vmul.f32 v63, v18;
	v58 =	vmul.f32 v15, v4  }
0x74: {  	v62 =	vld [tilespmem:$0x18900];
	v2 =	vsub.f32 $1.500000000e+00, v2;
	v24 =	vsub.f32 $1.500000000e+00, v17;
	v57 =	vmul.f32 v13, v14  }
0x75: {  	v19 =	vld [tilespmem:$0x18C00];
	v12 =	vsub.f32 $1.500000000e+00, v12;
	v30 =	vsub.f32 $1.500000000e+00, v25;
	v60 =	vmul.f32 v15, v58  }
0x76: {  	v26 =	vld [tilespmem:$0x18910];
	v2 =	vmul.f32 v2, v5;
	v29 =	vmul.f32 v61, v24;
	v59 =	vsub.f32 $1.500000000e+00, v57  }
0x77: {  	v39 =	vld [tilespmem:$0x18C30];
	v7 =	vmul.f32 v12, v7;
	v12 =	vmul.f32 v63, v30;
	v11 =	vsub.f32 $1.500000000e+00, v60  }
0x78: {  	v50 =	vshll.u32 v41, $0x5;
	v34 =	vmul.f32 v29, v8;
	v10 =	vmul.f32 v13, v59  }
0x79: {  	v21 =	vld [tilespmem:$0x18C10];
	v16 =	vshll.u32 v62, $0x5;
	v38 =	vmul.f32 v12, v9;
	v11 =	vmul.f32 v15, v11  }
0x7a: {  	v16 =	vadd.s32 v19, v16;
	v19 =	vmul.f32 v34, v29;
	v20 =	vmul.f32 v10, v3  }
0x7b: {  	v35 =	vld [tilespmem:$0x18C20];
	v17 =	vshll.u32 v26, $0x5;
	v43 =	vmul.f32 v38, v12;
	v28 =	vmul.f32 v11, v4  }
0x7c: {  	v44 =	vld [tilespmem:$0x18C40];
	v48 =	vadd.s32 v39, v46;
	v42 =	vsub.f32 $1.500000000e+00, v19;
	v27 =	vmul.f32 v20, v10  }
0x7d: {  	v47 =	vld [tilespmem:$0x18950];
	v6 =	vmul.f32 v7, v6;
	v45 =	vsub.f32 $1.500000000e+00, v43;
	v33 =	vmul.f32 v28, v11  }
0x7e: {  	[tilespmem:$0x18E00] =	vst v16;
	v17 =	vadd.s32 v21, v17;
	v5 =	vmul.f32 v42, v29;
	v32 =	vsub.f32 $1.500000000e+00, v27  }
0x7f: {  	v51 =	vld [tilespmem:$0x18C50];
	[tilespmem:$0x18E30] =	vst v48;
	v6 =	vmul.f32 v6, v7;
	v12 =	vmul.f32 v45, v12;
	v36 =	vsub.f32 $1.500000000e+00, v33  }
0x80: {  	[tilespmem:$0x18D00] =	vst v0;
	v0 =	vadd.s32 v35, v40;
	v8 =	vmul.f32 v5, v8;
	v10 =	vmul.f32 v32, v10  }
0x81: {  	[tilespmem:$0x18D10] =	vst v1;
	v54 =	vadd.s32 v44, v50;
	v9 =	vmul.f32 v12, v9;
	v11 =	vmul.f32 v36, v11  }
0x82: {  	[tilespmem:$0x18E10] =	vst v17;
	v60 =	vshll.u32 v47, $0x5;
	v52 =	vmul.f32 v8, v5;
	v3 =	vmul.f32 v10, v3  }
0x83: {  	[tilespmem:$0x18D20] =	vst v2;
	v6 =	vsub.f32 $1.500000000e+00, v6;
	v58 =	vmul.f32 v9, v12;
	v4 =	vmul.f32 v11, v4  }
0x84: {  	v53 =	vld [tilespmem:$0x18960];
	[tilespmem:$0x18E20] =	vst v0;
	v0 =	vadd.s32 v51, v60;
	v57 =	vsub.f32 $1.500000000e+00, v52;
	v3 =	vmul.f32 v3, v10  }
0x85: {  	v55 =	vld [tilespmem:$0x18C60];
	[tilespmem:$0x18E40] =	vst v54;
	v6 =	vmul.f32 v6, v7;
	v63 =	vsub.f32 $1.500000000e+00, v58;
	v4 =	vmul.f32 v4, v11  }
0x86: {  	v59 =	vld [tilespmem:$0x18970];
	[tilespmem:$0x18E50] =	vst v0;
	v62 =	vmul.f32 v57, v5;
	v3 =	vsub.f32 $1.500000000e+00, v3  }
0x87: {  	v61 =	vld [tilespmem:$0x18C70];
	[tilespmem:$0x18D30] =	vst v6;
	v5 =	vmul.f32 v63, v12;
	v4 =	vsub.f32 $1.500000000e+00, v4  }
0x88: {  	[tilespmem:$0x18D60] =	vst v62;
	v49 =	vmul.f32 v3, v10  }
0x89: {  	[tilespmem:$0x18D70] =	vst v5;
	v56 =	vmul.f32 v4, v11  }
0x8a: {  	v4 =	vshll.u32 v53, $0x5;
	[tilespmem:$0x18D40] =	vst v49  }
0x8b: {  	v8 =	vshll.u32 v59, $0x5;
	v0 =	vadd.s32 v55, v4;
	[tilespmem:$0x18D50] =	vst v56  }
0x8c: {  	[tilespmem:$0x18E60] =	vst v0;
	v0 =	vadd.s32 v61, v8  }
0x8d: {  	[tilespmem:$0x18E70] =	vst v0  }
0x8e: {  	[spmem:s1] =	stream.indirect.scatter.add.f32 [tilespmem:s4], [sflag:$0x3], $0x1, s0, s21, $0xb8;
	[tilespmem:$0x18F00] =	vst v63  }
0x8f: {  	p1 =	seq.s32 s8, $0xC20;
	_ =	swait.ge [sflag:s18], $0x80  }
0x90: {  	s9 =	simm.s32 @!p1 $0x0;
	s7 =	sadd.s32 @!p1 s8, s10;
	[sflag:s18] =	ssyncset.done $0x0  }
0x91: {  	s12 =	simm.s32 @!p1 $0x18800;
	s7 =	sadd.s32 @!p1 $0xC420, s7;
	[sflag:s18] =	ssyncadd.s32 $0xFFFFFF80  }
0x92: {  	[tilespmem:s12], [sflag:$0x3] =	stream.linear.gather @!p1 [hbm4b:s7+s9], $0x80, $0x38;
	[tilespmem:$0x18F00] =	vst v63  }
0x93: {  	s7 =	simm.s32 @!p1 $0x3  }
0x94: {  	_ =	swait.ge @!p1 [sflag:s7], $0x80  }
0x95: {  	s13 =	sadd.s32 @!p1 s8, s11;
	[sflag:s7] =	ssyncset.done @!p1 $0x0  }
0x96: {  	s13 =	sadd.s32 @!p1 $0xC420, s13;
	s14 =	simm.s32 @!p1 $0x18900;
	[sflag:s7] =	ssyncadd.s32 @!p1 $0xFFFFFF80  }
0x97: {  	[tilespmem:s14], [sflag:$0x3] =	stream.linear.gather @!p1 [hbm4b:s13+s9], $0x80, $0x38;
	[tilespmem:$0x18F00] =	vst v63  }
0x98: {  	_ =	swait.ge @!p1 [sflag:s7], $0x80  }
0x99: {  	[sflag:s7] =	ssyncset.done @!p1 $0x0  }
0x9a: {  	s9 =	simm.s32 @!p1 $0x18A00;
	[sflag:s7] =	ssyncadd.s32 @!p1 $0xFFFFFF80;
	s7 =	simm.s32 @!p1 $0x80  }
0x9b: {  	[tilespmem:s9], [sflag:$0x1] =	stream.indirect.gather @!p1 [hbm4b:s3+s7], $0x1, s12, s7, $0xb8;
	[tilespmem:$0x18F00] =	vst v63  }
0x9c: {  	s9 =	simm.s32 @!p1 $0x18B00  }
0x9d: {  	[tilespmem:s9], [sflag:$0x1] =	stream.indirect.gather @!p1 [hbm4b:s5+s7], $0x1, s12, s7, $0xb8;
	[tilespmem:$0x18F00] =	vst v63  }
0x9e: {  	s9 =	simm.s32 @!p1 $0x18C00  }
0x9f: {  	[tilespmem:s9], [sflag:$0x1] =	stream.indirect.gather @!p1 [hbm4b:s6+s7], $0x1, s12, s7, $0xb8;
	[tilespmem:$0x18F00] =	vst v63  }
0xa0: {  	_ =	swait.ge [sflag:s20], $0x80  }
0xa1: {  	[sflag:s20] =	ssyncset.done $0x0  }
0xa2: {  	[sflag:s20] =	ssyncadd.s32 $0xFFFFFF80  }
0xa3: {  	_ =	swait.ge [sflag:s20], $0x80  }
0xa4: {  	[sflag:s20] =	ssyncset.done $0x0  }
0xa5: {  	[sflag:s20] =	ssyncadd.s32 $0xFFFFFF80  }
0xa6: {  	_ =	swait.ge [sflag:s20], $0x80  }
0xa7: {  	[sflag:s20] =	ssyncset.done $0x0  }
0xa8: {  	[sflag:s20] =	ssyncadd.s32 $0xFFFFFF80  }
0xa9: {  	v9 =	vld [tilespmem:$0x18A80]  }
0xaa: {  	v10 =	vld [tilespmem:$0x18B80]  }
0xab: {  	v11 =	vld [tilespmem:$0x18A90]  }
0xac: {  	v14 =	vld [tilespmem:$0x18AA0]  }
0xad: {  	v12 =	vld [tilespmem:$0x18B90]  }
0xae: {  	v16 =	vld [tilespmem:$0x18BA0];
	_ =	sdelay $0x1  }
0xaf: {  	v0 =	vadd.f32 $1.000000000e+00, v9  }
0xb0: {  	v13 =	vadd.f32 $1.000000000e+00, v11;
	v2 =	vadd.f32 $1.000000000e+00, v14  }
0xb1: {  	v0 =	vadd.f32 v10, v0  }
0xb2: {  	v1 =	vadd.f32 v12, v13;
	v2 =	vadd.f32 v16, v2  }
0xb3: {  	v15 =	vshra.s32 v0, $0x1;
	v0 =	vmul.f32 $5.000000000e-01, v0  }
0xb4: {  	v18 =	vshra.s32 v1, $0x1;
	v1 =	vmul.f32 $5.000000000e-01, v1;
	v22 =	vshra.s32 v2, $0x1  }
0xb5: {  	v2 =	vmul.f32 $5.000000000e-01, v2;
	v4 =	vsub.s32 $0x5F3759DF, v15;
	v6 =	vsub.s32 $0x5F3759DF, v18  }
0xb6: {  	v24 =	vsub.s32 $0x5F3759DF, v22;
	v17 =	vmul.f32 v4, v0;
	v19 =	vmul.f32 v6, v1  }
0xb7: {  	v26 =	vmul.f32 v24, v2  }
0xb8: {  	v5 =	vmul.f32 v4, v17;
	v21 =	vmul.f32 v6, v19  }
0xb9: {  	v25 =	vld [tilespmem:$0x18AB0];
	v8 =	vmul.f32 v24, v26  }
0xba: {  	v28 =	vld [tilespmem:$0x18BB0];
	v20 =	vsub.f32 $1.500000000e+00, v5;
	v23 =	vsub.f32 $1.500000000e+00, v21  }
0xbb: {  	v33 =	vld [tilespmem:$0x18AC0];
	v8 =	vsub.f32 $1.500000000e+00, v8  }
0xbc: {  	v35 =	vld [tilespmem:$0x18AD0];
	v3 =	vmul.f32 v4, v20;
	v4 =	vmul.f32 v6, v23  }
0xbd: {  	v5 =	vmul.f32 v24, v8  }
0xbe: {  	v39 =	vld [tilespmem:$0x18AE0];
	v7 =	vadd.f32 $1.000000000e+00, v25;
	v27 =	vmul.f32 v3, v0;
	v29 =	vmul.f32 v4, v1  }
0xbf: {  	v40 =	vld [tilespmem:$0x18BE0];
	v8 =	vmul.f32 v5, v2  }
0xc0: {  	v42 =	vld [tilespmem:$0x18AF0];
	v6 =	vadd.f32 v28, v7;
	v9 =	vmul.f32 v27, v3;
	v10 =	vmul.f32 v29, v4  }
0xc1: {  	v55 =	vld [tilespmem:$0x18980];
	v38 =	vadd.f32 $1.000000000e+00, v33;
	v41 =	vadd.f32 $1.000000000e+00, v35;
	v8 =	vmul.f32 v8, v5  }
0xc2: {  	v31 =	vshra.s32 v6, $0x1;
	v9 =	vsub.f32 $1.500000000e+00, v9;
	v30 =	vsub.f32 $1.500000000e+00, v10  }
0xc3: {  	v6 =	vmul.f32 $5.000000000e-01, v6;
	v8 =	vsub.f32 $1.500000000e+00, v8;
	v10 =	vadd.f32 $1.000000000e+00, v39  }
0xc4: {  	v32 =	vsub.s32 $0x5F3759DF, v31;
	v3 =	vmul.f32 v9, v3;
	v4 =	vmul.f32 v30, v4  }
0xc5: {  	v45 =	vld [tilespmem:$0x18BF0];
	v9 =	vmul.f32 v32, v6;
	v5 =	vmul.f32 v8, v5;
	v8 =	vadd.f32 v40, v10  }
0xc6: {  	v48 =	vadd.f32 $1.000000000e+00, v42;
	v16 =	vshll.u32 v55, $0x5;
	v0 =	vmul.f32 v3, v0  }
0xc7: {  	v1 =	vmul.f32 v4, v1;
	v9 =	vmul.f32 v32, v9;
	v51 =	vshra.s32 v8, $0x1  }
0xc8: {  	v2 =	vmul.f32 v5, v2;
	v8 =	vmul.f32 $5.000000000e-01, v8;
	v54 =	vsub.s32 $0x5F3759DF, v51  }
0xc9: {  	v34 =	vld [tilespmem:$0x18BC0];
	v0 =	vmul.f32 v0, v3;
	v1 =	vmul.f32 v1, v4;
	v36 =	vsub.f32 $1.500000000e+00, v9  }
0xca: {  	v37 =	vld [tilespmem:$0x18BD0];
	v2 =	vmul.f32 v2, v5;
	v9 =	vadd.f32 v45, v48;
	v56 =	vmul.f32 v54, v8  }
0xcb: {  	v0 =	vsub.f32 $1.500000000e+00, v0;
	v1 =	vsub.f32 $1.500000000e+00, v1;
	v7 =	vmul.f32 v32, v36  }
0xcc: {  	v57 =	vshra.s32 v9, $0x1;
	v9 =	vmul.f32 $5.000000000e-01, v9;
	v17 =	vmul.f32 v54, v56  }
0xcd: {  	v2 =	vsub.f32 $1.500000000e+00, v2;
	v58 =	vsub.s32 $0x5F3759DF, v57;
	v0 =	vmul.f32 v0, v3  }
0xce: {  	v59 =	vld [tilespmem:$0x18C80];
	v1 =	vmul.f32 v1, v4;
	v3 =	vadd.f32 v34, v38;
	v43 =	vmul.f32 v7, v6  }
0xcf: {  	v39 =	vld [tilespmem:$0x189C0];
	v4 =	vadd.f32 v37, v41;
	v18 =	vmul.f32 v58, v9;
	v61 =	vsub.f32 $1.500000000e+00, v17  }
0xd0: {  	v2 =	vmul.f32 v2, v5;
	v44 =	vshra.s32 v3, $0x1;
	v3 =	vmul.f32 $5.000000000e-01, v3  }
0xd1: {  	v63 =	vld [tilespmem:$0x18990];
	v47 =	vshra.s32 v4, $0x1;
	v4 =	vmul.f32 $5.000000000e-01, v4;
	v13 =	vsub.s32 $0x5F3759DF, v44  }
0xd2: {  	v12 =	vmul.f32 v43, v7;
	v15 =	vsub.s32 $0x5F3759DF, v47;
	v46 =	vmul.f32 v13, v3  }
0xd3: {  	v16 =	vadd.s32 v59, v16;
	v29 =	vld [tilespmem:$0x189A0];
	v62 =	vmul.f32 v58, v18;
	v50 =	vmul.f32 v15, v4  }
0xd4: {  	v26 =	vld [tilespmem:$0x18C90];
	v48 =	vshll.u32 v39, $0x5;
	v27 =	vmul.f32 v54, v61;
	v49 =	vmul.f32 v13, v46  }
0xd5: {  	v33 =	vld [tilespmem:$0x18CA0];
	v12 =	vsub.f32 $1.500000000e+00, v12;
	v28 =	vsub.f32 $1.500000000e+00, v62;
	v53 =	vmul.f32 v15, v50  }
0xd6: {  	v17 =	vshll.u32 v63, $0x5;
	v32 =	vmul.f32 v27, v8;
	v52 =	vsub.f32 $1.500000000e+00, v49  }
0xd7: {  	v35 =	vld [tilespmem:$0x189B0];
	v7 =	vmul.f32 v12, v7;
	v12 =	vmul.f32 v58, v28;
	v11 =	vsub.f32 $1.500000000e+00, v53  }
0xd8: {  	v38 =	vshll.u32 v29, $0x5;
	v19 =	vmul.f32 v32, v27;
	v10 =	vmul.f32 v13, v52  }
0xd9: {  	v51 =	vld [tilespmem:$0x189E0];
	v17 =	vadd.s32 v26, v17;
	v36 =	vmul.f32 v12, v9;
	v11 =	vmul.f32 v15, v11  }
0xda: {  	[tilespmem:$0x18D80] =	vst v0;
	v0 =	vadd.s32 v33, v38;
	v6 =	vmul.f32 v7, v6;
	v60 =	vmul.f32 v10, v3  }
0xdb: {  	v37 =	vld [tilespmem:$0x18CB0];
	v19 =	vsub.f32 $1.500000000e+00, v19;
	v20 =	vmul.f32 v36, v12;
	v25 =	vmul.f32 v11, v4  }
0xdc: {  	v45 =	vld [tilespmem:$0x189D0];
	v43 =	vshll.u32 v35, $0x5;
	v6 =	vmul.f32 v6, v7;
	v24 =	vmul.f32 v60, v10  }
0xdd: {  	[tilespmem:$0x18E80] =	vst v16;
	v41 =	vld [tilespmem:$0x18CC0];
	v40 =	vmul.f32 v19, v27;
	v42 =	vsub.f32 $1.500000000e+00, v20;
	v31 =	vmul.f32 v25, v11  }
0xde: {  	[tilespmem:$0x18D90] =	vst v1;
	v61 =	vshll.u32 v51, $0x5;
	v49 =	vld [tilespmem:$0x18CD0];
	v6 =	vsub.f32 $1.500000000e+00, v6;
	v30 =	vsub.f32 $1.500000000e+00, v24  }
0xdf: {  	[tilespmem:$0x18E90] =	vst v17;
	v53 =	vld [tilespmem:$0x18CE0];
	v8 =	vmul.f32 v40, v8;
	v44 =	vmul.f32 v42, v12;
	v34 =	vsub.f32 $1.500000000e+00, v31  }
0xe0: {  	v57 =	vld [tilespmem:$0x189F0];
	[tilespmem:$0x18DA0] =	vst v2;
	v46 =	vadd.s32 v37, v43;
	v6 =	vmul.f32 v6, v7;
	v10 =	vmul.f32 v30, v10  }
0xe1: {  	v59 =	vld [tilespmem:$0x18CF0];
	[tilespmem:$0x18EA0] =	vst v0;
	v58 =	vshll.u32 v45, $0x5;
	v9 =	vmul.f32 v44, v9;
	v11 =	vmul.f32 v34, v11  }
0xe2: {  	[tilespmem:$0x18EB0] =	vst v46;
	v52 =	vadd.s32 v41, v48;
	v50 =	vmul.f32 v8, v40;
	v3 =	vmul.f32 v10, v3  }
0xe3: {  	[tilespmem:$0x18EC0] =	vst v52;
	v0 =	vadd.s32 v49, v58;
	v56 =	vmul.f32 v9, v44;
	v4 =	vmul.f32 v11, v4  }
0xe4: {  	[tilespmem:$0x18ED0] =	vst v0;
	v0 =	vadd.s32 v53, v61;
	v55 =	vsub.f32 $1.500000000e+00, v50;
	v3 =	vmul.f32 v3, v10  }
0xe5: {  	v63 =	vshll.u32 v57, $0x5;
	[tilespmem:$0x18EE0] =	vst v0;
	v60 =	vsub.f32 $1.500000000e+00, v56;
	v4 =	vmul.f32 v4, v11  }
0xe6: {  	v0 =	vadd.s32 v59, v63;
	[tilespmem:$0x18DB0] =	vst v6;
	v1 =	vmul.f32 v55, v40;
	v3 =	vsub.f32 $1.500000000e+00, v3  }
0xe7: {  	[tilespmem:$0x18EF0] =	vst v0;
	v62 =	vmul.f32 v60, v44;
	v4 =	vsub.f32 $1.500000000e+00, v4  }
0xe8: {  	[tilespmem:$0x18DE0] =	vst v1;
	v47 =	vmul.f32 v3, v10  }
0xe9: {  	s8 =	sadd.s32 $0x20, s8;
	[tilespmem:$0x18DF0] =	vst v62;
	v54 =	vmul.f32 v4, v11  }
0xea: {  	p1 =	sne.s32 s8, $0xC40;
	[tilespmem:$0x18DC0] =	vst v47  }
.Ltmp3:
0xeb: {  	[tilespmem:$0x18DD0] =	vst v54;
	(pc) =	sbr.rel @p1 .LBB2_6-.Ltmp3, $4  }
0xec: {  	[spmem:s1] =	stream.indirect.scatter.add.f32 [tilespmem:s23], [sflag:$0x3], $0x1, s22, s21, $0xb8;
	[tilespmem:$0x18F00] =	vst v63  }
0xed: {  	_ =	swait.ge [sflag:s18], $0x80  }
0xee: {  	[sflag:s18] =	ssyncset.done $0x0  }
0xef: {  	[sflag:s18] =	ssyncadd.s32 $0xFFFFFF80  }
.Ltmp4:
0xf0: {  	(pc) =	sbr.rel .LBB2_8-.Ltmp4, $2  }
0xf1: {  	_ =	sdelay $0x2  }
0xf2: {  	s8 =	rddreg [dreg:$0x5]  }
.LBB2_2:
0xf3: {  	[tilespmem:s19], [sflag:$0x3] =	stream.linear.gather [hbm4b:s10+s8], $0x80, $0x38;
	[tilespmem:$0x18F00] =	vst v63  }
0xf4: {  	_ =	swait.ge [sflag:s18], $0x80  }
0xf5: {  	[sflag:s18] =	ssyncset.done $0x0  }
0xf6: {  	s7 =	simm.s32 $0x18900;
	[sflag:s18] =	ssyncadd.s32 $0xFFFFFF80  }
0xf7: {  	[tilespmem:s7], [sflag:$0x3] =	stream.linear.gather [hbm4b:s11+s8], $0x80, $0x38;
	[tilespmem:$0x18F00] =	vst v63  }
0xf8: {  	_ =	swait.ge [sflag:s18], $0x80  }
0xf9: {  	[sflag:s18] =	ssyncset.done $0x0  }
0xfa: {  	s12 =	simm.s32 $0x18A00;
	[sflag:s18] =	ssyncadd.s32 $0xFFFFFF80  }
0xfb: {  	[tilespmem:s12], [sflag:$0x1] =	stream.indirect.gather [hbm4b:s3+s21], $0x1, s19, s21, $0xb8;
	[tilespmem:$0x18F00] =	vst v63  }
0xfc: {  	s13 =	simm.s32 $0x18B00  }
0xfd: {  	[tilespmem:s13], [sflag:$0x1] =	stream.indirect.gather [hbm4b:s5+s21], $0x1, s19, s21, $0xb8;
	[tilespmem:$0x18F00] =	vst v63  }
0xfe: {  	s14 =	simm.s32 $0x18C00  }
0xff: {  	[tilespmem:s14], [sflag:$0x1] =	stream.indirect.gather [hbm4b:s6+s21], $0x1, s19, s21, $0xb8;
	[tilespmem:$0x18F00] =	vst v63  }
.LBB2_3:
0x100: {  	s13 =	sadd.s32 s8, s10  }
0x101: {  	s13 =	sadd.s32 $0x10, s13  }
0x102: {  	[tilespmem:s25], [sflag:$0x3] =	stream.linear.gather [hbm4b:s13+s2], $0x80, $0x38;
	[tilespmem:$0x18F00] =	vst v63  }
0x103: {  	_ =	swait.ge [sflag:s18], $0x80  }
0x104: {  	s14 =	sadd.s32 s8, s11;
	[sflag:s18] =	ssyncset.done $0x0  }
0x105: {  	s13 =	sadd.s32 $0x10, s14;
	[sflag:s18] =	ssyncadd.s32 $0xFFFFFF80  }
0x106: {  	[tilespmem:s26], [sflag:$0x3] =	stream.linear.gather [hbm4b:s13+s2], $0x80, $0x38;
	[tilespmem:$0x18F00] =	vst v63  }
0x107: {  	_ =	swait.ge [sflag:s18], $0x80  }
0x108: {  	[sflag:s18] =	ssyncset.done $0x0  }
0x109: {  	[sflag:s18] =	ssyncadd.s32 $0xFFFFFF80  }
0x10a: {  	[tilespmem:s28], [sflag:$0x2] =	stream.indirect.gather [hbm4b:s3+s21], $0x1, s25, s21, $0xb8;
	[tilespmem:$0x18F00] =	vst v63  }
0x10b: {  	_ = 	snop  }
0x10c: {  	[tilespmem:s29], [sflag:$0x2] =	stream.indirect.gather [hbm4b:s5+s21], $0x1, s25, s21, $0xb8;
	[tilespmem:$0x18F00] =	vst v63  }
0x10d: {  	_ = 	snop  }
0x10e: {  	[tilespmem:s30], [sflag:$0x2] =	stream.indirect.gather [hbm4b:s6+s21], $0x1, s25, s21, $0xb8;
	[tilespmem:$0x18F00] =	vst v63  }
0x10f: {  	_ =	swait.ge [sflag:s31], $0x80  }
0x110: {  	[sflag:s31] =	ssyncset.done $0x0  }
0x111: {  	[sflag:s31] =	ssyncadd.s32 $0xFFFFFF80  }
0x112: {  	_ =	swait.ge [sflag:s31], $0x80  }
0x113: {  	[sflag:s31] =	ssyncset.done $0x0  }
0x114: {  	[sflag:s31] =	ssyncadd.s32 $0xFFFFFF80  }
0x115: {  	_ =	swait.ge [sflag:s31], $0x80  }
0x116: {  	[sflag:s31] =	ssyncset.done $0x0  }
0x117: {  	[sflag:s31] =	ssyncadd.s32 $0xFFFFFF80  }
0x118: {  	v0 =	vld [tilespmem:$0x18A00]  }
0x119: {  	v1 =	vld [tilespmem:$0x18B00]  }
0x11a: {  	v2 =	vld [tilespmem:$0x18A10]  }
0x11b: {  	v34 =	vld [tilespmem:$0x18A20]  }
0x11c: {  	v3 =	vld [tilespmem:$0x18B10]  }
0x11d: {  	v35 =	vld [tilespmem:$0x18B20];
	_ =	sdelay $0x1  }
0x11e: {  	v0 =	vadd.f32 $1.000000000e+00, v0  }
0x11f: {  	v33 =	vadd.f32 $1.000000000e+00, v2;
	v2 =	vadd.f32 $1.000000000e+00, v34  }
0x120: {  	v0 =	vadd.f32 v1, v0  }
0x121: {  	v1 =	vadd.f32 v3, v33;
	v2 =	vadd.f32 v35, v2  }
0x122: {  	v4 =	vshra.s32 v0, $0x1;
	v0 =	vmul.f32 $5.000000000e-01, v0  }
0x123: {  	v6 =	vshra.s32 v1, $0x1;
	v1 =	vmul.f32 $5.000000000e-01, v1;
	v38 =	vshra.s32 v2, $0x1  }
0x124: {  	v2 =	vmul.f32 $5.000000000e-01, v2;
	v4 =	vsub.s32 $0x5F3759DF, v4;
	v6 =	vsub.s32 $0x5F3759DF, v6  }
0x125: {  	v40 =	vsub.s32 $0x5F3759DF, v38;
	v5 =	vmul.f32 v4, v0;
	v7 =	vmul.f32 v6, v1  }
0x126: {  	v8 =	vmul.f32 v40, v2  }
0x127: {  	v5 =	vmul.f32 v4, v5;
	v37 =	vmul.f32 v6, v7  }
0x128: {  	v41 =	vld [tilespmem:$0x18A30];
	v8 =	vmul.f32 v40, v8  }
0x129: {  	v42 =	vld [tilespmem:$0x18B30];
	v36 =	vsub.f32 $1.500000000e+00, v5;
	v39 =	vsub.f32 $1.500000000e+00, v37  }
0x12a: {  	v46 =	vld [tilespmem:$0x18A40];
	v8 =	vsub.f32 $1.500000000e+00, v8  }
0x12b: {  	v12 =	vld [tilespmem:$0x18A50];
	v3 =	vmul.f32 v4, v36;
	v4 =	vmul.f32 v6, v39  }
0x12c: {  	v5 =	vmul.f32 v40, v8  }
0x12d: {  	v50 =	vld [tilespmem:$0x18A60];
	v7 =	vadd.f32 $1.000000000e+00, v41;
	v9 =	vmul.f32 v3, v0;
	v10 =	vmul.f32 v4, v1  }
0x12e: {  	v51 =	vld [tilespmem:$0x18B60];
	v8 =	vmul.f32 v5, v2  }
0x12f: {  	v53 =	vld [tilespmem:$0x18A70];
	v6 =	vadd.f32 v42, v7;
	v9 =	vmul.f32 v9, v3;
	v10 =	vmul.f32 v10, v4  }
0x130: {  	v31 =	vld [tilespmem:$0x18920];
	v49 =	vadd.f32 $1.000000000e+00, v46;
	v52 =	vadd.f32 $1.000000000e+00, v12;
	v8 =	vmul.f32 v8, v5  }
0x131: {  	v44 =	vshra.s32 v6, $0x1;
	v9 =	vsub.f32 $1.500000000e+00, v9;
	v43 =	vsub.f32 $1.500000000e+00, v10  }
0x132: {  	v6 =	vmul.f32 $5.000000000e-01, v6;
	v8 =	vsub.f32 $1.500000000e+00, v8;
	v10 =	vadd.f32 $1.000000000e+00, v50  }
0x133: {  	v45 =	vsub.s32 $0x5F3759DF, v44;
	v3 =	vmul.f32 v9, v3;
	v4 =	vmul.f32 v43, v4  }
0x134: {  	v55 =	vld [tilespmem:$0x18B70];
	v9 =	vmul.f32 v45, v6;
	v5 =	vmul.f32 v8, v5;
	v8 =	vadd.f32 v51, v10  }
0x135: {  	v56 =	vadd.f32 $1.000000000e+00, v53;
	v40 =	vshll.u32 v31, $0x5;
	v0 =	vmul.f32 v3, v0  }
0x136: {  	v1 =	vmul.f32 v4, v1;
	v9 =	vmul.f32 v45, v9;
	v16 =	vshra.s32 v8, $0x1  }
0x137: {  	v11 =	vld [tilespmem:$0x18B40];
	v2 =	vmul.f32 v5, v2;
	v8 =	vmul.f32 $5.000000000e-01, v8;
	v61 =	vsub.s32 $0x5F3759DF, v16  }
0x138: {  	v48 =	vld [tilespmem:$0x18B50];
	v0 =	vmul.f32 v0, v3;
	v1 =	vmul.f32 v1, v4;
	v47 =	vsub.f32 $1.500000000e+00, v9  }
0x139: {  	v2 =	vmul.f32 v2, v5;
	v9 =	vadd.f32 v55, v56;
	v17 =	vmul.f32 v61, v8  }
0x13a: {  	v0 =	vsub.f32 $1.500000000e+00, v0;
	v1 =	vsub.f32 $1.500000000e+00, v1;
	v7 =	vmul.f32 v45, v47  }
0x13b: {  	v18 =	vshra.s32 v9, $0x1;
	v9 =	vmul.f32 $5.000000000e-01, v9;
	v17 =	vmul.f32 v61, v17  }
0x13c: {  	v37 =	vld [tilespmem:$0x18930];
	v63 =	vsub.s32 $0x5F3759DF, v18;
	v0 =	vmul.f32 v0, v3;
	v3 =	vadd.f32 v11, v49  }
0x13d: {  	v1 =	vmul.f32 v1, v4;
	v54 =	vmul.f32 v7, v6;
	v4 =	vadd.f32 v48, v52  }
0x13e: {  	v18 =	vmul.f32 v63, v9;
	v13 =	vshra.s32 v3, $0x1;
	v3 =	vmul.f32 $5.000000000e-01, v3  }
0x13f: {  	v15 =	vshra.s32 v4, $0x1;
	v4 =	vmul.f32 $5.000000000e-01, v4;
	v13 =	vsub.s32 $0x5F3759DF, v13  }
0x140: {  	v12 =	vmul.f32 v54, v7;
	v15 =	vsub.s32 $0x5F3759DF, v15;
	v14 =	vmul.f32 v13, v3  }
0x141: {  	v41 =	vld [tilespmem:$0x18940];
	v46 =	vshll.u32 v37, $0x5;
	v25 =	vmul.f32 v63, v18;
	v58 =	vmul.f32 v15, v4  }
0x142: {  	v62 =	vld [tilespmem:$0x18900];
	v2 =	vsub.f32 $1.500000000e+00, v2;
	v24 =	vsub.f32 $1.500000000e+00, v17;
	v57 =	vmul.f32 v13, v14  }
0x143: {  	v19 =	vld [tilespmem:$0x18C00];
	v12 =	vsub.f32 $1.500000000e+00, v12;
	v30 =	vsub.f32 $1.500000000e+00, v25;
	v60 =	vmul.f32 v15, v58  }
0x144: {  	v26 =	vld [tilespmem:$0x18910];
	v2 =	vmul.f32 v2, v5;
	v29 =	vmul.f32 v61, v24;
	v59 =	vsub.f32 $1.500000000e+00, v57  }
0x145: {  	v39 =	vld [tilespmem:$0x18C30];
	v7 =	vmul.f32 v12, v7;
	v12 =	vmul.f32 v63, v30;
	v11 =	vsub.f32 $1.500000000e+00, v60  }
0x146: {  	v50 =	vshll.u32 v41, $0x5;
	v34 =	vmul.f32 v29, v8;
	v10 =	vmul.f32 v13, v59  }
0x147: {  	v21 =	vld [tilespmem:$0x18C10];
	v16 =	vshll.u32 v62, $0x5;
	v38 =	vmul.f32 v12, v9;
	v11 =	vmul.f32 v15, v11  }
0x148: {  	v16 =	vadd.s32 v19, v16;
	v19 =	vmul.f32 v34, v29;
	v20 =	vmul.f32 v10, v3  }
0x149: {  	v35 =	vld [tilespmem:$0x18C20];
	v17 =	vshll.u32 v26, $0x5;
	v43 =	vmul.f32 v38, v12;
	v28 =	vmul.f32 v11, v4  }
0x14a: {  	v44 =	vld [tilespmem:$0x18C40];
	v48 =	vadd.s32 v39, v46;
	v42 =	vsub.f32 $1.500000000e+00, v19;
	v27 =	vmul.f32 v20, v10  }
0x14b: {  	v47 =	vld [tilespmem:$0x18950];
	v6 =	vmul.f32 v7, v6;
	v45 =	vsub.f32 $1.500000000e+00, v43;
	v33 =	vmul.f32 v28, v11  }
0x14c: {  	[tilespmem:$0x18E00] =	vst v16;
	v17 =	vadd.s32 v21, v17;
	v5 =	vmul.f32 v42, v29;
	v32 =	vsub.f32 $1.500000000e+00, v27  }
0x14d: {  	v51 =	vld [tilespmem:$0x18C50];
	[tilespmem:$0x18E30] =	vst v48;
	v6 =	vmul.f32 v6, v7;
	v12 =	vmul.f32 v45, v12;
	v36 =	vsub.f32 $1.500000000e+00, v33  }
0x14e: {  	[tilespmem:$0x18D00] =	vst v0;
	v0 =	vadd.s32 v35, v40;
	v8 =	vmul.f32 v5, v8;
	v10 =	vmul.f32 v32, v10  }
0x14f: {  	[tilespmem:$0x18D10] =	vst v1;
	v54 =	vadd.s32 v44, v50;
	v9 =	vmul.f32 v12, v9;
	v11 =	vmul.f32 v36, v11  }
0x150: {  	[tilespmem:$0x18E10] =	vst v17;
	v60 =	vshll.u32 v47, $0x5;
	v52 =	vmul.f32 v8, v5;
	v3 =	vmul.f32 v10, v3  }
0x151: {  	[tilespmem:$0x18D20] =	vst v2;
	v6 =	vsub.f32 $1.500000000e+00, v6;
	v58 =	vmul.f32 v9, v12;
	v4 =	vmul.f32 v11, v4  }
0x152: {  	v53 =	vld [tilespmem:$0x18960];
	[tilespmem:$0x18E20] =	vst v0;
	v0 =	vadd.s32 v51, v60;
	v57 =	vsub.f32 $1.500000000e+00, v52;
	v3 =	vmul.f32 v3, v10  }
0x153: {  	v55 =	vld [tilespmem:$0x18C60];
	[tilespmem:$0x18E40] =	vst v54;
	v6 =	vmul.f32 v6, v7;
	v63 =	vsub.f32 $1.500000000e+00, v58;
	v4 =	vmul.f32 v4, v11  }
0x154: {  	v59 =	vld [tilespmem:$0x18970];
	[tilespmem:$0x18E50] =	vst v0;
	v62 =	vmul.f32 v57, v5;
	v3 =	vsub.f32 $1.500000000e+00, v3  }
0x155: {  	v61 =	vld [tilespmem:$0x18C70];
	[tilespmem:$0x18D30] =	vst v6;
	v5 =	vmul.f32 v63, v12;
	v4 =	vsub.f32 $1.500000000e+00, v4  }
0x156: {  	[tilespmem:$0x18D60] =	vst v62;
	v49 =	vmul.f32 v3, v10  }
0x157: {  	[tilespmem:$0x18D70] =	vst v5;
	v56 =	vmul.f32 v4, v11  }
0x158: {  	v4 =	vshll.u32 v53, $0x5;
	[tilespmem:$0x18D40] =	vst v49  }
0x159: {  	v8 =	vshll.u32 v59, $0x5;
	v0 =	vadd.s32 v55, v4;
	[tilespmem:$0x18D50] =	vst v56  }
0x15a: {  	[tilespmem:$0x18E60] =	vst v0;
	v0 =	vadd.s32 v61, v8  }
0x15b: {  	[tilespmem:$0x18E70] =	vst v0  }
0x15c: {  	[spmem:s1] =	stream.indirect.scatter.add.f32 [tilespmem:s4], [sflag:$0x3], $0x1, s0, s21, $0xb8;
	[tilespmem:$0x18F00] =	vst v63  }
0x15d: {  	p1 =	seq.s32 s8, $0xC20;
	_ =	swait.ge [sflag:s18], $0x80  }
0x15e: {  	s9 =	simm.s32 @!p1 $0x18800;
	s13 =	sadd.s32 @!p1 s8, s10;
	[sflag:s18] =	ssyncset.done $0x0  }
0x15f: {  	s14 =	simm.s32 @!p1 $0x0;
	s13 =	sadd.s32 @!p1 $0x20, s13;
	[sflag:s18] =	ssyncadd.s32 $0xFFFFFF80  }
0x160: {  	[tilespmem:s9], [sflag:$0x3] =	stream.linear.gather @!p1 [hbm4b:s13+s14], $0x80, $0x38;
	[tilespmem:$0x18F00] =	vst v63  }
0x161: {  	s13 =	simm.s32 @!p1 $0x3  }
0x162: {  	_ =	swait.ge @!p1 [sflag:s13], $0x80  }
0x163: {  	s7 =	sadd.s32 @!p1 s8, s11;
	[sflag:s13] =	ssyncset.done @!p1 $0x0  }
0x164: {  	s12 =	simm.s32 @!p1 $0x18900;
	s7 =	sadd.s32 @!p1 $0x20, s7;
	[sflag:s13] =	ssyncadd.s32 @!p1 $0xFFFFFF80  }
0x165: {  	[tilespmem:s12], [sflag:$0x3] =	stream.linear.gather @!p1 [hbm4b:s7+s14], $0x80, $0x38;
	[tilespmem:$0x18F00] =	vst v63  }
0x166: {  	_ =	swait.ge @!p1 [sflag:s13], $0x80  }
0x167: {  	[sflag:s13] =	ssyncset.done @!p1 $0x0  }
0x168: {  	s7 =	simm.s32 @!p1 $0x80;
	s12 =	simm.s32 @!p1 $0x18A00;
	[sflag:s13] =	ssyncadd.s32 @!p1 $0xFFFFFF80  }
0x169: {  	[tilespmem:s12], [sflag:$0x1] =	stream.indirect.gather @!p1 [hbm4b:s3+s7], $0x1, s9, s7, $0xb8;
	[tilespmem:$0x18F00] =	vst v63  }
0x16a: {  	s12 =	simm.s32 @!p1 $0x18B00  }
0x16b: {  	[tilespmem:s12], [sflag:$0x1] =	stream.indirect.gather @!p1 [hbm4b:s5+s7], $0x1, s9, s7, $0xb8;
	[tilespmem:$0x18F00] =	vst v63  }
0x16c: {  	s12 =	simm.s32 @!p1 $0x18C00  }
0x16d: {  	[tilespmem:s12], [sflag:$0x1] =	stream.indirect.gather @!p1 [hbm4b:s6+s7], $0x1, s9, s7, $0xb8;
	[tilespmem:$0x18F00] =	vst v63  }
0x16e: {  	_ =	swait.ge [sflag:s20], $0x80  }
0x16f: {  	[sflag:s20] =	ssyncset.done $0x0  }
0x170: {  	[sflag:s20] =	ssyncadd.s32 $0xFFFFFF80  }
0x171: {  	_ =	swait.ge [sflag:s20], $0x80  }
0x172: {  	[sflag:s20] =	ssyncset.done $0x0  }
0x173: {  	[sflag:s20] =	ssyncadd.s32 $0xFFFFFF80  }
0x174: {  	_ =	swait.ge [sflag:s20], $0x80  }
0x175: {  	[sflag:s20] =	ssyncset.done $0x0  }
0x176: {  	[sflag:s20] =	ssyncadd.s32 $0xFFFFFF80  }
0x177: {  	v9 =	vld [tilespmem:$0x18A80]  }
0x178: {  	v10 =	vld [tilespmem:$0x18B80]  }
0x179: {  	v11 =	vld [tilespmem:$0x18A90]  }
0x17a: {  	v14 =	vld [tilespmem:$0x18AA0]  }
0x17b: {  	v12 =	vld [tilespmem:$0x18B90]  }
0x17c: {  	v16 =	vld [tilespmem:$0x18BA0];
	_ =	sdelay $0x1  }
0x17d: {  	v0 =	vadd.f32 $1.000000000e+00, v9  }
0x17e: {  	v13 =	vadd.f32 $1.000000000e+00, v11;
	v2 =	vadd.f32 $1.000000000e+00, v14  }
0x17f: {  	v0 =	vadd.f32 v10, v0  }
0x180: {  	v1 =	vadd.f32 v12, v13;
	v2 =	vadd.f32 v16, v2  }
0x181: {  	v15 =	vshra.s32 v0, $0x1;
	v0 =	vmul.f32 $5.000000000e-01, v0  }
0x182: {  	v18 =	vshra.s32 v1, $0x1;
	v1 =	vmul.f32 $5.000000000e-01, v1;
	v22 =	vshra.s32 v2, $0x1  }
0x183: {  	v2 =	vmul.f32 $5.000000000e-01, v2;
	v4 =	vsub.s32 $0x5F3759DF, v15;
	v6 =	vsub.s32 $0x5F3759DF, v18  }
0x184: {  	v24 =	vsub.s32 $0x5F3759DF, v22;
	v17 =	vmul.f32 v4, v0;
	v19 =	vmul.f32 v6, v1  }
0x185: {  	v26 =	vmul.f32 v24, v2  }
0x186: {  	v5 =	vmul.f32 v4, v17;
	v21 =	vmul.f32 v6, v19  }
0x187: {  	v25 =	vld [tilespmem:$0x18AB0];
	v8 =	vmul.f32 v24, v26  }
0x188: {  	v28 =	vld [tilespmem:$0x18BB0];
	v20 =	vsub.f32 $1.500000000e+00, v5;
	v23 =	vsub.f32 $1.500000000e+00, v21  }
0x189: {  	v33 =	vld [tilespmem:$0x18AC0];
	v8 =	vsub.f32 $1.500000000e+00, v8  }
0x18a: {  	v35 =	vld [tilespmem:$0x18AD0];
	v3 =	vmul.f32 v4, v20;
	v4 =	vmul.f32 v6, v23  }
0x18b: {  	v5 =	vmul.f32 v24, v8  }
0x18c: {  	v39 =	vld [tilespmem:$0x18AE0];
	v7 =	vadd.f32 $1.000000000e+00, v25;
	v27 =	vmul.f32 v3, v0;
	v29 =	vmul.f32 v4, v1  }
0x18d: {  	v40 =	vld [tilespmem:$0x18BE0];
	v8 =	vmul.f32 v5, v2  }
0x18e: {  	v42 =	vld [tilespmem:$0x18AF0];
	v6 =	vadd.f32 v28, v7;
	v9 =	vmul.f32 v27, v3;
	v10 =	vmul.f32 v29, v4  }
0x18f: {  	v55 =	vld [tilespmem:$0x18980];
	v38 =	vadd.f32 $1.000000000e+00, v33;
	v41 =	vadd.f32 $1.000000000e+00, v35;
	v8 =	vmul.f32 v8, v5  }
0x190: {  	v31 =	vshra.s32 v6, $0x1;
	v9 =	vsub.f32 $1.500000000e+00, v9;
	v30 =	vsub.f32 $1.500000000e+00, v10  }
0x191: {  	v6 =	vmul.f32 $5.000000000e-01, v6;
	v8 =	vsub.f32 $1.500000000e+00, v8;
	v10 =	vadd.f32 $1.000000000e+00, v39  }
0x192: {  	v32 =	vsub.s32 $0x5F3759DF, v31;
	v3 =	vmul.f32 v9, v3;
	v4 =	vmul.f32 v30, v4  }
0x193: {  	v45 =	vld [tilespmem:$0x18BF0];
	v9 =	vmul.f32 v32, v6;
	v5 =	vmul.f32 v8, v5;
	v8 =	vadd.f32 v40, v10  }
0x194: {  	v48 =	vadd.f32 $1.000000000e+00, v42;
	v16 =	vshll.u32 v55, $0x5;
	v0 =	vmul.f32 v3, v0  }
0x195: {  	v1 =	vmul.f32 v4, v1;
	v9 =	vmul.f32 v32, v9;
	v51 =	vshra.s32 v8, $0x1  }
0x196: {  	v2 =	vmul.f32 v5, v2;
	v8 =	vmul.f32 $5.000000000e-01, v8;
	v54 =	vsub.s32 $0x5F3759DF, v51  }
0x197: {  	v34 =	vld [tilespmem:$0x18BC0];
	v0 =	vmul.f32 v0, v3;
	v1 =	vmul.f32 v1, v4;
	v36 =	vsub.f32 $1.500000000e+00, v9  }
0x198: {  	v37 =	vld [tilespmem:$0x18BD0];
	v2 =	vmul.f32 v2, v5;
	v9 =	vadd.f32 v45, v48;
	v56 =	vmul.f32 v54, v8  }
0x199: {  	v0 =	vsub.f32 $1.500000000e+00, v0;
	v1 =	vsub.f32 $1.500000000e+00, v1;
	v7 =	vmul.f32 v32, v36  }
0x19a: {  	v57 =	vshra.s32 v9, $0x1;
	v9 =	vmul.f32 $5.000000000e-01, v9;
	v17 =	vmul.f32 v54, v56  }
0x19b: {  	v2 =	vsub.f32 $1.500000000e+00, v2;
	v58 =	vsub.s32 $0x5F3759DF, v57;
	v0 =	vmul.f32 v0, v3  }
0x19c: {  	v59 =	vld [tilespmem:$0x18C80];
	v1 =	vmul.f32 v1, v4;
	v3 =	vadd.f32 v34, v38;
	v43 =	vmul.f32 v7, v6  }
0x19d: {  	v39 =	vld [tilespmem:$0x189C0];
	v4 =	vadd.f32 v37, v41;
	v18 =	vmul.f32 v58, v9;
	v61 =	vsub.f32 $1.500000000e+00, v17  }
0x19e: {  	v2 =	vmul.f32 v2, v5;
	v44 =	vshra.s32 v3, $0x1;
	v3 =	vmul.f32 $5.000000000e-01, v3  }
0x19f: {  	v63 =	vld [tilespmem:$0x18990];
	v47 =	vshra.s32 v4, $0x1;
	v4 =	vmul.f32 $5.000000000e-01, v4;
	v13 =	vsub.s32 $0x5F3759DF, v44  }
0x1a0: {  	v12 =	vmul.f32 v43, v7;
	v15 =	vsub.s32 $0x5F3759DF, v47;
	v46 =	vmul.f32 v13, v3  }
0x1a1: {  	v16 =	vadd.s32 v59, v16;
	v29 =	vld [tilespmem:$0x189A0];
	v62 =	vmul.f32 v58, v18;
	v50 =	vmul.f32 v15, v4  }
0x1a2: {  	v26 =	vld [tilespmem:$0x18C90];
	v48 =	vshll.u32 v39, $0x5;
	v27 =	vmul.f32 v54, v61;
	v49 =	vmul.f32 v13, v46  }
0x1a3: {  	v33 =	vld [tilespmem:$0x18CA0];
	v12 =	vsub.f32 $1.500000000e+00, v12;
	v28 =	vsub.f32 $1.500000000e+00, v62;
	v53 =	vmul.f32 v15, v50  }
0x1a4: {  	v17 =	vshll.u32 v63, $0x5;
	v32 =	vmul.f32 v27, v8;
	v52 =	vsub.f32 $1.500000000e+00, v49  }
0x1a5: {  	v35 =	vld [tilespmem:$0x189B0];
	v7 =	vmul.f32 v12, v7;
	v12 =	vmul.f32 v58, v28;
	v11 =	vsub.f32 $1.500000000e+00, v53  }
0x1a6: {  	v38 =	vshll.u32 v29, $0x5;
	v19 =	vmul.f32 v32, v27;
	v10 =	vmul.f32 v13, v52  }
0x1a7: {  	v51 =	vld [tilespmem:$0x189E0];
	v17 =	vadd.s32 v26, v17;
	v36 =	vmul.f32 v12, v9;
	v11 =	vmul.f32 v15, v11  }
0x1a8: {  	[tilespmem:$0x18D80] =	vst v0;
	v0 =	vadd.s32 v33, v38;
	v6 =	vmul.f32 v7, v6;
	v60 =	vmul.f32 v10, v3  }
0x1a9: {  	v37 =	vld [tilespmem:$0x18CB0];
	v19 =	vsub.f32 $1.500000000e+00, v19;
	v20 =	vmul.f32 v36, v12;
	v25 =	vmul.f32 v11, v4  }
0x1aa: {  	v45 =	vld [tilespmem:$0x189D0];
	v43 =	vshll.u32 v35, $0x5;
	v6 =	vmul.f32 v6, v7;
	v24 =	vmul.f32 v60, v10  }
0x1ab: {  	[tilespmem:$0x18E80] =	vst v16;
	v41 =	vld [tilespmem:$0x18CC0];
	v40 =	vmul.f32 v19, v27;
	v42 =	vsub.f32 $1.500000000e+00, v20;
	v31 =	vmul.f32 v25, v11  }
0x1ac: {  	[tilespmem:$0x18D90] =	vst v1;
	v61 =	vshll.u32 v51, $0x5;
	v49 =	vld [tilespmem:$0x18CD0];
	v6 =	vsub.f32 $1.500000000e+00, v6;
	v30 =	vsub.f32 $1.500000000e+00, v24  }
0x1ad: {  	[tilespmem:$0x18E90] =	vst v17;
	v53 =	vld [tilespmem:$0x18CE0];
	v8 =	vmul.f32 v40, v8;
	v44 =	vmul.f32 v42, v12;
	v34 =	vsub.f32 $1.500000000e+00, v31  }
0x1ae: {  	v57 =	vld [tilespmem:$0x189F0];
	[tilespmem:$0x18DA0] =	vst v2;
	v46 =	vadd.s32 v37, v43;
	v6 =	vmul.f32 v6, v7;
	v10 =	vmul.f32 v30, v10  }
0x1af: {  	v59 =	vld [tilespmem:$0x18CF0];
	[tilespmem:$0x18EA0] =	vst v0;
	v58 =	vshll.u32 v45, $0x5;
	v9 =	vmul.f32 v44, v9;
	v11 =	vmul.f32 v34, v11  }
0x1b0: {  	[tilespmem:$0x18EB0] =	vst v46;
	v52 =	vadd.s32 v41, v48;
	v50 =	vmul.f32 v8, v40;
	v3 =	vmul.f32 v10, v3  }
0x1b1: {  	[tilespmem:$0x18EC0] =	vst v52;
	v0 =	vadd.s32 v49, v58;
	v56 =	vmul.f32 v9, v44;
	v4 =	vmul.f32 v11, v4  }
0x1b2: {  	[tilespmem:$0x18ED0] =	vst v0;
	v0 =	vadd.s32 v53, v61;
	v55 =	vsub.f32 $1.500000000e+00, v50;
	v3 =	vmul.f32 v3, v10  }
0x1b3: {  	v63 =	vshll.u32 v57, $0x5;
	[tilespmem:$0x18EE0] =	vst v0;
	v60 =	vsub.f32 $1.500000000e+00, v56;
	v4 =	vmul.f32 v4, v11  }
0x1b4: {  	v0 =	vadd.s32 v59, v63;
	[tilespmem:$0x18DB0] =	vst v6;
	v1 =	vmul.f32 v55, v40;
	v3 =	vsub.f32 $1.500000000e+00, v3  }
0x1b5: {  	[tilespmem:$0x18EF0] =	vst v0;
	v62 =	vmul.f32 v60, v44;
	v4 =	vsub.f32 $1.500000000e+00, v4  }
0x1b6: {  	[tilespmem:$0x18DE0] =	vst v1;
	v47 =	vmul.f32 v3, v10  }
0x1b7: {  	s8 =	sadd.s32 $0x20, s8;
	[tilespmem:$0x18DF0] =	vst v62;
	v54 =	vmul.f32 v4, v11  }
0x1b8: {  	p1 =	seq.s32 s8, $0xC40;
	[tilespmem:$0x18DC0] =	vst v47  }
.Ltmp5:
0x1b9: {  	[tilespmem:$0x18DD0] =	vst v54;
	(pc) =	sbr.rel @!p1 .LBB2_3-.Ltmp5, $4  }
0x1ba: {  	[spmem:s1] =	stream.indirect.scatter.add.f32 [tilespmem:s23], [sflag:$0x3], $0x1, s22, s21, $0xb8;
	[tilespmem:$0x18F00] =	vst v63  }
0x1bb: {  	_ =	swait.ge [sflag:s18], $0x80  }
0x1bc: {  	[sflag:s18] =	ssyncset.done $0x0  }
0x1bd: {  	[sflag:s18] =	ssyncadd.s32 $0xFFFFFF80  }
.Ltmp6:
0x1be: {  	_ = 	snop;
	(pc) =	sbr.rel .LBB2_4-.Ltmp6, $1  }
0x1bf: {  	_ =	sdelay $0x3  }
.LBB2_9:
0x1c0: {  	_ =	sfence.sel $0x180000  }
0x1c1: {  	[bflag:$0x0] =	sbarrier.arrive $0xFFFF  }
0x1c2: {  	_ =	strace $0x9000004A  }
0x1c3: {  	s0 =	stileid.u32;
	[bflag:$0x2] =	sbarrier.arrive $0xFFFF  }
0x1c4: {  	p0 =	sne.s32 s0, $0x0;
	s0 =	rddreg [dreg:$0x2]  }
0x1c5: {  	s0 =	sadd.s32 @!p0 $0x100000, s0  }
0x1c6: {  	[sflag:s0] =	ssyncadd.tile.s32 @!p0 $0x1;
	_ =	shalt  }
.Lfunc_end2:
_tile_overlayer_lowered:
.L_overlay_start_2:
0x1c7: {  	(tag) =	ssettag $0x2  }
0x1c8: {  	s0 =	rddreg [dreg:$0x0];
	s2 =	stileid.u32  }
0x1c9: {  	s1 =	rddreg [dreg:$0x1];
	p0 =	sne.s32 s2, $0x0  }
0x1ca: {  	s3 =	rddreg [dreg:$0x2];
	[bflag:$0x3] =	sbarrier.arrive $0xFFFF;
	s2 =	simm.s32 @!p0 $0x1C03  }
0x1cb: {  	[timem:s3], [sflag:s2] =	dma.local @!p0 [hbm:s0], s1  }
0x1cc: {  	s0 =	simm.s32 @!p0 $0x3  }
0x1cd: {  	_ =	swait.ge @!p0 [sflag:s0], s1  }
0x1ce: {  	s1 =	ssub.s32 @!p0 $0x0, s1;
	[sflag:s0] =	ssyncset.done @!p0 $0x0  }
0x1cf: {  	[sflag:s0] =	ssyncadd.s32 @!p0 s1  }
0x1d0: {  	[bflag:$0x3] =	sbarrier.arrive $0xFFFF  }
0x1d1: {  	_ =	shalt  }

// kernel: kernel.13.cloned.1.call-start
scs
__scs_entry_jumppad:
0x0: {  	(pc) =	sbr.rel $0x88, $3  }
0x1: {  	(tag) =	ssettag $0x0;
	lr =	simm.s32 $0x1  }
0x2: {  	[smem:$0x3F95] =	sst lr;
	_ =	strace $0xD0000000  }
0x3: {  	_ = 	snop  }
0x4: {  	_ = 	snop  }
0x5: {  	_ = 	snop  }
0x6: {  	_ = 	snop  }
0x7: {  	_ = 	snop  }
__scs_overlays_trampoline_lowered:
0x8: {  	[smem:$0x3FA4] =	sst s0  }
0x9: {  	[smem:$0x3FA5] =	sst s1  }
0xa: {  	[smem:$0x3FA6] =	sst s2  }
0xb: {  	[smem:$0x3FA7] =	sst s3  }
0xc: {  	[smem:$0x3FA8] =	sst s4  }
0xd: {  	[smem:$0x3FA9] =	sst s5  }
0xe: {  	[smem:$0x3FAA] =	sst s6  }
0xf: {  	[smem:$0x3FAB] =	sst s7  }
0x10: {  	[smem:$0x3FAC] =	sst s8  }
0x11: {  	[smem:$0x3FAD] =	sst s9;
	s0 =	simm.s32 @!p0 $0x0  }
0x12: {  	s1 =	sld [smem:$0x3F93];
	s0 =	simm.s32 @p0 $0x1  }
0x13: {  	[smem:$0x3FAE] =	sst s0;
	s0 =	simm.s32 @!p1 $0x0  }
0x14: {  	s2 =	sld [smem:$0x3F92];
	s0 =	simm.s32 @p1 $0x1  }
0x15: {  	[smem:$0x3FAF] =	sst s0;
	s0 =	simm.s32 @!p2 $0x0  }
0x16: {  	s3 =	sld [smem:$0x3FDB];
	s0 =	simm.s32 @p2 $0x1  }
0x17: {  	s4 =	simm.s32 $0x1BF5;
	[smem:$0x3FB1] =	sst s0  }
0x18: {  	s0 =	sld [smem:$0x3F94];
	_ =	swait.ge [sflag:s4], $0x0  }
0x19: {  	s7 =	sld [smem:$0x3F95]  }
0x1a: {  	s8 =	sadd.s32 $0xFFFFE003, lr  }
0x1b: {  	s9 =	sadd.s32 $0xFFFFFEF7, lr;
	s5 =	simm.s32 $0xFFFFFFFF;
	p2 =	slt.u32 s8, $0xFFFFF086  }
0x1c: {  	p1 =	slt.u32 s9, $0xF7A;
	s5 =	simm.s32 @!p2 $0x0  }
0x1d: {  	s5 =	simm.s32 @p1 $0x1;
	p0 =	seq.s32 s7, s2  }
0x1e: {  	s7 =	smul.u32 @!p0 $0xF7A, s2;
	p2 =	seq.s32 @!p0 s5, $0x0  }
0x1f: {  	s9 =	smul.u32 $0xF7A, s1;
	s8 =	simm.s32 @!p0 $0x1BF5;
	p2 =	por !p2, p0  }
0x20: {  	[sflag:s8] =	ssyncset.s32 @!p0 $0xFFFFF086;
	s6 =	sadd.s32 @!p0 s3, s7;
	s7 =	simm.s32 @!p0 $0x108  }
0x21: {  	s3 =	sadd.s32 s3, s9;
	s6 =	sadd.s32 @!p0 $0x88, s6;
	s7 =	simm.s32 @p2 $0x1082  }
0x22: {  	[simem:s7], [sflag:s8] =	dma.local @!p0 [hbm:s6], $0xF7A  }
0x23: {  	s9 =	sor.u32 $0xD0000000, s2;
	s6 =	simm.s32 $0x108;
	_ =	swait.ge @!p0 [sflag:s8], $0x0  }
0x24: {  	s3 =	sadd.s32 $0x88, s3;
	s6 =	simm.s32 @!p1 $0x1082;
	[sflag:s4] =	ssyncset.s32 $0xFFFFF086  }
0x25: {  	[simem:s6], [sflag:s4] =	dma.local [hbm:s3], $0xF7A  }
0x26: {  	[smem:$0x3F95] =	sst s1;
	(tag) =	ssettag s2;
	_ =	strace s9  }
0x27: {  	s1 =	sld [smem:$0x3FA5]  }
0x28: {  	s2 =	sld [smem:$0x3FA6]  }
0x29: {  	s4 =	sld [smem:$0x3FA8]  }
0x2a: {  	p0 =	seq.s32 s5, $0x0;
	s5 =	sld [smem:$0x3FA9]  }
0x2b: {  	s6 =	sld [smem:$0x3FAA]  }
0x2c: {  	s7 =	sld [smem:$0x3FAB]  }
0x2d: {  	s3 =	simm.s32 $0x108;
	s8 =	sld [smem:$0x3FAC]  }
0x2e: {  	s3 =	simm.s32 @!p0 $0x1082;
	s9 =	sld [smem:$0x3FAD]  }
0x2f: {  	lr =	sadd.s32 s0, s3;
	s0 =	sld [smem:$0x3FA4]  }
0x30: {  	s3 =	sld [smem:$0x3FA7]  }
0x31: {  	[smem:$0x3FB0] =	sst s10  }
0x32: {  	s10 =	sld [smem:$0x3FAE];
	_ =	sdelay $0x3  }
0x33: {  	p0 =	seq.s32 s10, $0x1;
	s10 =	sld [smem:$0x3FB0];
	_ =	sdelay $0x3  }
0x34: {  	[smem:$0x3FB0] =	sst s10  }
0x35: {  	s10 =	sld [smem:$0x3FAF];
	_ =	sdelay $0x3  }
0x36: {  	p1 =	seq.s32 s10, $0x1;
	s10 =	sld [smem:$0x3FB0];
	_ =	sdelay $0x3  }
0x37: {  	[smem:$0x3FB0] =	sst s10  }
0x38: {  	s10 =	sld [smem:$0x3FB1]  }
0x39: {  	_ = 	snop;
	(pc) =	sbr.ind lr, $3  }
0x3a: {  	_ = 	snop  }
0x3b: {  	_ = 	snop  }
0x3c: {  	p2 =	seq.s32 s10, $0x1;
	s10 =	sld [smem:$0x3FB0]  }
0x3d: {  	_ =	shalt  }
0x3e: {  	_ =	shalt  }
0x3f: {  	_ =	shalt  }
0x40: {  	_ =	shalt  }
0x41: {  	_ =	shalt  }
0x42: {  	_ =	shalt  }
0x43: {  	_ =	shalt  }
0x44: {  	_ =	shalt  }
0x45: {  	_ =	shalt  }
0x46: {  	_ =	shalt  }
0x47: {  	_ =	shalt  }
0x48: {  	_ =	shalt  }
0x49: {  	_ =	shalt  }
0x4a: {  	_ =	shalt  }
0x4b: {  	_ =	shalt  }
0x4c: {  	_ =	shalt  }
0x4d: {  	_ =	shalt  }
0x4e: {  	_ =	shalt  }
0x4f: {  	_ =	shalt  }
0x50: {  	_ =	shalt  }
0x51: {  	_ =	shalt  }
0x52: {  	_ =	shalt  }
0x53: {  	_ =	shalt  }
0x54: {  	_ =	shalt  }
0x55: {  	_ =	shalt  }
0x56: {  	_ =	shalt  }
0x57: {  	_ =	shalt  }
0x58: {  	_ =	shalt  }
0x59: {  	_ =	shalt  }
0x5a: {  	_ =	shalt  }
0x5b: {  	_ =	shalt  }
0x5c: {  	_ =	shalt  }
0x5d: {  	_ =	shalt  }
0x5e: {  	_ =	shalt  }
0x5f: {  	_ =	shalt  }
0x60: {  	_ =	shalt  }
0x61: {  	_ =	shalt  }
0x62: {  	_ =	shalt  }
0x63: {  	_ =	shalt  }
0x64: {  	_ =	shalt  }
0x65: {  	_ =	shalt  }
0x66: {  	_ =	shalt  }
0x67: {  	_ =	shalt  }
0x68: {  	_ =	shalt  }
0x69: {  	_ =	shalt  }
0x6a: {  	_ =	shalt  }
0x6b: {  	_ =	shalt  }
0x6c: {  	_ =	shalt  }
0x6d: {  	_ =	shalt  }
0x6e: {  	_ =	shalt  }
0x6f: {  	_ =	shalt  }
0x70: {  	_ =	shalt  }
0x71: {  	_ =	shalt  }
0x72: {  	_ =	shalt  }
0x73: {  	_ =	shalt  }
0x74: {  	_ =	shalt  }
0x75: {  	_ =	shalt  }
0x76: {  	_ =	shalt  }
0x77: {  	_ =	shalt  }
0x78: {  	_ =	shalt  }
0x79: {  	_ =	shalt  }
0x7a: {  	_ =	shalt  }
0x7b: {  	_ =	shalt  }
0x7c: {  	_ =	shalt  }
0x7d: {  	_ =	shalt  }
0x7e: {  	_ =	shalt  }
0x7f: {  	_ =	shalt  }
0x80: {  	_ =	shalt  }
0x81: {  	_ =	shalt  }
0x82: {  	_ =	shalt  }
0x83: {  	_ =	shalt  }
0x84: {  	_ =	shalt  }
0x85: {  	_ =	shalt  }
0x86: {  	_ =	shalt  }
0x87: {  	_ =	shalt  }
.Lfunc_end0:
.L_simem_size_0:
called_computation.2_lowered:
.L_overlay_start_0:
0x88: {  	s2 =	sld [smem:$0x3FD9]  }
0x89: {  	s3 =	sld [smem:$0x3FFE];
	_ =	sdelay $0x1  }
0x8a: {  	s1 =	srdreg.scid  }
0x8b: {  	s0 =	sand.u32 $0x1, s1  }
0x8c: {  	s16 =	sshll.u32 s0, $0xA;
	s2 =	sadd.s32 s3, s2  }
0x8d: {  	s2 =	sadd.s32 s2, s16  }
0x8e: {  	[smem:$0x3FBC] =	sst s2  }
0x8f: {  	_ = 	snop  }
0x90: {  	(tm) =	ssettm $0x1  }
0x91: {  	s17 =	sld [smem:$0x3FFB];
	_ =	sdelay $0x3  }
0x92: {  	_ =	strace s17  }
0x93: {  	s2 =	sld [smem:$0x3FFC];
	_ =	sdelay $0x3  }
0x94: {  	_ =	strace s2  }
0x95: {  	s2 =	sld [smem:$0x3FFD];
	_ =	sdelay $0x3  }
0x96: {  	_ =	strace s2  }
0x97: {  	_ =	strace $0x8FFFFFFF  }
0x98: {  	s18 =	sld [smem:$0x3FDB];
	_ =	sdelay $0x1  }
0x99: {  	s19 =	simm.s32 $_scs_section_size  }
0x9a: {  	s4 =	simm.s32 $_size__tile_overlayer_lowered;
	s5 =	simm.s32 $_tile_overlayer_lowered  }
0x9b: {  	s22 =	simm.s32 $0x1BFF;
	s21 =	sshll.u32 s5, $0x1;
	s2 =	sadd.s32 s19, s18  }
0x9c: {  	s6 =	simm.s32 $0x0;
	s20 =	sshll.u32 s4, $0x1;
	s4 =	sadd.s32 s21, s2  }
0x9d: {  	[timem:s6], [sflag:s22] =	dma.local [hbm:s4], s20  }
0x9e: {  	_ =	swait.ge [sflag:s22], s20  }
0x9f: {  	s3 =	ssub.s32 $0x0, s20;
	[sflag:s22] =	ssyncset.done $0x0  }
0xa0: {  	[sflag:s22] =	ssyncadd.s32 s3;
	_ =	sdelay $0x1  }
0xa1: {  	s23 =	simm.s32 $0x1B8B  }
0xa2: {  	_ =	swait.ge [sflag:s23], $0x1  }
0xa3: {  	[sflag:s23] =	ssyncset.done $0x0  }
0xa4: {  	s25 =	simm.s32 $0x1B8E;
	s24 =	sld [smem:$0x3FFE];
	[sflag:s23] =	ssyncadd.s32 $0xFFFFFFFF  }
0xa5: {  	s26 =	simm.s32 $execute0_lowered;
	[smem:$0x3FD2] =	sst s25  }
0xa6: {  	s4 =	sshll.u32 s26, $0x1;
	_ =	strace $0x8000004C;
	[dreg:$0x1] =	wrdreg $0xFFFFFFFF  }
0xa7: {  	s28 =	simm.s32 $_size_execute0_lowered;
	s2 =	sadd.s32 s2, s4;
	[dreg:$0x0] =	wrdreg $0x0  }
0xa8: {  	s4 =	sshll.u32 s28, $0x1;
	[dreg:$0x2] =	wrdreg s2  }
0xa9: {  	[dreg:$0x3] =	wrdreg s4  }
0xaa: {  	[dreg:$0x4] =	wrdreg $0xC0  }
0xab: {  	_ =	task [dreg:s6], $0x5FFFF  }
0xac: {  	[dreg:$0x1] =	wrdreg $0xFFFFFFFF  }
0xad: {  	[dreg:$0x0] =	wrdreg $0x60  }
0xae: {  	[dreg:$0x2] =	wrdreg s24  }
0xaf: {  	[dreg:$0x3] =	wrdreg $0x0  }
0xb0: {  	[dreg:$0x4] =	wrdreg $0x9  }
0xb1: {  	_ =	task.clear_ibuf [dreg:s6], $0x5FFFF;
	_ =	strace $0x9000004C  }
0xb2: {  	s29 =	simm.s32 $0x9;
	_ =	strace $0x8000004E  }
0xb3: {  	_ =	swait.ge [sflag:s29], $0x1  }
0xb4: {  	[sflag:s29] =	ssyncadd.s32 $0xFFFFFFFF  }
0xb5: {  	_ =	strace $0x9000004E  }
0xb6: {  	_ =	sfence  }
0xb7: {  	s30 =	sld [smem:$0x0];
	_ =	sdelay $0x2  }
0xb8: {  	s31 =	sshll.u32 s1, $0xD;
	s1 =	sshrl.u32 s1, $0x2  }
0xb9: {  	s3 =	sand.u32 $0x4000, s31;
	s1 =	sadd.s32 s1, s30  }
0xba: {  	s0 =	sor.u32 s3, s0;
	s1 =	sshll.u32 s1, $0x11  }
0xbb: {  	s0 =	sor.u32 s1, s0  }
0xbc: {  	s0 =	sadd.s32 $0x8F2B, s0  }
0xbd: {  	[sflag:s0] =	ssyncadd.remote.s32 $0x1  }
0xbe: {  	_ =	sfence.sel $0xFFFF  }
0xbf: {  	[dreg:$0x0] =	wrdreg $0xFFFFFFFF;
	(pc) =	sbr.abs _section_cstart, $3  }
0xc0: {  	[dreg:$0x1] =	wrdreg $0xFFFFFFFF  }
0xc1: {  	_ =	task.clear_ibuf [dreg:s6], $0x2FFFF;
	_ =	strace $0x9FFFFFFF  }
0xc2: {  	(tm) =	ssettm $0x7FFFFFFF  }
0xc3: {  	_ =	shalt  }
tec
execute0_lowered:
.L_overlay_start_1:
0x0: {  	(tag) =	ssettag $0x1  }
0x1: {  	s0 =	rddreg [dreg:$0x0]  }
0x2: {  	s2 =	rddreg [dreg:$0x1]  }
0x3: {  	s3 =	simm.s32 $0x0;
	s11 =	stileid.u32;
	s7 =	srdreg.scid  }
0x4: {  	s15 =	simm.s32 $0x3;
	s28 =	simm.s32 $0x18880;
	s29 =	simm.s32 $0x19C00  }
0x5: {  	s30 =	simm.s32 $0x18900;
	s31 =	simm.s32 $0x18B00;
	[smem:$0x7FF] =	sst s3  }
0x6: {  	s1 =	smul.u32 $0x1880, s11;
	s4 =	sadd.s32 $0x67800, s0;
	s5 =	sadd.s32 $0x36A00, s0  }
0x7: {  	s6 =	sadd.s32 $0x1AC00, s0;
	s7 =	sand.u32 $0x1, s7;
	s8 =	smul.u32 $0x62000, s11  }
0x8: {  	s9 =	sadd.s32 $0x98600, s0;
	s10 =	smul.u32 $0x18800, s11;
	s11 =	sshll.u32 s11, $0x6  }
0x9: {  	_ =	strace $0x8000004D;
	[dreg:$0x3] =	wrdreg s9;
	s22 =	ssub.s32 $0x2, s7  }
0xa: {  	p0 =	seq.s32 s7, $0x1;
	s11 =	sor.u32 $0x1C03, s11;
	s9 =	simm.s32 $0x18A80  }
0xb: {  	s1 =	sadd.s32 s1, s0;
	s0 =	sadd.s32 $0xC9600, s0;
	s23 =	sshrl.u32 s22, $0x1  }
0xc: {  	s8 =	sshrl.u32 s8, $0x2;
	s25 =	sadd.s32 s10, s2;
	s10 =	sshrl.u32 s10, $0x3  }
0xd: {  	[dreg:$0x4] =	wrdreg s0;
	s0 =	ssub.s32 s22, s23;
	s24 =	sadd.s32 s8, s2  }
0xe: {  	[dreg:$0x5] =	wrdreg s10;
	s12 =	sadd.s32 $0x1E200, s1;
	s13 =	sadd.s32 $0x2400, s1  }
0xf: {  	s14 =	sshrl.u32 s25, $0x3;
	s1 =	simm.s32 $0x18980;
	s8 =	simm.s32 $0x1  }
0x10: {  	s26 =	sadd.s32 $0x3100, s24;
	s16 =	sadd.s32 $0x6200, s24;
	s17 =	sadd.s32 $0x9300, s24  }
0x11: {  	s18 =	sadd.s32 $0xC400, s24;
	s19 =	sadd.s32 $0xF500, s24;
	s0 =	smax.u32 s0, $0x1  }
0x12: {  	s20 =	sadd.s32 $0x12600, s24;
	[dreg:$0x6] =	wrdreg s0;
	s10 =	sshrl.u32 s26, $0x3  }
0x13: {  	s7 =	sadd.s32 $0x15700, s24;
	s21 =	sshrl.u32 s16, $0x3;
	[dreg:$0x7] =	wrdreg s10  }
0x14: {  	s22 =	sshrl.u32 s17, $0x3;
	s23 =	sshrl.u32 s18, $0x3;
	[dreg:$0x8] =	wrdreg s21  }
0x15: {  	s24 =	sshrl.u32 s19, $0x3;
	s25 =	sshrl.u32 s20, $0x3;
	[dreg:$0x9] =	wrdreg s22  }
.Ltmp0:
0x16: {  	s26 =	sshrl.u32 s7, $0x3;
	[dreg:$0xa] =	wrdreg s23;
	(pc) =	sbr.rel .LBB2_1-.Ltmp0, $4  }
0x17: {  	s0 =	simm.s32 $0x1AC00;
	s7 =	simm.s32 $0x1BC00;
	[dreg:$0xb] =	wrdreg s24  }
0x18: {  	s16 =	simm.s32 $0x18B80;
	s17 =	simm.s32 $0x0;
	[dreg:$0xc] =	wrdreg s25  }
0x19: {  	[dreg:$0xd] =	wrdreg s26;
	s23 =	simm.s32 $0x18800;
	s24 =	simm.s32 $0x18A00  }
0x1a: {  	s25 =	simm.s32 $0x80;
	s26 =	simm.s32 $0x18C00;
	s10 =	simm.s32 $0x2  }
.LBB2_7:
0x1b: {  	s19 =	sadd.s32 s18, s12;
	[sflag:s15] =	ssyncadd.s32 $0xFFFFF000  }
0x1c: {  	[tilespmem:s23], [sflag:$0x3] =	stream.linear.gather [hbm4b:s19+s3], $0x100, $0x38;
	[tilespmem:$0x1CC00] =	vst v63  }
0x1d: {  	_ =	swait.ge [sflag:s15], $0x100  }
0x1e: {  	[sflag:s15] =	ssyncset.done $0x0  }
0x1f: {  	s22 =	sadd.s32 s18, s13;
	[sflag:s15] =	ssyncadd.s32 $0xFFFFFF00  }
0x20: {  	[tilespmem:s24], [sflag:$0x3] =	stream.linear.gather [hbm4b:s22+s3], $0x100, $0x38;
	[tilespmem:$0x1CC00] =	vst v63  }
0x21: {  	_ =	swait.ge [sflag:s15], $0x100  }
0x22: {  	[sflag:s15] =	ssyncset.done $0x0  }
0x23: {  	[sflag:s15] =	ssyncadd.s32 $0xFFFFFF00  }
0x24: {  	[tilespmem:s26], [sflag:$0x1] =	stream.indirect.gather [hbm4b:s5+s25], $0x20, s23, s25, $0xb8;
	[tilespmem:$0x1CC00] =	vst v63  }
0x25: {  	_ = 	snop  }
0x26: {  	[tilespmem:s29], [sflag:$0x1] =	stream.indirect.gather [hbm4b:s5+s25], $0x20, s28, s25, $0xb8;
	[tilespmem:$0x1CC00] =	vst v63  }
0x27: {  	s19 =	sadd.s32 $0x20, s19  }
0x28: {  	[tilespmem:s30], [sflag:$0x3] =	stream.linear.gather [hbm4b:s19+s3], $0x100, $0x38;
	[tilespmem:$0x1CC00] =	vst v63  }
0x29: {  	_ =	swait.ge [sflag:s15], $0x100  }
0x2a: {  	[sflag:s15] =	ssyncset.done $0x0  }
0x2b: {  	s18 =	sadd.s32 $0x20, s22;
	[sflag:s15] =	ssyncadd.s32 $0xFFFFFF00  }
0x2c: {  	[tilespmem:s31], [sflag:$0x3] =	stream.linear.gather [hbm4b:s18+s3], $0x100, $0x38;
	[tilespmem:$0x1CC00] =	vst v63  }
0x2d: {  	_ =	swait.ge [sflag:s15], $0x100  }
0x2e: {  	[sflag:s15] =	ssyncset.done $0x0  }
0x2f: {  	[sflag:s15] =	ssyncadd.s32 $0xFFFFFF00  }
0x30: {  	[tilespmem:s0], [sflag:$0x2] =	stream.indirect.gather [hbm4b:s5+s25], $0x20, s30, s25, $0xb8;
	[tilespmem:$0x1CC00] =	vst v63  }
0x31: {  	_ = 	snop  }
0x32: {  	[tilespmem:s7], [sflag:$0x2] =	stream.indirect.gather [hbm4b:s5+s25], $0x20, s1, s25, $0xb8;
	[tilespmem:$0x1CC00] =	vst v63  }
0x33: {  	_ =	swait.ge [sflag:s8], $0x2000  }
0x34: {  	[sflag:s8] =	ssyncset.done $0x0  }
0x35: {  	[sflag:s8] =	ssyncadd.s32 $0xFFFFE000  }
0x36: {  	[spmem:s2] =	stream.indirect.scatter.add.f32 [tilespmem:s26], [sflag:$0x3], $0x20, s24, s25, $0xb8;
	[tilespmem:$0x1CC00] =	vst v63  }
0x37: {  	_ =	swait.ge [sflag:s15], $0x1000  }
0x38: {  	[sflag:s15] =	ssyncset.done $0x0  }
0x39: {  	[sflag:s15] =	ssyncadd.s32 $0xFFFFF000  }
0x3a: {  	[spmem:s2] =	stream.indirect.scatter.add.f32 [tilespmem:s29], [sflag:$0x3], $0x20, s9, s25, $0xb8;
	[tilespmem:$0x1CC00] =	vst v63  }
0x3b: {  	_ =	swait.ge [sflag:s15], $0x1000  }
0x3c: {  	[sflag:s15] =	ssyncset.done $0x0  }
0x3d: {  	[sflag:s15] =	ssyncadd.s32 $0xFFFFF000  }
0x3e: {  	_ =	swait.ge [sflag:s10], $0x2000  }
0x3f: {  	[sflag:s10] =	ssyncset.done $0x0  }
0x40: {  	[sflag:s10] =	ssyncadd.s32 $0xFFFFE000  }
0x41: {  	[spmem:s2] =	stream.indirect.scatter.add.f32 [tilespmem:s0], [sflag:$0x3], $0x20, s31, s25, $0xb8;
	[tilespmem:$0x1CC00] =	vst v63  }
0x42: {  	_ =	swait.ge [sflag:s15], $0x1000  }
0x43: {  	[sflag:s15] =	ssyncset.done $0x0  }
0x44: {  	[sflag:s15] =	ssyncadd.s32 $0xFFFFF000  }
0x45: {  	[spmem:s2] =	stream.indirect.scatter.add.f32 [tilespmem:s7], [sflag:$0x3], $0x20, s16, s25, $0xb8;
	[tilespmem:$0x1CC00] =	vst v63  }
0x46: {  	_ =	swait.ge [sflag:s15], $0x1000  }
0x47: {  	[sflag:s15] =	ssyncset.done $0x0  }
0x48: {  	s18 =	rddreg [dreg:$0x4];
	[sflag:s15] =	ssyncadd.s32 $0xFFFFF000  }
.LBB2_8:
0x49: {  	s19 =	rddreg [dreg:$0x5]  }
0x4a: {  	[bflag:$0x0] =	sbarrier.arrive $0xFFFF;
	s18 =	sadd.s32 s18, s19  }
0x4b: {  	[hbm:s18], [sflag:s11] =	dma.local [spmem:s14], $0x3100  }
0x4c: {  	_ =	swait.ge [sflag:s15], $0x3100  }
0x4d: {  	s17 =	sadd.s32 $0x1, s17;
	s22 =	rddreg [dreg:$0x6]  }
0x4e: {  	p1 =	sne.s32 s17, s22  }
.Ltmp1:
0x4f: {  	_ = 	snop;
	(pc) =	sbr.rel @!p1 .LBB2_9-.Ltmp1, $3  }
0x50: {  	_ =	sdelay $0x1  }
0x51: {  	[sflag:s15] =	ssyncset.done $0x0  }
0x52: {  	[sflag:s15] =	ssyncadd.s32 $0xFFFFCF00  }
.LBB2_1:
0x53: {  	[spmem:s14], [sflag:s11] =	dma.local [hbm:s6], $0x620  }
0x54: {  	_ =	swait.ge [sflag:s15], $0x620  }
0x55: {  	[sflag:s15] =	ssyncset.done $0x0  }
0x56: {  	s18 =	rddreg [dreg:$0x7];
	[sflag:s15] =	ssyncadd.s32 $0xFFFFF9E0  }
0x57: {  	[spmem:s18], [sflag:s11] =	dma.local [hbm:s6], $0x620  }
0x58: {  	_ =	swait.ge [sflag:s15], $0x620  }
0x59: {  	[sflag:s15] =	ssyncset.done $0x0  }
0x5a: {  	s21 =	rddreg [dreg:$0x8];
	[sflag:s15] =	ssyncadd.s32 $0xFFFFF9E0  }
0x5b: {  	[spmem:s21], [sflag:s11] =	dma.local [hbm:s6], $0x620  }
0x5c: {  	_ =	swait.ge [sflag:s15], $0x620  }
0x5d: {  	[sflag:s15] =	ssyncset.done $0x0  }
0x5e: {  	s22 =	rddreg [dreg:$0x9];
	[sflag:s15] =	ssyncadd.s32 $0xFFFFF9E0  }
0x5f: {  	[spmem:s22], [sflag:s11] =	dma.local [hbm:s6], $0x620  }
0x60: {  	_ =	swait.ge [sflag:s15], $0x620  }
0x61: {  	[sflag:s15] =	ssyncset.done $0x0  }
0x62: {  	s19 =	rddreg [dreg:$0xa];
	[sflag:s15] =	ssyncadd.s32 $0xFFFFF9E0  }
0x63: {  	[spmem:s19], [sflag:s11] =	dma.local [hbm:s6], $0x620  }
0x64: {  	_ =	swait.ge [sflag:s15], $0x620  }
0x65: {  	[sflag:s15] =	ssyncset.done $0x0  }
0x66: {  	s20 =	rddreg [dreg:$0xb];
	[sflag:s15] =	ssyncadd.s32 $0xFFFFF9E0  }
0x67: {  	[spmem:s20], [sflag:s11] =	dma.local [hbm:s6], $0x620  }
0x68: {  	_ =	swait.ge [sflag:s15], $0x620  }
0x69: {  	[sflag:s15] =	ssyncset.done $0x0  }
0x6a: {  	s21 =	rddreg [dreg:$0xc];
	[sflag:s15] =	ssyncadd.s32 $0xFFFFF9E0  }
0x6b: {  	[spmem:s21], [sflag:s11] =	dma.local [hbm:s6], $0x620  }
0x6c: {  	_ =	swait.ge [sflag:s15], $0x620  }
0x6d: {  	[sflag:s15] =	ssyncset.done $0x0  }
0x6e: {  	s22 =	rddreg [dreg:$0xd];
	[sflag:s15] =	ssyncadd.s32 $0xFFFFF9E0  }
0x6f: {  	[spmem:s22], [sflag:s11] =	dma.local [hbm:s6], $0x620  }
.Ltmp2:
0x70: {  	_ =	swait.ge [sflag:s15], $0x620;
	(pc) =	sbr.rel @!p0 .LBB2_2-.Ltmp2, $4  }
0x71: {  	[sflag:s15] =	ssyncset.done $0x0  }
0x72: {  	[sflag:s15] =	ssyncadd.s32 $0xFFFFF9E0  }
0x73: {  	[bflag:$0x0] =	sbarrier.arrive $0xFFFF  }
0x74: {  	s18 =	sadd.s32 $0x0, s12  }
0x75: {  	[tilespmem:s23], [sflag:$0x3] =	stream.linear.gather [hbm4b:s18+s3], $0x100, $0x38;
	[tilespmem:$0x1CC00] =	vst v63  }
0x76: {  	_ =	swait.ge [sflag:s15], $0x100  }
0x77: {  	[sflag:s15] =	ssyncset.done $0x0  }
0x78: {  	s19 =	sadd.s32 $0x0, s13;
	[sflag:s15] =	ssyncadd.s32 $0xFFFFFF00  }
0x79: {  	[tilespmem:s24], [sflag:$0x3] =	stream.linear.gather [hbm4b:s19+s3], $0x100, $0x38;
	[tilespmem:$0x1CC00] =	vst v63  }
0x7a: {  	_ =	swait.ge [sflag:s15], $0x100  }
0x7b: {  	[sflag:s15] =	ssyncset.done $0x0  }
0x7c: {  	[sflag:s15] =	ssyncadd.s32 $0xFFFFFF00  }
0x7d: {  	[tilespmem:s26], [sflag:$0x1] =	stream.indirect.gather [hbm4b:s5+s25], $0x20, s23, s25, $0xb8;
	[tilespmem:$0x1CC00] =	vst v63  }
0x7e: {  	_ = 	snop  }
0x7f: {  	[tilespmem:s29], [sflag:$0x1] =	stream.indirect.gather [hbm4b:s5+s25], $0x20, s28, s25, $0xb8;
	[tilespmem:$0x1CC00] =	vst v63  }
0x80: {  	s21 =	sadd.s32 $0x20, s18  }
0x81: {  	[tilespmem:s30], [sflag:$0x3] =	stream.linear.gather [hbm4b:s21+s3], $0x100, $0x38;
	[tilespmem:$0x1CC00] =	vst v63  }
0x82: {  	_ =	swait.ge [sflag:s15], $0x100  }
0x83: {  	[sflag:s15] =	ssyncset.done $0x0  }
0x84: {  	s22 =	sadd.s32 $0x20, s19;
	[sflag:s15] =	ssyncadd.s32 $0xFFFFFF00  }
0x85: {  	[tilespmem:s31], [sflag:$0x3] =	stream.linear.gather [hbm4b:s22+s3], $0x100, $0x38;
	[tilespmem:$0x1CC00] =	vst v63  }
0x86: {  	_ =	swait.ge [sflag:s15], $0x100  }
0x87: {  	[sflag:s15] =	ssyncset.done $0x0  }
0x88: {  	[sflag:s15] =	ssyncadd.s32 $0xFFFFFF00  }
0x89: {  	[tilespmem:s0], [sflag:$0x2] =	stream.indirect.gather [hbm4b:s5+s25], $0x20, s30, s25, $0xb8;
	[tilespmem:$0x1CC00] =	vst v63  }
0x8a: {  	_ = 	snop  }
0x8b: {  	[tilespmem:s7], [sflag:$0x2] =	stream.indirect.gather [hbm4b:s5+s25], $0x20, s1, s25, $0xb8;
	[tilespmem:$0x1CC00] =	vst v63  }
0x8c: {  	_ =	swait.ge [sflag:s8], $0x2000  }
0x8d: {  	[sflag:s8] =	ssyncset.done $0x0  }
0x8e: {  	[sflag:s8] =	ssyncadd.s32 $0xFFFFE000  }
0x8f: {  	[spmem:s2] =	stream.indirect.scatter.add.f32 [tilespmem:s26], [sflag:$0x3], $0x20, s24, s25, $0xb8;
	[tilespmem:$0x1CC00] =	vst v63  }
0x90: {  	_ =	swait.ge [sflag:s15], $0x1000  }
0x91: {  	[sflag:s15] =	ssyncset.done $0x0  }
0x92: {  	[sflag:s15] =	ssyncadd.s32 $0xFFFFF000  }
0x93: {  	[spmem:s2] =	stream.indirect.scatter.add.f32 [tilespmem:s29], [sflag:$0x3], $0x20, s9, s25, $0xb8;
	[tilespmem:$0x1CC00] =	vst v63  }
0x94: {  	_ =	swait.ge [sflag:s15], $0x1000  }
0x95: {  	[sflag:s15] =	ssyncset.done $0x0  }
0x96: {  	[sflag:s15] =	ssyncadd.s32 $0xFFFFF000  }
0x97: {  	_ =	swait.ge [sflag:s10], $0x2000  }
0x98: {  	[sflag:s10] =	ssyncset.done $0x0  }
0x99: {  	[sflag:s10] =	ssyncadd.s32 $0xFFFFE000  }
0x9a: {  	[spmem:s2] =	stream.indirect.scatter.add.f32 [tilespmem:s0], [sflag:$0x3], $0x20, s31, s25, $0xb8;
	[tilespmem:$0x1CC00] =	vst v63  }
0x9b: {  	_ =	swait.ge [sflag:s15], $0x1000  }
0x9c: {  	[sflag:s15] =	ssyncset.done $0x0  }
0x9d: {  	[sflag:s15] =	ssyncadd.s32 $0xFFFFF000  }
0x9e: {  	[spmem:s2] =	stream.indirect.scatter.add.f32 [tilespmem:s7], [sflag:$0x3], $0x20, s16, s25, $0xb8;
	[tilespmem:$0x1CC00] =	vst v63  }
0x9f: {  	_ =	swait.ge [sflag:s15], $0x1000  }
0xa0: {  	s18 =	simm.s32 $0x40;
	s20 =	simm.s32 $0x80;
	[sflag:s15] =	ssyncset.done $0x0  }
.LBB2_6:
0xa1: {  	s21 =	sadd.s32 s18, s12  }
0xa2: {  	[sflag:s15] =	ssyncadd.s32 $0xFFFFF000;
	s22 =	smov.u32 s20;
	s19 =	sadd.s32 $0x40, s20  }
0xa3: {  	[tilespmem:s23], [sflag:$0x3] =	stream.linear.gather [hbm4b:s21+s3], $0x100, $0x38;
	[tilespmem:$0x1CC00] =	vst v63  }
0xa4: {  	p1 =	sne.s32 s20, $0x1840;
	_ =	swait.ge [sflag:s15], $0x100  }
0xa5: {  	[sflag:s15] =	ssyncset.done $0x0  }
0xa6: {  	s20 =	sadd.s32 s18, s13;
	s18 =	smov.u32 s22;
	[sflag:s15] =	ssyncadd.s32 $0xFFFFFF00  }
0xa7: {  	[tilespmem:s24], [sflag:$0x3] =	stream.linear.gather [hbm4b:s20+s3], $0x100, $0x38;
	[tilespmem:$0x1CC00] =	vst v63  }
0xa8: {  	_ =	swait.ge [sflag:s15], $0x100  }
0xa9: {  	[sflag:s15] =	ssyncset.done $0x0  }
0xaa: {  	[sflag:s15] =	ssyncadd.s32 $0xFFFFFF00  }
0xab: {  	[tilespmem:s26], [sflag:$0x1] =	stream.indirect.gather [hbm4b:s5+s25], $0x20, s23, s25, $0xb8;
	[tilespmem:$0x1CC00] =	vst v63  }
0xac: {  	_ = 	snop  }
0xad: {  	[tilespmem:s29], [sflag:$0x1] =	stream.indirect.gather [hbm4b:s5+s25], $0x20, s28, s25, $0xb8;
	[tilespmem:$0x1CC00] =	vst v63  }
0xae: {  	s21 =	sadd.s32 $0x20, s21  }
0xaf: {  	[tilespmem:s30], [sflag:$0x3] =	stream.linear.gather [hbm4b:s21+s3], $0x100, $0x38;
	[tilespmem:$0x1CC00] =	vst v63  }
0xb0: {  	_ =	swait.ge [sflag:s15], $0x100  }
0xb1: {  	[sflag:s15] =	ssyncset.done $0x0  }
0xb2: {  	s20 =	sadd.s32 $0x20, s20;
	[sflag:s15] =	ssyncadd.s32 $0xFFFFFF00  }
0xb3: {  	[tilespmem:s31], [sflag:$0x3] =	stream.linear.gather [hbm4b:s20+s3], $0x100, $0x38;
	[tilespmem:$0x1CC00] =	vst v63  }
0xb4: {  	_ =	swait.ge [sflag:s15], $0x100  }
0xb5: {  	[sflag:s15] =	ssyncset.done $0x0  }
0xb6: {  	[sflag:s15] =	ssyncadd.s32 $0xFFFFFF00  }
0xb7: {  	[tilespmem:s0], [sflag:$0x2] =	stream.indirect.gather [hbm4b:s5+s25], $0x20, s30, s25, $0xb8;
	[tilespmem:$0x1CC00] =	vst v63  }
0xb8: {  	_ = 	snop  }
0xb9: {  	[tilespmem:s7], [sflag:$0x2] =	stream.indirect.gather [hbm4b:s5+s25], $0x20, s1, s25, $0xb8;
	[tilespmem:$0x1CC00] =	vst v63  }
0xba: {  	_ =	swait.ge [sflag:s8], $0x2000  }
0xbb: {  	[sflag:s8] =	ssyncset.done $0x0  }
0xbc: {  	[sflag:s8] =	ssyncadd.s32 $0xFFFFE000  }
0xbd: {  	[spmem:s2] =	stream.indirect.scatter.add.f32 [tilespmem:s26], [sflag:$0x3], $0x20, s24, s25, $0xb8;
	[tilespmem:$0x1CC00] =	vst v63  }
0xbe: {  	_ =	swait.ge [sflag:s15], $0x1000  }
0xbf: {  	[sflag:s15] =	ssyncset.done $0x0  }
0xc0: {  	[sflag:s15] =	ssyncadd.s32 $0xFFFFF000  }
0xc1: {  	[spmem:s2] =	stream.indirect.scatter.add.f32 [tilespmem:s29], [sflag:$0x3], $0x20, s9, s25, $0xb8;
	[tilespmem:$0x1CC00] =	vst v63  }
0xc2: {  	_ =	swait.ge [sflag:s15], $0x1000  }
0xc3: {  	[sflag:s15] =	ssyncset.done $0x0  }
0xc4: {  	[sflag:s15] =	ssyncadd.s32 $0xFFFFF000  }
0xc5: {  	_ =	swait.ge [sflag:s10], $0x2000  }
0xc6: {  	[sflag:s10] =	ssyncset.done $0x0  }
0xc7: {  	[sflag:s10] =	ssyncadd.s32 $0xFFFFE000  }
0xc8: {  	[spmem:s2] =	stream.indirect.scatter.add.f32 [tilespmem:s0], [sflag:$0x3], $0x20, s31, s25, $0xb8;
	[tilespmem:$0x1CC00] =	vst v63  }
0xc9: {  	_ =	swait.ge [sflag:s15], $0x1000  }
.Ltmp3:
0xca: {  	[sflag:s15] =	ssyncset.done $0x0;
	(pc) =	sbr.rel @p1 .LBB2_6-.Ltmp3, $4  }
0xcb: {  	[sflag:s15] =	ssyncadd.s32 $0xFFFFF000  }
0xcc: {  	[spmem:s2] =	stream.indirect.scatter.add.f32 [tilespmem:s7], [sflag:$0x3], $0x20, s16, s25, $0xb8;
	[tilespmem:$0x1CC00] =	vst v63  }
0xcd: {  	_ =	swait.ge [sflag:s15], $0x1000  }
0xce: {  	s20 =	smov.u32 s19;
	[sflag:s15] =	ssyncset.done $0x0  }
.Ltmp4:
0xcf: {  	_ = 	snop;
	(pc) =	sbr.rel .LBB2_7-.Ltmp4, $1  }
0xd0: {  	_ =	sdelay $0x3  }
.LBB2_2:
0xd1: {  	[tilespmem:s23], [sflag:$0x3] =	stream.linear.gather [hbm4b:s18+s3], $0x100, $0x38;
	[tilespmem:$0x1CC00] =	vst v63  }
0xd2: {  	_ =	swait.ge [sflag:s15], $0x100  }
0xd3: {  	[sflag:s15] =	ssyncset.done $0x0  }
0xd4: {  	s19 =	sadd.s32 $0x0, s13;
	[sflag:s15] =	ssyncadd.s32 $0xFFFFFF00  }
0xd5: {  	[tilespmem:s24], [sflag:$0x3] =	stream.linear.gather [hbm4b:s19+s3], $0x100, $0x38;
	[tilespmem:$0x1CC00] =	vst v63  }
0xd6: {  	_ =	swait.ge [sflag:s15], $0x100  }
0xd7: {  	[sflag:s15] =	ssyncset.done $0x0  }
0xd8: {  	[sflag:s15] =	ssyncadd.s32 $0xFFFFFF00  }
0xd9: {  	[tilespmem:s26], [sflag:$0x1] =	stream.indirect.gather [hbm4b:s4+s25], $0x20, s23, s25, $0xb8;
	[tilespmem:$0x1CC00] =	vst v63  }
0xda: {  	_ = 	snop  }
0xdb: {  	[tilespmem:s29], [sflag:$0x1] =	stream.indirect.gather [hbm4b:s4+s25], $0x20, s28, s25, $0xb8;
	[tilespmem:$0x1CC00] =	vst v63  }
0xdc: {  	s21 =	sadd.s32 $0x20, s18  }
0xdd: {  	[tilespmem:s30], [sflag:$0x3] =	stream.linear.gather [hbm4b:s21+s3], $0x100, $0x38;
	[tilespmem:$0x1CC00] =	vst v63  }
0xde: {  	_ =	swait.ge [sflag:s15], $0x100  }
0xdf: {  	[sflag:s15] =	ssyncset.done $0x0  }
0xe0: {  	s22 =	sadd.s32 $0x20, s19;
	[sflag:s15] =	ssyncadd.s32 $0xFFFFFF00  }
0xe1: {  	[tilespmem:s31], [sflag:$0x3] =	stream.linear.gather [hbm4b:s22+s3], $0x100, $0x38;
	[tilespmem:$0x1CC00] =	vst v63  }
0xe2: {  	_ =	swait.ge [sflag:s15], $0x100  }
0xe3: {  	[sflag:s15] =	ssyncset.done $0x0  }
0xe4: {  	[sflag:s15] =	ssyncadd.s32 $0xFFFFFF00  }
0xe5: {  	[tilespmem:s0], [sflag:$0x2] =	stream.indirect.gather [hbm4b:s4+s25], $0x20, s30, s25, $0xb8;
	[tilespmem:$0x1CC00] =	vst v63  }
0xe6: {  	_ = 	snop  }
0xe7: {  	[tilespmem:s7], [sflag:$0x2] =	stream.indirect.gather [hbm4b:s4+s25], $0x20, s1, s25, $0xb8;
	[tilespmem:$0x1CC00] =	vst v63  }
0xe8: {  	_ =	swait.ge [sflag:s8], $0x2000  }
0xe9: {  	[sflag:s8] =	ssyncset.done $0x0  }
0xea: {  	[sflag:s8] =	ssyncadd.s32 $0xFFFFE000  }
0xeb: {  	[spmem:s2] =	stream.indirect.scatter.add.f32 [tilespmem:s26], [sflag:$0x3], $0x20, s24, s25, $0xb8;
	[tilespmem:$0x1CC00] =	vst v63  }
0xec: {  	_ =	swait.ge [sflag:s15], $0x1000  }
0xed: {  	[sflag:s15] =	ssyncset.done $0x0  }
0xee: {  	[sflag:s15] =	ssyncadd.s32 $0xFFFFF000  }
0xef: {  	[spmem:s2] =	stream.indirect.scatter.add.f32 [tilespmem:s29], [sflag:$0x3], $0x20, s9, s25, $0xb8;
	[tilespmem:$0x1CC00] =	vst v63  }
0xf0: {  	_ =	swait.ge [sflag:s15], $0x1000  }
0xf1: {  	[sflag:s15] =	ssyncset.done $0x0  }
0xf2: {  	[sflag:s15] =	ssyncadd.s32 $0xFFFFF000  }
0xf3: {  	_ =	swait.ge [sflag:s10], $0x2000  }
0xf4: {  	[sflag:s10] =	ssyncset.done $0x0  }
0xf5: {  	[sflag:s10] =	ssyncadd.s32 $0xFFFFE000  }
0xf6: {  	[spmem:s2] =	stream.indirect.scatter.add.f32 [tilespmem:s0], [sflag:$0x3], $0x20, s31, s25, $0xb8;
	[tilespmem:$0x1CC00] =	vst v63  }
0xf7: {  	_ =	swait.ge [sflag:s15], $0x1000  }
0xf8: {  	[sflag:s15] =	ssyncset.done $0x0  }
0xf9: {  	[sflag:s15] =	ssyncadd.s32 $0xFFFFF000  }
0xfa: {  	[spmem:s2] =	stream.indirect.scatter.add.f32 [tilespmem:s7], [sflag:$0x3], $0x20, s16, s25, $0xb8;
	[tilespmem:$0x1CC00] =	vst v63  }
0xfb: {  	_ =	swait.ge [sflag:s15], $0x1000  }
0xfc: {  	s18 =	simm.s32 $0x40;
	s19 =	simm.s32 $0x80;
	[sflag:s15] =	ssyncset.done $0x0  }
.LBB2_3:
0xfd: {  	s21 =	sadd.s32 s18, s12  }
0xfe: {  	[sflag:s15] =	ssyncadd.s32 $0xFFFFF000;
	s22 =	smov.u32 s19;
	s20 =	sadd.s32 $0x40, s19  }
0xff: {  	[tilespmem:s23], [sflag:$0x3] =	stream.linear.gather [hbm4b:s21+s3], $0x100, $0x38;
	[tilespmem:$0x1CC00] =	vst v63  }
0x100: {  	p1 =	seq.s32 s19, $0x1840;
	_ =	swait.ge [sflag:s15], $0x100  }
0x101: {  	[sflag:s15] =	ssyncset.done $0x0  }
0x102: {  	s19 =	sadd.s32 s18, s13;
	s18 =	smov.u32 s22;
	[sflag:s15] =	ssyncadd.s32 $0xFFFFFF00  }
0x103: {  	[tilespmem:s24], [sflag:$0x3] =	stream.linear.gather [hbm4b:s19+s3], $0x100, $0x38;
	[tilespmem:$0x1CC00] =	vst v63  }
0x104: {  	_ =	swait.ge [sflag:s15], $0x100  }
0x105: {  	[sflag:s15] =	ssyncset.done $0x0  }
0x106: {  	[sflag:s15] =	ssyncadd.s32 $0xFFFFFF00  }
0x107: {  	[tilespmem:s26], [sflag:$0x1] =	stream.indirect.gather [hbm4b:s4+s25], $0x20, s23, s25, $0xb8;
	[tilespmem:$0x1CC00] =	vst v63  }
0x108: {  	_ = 	snop  }
0x109: {  	[tilespmem:s29], [sflag:$0x1] =	stream.indirect.gather [hbm4b:s4+s25], $0x20, s28, s25, $0xb8;
	[tilespmem:$0x1CC00] =	vst v63  }
0x10a: {  	s21 =	sadd.s32 $0x20, s21  }
0x10b: {  	[tilespmem:s30], [sflag:$0x3] =	stream.linear.gather [hbm4b:s21+s3], $0x100, $0x38;
	[tilespmem:$0x1CC00] =	vst v63  }
0x10c: {  	_ =	swait.ge [sflag:s15], $0x100  }
0x10d: {  	[sflag:s15] =	ssyncset.done $0x0  }
0x10e: {  	s19 =	sadd.s32 $0x20, s19;
	[sflag:s15] =	ssyncadd.s32 $0xFFFFFF00  }
0x10f: {  	[tilespmem:s31], [sflag:$0x3] =	stream.linear.gather [hbm4b:s19+s3], $0x100, $0x38;
	[tilespmem:$0x1CC00] =	vst v63  }
0x110: {  	_ =	swait.ge [sflag:s15], $0x100  }
0x111: {  	[sflag:s15] =	ssyncset.done $0x0  }
0x112: {  	[sflag:s15] =	ssyncadd.s32 $0xFFFFFF00  }
0x113: {  	[tilespmem:s0], [sflag:$0x2] =	stream.indirect.gather [hbm4b:s4+s25], $0x20, s30, s25, $0xb8;
	[tilespmem:$0x1CC00] =	vst v63  }
0x114: {  	_ = 	snop  }
0x115: {  	[tilespmem:s7], [sflag:$0x2] =	stream.indirect.gather [hbm4b:s4+s25], $0x20, s1, s25, $0xb8;
	[tilespmem:$0x1CC00] =	vst v63  }
0x116: {  	_ =	swait.ge [sflag:s8], $0x2000  }
0x117: {  	[sflag:s8] =	ssyncset.done $0x0  }
0x118: {  	[sflag:s8] =	ssyncadd.s32 $0xFFFFE000  }
0x119: {  	[spmem:s2] =	stream.indirect.scatter.add.f32 [tilespmem:s26], [sflag:$0x3], $0x20, s24, s25, $0xb8;
	[tilespmem:$0x1CC00] =	vst v63  }
0x11a: {  	_ =	swait.ge [sflag:s15], $0x1000  }
0x11b: {  	[sflag:s15] =	ssyncset.done $0x0  }
0x11c: {  	[sflag:s15] =	ssyncadd.s32 $0xFFFFF000  }
0x11d: {  	[spmem:s2] =	stream.indirect.scatter.add.f32 [tilespmem:s29], [sflag:$0x3], $0x20, s9, s25, $0xb8;
	[tilespmem:$0x1CC00] =	vst v63  }
0x11e: {  	_ =	swait.ge [sflag:s15], $0x1000  }
0x11f: {  	[sflag:s15] =	ssyncset.done $0x0  }
0x120: {  	[sflag:s15] =	ssyncadd.s32 $0xFFFFF000  }
0x121: {  	_ =	swait.ge [sflag:s10], $0x2000  }
0x122: {  	[sflag:s10] =	ssyncset.done $0x0  }
0x123: {  	[sflag:s10] =	ssyncadd.s32 $0xFFFFE000  }
0x124: {  	[spmem:s2] =	stream.indirect.scatter.add.f32 [tilespmem:s0], [sflag:$0x3], $0x20, s31, s25, $0xb8;
	[tilespmem:$0x1CC00] =	vst v63  }
0x125: {  	_ =	swait.ge [sflag:s15], $0x1000  }
.Ltmp5:
0x126: {  	[sflag:s15] =	ssyncset.done $0x0;
	(pc) =	sbr.rel @!p1 .LBB2_3-.Ltmp5, $4  }
0x127: {  	[sflag:s15] =	ssyncadd.s32 $0xFFFFF000  }
0x128: {  	[spmem:s2] =	stream.indirect.scatter.add.f32 [tilespmem:s7], [sflag:$0x3], $0x20, s16, s25, $0xb8;
	[tilespmem:$0x1CC00] =	vst v63  }
0x129: {  	_ =	swait.ge [sflag:s15], $0x1000  }
0x12a: {  	s19 =	smov.u32 s20;
	[sflag:s15] =	ssyncset.done $0x0  }
0x12b: {  	s19 =	sadd.s32 s18, s12;
	[sflag:s15] =	ssyncadd.s32 $0xFFFFF000  }
0x12c: {  	[tilespmem:s23], [sflag:$0x3] =	stream.linear.gather [hbm4b:s19+s3], $0x100, $0x38;
	[tilespmem:$0x1CC00] =	vst v63  }
0x12d: {  	_ =	swait.ge [sflag:s15], $0x100  }
0x12e: {  	[sflag:s15] =	ssyncset.done $0x0  }
0x12f: {  	s22 =	sadd.s32 s18, s13;
	[sflag:s15] =	ssyncadd.s32 $0xFFFFFF00  }
0x130: {  	[tilespmem:s24], [sflag:$0x3] =	stream.linear.gather [hbm4b:s22+s3], $0x100, $0x38;
	[tilespmem:$0x1CC00] =	vst v63  }
0x131: {  	_ =	swait.ge [sflag:s15], $0x100  }
0x132: {  	[sflag:s15] =	ssyncset.done $0x0  }
0x133: {  	[sflag:s15] =	ssyncadd.s32 $0xFFFFFF00  }
0x134: {  	[tilespmem:s26], [sflag:$0x1] =	stream.indirect.gather [hbm4b:s4+s25], $0x20, s23, s25, $0xb8;
	[tilespmem:$0x1CC00] =	vst v63  }
0x135: {  	_ = 	snop  }
0x136: {  	[tilespmem:s29], [sflag:$0x1] =	stream.indirect.gather [hbm4b:s4+s25], $0x20, s28, s25, $0xb8;
	[tilespmem:$0x1CC00] =	vst v63  }
0x137: {  	s19 =	sadd.s32 $0x20, s19  }
0x138: {  	[tilespmem:s30], [sflag:$0x3] =	stream.linear.gather [hbm4b:s19+s3], $0x100, $0x38;
	[tilespmem:$0x1CC00] =	vst v63  }
0x139: {  	_ =	swait.ge [sflag:s15], $0x100  }
0x13a: {  	[sflag:s15] =	ssyncset.done $0x0  }
0x13b: {  	s18 =	sadd.s32 $0x20, s22;
	[sflag:s15] =	ssyncadd.s32 $0xFFFFFF00  }
0x13c: {  	[tilespmem:s31], [sflag:$0x3] =	stream.linear.gather [hbm4b:s18+s3], $0x100, $0x38;
	[tilespmem:$0x1CC00] =	vst v63  }
0x13d: {  	_ =	swait.ge [sflag:s15], $0x100  }
0x13e: {  	[sflag:s15] =	ssyncset.done $0x0  }
0x13f: {  	[sflag:s15] =	ssyncadd.s32 $0xFFFFFF00  }
0x140: {  	[tilespmem:s0], [sflag:$0x2] =	stream.indirect.gather [hbm4b:s4+s25], $0x20, s30, s25, $0xb8;
	[tilespmem:$0x1CC00] =	vst v63  }
0x141: {  	_ = 	snop  }
0x142: {  	[tilespmem:s7], [sflag:$0x2] =	stream.indirect.gather [hbm4b:s4+s25], $0x20, s1, s25, $0xb8;
	[tilespmem:$0x1CC00] =	vst v63  }
0x143: {  	_ =	swait.ge [sflag:s8], $0x2000  }
0x144: {  	[sflag:s8] =	ssyncset.done $0x0  }
0x145: {  	[sflag:s8] =	ssyncadd.s32 $0xFFFFE000  }
0x146: {  	[spmem:s2] =	stream.indirect.scatter.add.f32 [tilespmem:s26], [sflag:$0x3], $0x20, s24, s25, $0xb8;
	[tilespmem:$0x1CC00] =	vst v63  }
0x147: {  	_ =	swait.ge [sflag:s15], $0x1000  }
0x148: {  	[sflag:s15] =	ssyncset.done $0x0  }
0x149: {  	[sflag:s15] =	ssyncadd.s32 $0xFFFFF000  }
0x14a: {  	[spmem:s2] =	stream.indirect.scatter.add.f32 [tilespmem:s29], [sflag:$0x3], $0x20, s9, s25, $0xb8;
	[tilespmem:$0x1CC00] =	vst v63  }
0x14b: {  	_ =	swait.ge [sflag:s15], $0x1000  }
0x14c: {  	[sflag:s15] =	ssyncset.done $0x0  }
0x14d: {  	[sflag:s15] =	ssyncadd.s32 $0xFFFFF000  }
0x14e: {  	_ =	swait.ge [sflag:s10], $0x2000  }
0x14f: {  	[sflag:s10] =	ssyncset.done $0x0  }
0x150: {  	[sflag:s10] =	ssyncadd.s32 $0xFFFFE000  }
0x151: {  	[spmem:s2] =	stream.indirect.scatter.add.f32 [tilespmem:s0], [sflag:$0x3], $0x20, s31, s25, $0xb8;
	[tilespmem:$0x1CC00] =	vst v63  }
0x152: {  	_ =	swait.ge [sflag:s15], $0x1000  }
0x153: {  	[sflag:s15] =	ssyncset.done $0x0  }
.Ltmp6:
0x154: {  	[sflag:s15] =	ssyncadd.s32 $0xFFFFF000;
	(pc) =	sbr.rel .LBB2_8-.Ltmp6, $4  }
0x155: {  	[spmem:s2] =	stream.indirect.scatter.add.f32 [tilespmem:s7], [sflag:$0x3], $0x20, s16, s25, $0xb8;
	[tilespmem:$0x1CC00] =	vst v63  }
0x156: {  	_ =	swait.ge [sflag:s15], $0x1000  }
0x157: {  	[sflag:s15] =	ssyncset.done $0x0  }
0x158: {  	s18 =	rddreg [dreg:$0x3];
	[sflag:s15] =	ssyncadd.s32 $0xFFFFF000  }
.LBB2_9:
0x159: {  	_ =	sfence.sel $0x180000  }
0x15a: {  	[bflag:$0x0] =	sbarrier.arrive $0xFFFF  }
0x15b: {  	_ =	strace $0x9000004D  }
0x15c: {  	s0 =	stileid.u32;
	[bflag:$0x2] =	sbarrier.arrive $0xFFFF  }
0x15d: {  	p0 =	sne.s32 s0, $0x0;
	s0 =	rddreg [dreg:$0x2]  }
0x15e: {  	s0 =	sadd.s32 @!p0 $0x100000, s0  }
0x15f: {  	[sflag:s0] =	ssyncadd.tile.s32 @!p0 $0x1;
	_ =	shalt  }
.Lfunc_end2:
_tile_overlayer_lowered:
.L_overlay_start_2:
0x160: {  	(tag) =	ssettag $0x2  }
0x161: {  	s0 =	rddreg [dreg:$0x0];
	s2 =	stileid.u32  }
0x162: {  	s1 =	rddreg [dreg:$0x1];
	p0 =	sne.s32 s2, $0x0  }
0x163: {  	s3 =	rddreg [dreg:$0x2];
	[bflag:$0x3] =	sbarrier.arrive $0xFFFF;
	s2 =	simm.s32 @!p0 $0x1C03  }
0x164: {  	[timem:s3], [sflag:s2] =	dma.local @!p0 [hbm:s0], s1  }
0x165: {  	s0 =	simm.s32 @!p0 $0x3  }
0x166: {  	_ =	swait.ge @!p0 [sflag:s0], s1  }
0x167: {  	s1 =	ssub.s32 @!p0 $0x0, s1;
	[sflag:s0] =	ssyncset.done @!p0 $0x0  }
0x168: {  	[sflag:s0] =	ssyncadd.s32 @!p0 s1  }
0x169: {  	[bflag:$0x3] =	sbarrier.arrive $0xFFFF  }
0x16a: {  	_ =	shalt  }

// kernel: kernel.7.cloned.1.call-start
scs
__scs_entry_jumppad:
0x0: {  	(pc) =	sbr.rel $0x88, $3  }
0x1: {  	(tag) =	ssettag $0x0;
	lr =	simm.s32 $0x1  }
0x2: {  	[smem:$0x3F95] =	sst lr;
	_ =	strace $0xD0000000  }
0x3: {  	_ = 	snop  }
0x4: {  	_ = 	snop  }
0x5: {  	_ = 	snop  }
0x6: {  	_ = 	snop  }
0x7: {  	_ = 	snop  }
__scs_overlays_trampoline_lowered:
0x8: {  	[smem:$0x3FA4] =	sst s0  }
0x9: {  	[smem:$0x3FA5] =	sst s1  }
0xa: {  	[smem:$0x3FA6] =	sst s2  }
0xb: {  	[smem:$0x3FA7] =	sst s3  }
0xc: {  	[smem:$0x3FA8] =	sst s4  }
0xd: {  	[smem:$0x3FA9] =	sst s5  }
0xe: {  	[smem:$0x3FAA] =	sst s6  }
0xf: {  	[smem:$0x3FAB] =	sst s7  }
0x10: {  	[smem:$0x3FAC] =	sst s8  }
0x11: {  	[smem:$0x3FAD] =	sst s9;
	s0 =	simm.s32 @!p0 $0x0  }
0x12: {  	s1 =	sld [smem:$0x3F93];
	s0 =	simm.s32 @p0 $0x1  }
0x13: {  	[smem:$0x3FAE] =	sst s0;
	s0 =	simm.s32 @!p1 $0x0  }
0x14: {  	s2 =	sld [smem:$0x3F92];
	s0 =	simm.s32 @p1 $0x1  }
0x15: {  	[smem:$0x3FAF] =	sst s0;
	s0 =	simm.s32 @!p2 $0x0  }
0x16: {  	s3 =	sld [smem:$0x3FDB];
	s0 =	simm.s32 @p2 $0x1  }
0x17: {  	s4 =	simm.s32 $0x1BF5;
	[smem:$0x3FB1] =	sst s0  }
0x18: {  	s0 =	sld [smem:$0x3F94];
	_ =	swait.ge [sflag:s4], $0x0  }
0x19: {  	s7 =	sld [smem:$0x3F95]  }
0x1a: {  	s8 =	sadd.s32 $0xFFFFE003, lr  }
0x1b: {  	s9 =	sadd.s32 $0xFFFFFEF7, lr;
	s5 =	simm.s32 $0xFFFFFFFF;
	p2 =	slt.u32 s8, $0xFFFFF086  }
0x1c: {  	p1 =	slt.u32 s9, $0xF7A;
	s5 =	simm.s32 @!p2 $0x0  }
0x1d: {  	s5 =	simm.s32 @p1 $0x1;
	p0 =	seq.s32 s7, s2  }
0x1e: {  	s7 =	smul.u32 @!p0 $0xF7A, s2;
	p2 =	seq.s32 @!p0 s5, $0x0  }
0x1f: {  	s9 =	smul.u32 $0xF7A, s1;
	s8 =	simm.s32 @!p0 $0x1BF5;
	p2 =	por !p2, p0  }
0x20: {  	[sflag:s8] =	ssyncset.s32 @!p0 $0xFFFFF086;
	s6 =	sadd.s32 @!p0 s3, s7;
	s7 =	simm.s32 @!p0 $0x108  }
0x21: {  	s3 =	sadd.s32 s3, s9;
	s6 =	sadd.s32 @!p0 $0x88, s6;
	s7 =	simm.s32 @p2 $0x1082  }
0x22: {  	[simem:s7], [sflag:s8] =	dma.local @!p0 [hbm:s6], $0xF7A  }
0x23: {  	s9 =	sor.u32 $0xD0000000, s2;
	s6 =	simm.s32 $0x108;
	_ =	swait.ge @!p0 [sflag:s8], $0x0  }
0x24: {  	s3 =	sadd.s32 $0x88, s3;
	s6 =	simm.s32 @!p1 $0x1082;
	[sflag:s4] =	ssyncset.s32 $0xFFFFF086  }
0x25: {  	[simem:s6], [sflag:s4] =	dma.local [hbm:s3], $0xF7A  }
0x26: {  	[smem:$0x3F95] =	sst s1;
	(tag) =	ssettag s2;
	_ =	strace s9  }
0x27: {  	s1 =	sld [smem:$0x3FA5]  }
0x28: {  	s2 =	sld [smem:$0x3FA6]  }
0x29: {  	s4 =	sld [smem:$0x3FA8]  }
0x2a: {  	p0 =	seq.s32 s5, $0x0;
	s5 =	sld [smem:$0x3FA9]  }
0x2b: {  	s6 =	sld [smem:$0x3FAA]  }
0x2c: {  	s7 =	sld [smem:$0x3FAB]  }
0x2d: {  	s3 =	simm.s32 $0x108;
	s8 =	sld [smem:$0x3FAC]  }
0x2e: {  	s3 =	simm.s32 @!p0 $0x1082;
	s9 =	sld [smem:$0x3FAD]  }
0x2f: {  	lr =	sadd.s32 s0, s3;
	s0 =	sld [smem:$0x3FA4]  }
0x30: {  	s3 =	sld [smem:$0x3FA7]  }
0x31: {  	[smem:$0x3FB0] =	sst s10  }
0x32: {  	s10 =	sld [smem:$0x3FAE];
	_ =	sdelay $0x3  }
0x33: {  	p0 =	seq.s32 s10, $0x1;
	s10 =	sld [smem:$0x3FB0];
	_ =	sdelay $0x3  }
0x34: {  	[smem:$0x3FB0] =	sst s10  }
0x35: {  	s10 =	sld [smem:$0x3FAF];
	_ =	sdelay $0x3  }
0x36: {  	p1 =	seq.s32 s10, $0x1;
	s10 =	sld [smem:$0x3FB0];
	_ =	sdelay $0x3  }
0x37: {  	[smem:$0x3FB0] =	sst s10  }
0x38: {  	s10 =	sld [smem:$0x3FB1]  }
0x39: {  	_ = 	snop;
	(pc) =	sbr.ind lr, $3  }
0x3a: {  	_ = 	snop  }
0x3b: {  	_ = 	snop  }
0x3c: {  	p2 =	seq.s32 s10, $0x1;
	s10 =	sld [smem:$0x3FB0]  }
0x3d: {  	_ =	shalt  }
0x3e: {  	_ =	shalt  }
0x3f: {  	_ =	shalt  }
0x40: {  	_ =	shalt  }
0x41: {  	_ =	shalt  }
0x42: {  	_ =	shalt  }
0x43: {  	_ =	shalt  }
0x44: {  	_ =	shalt  }
0x45: {  	_ =	shalt  }
0x46: {  	_ =	shalt  }
0x47: {  	_ =	shalt  }
0x48: {  	_ =	shalt  }
0x49: {  	_ =	shalt  }
0x4a: {  	_ =	shalt  }
0x4b: {  	_ =	shalt  }
0x4c: {  	_ =	shalt  }
0x4d: {  	_ =	shalt  }
0x4e: {  	_ =	shalt  }
0x4f: {  	_ =	shalt  }
0x50: {  	_ =	shalt  }
0x51: {  	_ =	shalt  }
0x52: {  	_ =	shalt  }
0x53: {  	_ =	shalt  }
0x54: {  	_ =	shalt  }
0x55: {  	_ =	shalt  }
0x56: {  	_ =	shalt  }
0x57: {  	_ =	shalt  }
0x58: {  	_ =	shalt  }
0x59: {  	_ =	shalt  }
0x5a: {  	_ =	shalt  }
0x5b: {  	_ =	shalt  }
0x5c: {  	_ =	shalt  }
0x5d: {  	_ =	shalt  }
0x5e: {  	_ =	shalt  }
0x5f: {  	_ =	shalt  }
0x60: {  	_ =	shalt  }
0x61: {  	_ =	shalt  }
0x62: {  	_ =	shalt  }
0x63: {  	_ =	shalt  }
0x64: {  	_ =	shalt  }
0x65: {  	_ =	shalt  }
0x66: {  	_ =	shalt  }
0x67: {  	_ =	shalt  }
0x68: {  	_ =	shalt  }
0x69: {  	_ =	shalt  }
0x6a: {  	_ =	shalt  }
0x6b: {  	_ =	shalt  }
0x6c: {  	_ =	shalt  }
0x6d: {  	_ =	shalt  }
0x6e: {  	_ =	shalt  }
0x6f: {  	_ =	shalt  }
0x70: {  	_ =	shalt  }
0x71: {  	_ =	shalt  }
0x72: {  	_ =	shalt  }
0x73: {  	_ =	shalt  }
0x74: {  	_ =	shalt  }
0x75: {  	_ =	shalt  }
0x76: {  	_ =	shalt  }
0x77: {  	_ =	shalt  }
0x78: {  	_ =	shalt  }
0x79: {  	_ =	shalt  }
0x7a: {  	_ =	shalt  }
0x7b: {  	_ =	shalt  }
0x7c: {  	_ =	shalt  }
0x7d: {  	_ =	shalt  }
0x7e: {  	_ =	shalt  }
0x7f: {  	_ =	shalt  }
0x80: {  	_ =	shalt  }
0x81: {  	_ =	shalt  }
0x82: {  	_ =	shalt  }
0x83: {  	_ =	shalt  }
0x84: {  	_ =	shalt  }
0x85: {  	_ =	shalt  }
0x86: {  	_ =	shalt  }
0x87: {  	_ =	shalt  }
.Lfunc_end0:
.L_simem_size_0:
called_computation_lowered:
.L_overlay_start_0:
0x88: {  	s2 =	sld [smem:$0x3FD9]  }
0x89: {  	s3 =	sld [smem:$0x3FFE];
	_ =	sdelay $0x1  }
0x8a: {  	s1 =	srdreg.scid  }
0x8b: {  	s0 =	sand.u32 $0x1, s1  }
0x8c: {  	s17 =	sshll.u32 s0, $0xA;
	s2 =	sadd.s32 s3, s2  }
0x8d: {  	s2 =	sadd.s32 s2, s17  }
0x8e: {  	[smem:$0x3FBC] =	sst s2  }
0x8f: {  	_ = 	snop  }
0x90: {  	s2 =	sld [smem:$0x3FD0];
	(tm) =	ssettm $0x1  }
0x91: {  	s18 =	sld [smem:$0x3FFB];
	_ =	sdelay $0x3  }
0x92: {  	_ =	strace s18  }
0x93: {  	s3 =	sld [smem:$0x3FFC];
	_ =	sdelay $0x3  }
0x94: {  	_ =	strace s3  }
0x95: {  	s3 =	sld [smem:$0x3FFD];
	_ =	sdelay $0x3  }
0x96: {  	_ =	strace s3  }
0x97: {  	_ =	strace $0x8FFFFFFF  }
0x98: {  	s19 =	sld [smem:$0x3FDB];
	_ =	sdelay $0x1  }
0x99: {  	s4 =	simm.s32 $_scs_section_size  }
0x9a: {  	s5 =	simm.s32 $_size__tile_overlayer_lowered;
	s6 =	simm.s32 $_tile_overlayer_lowered  }
0x9b: {  	s22 =	simm.s32 $0x1BFF;
	s21 =	sshll.u32 s6, $0x1;
	s3 =	sadd.s32 s4, s19  }
0x9c: {  	s7 =	simm.s32 $0x0;
	s20 =	sshll.u32 s5, $0x1;
	s5 =	sadd.s32 s21, s3  }
0x9d: {  	[timem:s7], [sflag:s22] =	dma.local [hbm:s5], s20  }
0x9e: {  	_ =	swait.ge [sflag:s22], s20  }
0x9f: {  	s4 =	ssub.s32 $0x0, s20;
	[sflag:s22] =	ssyncset.done $0x0  }
0xa0: {  	[sflag:s22] =	ssyncadd.s32 s4;
	_ =	sdelay $0x1  }
0xa1: {  	s23 =	simm.s32 $0x1B8B  }
0xa2: {  	_ =	swait.ge [sflag:s23], $0x1  }
0xa3: {  	[sflag:s23] =	ssyncset.done $0x0  }
0xa4: {  	s25 =	simm.s32 $0x1B8E;
	s24 =	sld [smem:$0x3FFE];
	[sflag:s23] =	ssyncadd.s32 $0xFFFFFFFF  }
0xa5: {  	s26 =	simm.s32 $execute0_lowered;
	[smem:$0x3FD2] =	sst s25  }
0xa6: {  	s5 =	sshll.u32 s26, $0x1;
	_ =	strace $0x80000046;
	[dreg:$0x1] =	wrdreg $0xFFFFFFFF  }
0xa7: {  	s28 =	simm.s32 $_size_execute0_lowered;
	s3 =	sadd.s32 s3, s5;
	[dreg:$0x0] =	wrdreg $0x0  }
0xa8: {  	s5 =	sshll.u32 s28, $0x1;
	[dreg:$0x2] =	wrdreg s3  }
0xa9: {  	[dreg:$0x3] =	wrdreg s5  }
0xaa: {  	[dreg:$0x4] =	wrdreg $0xC0  }
0xab: {  	_ =	task [dreg:s7], $0x5FFFF  }
0xac: {  	[dreg:$0x1] =	wrdreg $0xFFFFFFFF  }
0xad: {  	[dreg:$0x0] =	wrdreg $0x60  }
0xae: {  	[dreg:$0x2] =	wrdreg s24  }
0xaf: {  	[dreg:$0x3] =	wrdreg s2  }
0xb0: {  	[dreg:$0x4] =	wrdreg $0x0  }
0xb1: {  	[dreg:$0x5] =	wrdreg $0x9  }
0xb2: {  	_ =	task.clear_ibuf [dreg:s7], $0x6FFFF;
	_ =	strace $0x90000046  }
0xb3: {  	s29 =	simm.s32 $0x9;
	_ =	strace $0x80000048  }
0xb4: {  	_ =	swait.ge [sflag:s29], $0x1  }
0xb5: {  	[sflag:s29] =	ssyncadd.s32 $0xFFFFFFFF  }
0xb6: {  	_ =	strace $0x90000048  }
0xb7: {  	_ =	sfence  }
0xb8: {  	s30 =	sld [smem:$0x0];
	_ =	sdelay $0x2  }
0xb9: {  	s31 =	sshll.u32 s1, $0xD;
	s1 =	sshrl.u32 s1, $0x2  }
0xba: {  	s3 =	sand.u32 $0x4000, s31;
	s1 =	sadd.s32 s1, s30  }
0xbb: {  	s0 =	sor.u32 s3, s0;
	s1 =	sshll.u32 s1, $0x11  }
0xbc: {  	s0 =	sor.u32 s1, s0  }
0xbd: {  	s0 =	sadd.s32 $0x8F2B, s0  }
0xbe: {  	[sflag:s0] =	ssyncadd.remote.s32 $0x1  }
0xbf: {  	_ =	sfence.sel $0xFFFF  }
0xc0: {  	[dreg:$0x0] =	wrdreg $0xFFFFFFFF;
	(pc) =	sbr.abs _section_cstart, $3  }
0xc1: {  	[dreg:$0x1] =	wrdreg $0xFFFFFFFF  }
0xc2: {  	_ =	task.clear_ibuf [dreg:s7], $0x2FFFF;
	_ =	strace $0x9FFFFFFF  }
0xc3: {  	(tm) =	ssettm $0x7FFFFFFF  }
tec
execute0_lowered:
.L_overlay_start_1:
0x0: {  	(tag) =	ssettag $0x1  }
0x1: {  	s7 =	rddreg [dreg:$0x0]  }
0x2: {  	s2 =	rddreg [dreg:$0x1]  }
0x3: {  	s3 =	rddreg [dreg:$0x2]  }
0x4: {  	s0 =	rddreg [dreg:$0x3]  }
0x5: {  	s4 =	simm.s32 $0x0;
	s1 =	stileid.u32;
	s5 =	srdreg.scid  }
0x6: {  	s13 =	simm.s32 $0xEC0;
	s14 =	simm.s32 $0x1;
	s15 =	simm.s32 $0xE40  }
0x7: {  	s16 =	simm.s32 $0xC40;
	s17 =	simm.s32 $0x80;
	s18 =	simm.s32 $0xCC0  }
0x8: {  	s19 =	simm.s32 $0xD40;
	s20 =	simm.s32 $0xDC0;
	s21 =	simm.s32 $0x0  }
0x9: {  	[smem:$0x7FF] =	sst s4;
	s9 =	smul.u32 $0xC40, s1;
	s8 =	sand.u32 $0x1, s5  }
.Ltmp0:
0xa: {  	s5 =	sadd.s32 $0x1AC00, s7;
	s6 =	sadd.s32 $0x1AE00, s7;
	(pc) =	sbr.rel .LBB2_1-.Ltmp0, $4  }
0xb: {  	_ =	strace $0x80000047;
	s10 =	ssub.s32 $0x2, s8;
	p0 =	seq.s32 s8, $0x1  }
0xc: {  	s12 =	sadd.s32 s9, s7;
	s11 =	sshrl.u32 s10, $0x1;
	s7 =	sadd.s32 $0x1C800, s7  }
0xd: {  	s8 =	sadd.s32 s9, s3;
	s9 =	sshrl.u32 s9, $0x3;
	s10 =	ssub.s32 s10, s11  }
0xe: {  	s11 =	sadd.s32 $0x2400, s12;
	s12 =	sadd.s32 $0xE800, s12;
	s10 =	smax.u32 s10, $0x1  }
.LBB2_7:
0xf: {  	s22 =	sadd.s32 s22, s12;
	[sflag:s14] =	ssyncadd.s32 $0xFFFFFF80  }
0x10: {  	[tilespmem:s16], [sflag:$0x1] =	stream.linear.gather [hbm4b:s22+s4], $0x200, $0x38;
	[tilespmem:$0x1B00] =	vst v63  }
0x11: {  	_ =	swait.ge [sflag:s14], $0x200  }
0x12: {  	[sflag:s14] =	ssyncset.done $0x0  }
0x13: {  	[sflag:s14] =	ssyncadd.s32 $0xFFFFFE00  }
0x14: {  	[spmem:s3] =	stream.indirect.scatter.add.f32 [tilespmem:s15], [sflag:$0x1], $0x1, s16, s17, $0xb8;
	[tilespmem:$0x1B00] =	vst v63  }
0x15: {  	_ =	swait.ge [sflag:s14], $0x80  }
0x16: {  	[sflag:s14] =	ssyncset.done $0x0  }
0x17: {  	[sflag:s14] =	ssyncadd.s32 $0xFFFFFF80  }
0x18: {  	[spmem:s3] =	stream.indirect.scatter.add.f32 [tilespmem:s15], [sflag:$0x1], $0x1, s18, s17, $0xb8;
	[tilespmem:$0x1B00] =	vst v63  }
0x19: {  	_ =	swait.ge [sflag:s14], $0x80  }
0x1a: {  	[sflag:s14] =	ssyncset.done $0x0  }
0x1b: {  	[sflag:s14] =	ssyncadd.s32 $0xFFFFFF80  }
0x1c: {  	[spmem:s3] =	stream.indirect.scatter.add.f32 [tilespmem:s15], [sflag:$0x1], $0x1, s19, s17, $0xb8;
	[tilespmem:$0x1B00] =	vst v63  }
0x1d: {  	_ =	swait.ge [sflag:s14], $0x80  }
0x1e: {  	[sflag:s14] =	ssyncset.done $0x0  }
0x1f: {  	[sflag:s14] =	ssyncadd.s32 $0xFFFFFF80  }
0x20: {  	[spmem:s3] =	stream.indirect.scatter.add.f32 [tilespmem:s15], [sflag:$0x1], $0x1, s20, s17, $0xb8;
	[tilespmem:$0x1B00] =	vst v63  }
0x21: {  	_ =	swait.ge [sflag:s14], $0x80  }
0x22: {  	[sflag:s14] =	ssyncset.done $0x0  }
0x23: {  	s22 =	smov.u32 s7;
	[sflag:s14] =	ssyncadd.s32 $0xFFFFFF80  }
.LBB2_8:
0x24: {  	[bflag:$0x0] =	sbarrier.arrive $0xFFFF  }
0x25: {  	[tilespmem:s13], [sflag:$0x1] =	stream.linear.gather [spmem:s8], $0xC40, $0x38;
	[tilespmem:$0x1B00] =	vst v63  }
0x26: {  	s21 =	sadd.s32 $0x1, s21;
	_ =	swait.ge [sflag:s14], $0xC40  }
0x27: {  	p1 =	sne.s32 s21, s10;
	[sflag:s14] =	ssyncset.done $0x0  }
.Ltmp1:
0x28: {  	s22 =	sadd.s32 s22, s9;
	[sflag:s14] =	ssyncadd.s32 $0xFFFFF3C0;
	(pc) =	sbr.rel @!p1 .LBB2_9-.Ltmp1, $4  }
0x29: {  	[hbm4b:s22+s4] =	stream.linear.scatter [tilespmem:s13], [sflag:$0x1], $0xC40, $0x38;
	[tilespmem:$0x1B00] =	vst v63  }
0x2a: {  	_ =	swait.ge [sflag:s14], $0xC40  }
0x2b: {  	[sflag:s14] =	ssyncset.done $0x0  }
0x2c: {  	[sflag:s14] =	ssyncadd.s32 $0xFFFFF3C0  }
.LBB2_1:
0x2d: {  	[tilespmem:s13], [sflag:$0x1] =	stream.linear.gather [hbm4b:s5+s4], $0xC40, $0x38;
	[tilespmem:$0x1B00] =	vst v63  }
0x2e: {  	_ =	swait.ge [sflag:s14], $0xC40  }
0x2f: {  	[sflag:s14] =	ssyncset.done $0x0  }
0x30: {  	[sflag:s14] =	ssyncadd.s32 $0xFFFFF3C0  }
0x31: {  	[spmem:s8] =	stream.linear.scatter [tilespmem:s13], [sflag:$0x1], $0xC40, $0x38;
	[tilespmem:$0x1B00] =	vst v63  }
0x32: {  	_ =	swait.ge [sflag:s14], $0xC40  }
0x33: {  	[sflag:s14] =	ssyncset.done $0x0  }
0x34: {  	[sflag:s14] =	ssyncadd.s32 $0xFFFFF3C0  }
0x35: {  	[tilespmem:s15], [sflag:$0x1] =	stream.linear.gather [hbm4b:s2+s4], $0x80, $0x38;
	[tilespmem:$0x1B00] =	vst v63  }
.Ltmp2:
0x36: {  	_ =	swait.ge [sflag:s14], $0x80;
	(pc) =	sbr.rel @!p0 .LBB2_2-.Ltmp2, $3  }
0x37: {  	[sflag:s14] =	ssyncset.done $0x0  }
0x38: {  	[sflag:s14] =	ssyncadd.s32 $0xFFFFFF80  }
0x39: {  	[bflag:$0x0] =	sbarrier.arrive $0xFFFF;
	_ =	sdelay $0x1  }
0x3a: {  	s22 =	sadd.s32 $0x0, s12  }
0x3b: {  	[tilespmem:s16], [sflag:$0x1] =	stream.linear.gather [hbm4b:s22+s4], $0x200, $0x38;
	[tilespmem:$0x1B00] =	vst v63  }
0x3c: {  	_ =	swait.ge [sflag:s14], $0x200  }
0x3d: {  	[sflag:s14] =	ssyncset.done $0x0  }
0x3e: {  	[sflag:s14] =	ssyncadd.s32 $0xFFFFFE00  }
0x3f: {  	[spmem:s3] =	stream.indirect.scatter.add.f32 [tilespmem:s15], [sflag:$0x1], $0x1, s16, s17, $0xb8;
	[tilespmem:$0x1B00] =	vst v63  }
0x40: {  	_ =	swait.ge [sflag:s14], $0x80  }
0x41: {  	[sflag:s14] =	ssyncset.done $0x0  }
0x42: {  	[sflag:s14] =	ssyncadd.s32 $0xFFFFFF80  }
0x43: {  	[spmem:s3] =	stream.indirect.scatter.add.f32 [tilespmem:s15], [sflag:$0x1], $0x1, s18, s17, $0xb8;
	[tilespmem:$0x1B00] =	vst v63  }
0x44: {  	_ =	swait.ge [sflag:s14], $0x80  }
0x45: {  	[sflag:s14] =	ssyncset.done $0x0  }
0x46: {  	[sflag:s14] =	ssyncadd.s32 $0xFFFFFF80  }
0x47: {  	[spmem:s3] =	stream.indirect.scatter.add.f32 [tilespmem:s15], [sflag:$0x1], $0x1, s19, s17, $0xb8;
	[tilespmem:$0x1B00] =	vst v63  }
0x48: {  	_ =	swait.ge [sflag:s14], $0x80  }
0x49: {  	[sflag:s14] =	ssyncset.done $0x0  }
0x4a: {  	[sflag:s14] =	ssyncadd.s32 $0xFFFFFF80  }
0x4b: {  	[spmem:s3] =	stream.indirect.scatter.add.f32 [tilespmem:s15], [sflag:$0x1], $0x1, s20, s17, $0xb8;
	[tilespmem:$0x1B00] =	vst v63  }
0x4c: {  	_ =	swait.ge [sflag:s14], $0x80  }
0x4d: {  	s23 =	simm.s32 $0x80;
	s22 =	simm.s32 $0x40;
	[sflag:s14] =	ssyncset.done $0x0  }
.LBB2_6:
0x4e: {  	s24 =	sadd.s32 s22, s12  }
0x4f: {  	[sflag:s14] =	ssyncadd.s32 $0xFFFFFF80;
	s22 =	smov.u32 s23;
	s25 =	sadd.s32 $0x40, s23  }
0x50: {  	[tilespmem:s16], [sflag:$0x1] =	stream.linear.gather [hbm4b:s24+s4], $0x200, $0x38;
	[tilespmem:$0x1B00] =	vst v63  }
0x51: {  	p1 =	sne.s32 s23, $0xC00;
	_ =	swait.ge [sflag:s14], $0x200  }
0x52: {  	[sflag:s14] =	ssyncset.done $0x0  }
0x53: {  	[sflag:s14] =	ssyncadd.s32 $0xFFFFFE00  }
0x54: {  	[spmem:s3] =	stream.indirect.scatter.add.f32 [tilespmem:s15], [sflag:$0x1], $0x1, s16, s17, $0xb8;
	[tilespmem:$0x1B00] =	vst v63  }
0x55: {  	_ =	swait.ge [sflag:s14], $0x80  }
0x56: {  	[sflag:s14] =	ssyncset.done $0x0  }
0x57: {  	[sflag:s14] =	ssyncadd.s32 $0xFFFFFF80  }
0x58: {  	[spmem:s3] =	stream.indirect.scatter.add.f32 [tilespmem:s15], [sflag:$0x1], $0x1, s18, s17, $0xb8;
	[tilespmem:$0x1B00] =	vst v63  }
0x59: {  	_ =	swait.ge [sflag:s14], $0x80  }
0x5a: {  	[sflag:s14] =	ssyncset.done $0x0  }
0x5b: {  	[sflag:s14] =	ssyncadd.s32 $0xFFFFFF80  }
0x5c: {  	[spmem:s3] =	stream.indirect.scatter.add.f32 [tilespmem:s15], [sflag:$0x1], $0x1, s19, s17, $0xb8;
	[tilespmem:$0x1B00] =	vst v63  }
0x5d: {  	_ =	swait.ge [sflag:s14], $0x80  }
.Ltmp3:
0x5e: {  	[sflag:s14] =	ssyncset.done $0x0;
	(pc) =	sbr.rel @p1 .LBB2_6-.Ltmp3, $4  }
0x5f: {  	[sflag:s14] =	ssyncadd.s32 $0xFFFFFF80  }
0x60: {  	[spmem:s3] =	stream.indirect.scatter.add.f32 [tilespmem:s15], [sflag:$0x1], $0x1, s20, s17, $0xb8;
	[tilespmem:$0x1B00] =	vst v63  }
0x61: {  	_ =	swait.ge [sflag:s14], $0x80  }
0x62: {  	s23 =	smov.u32 s25;
	[sflag:s14] =	ssyncset.done $0x0  }
.Ltmp4:
0x63: {  	_ = 	snop;
	(pc) =	sbr.rel .LBB2_7-.Ltmp4, $1  }
0x64: {  	_ =	sdelay $0x3  }
.LBB2_2:
0x65: {  	s22 =	sadd.s32 $0x0, s11  }
0x66: {  	[tilespmem:s16], [sflag:$0x1] =	stream.linear.gather [hbm4b:s22+s4], $0x200, $0x38;
	[tilespmem:$0x1B00] =	vst v63  }
0x67: {  	_ =	swait.ge [sflag:s14], $0x200  }
0x68: {  	[sflag:s14] =	ssyncset.done $0x0  }
0x69: {  	[sflag:s14] =	ssyncadd.s32 $0xFFFFFE00  }
0x6a: {  	[spmem:s3] =	stream.indirect.scatter.add.f32 [tilespmem:s15], [sflag:$0x1], $0x1, s16, s17, $0xb8;
	[tilespmem:$0x1B00] =	vst v63  }
0x6b: {  	_ =	swait.ge [sflag:s14], $0x80  }
0x6c: {  	[sflag:s14] =	ssyncset.done $0x0  }
0x6d: {  	[sflag:s14] =	ssyncadd.s32 $0xFFFFFF80  }
0x6e: {  	[spmem:s3] =	stream.indirect.scatter.add.f32 [tilespmem:s15], [sflag:$0x1], $0x1, s18, s17, $0xb8;
	[tilespmem:$0x1B00] =	vst v63  }
0x6f: {  	_ =	swait.ge [sflag:s14], $0x80  }
0x70: {  	[sflag:s14] =	ssyncset.done $0x0  }
0x71: {  	[sflag:s14] =	ssyncadd.s32 $0xFFFFFF80  }
0x72: {  	[spmem:s3] =	stream.indirect.scatter.add.f32 [tilespmem:s15], [sflag:$0x1], $0x1, s19, s17, $0xb8;
	[tilespmem:$0x1B00] =	vst v63  }
0x73: {  	_ =	swait.ge [sflag:s14], $0x80  }
0x74: {  	[sflag:s14] =	ssyncset.done $0x0  }
0x75: {  	[sflag:s14] =	ssyncadd.s32 $0xFFFFFF80  }
0x76: {  	[spmem:s3] =	stream.indirect.scatter.add.f32 [tilespmem:s15], [sflag:$0x1], $0x1, s20, s17, $0xb8;
	[tilespmem:$0x1B00] =	vst v63  }
0x77: {  	_ =	swait.ge [sflag:s14], $0x80  }
0x78: {  	s23 =	simm.s32 $0x80;
	s22 =	simm.s32 $0x40;
	[sflag:s14] =	ssyncset.done $0x0  }
.LBB2_3:
0x79: {  	s24 =	sadd.s32 s22, s11  }
0x7a: {  	[sflag:s14] =	ssyncadd.s32 $0xFFFFFF80;
	s22 =	smov.u32 s23;
	s25 =	sadd.s32 $0x40, s23  }
0x7b: {  	[tilespmem:s16], [sflag:$0x1] =	stream.linear.gather [hbm4b:s24+s4], $0x200, $0x38;
	[tilespmem:$0x1B00] =	vst v63  }
0x7c: {  	p1 =	seq.s32 s23, $0xC00;
	_ =	swait.ge [sflag:s14], $0x200  }
0x7d: {  	[sflag:s14] =	ssyncset.done $0x0  }
0x7e: {  	[sflag:s14] =	ssyncadd.s32 $0xFFFFFE00  }
0x7f: {  	[spmem:s3] =	stream.indirect.scatter.add.f32 [tilespmem:s15], [sflag:$0x1], $0x1, s16, s17, $0xb8;
	[tilespmem:$0x1B00] =	vst v63  }
0x80: {  	_ =	swait.ge [sflag:s14], $0x80  }
0x81: {  	[sflag:s14] =	ssyncset.done $0x0  }
0x82: {  	[sflag:s14] =	ssyncadd.s32 $0xFFFFFF80  }
0x83: {  	[spmem:s3] =	stream.indirect.scatter.add.f32 [tilespmem:s15], [sflag:$0x1], $0x1, s18, s17, $0xb8;
	[tilespmem:$0x1B00] =	vst v63  }
0x84: {  	_ =	swait.ge [sflag:s14], $0x80  }
0x85: {  	[sflag:s14] =	ssyncset.done $0x0  }
0x86: {  	[sflag:s14] =	ssyncadd.s32 $0xFFFFFF80  }
0x87: {  	[spmem:s3] =	stream.indirect.scatter.add.f32 [tilespmem:s15], [sflag:$0x1], $0x1, s19, s17, $0xb8;
	[tilespmem:$0x1B00] =	vst v63  }
0x88: {  	_ =	swait.ge [sflag:s14], $0x80  }
.Ltmp5:
0x89: {  	[sflag:s14] =	ssyncset.done $0x0;
	(pc) =	sbr.rel @!p1 .LBB2_3-.Ltmp5, $4  }
0x8a: {  	[sflag:s14] =	ssyncadd.s32 $0xFFFFFF80  }
0x8b: {  	[spmem:s3] =	stream.indirect.scatter.add.f32 [tilespmem:s15], [sflag:$0x1], $0x1, s20, s17, $0xb8;
	[tilespmem:$0x1B00] =	vst v63  }
0x8c: {  	_ =	swait.ge [sflag:s14], $0x80  }
0x8d: {  	s23 =	smov.u32 s25;
	[sflag:s14] =	ssyncset.done $0x0  }
0x8e: {  	s22 =	sadd.s32 s22, s11;
	[sflag:s14] =	ssyncadd.s32 $0xFFFFFF80  }
0x8f: {  	[tilespmem:s16], [sflag:$0x1] =	stream.linear.gather [hbm4b:s22+s4], $0x200, $0x38;
	[tilespmem:$0x1B00] =	vst v63  }
0x90: {  	_ =	swait.ge [sflag:s14], $0x200  }
0x91: {  	[sflag:s14] =	ssyncset.done $0x0  }
0x92: {  	[sflag:s14] =	ssyncadd.s32 $0xFFFFFE00  }
0x93: {  	[spmem:s3] =	stream.indirect.scatter.add.f32 [tilespmem:s15], [sflag:$0x1], $0x1, s16, s17, $0xb8;
	[tilespmem:$0x1B00] =	vst v63  }
0x94: {  	_ =	swait.ge [sflag:s14], $0x80  }
0x95: {  	[sflag:s14] =	ssyncset.done $0x0  }
0x96: {  	[sflag:s14] =	ssyncadd.s32 $0xFFFFFF80  }
0x97: {  	[spmem:s3] =	stream.indirect.scatter.add.f32 [tilespmem:s15], [sflag:$0x1], $0x1, s18, s17, $0xb8;
	[tilespmem:$0x1B00] =	vst v63  }
0x98: {  	_ =	swait.ge [sflag:s14], $0x80  }
0x99: {  	[sflag:s14] =	ssyncset.done $0x0  }
0x9a: {  	[sflag:s14] =	ssyncadd.s32 $0xFFFFFF80  }
0x9b: {  	[spmem:s3] =	stream.indirect.scatter.add.f32 [tilespmem:s15], [sflag:$0x1], $0x1, s19, s17, $0xb8;
	[tilespmem:$0x1B00] =	vst v63  }
0x9c: {  	_ =	swait.ge [sflag:s14], $0x80  }
0x9d: {  	[sflag:s14] =	ssyncset.done $0x0  }
.Ltmp6:
0x9e: {  	[sflag:s14] =	ssyncadd.s32 $0xFFFFFF80;
	(pc) =	sbr.rel .LBB2_8-.Ltmp6, $4  }
0x9f: {  	[spmem:s3] =	stream.indirect.scatter.add.f32 [tilespmem:s15], [sflag:$0x1], $0x1, s20, s17, $0xb8;
	[tilespmem:$0x1B00] =	vst v63  }
0xa0: {  	_ =	swait.ge [sflag:s14], $0x80  }
0xa1: {  	[sflag:s14] =	ssyncset.done $0x0  }
0xa2: {  	s22 =	smov.u32 s6;
	[sflag:s14] =	ssyncadd.s32 $0xFFFFFF80  }
.LBB2_9:
0xa3: {  	_ =	sfence.sel $0x180000  }
0xa4: {  	[bflag:$0x0] =	sbarrier.arrive $0xFFFF  }
0xa5: {  	p0 =	sne.s32 s1, $0x0;
	_ =	strace $0x90000047  }
0xa6: {  	s0 =	sadd.s32 @!p0 $0x100000, s0;
	[bflag:$0x2] =	sbarrier.arrive $0xFFFF  }
0xa7: {  	[sflag:s0] =	ssyncadd.tile.s32 @!p0 $0x1;
	_ =	shalt  }
.Lfunc_end2:
_tile_overlayer_lowered:
.L_overlay_start_2:
0xa8: {  	(tag) =	ssettag $0x2  }
0xa9: {  	s0 =	rddreg [dreg:$0x0];
	s2 =	stileid.u32  }
0xaa: {  	s1 =	rddreg [dreg:$0x1];
	p0 =	sne.s32 s2, $0x0  }
0xab: {  	s3 =	rddreg [dreg:$0x2];
	[bflag:$0x3] =	sbarrier.arrive $0xFFFF;
	s2 =	simm.s32 @!p0 $0x1C01  }
0xac: {  	[timem:s3], [sflag:s2] =	dma.local @!p0 [hbm:s0], s1  }
0xad: {  	s0 =	simm.s32 @!p0 $0x1  }
0xae: {  	_ =	swait.ge @!p0 [sflag:s0], s1  }
0xaf: {  	s1 =	ssub.s32 @!p0 $0x0, s1;
	[sflag:s0] =	ssyncset.done @!p0 $0x0  }
0xb0: {  	[sflag:s0] =	ssyncadd.s32 @!p0 s1  }
0xb1: {  	[bflag:$0x3] =	sbarrier.arrive $0xFFFF  }
0xb2: {  	_ =	shalt  }

</sc_bundles>
